<compile_context>
chip_gen: v7x
topology: tpu7x:2x2x1
jax: 0.10.2.dev20260603
libtpu: 0.0.44.dev20260713+nightly
codegen_flags: <defaults>
</compile_context>

<pallas_src>
import functools

import jax
import jax.numpy as jnp
from jax import lax
from jax.experimental import pallas as pl
from jax.experimental.pallas import tpu as pltpu
from jax.experimental.pallas import tpu_sc as plsc

F_SP = 26
F_DN = 13
NF = F_SP + F_DN
D = 16
V = 100000
VPAD = 100352
EPS = 1e-5

NC = 2
NS = 16
NW = NC * NS
CHUNK = 128
NG = CHUNK // 16

HALF_V = VPAD // 2
NROW16 = F_SP * VPAD // 16

_SC_PARAMS = pltpu.CompilerParams(
    use_tc_tiling_on_sc=False, needs_layout_passes=False
)
_MESH = dict(core_axis_name="c", subcore_axis_name="s")


def _tc_rowsum(tables_t):

    def body(in_ref, out_ref):
        out_ref[...] = jnp.sum(in_ref[0], axis=0)

    return pl.pallas_call(
        body,
        grid=(F_SP, 2),
        in_specs=[pl.BlockSpec((1, D, HALF_V), lambda f, h: (f, 0, h))],
        out_specs=pl.BlockSpec((HALF_V,), lambda f, h: (f * 2 + h,)),
        out_shape=jax.ShapeDtypeStruct((F_SP * VPAD,), jnp.float32),
    )(tables_t)


def _sc_fused(inputs_flat, s16):
    b = inputs_flat.shape[0] // NF
    ngrp = b // CHUNK
    nchunk = ngrp // NW
    nrow = F_SP * CHUNK

    @functools.partial(
        pl.kernel,
        out_type=jax.ShapeDtypeStruct((ngrp, CHUNK), jnp.float32),
        mesh=plsc.VectorSubcoreMesh(**_MESH),
        scratch_types=[
            pltpu.VMEM((2, CHUNK * NF), jnp.float32),
            pltpu.VMEM((2, F_SP, CHUNK), jnp.int32),
            pltpu.VMEM((2, F_SP, CHUNK), jnp.int32),
            pltpu.VMEM((2 * nrow, D), jnp.float32),
            pltpu.VMEM((1, CHUNK), jnp.float32),
            pltpu.SemaphoreType.DMA,
            pltpu.SemaphoreType.DMA,
        ],
        compiler_params=_SC_PARAMS,
    )
    def k(in_hbm, s_hbm, out_hbm, raw_v, idx_v, off_v, rows_v, red_v, gsem, rsem):
        wid = lax.axis_index("c") * NS + lax.axis_index("s")
        lane = lax.iota(jnp.int32, 16)
        grp0 = wid * nchunk

        def fetch_raw(kc, slot):
            pltpu.async_copy(
                in_hbm.at[pl.ds((grp0 + kc) * CHUNK * NF, CHUNK * NF)],
                raw_v.at[slot],
                rsem,
            )

        def wait_raw(slot):
            pltpu.make_async_copy(
                in_hbm.at[pl.ds(0, CHUNK * NF)], raw_v.at[slot], rsem
            ).wait()

        def extract(slot):
            @pl.loop(0, F_SP)
            def _field(f):
                for g in range(NG):
                    pos = lane * NF + (g * 16 * NF) + f
                    ids = plsc.load_gather(raw_v.at[slot], [pos]).astype(jnp.int32)
                    p = ids + f * VPAD
                    idx_v[slot, f, pl.ds(g * 16, 16)] = p >> 4
                    off_v[slot, f, pl.ds(g * 16, 16)] = p & 15

        def fire_gathers(slot):
            @pl.loop(0, F_SP)
            def _field(f):
                pltpu.async_copy(
                    s_hbm.at[idx_v.at[slot, f]],
                    rows_v.at[pl.ds(slot * nrow + f * CHUNK, CHUNK), :],
                    gsem,
                )

        def drain_gathers():
            pltpu.make_async_copy(
                s_hbm.at[pl.ds(0, nrow), :],
                rows_v.at[pl.ds(0, nrow), :],
                gsem,
            ).wait()

        fetch_raw(0, 0)
        wait_raw(0)
        extract(0)
        fire_gathers(0)
        if nchunk > 1:
            fetch_raw(1, 1)

        @pl.loop(0, nchunk)
        def _chunk(kc):
            slot = lax.rem(kc, 2)

            @pl.when(kc + 1 < nchunk)
            def _():
                wait_raw(1 - slot)
                extract(1 - slot)

            drain_gathers()

            @pl.when(kc + 1 < nchunk)
            def _():
                fire_gathers(1 - slot)

            for g in range(NG):
                rbase = slot * nrow + lane + g * 16
                acc = plsc.load_gather(
                    rows_v, [rbase, off_v[slot, 0, pl.ds(g * 16, 16)]]
                )
                for f in range(1, F_SP):
                    acc = acc + plsc.load_gather(
                        rows_v,
                        [rbase + f * CHUNK, off_v[slot, f, pl.ds(g * 16, 16)]],
                    )
                red_v[0, pl.ds(g * 16, 16)] = acc

            @pl.when(kc + 2 < nchunk)
            def _():
                fetch_raw(kc + 2, slot)

            pltpu.sync_copy(red_v, out_hbm.at[pl.ds(grp0 + kc, 1), :])

    return k(inputs_flat, s16)


def _tc_combine(inputs, sp, gamma, beta, wt, bias):
    def body(in_ref, sp_ref, g_ref, b_ref, w_ref, bias_ref, out_ref):
        d = in_ref[:, F_SP:]
        mean = jnp.mean(d, axis=0, keepdims=True)
        c = d - mean
        var = jnp.mean(c * c, axis=0, keepdims=True)
        bn = c * lax.rsqrt(var + EPS) * g_ref[...][None, :] + b_ref[...][None, :]
        dense_logit = jnp.sum(bn * w_ref[...], axis=1, keepdims=True)
        out_ref[...] = sp_ref[...] + dense_logit + bias_ref[...][None, :]

    return pl.pallas_call(
        body,
        out_shape=jax.ShapeDtypeStruct((inputs.shape[0], 1), jnp.float32),
    )(inputs, sp, gamma, beta, wt, bias)


def kernel(inputs, tables, gamma, beta, W, bias):
    b = inputs.shape[0]
    s_flat = _tc_rowsum(jnp.transpose(tables, (0, 2, 1)))
    sp = _sc_fused(inputs.reshape(-1), s_flat.reshape(NROW16, D))
    wt = W.reshape(1, F_DN)
    return _tc_combine(inputs, sp.reshape(b, 1), gamma, beta, wt, bias)

# --- scband reference (transcript-rebuilt; emitter-appended) ---
"""Pipeline reference for scband-linear-73237782331549 (READ-ONLY COPY).

The authoritative reference and input builder live on the scoring server;
editing this copy changes nothing except your own understanding.
"""

import jax, jax.numpy as jnp
import numpy as np

B = 16384
F_SP = 26
F_DN = 13
V = 100000
D = 16
EPS = 1e-5


def setup_inputs(seed: int = 0) -> dict:
    key = jax.random.key(seed)
    k1, k2, k3, k4 = jax.random.split(key, 4)
    # first 26 columns hold sparse ids (stored as float, cast to int in forward),
    # last 13 columns are dense values
    idx = jax.random.randint(k1, (B, F_SP), 0, V).astype(jnp.float32)
    dense = jax.random.uniform(k2, (B, F_DN), dtype=jnp.float32)
    inputs = jnp.concatenate([idx, dense], axis=1)
    # learned params: 26 embedding tables [V, D], BN affine, dense weight, bias
    tables = jax.random.normal(k3, (F_SP, V, D), dtype=jnp.float32) * 1e-4
    gamma = jnp.ones((F_DN,), dtype=jnp.float32)
    beta = jnp.zeros((F_DN,), dtype=jnp.float32)
    W = jax.random.normal(k4, (F_DN, 1), dtype=jnp.float32) * 1e-4
    bias = jnp.zeros((1,), dtype=jnp.float32)
    return {"inputs": inputs, "tables": tables, "gamma": gamma, "beta": beta, "W": W, "bias": bias}


def reference(inputs, tables, gamma, beta, W, bias):
    # sparse part: per-field embedding gather, concat over embed dims, sum over last dim
    idx = jax.lax.stop_gradient(inputs[:, :F_SP]).astype(jnp.int32)  # [B, 26]
    emb = jax.vmap(lambda t, i: jnp.take(t, i, axis=0), in_axes=(0, 1), out_axes=1)(tables, idx)  # [B, 26, 16]
    sparse_logit = jnp.sum(emb, axis=(1, 2))[:, None]  # [B, 1]
    # dense part: BatchNorm1d (training mode: batch statistics, biased variance)
    dense = inputs[:, F_SP:]  # [B, 13]
    mean = jnp.mean(dense, axis=0)
    var = jnp.mean((dense - mean) ** 2, axis=0)
    dense_bn = (dense - mean) / jnp.sqrt(var + EPS) * gamma + beta
    dense_logit = dense_bn @ W  # [B, 1]
    linear_logit = jnp.zeros((inputs.shape[0], 1), dtype=jnp.float32)
    linear_logit = linear_logit + sparse_logit + dense_logit + bias
    return linear_logit

if __name__ == "__main__":
    import jax
    _d = setup_inputs()
    print(jax.jit(kernel)(*tuple(_d.values())))

</pallas_src>

<mosaic_0001>
#map = affine_map<(d0, d1) -> (0)>
#map1 = affine_map<(d0, d1) -> (0, 0)>
module attributes {stable_mosaic.version = 14 : i64} {
  func.func @k(%arg0: i32, %arg1: i32, %arg2: memref<638976xf32, #tpu.memory_space<hbm>>, %arg3: memref<163072x16xf32, #tpu.memory_space<hbm>>, %arg4: memref<128x128xf32, #tpu.memory_space<hbm>>, %arg5: memref<2x4992xf32, #tpu.memory_space<vmem>>, %arg6: memref<2x26x128xi32, #tpu.memory_space<vmem>>, %arg7: memref<2x26x128xi32, #tpu.memory_space<vmem>>, %arg8: memref<6656x16xf32, #tpu.memory_space<vmem>>, %arg9: memref<1x128xf32, #tpu.memory_space<vmem>>, %arg10: memref<!tpu.dma_semaphore, #tpu.memory_space<semaphore_mem>>, %arg11: memref<!tpu.dma_semaphore, #tpu.memory_space<semaphore_mem>>) attributes {dimension_semantics = [#tpu.dimension_semantics<core_parallel>, #tpu.dimension_semantics<subcore_parallel>], iteration_bounds = array<i64: 2, 16>, scalar_prefetch = 0 : i64, scratch_operands = 7 : i64, tpu.core_type = #tpu.core_type<sc_vector_subcore>, window_params = [{transform_indices = #map}, {transform_indices = #map1}, {transform_indices = #map1}]} {
    %mul3A = arith.constant 16 : i32
    %mul3A_0 = arith.muli %arg0, %mul3A : i32
    %add3A = arith.addi %mul3A_0, %arg1 : i32
    %iota3A = tpu.iota {dimensions = array<i32: 0>} : vector<16xi32>
    %mul3A_1 = arith.constant 4 : i32
    %mul3A_2 = arith.muli %add3A, %mul3A_1 : i32
    %add3A_3 = arith.constant 0 : i32
    %add3A_4 = arith.addi %mul3A_2, %add3A_3 : i32
    %mul3A_5 = arith.constant 128 : i32
    %mul3A_6 = arith.muli %add3A_4, %mul3A_5 : i32
    %mul3A_7 = arith.constant 39 : i32
    %mul3A_8 = arith.muli %mul3A_6, %mul3A_7 : i32
    %dma_start3A = arith.constant 0 : i32
    %dma_start3A_9 = arith.constant 0 : i32
    %dma_start3A_10 = tpu.memref_slice %arg5[%dma_start3A, %dma_start3A_9] : memref<2x4992xf32, #tpu.memory_space<vmem>> -> memref<1x4992xf32, #tpu.memory_space<vmem>>
    %dma_start3A_11 = tpu.memref_squeeze %dma_start3A_10 : memref<1x4992xf32, #tpu.memory_space<vmem>> -> memref<4992xf32, #tpu.memory_space<vmem>>
    %dma_start3A_12 = tpu.memref_slice %arg2[%mul3A_8] : memref<638976xf32, #tpu.memory_space<hbm>> -> memref<4992xf32, #tpu.memory_space<hbm>>
    %dma_start3A_13 = arith.constant 0 : i32
    %dma_start3A_14 = tpu.memref_slice %arg5[%dma_start3A, %dma_start3A_13] : memref<2x4992xf32, #tpu.memory_space<vmem>> -> memref<1x4992xf32, #tpu.memory_space<vmem>>
    %dma_start3A_15 = tpu.memref_squeeze %dma_start3A_14 : memref<1x4992xf32, #tpu.memory_space<vmem>> -> memref<4992xf32, #tpu.memory_space<vmem>>
    %dma_start3A_16 = tpu.memref_slice %arg2[%mul3A_8] : memref<638976xf32, #tpu.memory_space<hbm>> -> memref<4992xf32, #tpu.memory_space<hbm>>
    tpu.enqueue_dma source(%dma_start3A_16 : memref<4992xf32, #tpu.memory_space<hbm>>) target(%dma_start3A_15 : memref<4992xf32, #tpu.memory_space<vmem>>) target_semaphore(%arg11 : memref<!tpu.dma_semaphore, #tpu.memory_space<semaphore_mem>>)
    %dma_wait3A = arith.constant 0 : i32
    %dma_wait3A_17 = arith.constant 0 : i32
    %dma_wait3A_18 = tpu.memref_slice %arg5[%dma_wait3A, %dma_wait3A_17] : memref<2x4992xf32, #tpu.memory_space<vmem>> -> memref<1x4992xf32, #tpu.memory_space<vmem>>
    %dma_wait3A_19 = tpu.memref_squeeze %dma_wait3A_18 : memref<1x4992xf32, #tpu.memory_space<vmem>> -> memref<4992xf32, #tpu.memory_space<vmem>>
    %dma_wait3A_20 = arith.constant 0 : i32
    %dma_wait3A_21 = tpu.memref_slice %arg2[%dma_wait3A_20] : memref<638976xf32, #tpu.memory_space<hbm>> -> memref<4992xf32, #tpu.memory_space<hbm>>
    %dma_wait3A_22 = arith.constant 0 : i32
    %dma_wait3A_23 = tpu.memref_slice %arg5[%dma_wait3A, %dma_wait3A_22] : memref<2x4992xf32, #tpu.memory_space<vmem>> -> memref<1x4992xf32, #tpu.memory_space<vmem>>
    %dma_wait3A_24 = tpu.memref_squeeze %dma_wait3A_23 : memref<1x4992xf32, #tpu.memory_space<vmem>> -> memref<4992xf32, #tpu.memory_space<vmem>>
    %dma_wait3A_25 = arith.constant 0 : i32
    %dma_wait3A_26 = tpu.memref_slice %arg2[%dma_wait3A_25] : memref<638976xf32, #tpu.memory_space<hbm>> -> memref<4992xf32, #tpu.memory_space<hbm>>
    tpu.wait_dma2 semaphore(%arg11 : memref<!tpu.dma_semaphore, #tpu.memory_space<semaphore_mem>>) src(%dma_wait3A_26 : memref<4992xf32, #tpu.memory_space<hbm>>) dst(%dma_wait3A_24 : memref<4992xf32, #tpu.memory_space<vmem>>)
    %scan3A = arith.constant 0 : i32
    %scan3A_27 = arith.constant 26 : i32
    %scan3A_28 = arith.addi %scan3A, %scan3A_27 : i32
    %scan3A_29 = arith.constant 1 : i32
    scf.for %scan3A_56 = %scan3A to %scan3A_28 step %scan3A_29  : i32 {
      %mul3A_57 = arith.constant 1 : i32
      %mul3A_58 = arith.muli %scan3A_56, %mul3A_57 : i32
      %add3A_59 = arith.constant 0 : i32
      %add3A_60 = arith.addi %add3A_59, %mul3A_58 : i32
      %mul3A_61 = arith.constant 39 : i32
      %mul3A_62 = vector.broadcast %mul3A_61 : i32 to vector<16xi32>
      %mul3A_63 = arith.muli %iota3A, %mul3A_62 : vector<16xi32>
      %add3A_64 = arith.constant 0 : i32
      %add3A_65 = vector.broadcast %add3A_64 : i32 to vector<16xi32>
      %add3A_66 = arith.addi %mul3A_63, %add3A_65 : vector<16xi32>
      %add3A_67 = vector.broadcast %add3A_60 : i32 to vector<16xi32>
      %add3A_68 = arith.addi %add3A_66, %add3A_67 : vector<16xi32>
      %gather3A = arith.constant 0 : i32
      %gather3A_69 = arith.constant 0 : i32
      %gather3A_70 = tpu.memref_slice %arg5[%gather3A, %gather3A_69] : memref<2x4992xf32, #tpu.memory_space<vmem>> -> memref<1x4992xf32, #tpu.memory_space<vmem>>
      %gather3A_71 = tpu.memref_squeeze %gather3A_70 : memref<1x4992xf32, #tpu.memory_space<vmem>> -> memref<4992xf32, #tpu.memory_space<vmem>>
      %gather3A_72 = tpu.vector_load_idx %gather3A_71[%add3A_68] : memref<4992xf32, #tpu.memory_space<vmem>>[vector<16xi32>], vector<16xf32>,
      %convert_element_type3A = arith.fptosi %gather3A_72 : vector<16xf32> to vector<16xi32>
      %mul3A_73 = arith.constant 100352 : i32
      %mul3A_74 = arith.muli %add3A_60, %mul3A_73 : i32
      %add3A_75 = vector.broadcast %mul3A_74 : i32 to vector<16xi32>
      %add3A_76 = arith.addi %convert_element_type3A, %add3A_75 : vector<16xi32>
      %shift_right_arithmetic3A = arith.constant 4 : i32
      %shift_right_arithmetic3A_77 = vector.broadcast %shift_right_arithmetic3A : i32 to vector<16xi32>
      %shift_right_arithmetic3A_78 = arith.shrsi %add3A_76, %shift_right_arithmetic3A_77 : vector<16xi32>
      %swap3A = arith.constant 0 : i32
      %swap3A_79 = arith.index_cast %swap3A : i32 to index
      %swap3A_80 = arith.index_cast %add3A_60 : i32 to index
      %swap3A_81 = arith.constant 0 : index
      %swap3A_82 = tpu.vector_load %arg6[%swap3A_79, %swap3A_80, %swap3A_81] {strides = array<i32>} : memref<2x26x128xi32, #tpu.memory_space<vmem>>, vector<16xi32>,
      tpu.vector_store %arg6[%swap3A_79, %swap3A_80, %swap3A_81], %shift_right_arithmetic3A_78 {strides = array<i32>} : memref<2x26x128xi32, #tpu.memory_space<vmem>>, vector<16xi32>,
      %and3A = arith.constant 15 : i32
      %and3A_83 = vector.broadcast %and3A : i32 to vector<16xi32>
      %and3A_84 = arith.andi %add3A_76, %and3A_83 : vector<16xi32>
      %swap3A_85 = arith.constant 0 : i32
      %swap3A_86 = arith.index_cast %swap3A_85 : i32 to index
      %swap3A_87 = arith.index_cast %add3A_60 : i32 to index
      %swap3A_88 = arith.constant 0 : index
      %swap3A_89 = tpu.vector_load %arg7[%swap3A_86, %swap3A_87, %swap3A_88] {strides = array<i32>} : memref<2x26x128xi32, #tpu.memory_space<vmem>>, vector<16xi32>,
      tpu.vector_store %arg7[%swap3A_86, %swap3A_87, %swap3A_88], %and3A_84 {strides = array<i32>} : memref<2x26x128xi32, #tpu.memory_space<vmem>>, vector<16xi32>,
      %mul3A_90 = arith.constant 39 : i32
      %mul3A_91 = vector.broadcast %mul3A_90 : i32 to vector<16xi32>
      %mul3A_92 = arith.muli %iota3A, %mul3A_91 : vector<16xi32>
      %add3A_93 = arith.constant 624 : i32
      %add3A_94 = vector.broadcast %add3A_93 : i32 to vector<16xi32>
      %add3A_95 = arith.addi %mul3A_92, %add3A_94 : vector<16xi32>
      %add3A_96 = vector.broadcast %add3A_60 : i32 to vector<16xi32>
      %add3A_97 = arith.addi %add3A_95, %add3A_96 : vector<16xi32>
      %gather3A_98 = arith.constant 0 : i32
      %gather3A_99 = arith.constant 0 : i32
      %gather3A_100 = tpu.memref_slice %arg5[%gather3A_98, %gather3A_99] : memref<2x4992xf32, #tpu.memory_space<vmem>> -> memref<1x4992xf32, #tpu.memory_space<vmem>>
      %gather3A_101 = tpu.memref_squeeze %gather3A_100 : memref<1x4992xf32, #tpu.memory_space<vmem>> -> memref<4992xf32, #tpu.memory_space<vmem>>
      %gather3A_102 = tpu.vector_load_idx %gather3A_101[%add3A_97] : memref<4992xf32, #tpu.memory_space<vmem>>[vector<16xi32>], vector<16xf32>,
      %convert_element_type3A_103 = arith.fptosi %gather3A_102 : vector<16xf32> to vector<16xi32>
      %mul3A_104 = arith.constant 100352 : i32
      %mul3A_105 = arith.muli %add3A_60, %mul3A_104 : i32
      %add3A_106 = vector.broadcast %mul3A_105 : i32 to vector<16xi32>
      %add3A_107 = arith.addi %convert_element_type3A_103, %add3A_106 : vector<16xi32>
      %shift_right_arithmetic3A_108 = arith.constant 4 : i32
      %shift_right_arithmetic3A_109 = vector.broadcast %shift_right_arithmetic3A_108 : i32 to vector<16xi32>
      %shift_right_arithmetic3A_110 = arith.shrsi %add3A_107, %shift_right_arithmetic3A_109 : vector<16xi32>
      %swap3A_111 = arith.constant 0 : i32
      %swap3A_112 = arith.index_cast %swap3A_111 : i32 to index
      %swap3A_113 = arith.index_cast %add3A_60 : i32 to index
      %swap3A_114 = arith.constant 16 : index
      %swap3A_115 = tpu.vector_load %arg6[%swap3A_112, %swap3A_113, %swap3A_114] {strides = array<i32>} : memref<2x26x128xi32, #tpu.memory_space<vmem>>, vector<16xi32>,
      tpu.vector_store %arg6[%swap3A_112, %swap3A_113, %swap3A_114], %shift_right_arithmetic3A_110 {strides = array<i32>} : memref<2x26x128xi32, #tpu.memory_space<vmem>>, vector<16xi32>,
      %and3A_116 = arith.constant 15 : i32
      %and3A_117 = vector.broadcast %and3A_116 : i32 to vector<16xi32>
      %and3A_118 = arith.andi %add3A_107, %and3A_117 : vector<16xi32>
      %swap3A_119 = arith.constant 0 : i32
      %swap3A_120 = arith.index_cast %swap3A_119 : i32 to index
      %swap3A_121 = arith.index_cast %add3A_60 : i32 to index
      %swap3A_122 = arith.constant 16 : index
      %swap3A_123 = tpu.vector_load %arg7[%swap3A_120, %swap3A_121, %swap3A_122] {strides = array<i32>} : memref<2x26x128xi32, #tpu.memory_space<vmem>>, vector<16xi32>,
      tpu.vector_store %arg7[%swap3A_120, %swap3A_121, %swap3A_122], %and3A_118 {strides = array<i32>} : memref<2x26x128xi32, #tpu.memory_space<vmem>>, vector<16xi32>,
      %mul3A_124 = arith.constant 39 : i32
      %mul3A_125 = vector.broadcast %mul3A_124 : i32 to vector<16xi32>
      %mul3A_126 = arith.muli %iota3A, %mul3A_125 : vector<16xi32>
      %add3A_127 = arith.constant 1248 : i32
      %add3A_128 = vector.broadcast %add3A_127 : i32 to vector<16xi32>
      %add3A_129 = arith.addi %mul3A_126, %add3A_128 : vector<16xi32>
      %add3A_130 = vector.broadcast %add3A_60 : i32 to vector<16xi32>
      %add3A_131 = arith.addi %add3A_129, %add3A_130 : vector<16xi32>
      %gather3A_132 = arith.constant 0 : i32
      %gather3A_133 = arith.constant 0 : i32
      %gather3A_134 = tpu.memref_slice %arg5[%gather3A_132, %gather3A_133] : memref<2x4992xf32, #tpu.memory_space<vmem>> -> memref<1x4992xf32, #tpu.memory_space<vmem>>
      %gather3A_135 = tpu.memref_squeeze %gather3A_134 : memref<1x4992xf32, #tpu.memory_space<vmem>> -> memref<4992xf32, #tpu.memory_space<vmem>>
      %gather3A_136 = tpu.vector_load_idx %gather3A_135[%add3A_131] : memref<4992xf32, #tpu.memory_space<vmem>>[vector<16xi32>], vector<16xf32>,
      %convert_element_type3A_137 = arith.fptosi %gather3A_136 : vector<16xf32> to vector<16xi32>
      %mul3A_138 = arith.constant 100352 : i32
      %mul3A_139 = arith.muli %add3A_60, %mul3A_138 : i32
      %add3A_140 = vector.broadcast %mul3A_139 : i32 to vector<16xi32>
      %add3A_141 = arith.addi %convert_element_type3A_137, %add3A_140 : vector<16xi32>
      %shift_right_arithmetic3A_142 = arith.constant 4 : i32
      %shift_right_arithmetic3A_143 = vector.broadcast %shift_right_arithmetic3A_142 : i32 to vector<16xi32>
      %shift_right_arithmetic3A_144 = arith.shrsi %add3A_141, %shift_right_arithmetic3A_143 : vector<16xi32>
      %swap3A_145 = arith.constant 0 : i32
      %swap3A_146 = arith.index_cast %swap3A_145 : i32 to index
      %swap3A_147 = arith.index_cast %add3A_60 : i32 to index
      %swap3A_148 = arith.constant 32 : index
      %swap3A_149 = tpu.vector_load %arg6[%swap3A_146, %swap3A_147, %swap3A_148] {strides = array<i32>} : memref<2x26x128xi32, #tpu.memory_space<vmem>>, vector<16xi32>,
      tpu.vector_store %arg6[%swap3A_146, %swap3A_147, %swap3A_148], %shift_right_arithmetic3A_144 {strides = array<i32>} : memref<2x26x128xi32, #tpu.memory_space<vmem>>, vector<16xi32>,
      %and3A_150 = arith.constant 15 : i32
      %and3A_151 = vector.broadcast %and3A_150 : i32 to vector<16xi32>
      %and3A_152 = arith.andi %add3A_141, %and3A_151 : vector<16xi32>
      %swap3A_153 = arith.constant 0 : i32
      %swap3A_154 = arith.index_cast %swap3A_153 : i32 to index
      %swap3A_155 = arith.index_cast %add3A_60 : i32 to index
      %swap3A_156 = arith.constant 32 : index
      %swap3A_157 = tpu.vector_load %arg7[%swap3A_154, %swap3A_155, %swap3A_156] {strides = array<i32>} : memref<2x26x128xi32, #tpu.memory_space<vmem>>, vector<16xi32>,
      tpu.vector_store %arg7[%swap3A_154, %swap3A_155, %swap3A_156], %and3A_152 {strides = array<i32>} : memref<2x26x128xi32, #tpu.memory_space<vmem>>, vector<16xi32>,
      %mul3A_158 = arith.constant 39 : i32
      %mul3A_159 = vector.broadcast %mul3A_158 : i32 to vector<16xi32>
      %mul3A_160 = arith.muli %iota3A, %mul3A_159 : vector<16xi32>
      %add3A_161 = arith.constant 1872 : i32
      %add3A_162 = vector.broadcast %add3A_161 : i32 to vector<16xi32>
      %add3A_163 = arith.addi %mul3A_160, %add3A_162 : vector<16xi32>
      %add3A_164 = vector.broadcast %add3A_60 : i32 to vector<16xi32>
      %add3A_165 = arith.addi %add3A_163, %add3A_164 : vector<16xi32>
      %gather3A_166 = arith.constant 0 : i32
      %gather3A_167 = arith.constant 0 : i32
      %gather3A_168 = tpu.memref_slice %arg5[%gather3A_166, %gather3A_167] : memref<2x4992xf32, #tpu.memory_space<vmem>> -> memref<1x4992xf32, #tpu.memory_space<vmem>>
      %gather3A_169 = tpu.memref_squeeze %gather3A_168 : memref<1x4992xf32, #tpu.memory_space<vmem>> -> memref<4992xf32, #tpu.memory_space<vmem>>
      %gather3A_170 = tpu.vector_load_idx %gather3A_169[%add3A_165] : memref<4992xf32, #tpu.memory_space<vmem>>[vector<16xi32>], vector<16xf32>,
      %convert_element_type3A_171 = arith.fptosi %gather3A_170 : vector<16xf32> to vector<16xi32>
      %mul3A_172 = arith.constant 100352 : i32
      %mul3A_173 = arith.muli %add3A_60, %mul3A_172 : i32
      %add3A_174 = vector.broadcast %mul3A_173 : i32 to vector<16xi32>
      %add3A_175 = arith.addi %convert_element_type3A_171, %add3A_174 : vector<16xi32>
      %shift_right_arithmetic3A_176 = arith.constant 4 : i32
      %shift_right_arithmetic3A_177 = vector.broadcast %shift_right_arithmetic3A_176 : i32 to vector<16xi32>
      %shift_right_arithmetic3A_178 = arith.shrsi %add3A_175, %shift_right_arithmetic3A_177 : vector<16xi32>
      %swap3A_179 = arith.constant 0 : i32
      %swap3A_180 = arith.index_cast %swap3A_179 : i32 to index
      %swap3A_181 = arith.index_cast %add3A_60 : i32 to index
      %swap3A_182 = arith.constant 48 : index
      %swap3A_183 = tpu.vector_load %arg6[%swap3A_180, %swap3A_181, %swap3A_182] {strides = array<i32>} : memref<2x26x128xi32, #tpu.memory_space<vmem>>, vector<16xi32>,
      tpu.vector_store %arg6[%swap3A_180, %swap3A_181, %swap3A_182], %shift_right_arithmetic3A_178 {strides = array<i32>} : memref<2x26x128xi32, #tpu.memory_space<vmem>>, vector<16xi32>,
      %and3A_184 = arith.constant 15 : i32
      %and3A_185 = vector.broadcast %and3A_184 : i32 to vector<16xi32>
      %and3A_186 = arith.andi %add3A_175, %and3A_185 : vector<16xi32>
      %swap3A_187 = arith.constant 0 : i32
      %swap3A_188 = arith.index_cast %swap3A_187 : i32 to index
      %swap3A_189 = arith.index_cast %add3A_60 : i32 to index
      %swap3A_190 = arith.constant 48 : index
      %swap3A_191 = tpu.vector_load %arg7[%swap3A_188, %swap3A_189, %swap3A_190] {strides = array<i32>} : memref<2x26x128xi32, #tpu.memory_space<vmem>>, vector<16xi32>,
      tpu.vector_store %arg7[%swap3A_188, %swap3A_189, %swap3A_190], %and3A_186 {strides = array<i32>} : memref<2x26x128xi32, #tpu.memory_space<vmem>>, vector<16xi32>,
      %mul3A_192 = arith.constant 39 : i32
      %mul3A_193 = vector.broadcast %mul3A_192 : i32 to vector<16xi32>
      %mul3A_194 = arith.muli %iota3A, %mul3A_193 : vector<16xi32>
      %add3A_195 = arith.constant 2496 : i32
      %add3A_196 = vector.broadcast %add3A_195 : i32 to vector<16xi32>
      %add3A_197 = arith.addi %mul3A_194, %add3A_196 : vector<16xi32>
      %add3A_198 = vector.broadcast %add3A_60 : i32 to vector<16xi32>
      %add3A_199 = arith.addi %add3A_197, %add3A_198 : vector<16xi32>
      %gather3A_200 = arith.constant 0 : i32
      %gather3A_201 = arith.constant 0 : i32
      %gather3A_202 = tpu.memref_slice %arg5[%gather3A_200, %gather3A_201] : memref<2x4992xf32, #tpu.memory_space<vmem>> -> memref<1x4992xf32, #tpu.memory_space<vmem>>
      %gather3A_203 = tpu.memref_squeeze %gather3A_202 : memref<1x4992xf32, #tpu.memory_space<vmem>> -> memref<4992xf32, #tpu.memory_space<vmem>>
      %gather3A_204 = tpu.vector_load_idx %gather3A_203[%add3A_199] : memref<4992xf32, #tpu.memory_space<vmem>>[vector<16xi32>], vector<16xf32>,
      %convert_element_type3A_205 = arith.fptosi %gather3A_204 : vector<16xf32> to vector<16xi32>
      %mul3A_206 = arith.constant 100352 : i32
      %mul3A_207 = arith.muli %add3A_60, %mul3A_206 : i32
      %add3A_208 = vector.broadcast %mul3A_207 : i32 to vector<16xi32>
      %add3A_209 = arith.addi %convert_element_type3A_205, %add3A_208 : vector<16xi32>
      %shift_right_arithmetic3A_210 = arith.constant 4 : i32
      %shift_right_arithmetic3A_211 = vector.broadcast %shift_right_arithmetic3A_210 : i32 to vector<16xi32>
      %shift_right_arithmetic3A_212 = arith.shrsi %add3A_209, %shift_right_arithmetic3A_211 : vector<16xi32>
      %swap3A_213 = arith.constant 0 : i32
      %swap3A_214 = arith.index_cast %swap3A_213 : i32 to index
      %swap3A_215 = arith.index_cast %add3A_60 : i32 to index
      %swap3A_216 = arith.constant 64 : index
      %swap3A_217 = tpu.vector_load %arg6[%swap3A_214, %swap3A_215, %swap3A_216] {strides = array<i32>} : memref<2x26x128xi32, #tpu.memory_space<vmem>>, vector<16xi32>,
      tpu.vector_store %arg6[%swap3A_214, %swap3A_215, %swap3A_216], %shift_right_arithmetic3A_212 {strides = array<i32>} : memref<2x26x128xi32, #tpu.memory_space<vmem>>, vector<16xi32>,
      %and3A_218 = arith.constant 15 : i32
      %and3A_219 = vector.broadcast %and3A_218 : i32 to vector<16xi32>
      %and3A_220 = arith.andi %add3A_209, %and3A_219 : vector<16xi32>
      %swap3A_221 = arith.constant 0 : i32
      %swap3A_222 = arith.index_cast %swap3A_221 : i32 to index
      %swap3A_223 = arith.index_cast %add3A_60 : i32 to index
      %swap3A_224 = arith.constant 64 : index
      %swap3A_225 = tpu.vector_load %arg7[%swap3A_222, %swap3A_223, %swap3A_224] {strides = array<i32>} : memref<2x26x128xi32, #tpu.memory_space<vmem>>, vector<16xi32>,
      tpu.vector_store %arg7[%swap3A_222, %swap3A_223, %swap3A_224], %and3A_220 {strides = array<i32>} : memref<2x26x128xi32, #tpu.memory_space<vmem>>, vector<16xi32>,
      %mul3A_226 = arith.constant 39 : i32
      %mul3A_227 = vector.broadcast %mul3A_226 : i32 to vector<16xi32>
      %mul3A_228 = arith.muli %iota3A, %mul3A_227 : vector<16xi32>
      %add3A_229 = arith.constant 3120 : i32
      %add3A_230 = vector.broadcast %add3A_229 : i32 to vector<16xi32>
      %add3A_231 = arith.addi %mul3A_228, %add3A_230 : vector<16xi32>
      %add3A_232 = vector.broadcast %add3A_60 : i32 to vector<16xi32>
      %add3A_233 = arith.addi %add3A_231, %add3A_232 : vector<16xi32>
      %gather3A_234 = arith.constant 0 : i32
      %gather3A_235 = arith.constant 0 : i32
      %gather3A_236 = tpu.memref_slice %arg5[%gather3A_234, %gather3A_235] : memref<2x4992xf32, #tpu.memory_space<vmem>> -> memref<1x4992xf32, #tpu.memory_space<vmem>>
      %gather3A_237 = tpu.memref_squeeze %gather3A_236 : memref<1x4992xf32, #tpu.memory_space<vmem>> -> memref<4992xf32, #tpu.memory_space<vmem>>
      %gather3A_238 = tpu.vector_load_idx %gather3A_237[%add3A_233] : memref<4992xf32, #tpu.memory_space<vmem>>[vector<16xi32>], vector<16xf32>,
      %convert_element_type3A_239 = arith.fptosi %gather3A_238 : vector<16xf32> to vector<16xi32>
      %mul3A_240 = arith.constant 100352 : i32
      %mul3A_241 = arith.muli %add3A_60, %mul3A_240 : i32
      %add3A_242 = vector.broadcast %mul3A_241 : i32 to vector<16xi32>
      %add3A_243 = arith.addi %convert_element_type3A_239, %add3A_242 : vector<16xi32>
      %shift_right_arithmetic3A_244 = arith.constant 4 : i32
      %shift_right_arithmetic3A_245 = vector.broadcast %shift_right_arithmetic3A_244 : i32 to vector<16xi32>
      %shift_right_arithmetic3A_246 = arith.shrsi %add3A_243, %shift_right_arithmetic3A_245 : vector<16xi32>
      %swap3A_247 = arith.constant 0 : i32
      %swap3A_248 = arith.index_cast %swap3A_247 : i32 to index
      %swap3A_249 = arith.index_cast %add3A_60 : i32 to index
      %swap3A_250 = arith.constant 80 : index
      %swap3A_251 = tpu.vector_load %arg6[%swap3A_248, %swap3A_249, %swap3A_250] {strides = array<i32>} : memref<2x26x128xi32, #tpu.memory_space<vmem>>, vector<16xi32>,
      tpu.vector_store %arg6[%swap3A_248, %swap3A_249, %swap3A_250], %shift_right_arithmetic3A_246 {strides = array<i32>} : memref<2x26x128xi32, #tpu.memory_space<vmem>>, vector<16xi32>,
      %and3A_252 = arith.constant 15 : i32
      %and3A_253 = vector.broadcast %and3A_252 : i32 to vector<16xi32>
      %and3A_254 = arith.andi %add3A_243, %and3A_253 : vector<16xi32>
      %swap3A_255 = arith.constant 0 : i32
      %swap3A_256 = arith.index_cast %swap3A_255 : i32 to index
      %swap3A_257 = arith.index_cast %add3A_60 : i32 to index
      %swap3A_258 = arith.constant 80 : index
      %swap3A_259 = tpu.vector_load %arg7[%swap3A_256, %swap3A_257, %swap3A_258] {strides = array<i32>} : memref<2x26x128xi32, #tpu.memory_space<vmem>>, vector<16xi32>,
      tpu.vector_store %arg7[%swap3A_256, %swap3A_257, %swap3A_258], %and3A_254 {strides = array<i32>} : memref<2x26x128xi32, #tpu.memory_space<vmem>>, vector<16xi32>,
      %mul3A_260 = arith.constant 39 : i32
      %mul3A_261 = vector.broadcast %mul3A_260 : i32 to vector<16xi32>
      %mul3A_262 = arith.muli %iota3A, %mul3A_261 : vector<16xi32>
      %add3A_263 = arith.constant 3744 : i32
      %add3A_264 = vector.broadcast %add3A_263 : i32 to vector<16xi32>
      %add3A_265 = arith.addi %mul3A_262, %add3A_264 : vector<16xi32>
      %add3A_266 = vector.broadcast %add3A_60 : i32 to vector<16xi32>
      %add3A_267 = arith.addi %add3A_265, %add3A_266 : vector<16xi32>
      %gather3A_268 = arith.constant 0 : i32
      %gather3A_269 = arith.constant 0 : i32
      %gather3A_270 = tpu.memref_slice %arg5[%gather3A_268, %gather3A_269] : memref<2x4992xf32, #tpu.memory_space<vmem>> -> memref<1x4992xf32, #tpu.memory_space<vmem>>
      %gather3A_271 = tpu.memref_squeeze %gather3A_270 : memref<1x4992xf32, #tpu.memory_space<vmem>> -> memref<4992xf32, #tpu.memory_space<vmem>>
      %gather3A_272 = tpu.vector_load_idx %gather3A_271[%add3A_267] : memref<4992xf32, #tpu.memory_space<vmem>>[vector<16xi32>], vector<16xf32>,
      %convert_element_type3A_273 = arith.fptosi %gather3A_272 : vector<16xf32> to vector<16xi32>
      %mul3A_274 = arith.constant 100352 : i32
      %mul3A_275 = arith.muli %add3A_60, %mul3A_274 : i32
      %add3A_276 = vector.broadcast %mul3A_275 : i32 to vector<16xi32>
      %add3A_277 = arith.addi %convert_element_type3A_273, %add3A_276 : vector<16xi32>
      %shift_right_arithmetic3A_278 = arith.constant 4 : i32
      %shift_right_arithmetic3A_279 = vector.broadcast %shift_right_arithmetic3A_278 : i32 to vector<16xi32>
      %shift_right_arithmetic3A_280 = arith.shrsi %add3A_277, %shift_right_arithmetic3A_279 : vector<16xi32>
      %swap3A_281 = arith.constant 0 : i32
      %swap3A_282 = arith.index_cast %swap3A_281 : i32 to index
      %swap3A_283 = arith.index_cast %add3A_60 : i32 to index
      %swap3A_284 = arith.constant 96 : index
      %swap3A_285 = tpu.vector_load %arg6[%swap3A_282, %swap3A_283, %swap3A_284] {strides = array<i32>} : memref<2x26x128xi32, #tpu.memory_space<vmem>>, vector<16xi32>,
      tpu.vector_store %arg6[%swap3A_282, %swap3A_283, %swap3A_284], %shift_right_arithmetic3A_280 {strides = array<i32>} : memref<2x26x128xi32, #tpu.memory_space<vmem>>, vector<16xi32>,
      %and3A_286 = arith.constant 15 : i32
      %and3A_287 = vector.broadcast %and3A_286 : i32 to vector<16xi32>
      %and3A_288 = arith.andi %add3A_277, %and3A_287 : vector<16xi32>
      %swap3A_289 = arith.constant 0 : i32
      %swap3A_290 = arith.index_cast %swap3A_289 : i32 to index
      %swap3A_291 = arith.index_cast %add3A_60 : i32 to index
      %swap3A_292 = arith.constant 96 : index
      %swap3A_293 = tpu.vector_load %arg7[%swap3A_290, %swap3A_291, %swap3A_292] {strides = array<i32>} : memref<2x26x128xi32, #tpu.memory_space<vmem>>, vector<16xi32>,
      tpu.vector_store %arg7[%swap3A_290, %swap3A_291, %swap3A_292], %and3A_288 {strides = array<i32>} : memref<2x26x128xi32, #tpu.memory_space<vmem>>, vector<16xi32>,
      %mul3A_294 = arith.constant 39 : i32
      %mul3A_295 = vector.broadcast %mul3A_294 : i32 to vector<16xi32>
      %mul3A_296 = arith.muli %iota3A, %mul3A_295 : vector<16xi32>
      %add3A_297 = arith.constant 4368 : i32
      %add3A_298 = vector.broadcast %add3A_297 : i32 to vector<16xi32>
      %add3A_299 = arith.addi %mul3A_296, %add3A_298 : vector<16xi32>
      %add3A_300 = vector.broadcast %add3A_60 : i32 to vector<16xi32>
      %add3A_301 = arith.addi %add3A_299, %add3A_300 : vector<16xi32>
      %gather3A_302 = arith.constant 0 : i32
      %gather3A_303 = arith.constant 0 : i32
      %gather3A_304 = tpu.memref_slice %arg5[%gather3A_302, %gather3A_303] : memref<2x4992xf32, #tpu.memory_space<vmem>> -> memref<1x4992xf32, #tpu.memory_space<vmem>>
      %gather3A_305 = tpu.memref_squeeze %gather3A_304 : memref<1x4992xf32, #tpu.memory_space<vmem>> -> memref<4992xf32, #tpu.memory_space<vmem>>
      %gather3A_306 = tpu.vector_load_idx %gather3A_305[%add3A_301] : memref<4992xf32, #tpu.memory_space<vmem>>[vector<16xi32>], vector<16xf32>,
      %convert_element_type3A_307 = arith.fptosi %gather3A_306 : vector<16xf32> to vector<16xi32>
      %mul3A_308 = arith.constant 100352 : i32
      %mul3A_309 = arith.muli %add3A_60, %mul3A_308 : i32
      %add3A_310 = vector.broadcast %mul3A_309 : i32 to vector<16xi32>
      %add3A_311 = arith.addi %convert_element_type3A_307, %add3A_310 : vector<16xi32>
      %shift_right_arithmetic3A_312 = arith.constant 4 : i32
      %shift_right_arithmetic3A_313 = vector.broadcast %shift_right_arithmetic3A_312 : i32 to vector<16xi32>
      %shift_right_arithmetic3A_314 = arith.shrsi %add3A_311, %shift_right_arithmetic3A_313 : vector<16xi32>
      %swap3A_315 = arith.constant 0 : i32
      %swap3A_316 = arith.index_cast %swap3A_315 : i32 to index
      %swap3A_317 = arith.index_cast %add3A_60 : i32 to index
      %swap3A_318 = arith.constant 112 : index
      %swap3A_319 = tpu.vector_load %arg6[%swap3A_316, %swap3A_317, %swap3A_318] {strides = array<i32>} : memref<2x26x128xi32, #tpu.memory_space<vmem>>, vector<16xi32>,
      tpu.vector_store %arg6[%swap3A_316, %swap3A_317, %swap3A_318], %shift_right_arithmetic3A_314 {strides = array<i32>} : memref<2x26x128xi32, #tpu.memory_space<vmem>>, vector<16xi32>,
      %and3A_320 = arith.constant 15 : i32
      %and3A_321 = vector.broadcast %and3A_320 : i32 to vector<16xi32>
      %and3A_322 = arith.andi %add3A_311, %and3A_321 : vector<16xi32>
      %swap3A_323 = arith.constant 0 : i32
      %swap3A_324 = arith.index_cast %swap3A_323 : i32 to index
      %swap3A_325 = arith.index_cast %add3A_60 : i32 to index
      %swap3A_326 = arith.constant 112 : index
      %swap3A_327 = tpu.vector_load %arg7[%swap3A_324, %swap3A_325, %swap3A_326] {strides = array<i32>} : memref<2x26x128xi32, #tpu.memory_space<vmem>>, vector<16xi32>,
      tpu.vector_store %arg7[%swap3A_324, %swap3A_325, %swap3A_326], %and3A_322 {strides = array<i32>} : memref<2x26x128xi32, #tpu.memory_space<vmem>>, vector<16xi32>,
    }
    %scan3A_30 = arith.constant 26 : i32
    %scan3A_31 = arith.constant 0 : i32
    %scan3A_32 = arith.constant 26 : i32
    %scan3A_33 = arith.addi %scan3A_31, %scan3A_32 : i32
    %scan3A_34 = arith.constant 1 : i32
    scf.for %scan3A_56 = %scan3A_31 to %scan3A_33 step %scan3A_34  : i32 {
      %mul3A_57 = arith.constant 1 : i32
      %mul3A_58 = arith.muli %scan3A_56, %mul3A_57 : i32
      %add3A_59 = arith.constant 0 : i32
      %add3A_60 = arith.addi %add3A_59, %mul3A_58 : i32
      %mul3A_61 = arith.constant 128 : i32
      %mul3A_62 = arith.muli %add3A_60, %mul3A_61 : i32
      %add3A_63 = arith.constant 0 : i32
      %add3A_64 = arith.addi %add3A_63, %mul3A_62 : i32
      %dma_start3A_65 = arith.constant 0 : i32
      %dma_start3A_66 = arith.constant 0 : i32
      %dma_start3A_67 = tpu.memref_slice %arg8[%add3A_64, %dma_start3A_66] : memref<6656x16xf32, #tpu.memory_space<vmem>> -> memref<128x16xf32, #tpu.memory_space<vmem>>
      %dma_start3A_68 = arith.constant 0 : i32
      %dma_start3A_69 = tpu.memref_slice %arg6[%dma_start3A_65, %add3A_60, %dma_start3A_68] : memref<2x26x128xi32, #tpu.memory_space<vmem>> -> memref<1x1x128xi32, #tpu.memory_space<vmem>>
      %dma_start3A_70 = tpu.memref_squeeze %dma_start3A_69 : memref<1x1x128xi32, #tpu.memory_space<vmem>> -> memref<128xi32, #tpu.memory_space<vmem>>
      %dma_start3A_71 = arith.constant 0 : i32
      %dma_start3A_72 = arith.constant 0 : i32
      %dma_start3A_73 = tpu.memref_slice %arg3[%dma_start3A_71, %dma_start3A_72] : memref<163072x16xf32, #tpu.memory_space<hbm>> -> memref<163072x16xf32, #tpu.memory_space<hbm>>
      tpu.enqueue_indirect_dma source(%dma_start3A_73 : memref<163072x16xf32, #tpu.memory_space<hbm>>) target(%dma_start3A_67 : memref<128x16xf32, #tpu.memory_space<vmem>>) offsets(%dma_start3A_70 : memref<128xi32, #tpu.memory_space<vmem>>) semaphore(%arg10 : memref<!tpu.dma_semaphore, #tpu.memory_space<semaphore_mem>>)
    }
    %scan3A_35 = arith.constant 26 : i32
    %add3A_36 = arith.constant 1 : i32
    %add3A_37 = arith.addi %mul3A_2, %add3A_36 : i32
    %mul3A_38 = arith.constant 128 : i32
    %mul3A_39 = arith.muli %add3A_37, %mul3A_38 : i32
    %mul3A_40 = arith.constant 39 : i32
    %mul3A_41 = arith.muli %mul3A_39, %mul3A_40 : i32
    %dma_start3A_42 = arith.constant 1 : i32
    %dma_start3A_43 = arith.constant 0 : i32
    %dma_start3A_44 = tpu.memref_slice %arg5[%dma_start3A_42, %dma_start3A_43] : memref<2x4992xf32, #tpu.memory_space<vmem>> -> memref<1x4992xf32, #tpu.memory_space<vmem>>
    %dma_start3A_45 = tpu.memref_squeeze %dma_start3A_44 : memref<1x4992xf32, #tpu.memory_space<vmem>> -> memref<4992xf32, #tpu.memory_space<vmem>>
    %dma_start3A_46 = tpu.memref_slice %arg2[%mul3A_41] : memref<638976xf32, #tpu.memory_space<hbm>> -> memref<4992xf32, #tpu.memory_space<hbm>>
    %dma_start3A_47 = arith.constant 0 : i32
    %dma_start3A_48 = tpu.memref_slice %arg5[%dma_start3A_42, %dma_start3A_47] : memref<2x4992xf32, #tpu.memory_space<vmem>> -> memref<1x4992xf32, #tpu.memory_space<vmem>>
    %dma_start3A_49 = tpu.memref_squeeze %dma_start3A_48 : memref<1x4992xf32, #tpu.memory_space<vmem>> -> memref<4992xf32, #tpu.memory_space<vmem>>
    %dma_start3A_50 = tpu.memref_slice %arg2[%mul3A_41] : memref<638976xf32, #tpu.memory_space<hbm>> -> memref<4992xf32, #tpu.memory_space<hbm>>
    tpu.enqueue_dma source(%dma_start3A_50 : memref<4992xf32, #tpu.memory_space<hbm>>) target(%dma_start3A_49 : memref<4992xf32, #tpu.memory_space<vmem>>) target_semaphore(%arg11 : memref<!tpu.dma_semaphore, #tpu.memory_space<semaphore_mem>>)
    %scan3A_51 = arith.constant 0 : i32
    %scan3A_52 = arith.constant 4 : i32
    %scan3A_53 = arith.addi %scan3A_51, %scan3A_52 : i32
    %scan3A_54 = arith.constant 1 : i32
    scf.for %scan3A_56 = %scan3A_51 to %scan3A_53 step %scan3A_54  : i32 {
      %mul3A_57 = arith.constant 1 : i32
      %mul3A_58 = arith.muli %scan3A_56, %mul3A_57 : i32
      %add3A_59 = arith.constant 0 : i32
      %add3A_60 = arith.addi %add3A_59, %mul3A_58 : i32
      %rem3A = arith.constant 2 : i32
      %rem3A_61 = arith.remsi %add3A_60, %rem3A : i32
      %add3A_62 = arith.constant 1 : i32
      %add3A_63 = arith.addi %add3A_60, %add3A_62 : i32
      %lt3A = arith.constant 4 : i32
      %lt3A_64 = arith.cmpi slt, %add3A_63, %lt3A : i32
      %convert_element_type3A = arith.extui %lt3A_64 : i1 to i32
      %cond3A = arith.constant 0 : i32
      %cond3A_65 = arith.cmpi ne, %convert_element_type3A, %cond3A : i32
      scf.if %cond3A_65 {
        %sub3A = arith.constant 1 : i32
        %sub3A_2226 = arith.subi %sub3A, %rem3A_61 : i32
        %dma_wait3A_2227 = arith.constant 0 : i32
        %dma_wait3A_2228 = tpu.memref_slice %arg5[%sub3A_2226, %dma_wait3A_2227] : memref<2x4992xf32, #tpu.memory_space<vmem>> -> memref<1x4992xf32, #tpu.memory_space<vmem>>
        %dma_wait3A_2229 = tpu.memref_squeeze %dma_wait3A_2228 : memref<1x4992xf32, #tpu.memory_space<vmem>> -> memref<4992xf32, #tpu.memory_space<vmem>>
        %dma_wait3A_2230 = arith.constant 0 : i32
        %dma_wait3A_2231 = tpu.memref_slice %arg2[%dma_wait3A_2230] : memref<638976xf32, #tpu.memory_space<hbm>> -> memref<4992xf32, #tpu.memory_space<hbm>>
        %dma_wait3A_2232 = arith.constant 0 : i32
        %dma_wait3A_2233 = tpu.memref_slice %arg5[%sub3A_2226, %dma_wait3A_2232] : memref<2x4992xf32, #tpu.memory_space<vmem>> -> memref<1x4992xf32, #tpu.memory_space<vmem>>
        %dma_wait3A_2234 = tpu.memref_squeeze %dma_wait3A_2233 : memref<1x4992xf32, #tpu.memory_space<vmem>> -> memref<4992xf32, #tpu.memory_space<vmem>>
        %dma_wait3A_2235 = arith.constant 0 : i32
        %dma_wait3A_2236 = tpu.memref_slice %arg2[%dma_wait3A_2235] : memref<638976xf32, #tpu.memory_space<hbm>> -> memref<4992xf32, #tpu.memory_space<hbm>>
        tpu.wait_dma2 semaphore(%arg11 : memref<!tpu.dma_semaphore, #tpu.memory_space<semaphore_mem>>) src(%dma_wait3A_2236 : memref<4992xf32, #tpu.memory_space<hbm>>) dst(%dma_wait3A_2234 : memref<4992xf32, #tpu.memory_space<vmem>>)
        %sub3A_2237 = arith.constant 1 : i32
        %sub3A_2238 = arith.subi %sub3A_2237, %rem3A_61 : i32
        %scan3A_2239 = arith.constant 0 : i32
        %scan3A_2240 = arith.constant 26 : i32
        %scan3A_2241 = arith.addi %scan3A_2239, %scan3A_2240 : i32
        %scan3A_2242 = arith.constant 1 : i32
        scf.for %scan3A_2244 = %scan3A_2239 to %scan3A_2241 step %scan3A_2242  : i32 {
          %mul3A_2245 = arith.constant 1 : i32
          %mul3A_2246 = arith.muli %scan3A_2244, %mul3A_2245 : i32
          %add3A_2247 = arith.constant 0 : i32
          %add3A_2248 = arith.addi %add3A_2247, %mul3A_2246 : i32
          %mul3A_2249 = arith.constant 39 : i32
          %mul3A_2250 = vector.broadcast %mul3A_2249 : i32 to vector<16xi32>
          %mul3A_2251 = arith.muli %iota3A, %mul3A_2250 : vector<16xi32>
          %add3A_2252 = arith.constant 0 : i32
          %add3A_2253 = vector.broadcast %add3A_2252 : i32 to vector<16xi32>
          %add3A_2254 = arith.addi %mul3A_2251, %add3A_2253 : vector<16xi32>
          %add3A_2255 = vector.broadcast %add3A_2248 : i32 to vector<16xi32>
          %add3A_2256 = arith.addi %add3A_2254, %add3A_2255 : vector<16xi32>
          %gather3A_2257 = arith.constant 0 : i32
          %gather3A_2258 = tpu.memref_slice %arg5[%sub3A_2238, %gather3A_2257] : memref<2x4992xf32, #tpu.memory_space<vmem>> -> memref<1x4992xf32, #tpu.memory_space<vmem>>
          %gather3A_2259 = tpu.memref_squeeze %gather3A_2258 : memref<1x4992xf32, #tpu.memory_space<vmem>> -> memref<4992xf32, #tpu.memory_space<vmem>>
          %gather3A_2260 = tpu.vector_load_idx %gather3A_2259[%add3A_2256] : memref<4992xf32, #tpu.memory_space<vmem>>[vector<16xi32>], vector<16xf32>,
          %convert_element_type3A_2261 = arith.fptosi %gather3A_2260 : vector<16xf32> to vector<16xi32>
          %mul3A_2262 = arith.constant 100352 : i32
          %mul3A_2263 = arith.muli %add3A_2248, %mul3A_2262 : i32
          %add3A_2264 = vector.broadcast %mul3A_2263 : i32 to vector<16xi32>
          %add3A_2265 = arith.addi %convert_element_type3A_2261, %add3A_2264 : vector<16xi32>
          %shift_right_arithmetic3A = arith.constant 4 : i32
          %shift_right_arithmetic3A_2266 = vector.broadcast %shift_right_arithmetic3A : i32 to vector<16xi32>
          %shift_right_arithmetic3A_2267 = arith.shrsi %add3A_2265, %shift_right_arithmetic3A_2266 : vector<16xi32>
          %swap3A_2268 = arith.index_cast %sub3A_2238 : i32 to index
          %swap3A_2269 = arith.index_cast %add3A_2248 : i32 to index
          %swap3A_2270 = arith.constant 0 : index
          %swap3A_2271 = tpu.vector_load %arg6[%swap3A_2268, %swap3A_2269, %swap3A_2270] {strides = array<i32>} : memref<2x26x128xi32, #tpu.memory_space<vmem>>, vector<16xi32>,
          tpu.vector_store %arg6[%swap3A_2268, %swap3A_2269, %swap3A_2270], %shift_right_arithmetic3A_2267 {strides = array<i32>} : memref<2x26x128xi32, #tpu.memory_space<vmem>>, vector<16xi32>,
          %and3A = arith.constant 15 : i32
          %and3A_2272 = vector.broadcast %and3A : i32 to vector<16xi32>
          %and3A_2273 = arith.andi %add3A_2265, %and3A_2272 : vector<16xi32>
          %swap3A_2274 = arith.index_cast %sub3A_2238 : i32 to index
          %swap3A_2275 = arith.index_cast %add3A_2248 : i32 to index
          %swap3A_2276 = arith.constant 0 : index
          %swap3A_2277 = tpu.vector_load %arg7[%swap3A_2274, %swap3A_2275, %swap3A_2276] {strides = array<i32>} : memref<2x26x128xi32, #tpu.memory_space<vmem>>, vector<16xi32>,
          tpu.vector_store %arg7[%swap3A_2274, %swap3A_2275, %swap3A_2276], %and3A_2273 {strides = array<i32>} : memref<2x26x128xi32, #tpu.memory_space<vmem>>, vector<16xi32>,
          %mul3A_2278 = arith.constant 39 : i32
          %mul3A_2279 = vector.broadcast %mul3A_2278 : i32 to vector<16xi32>
          %mul3A_2280 = arith.muli %iota3A, %mul3A_2279 : vector<16xi32>
          %add3A_2281 = arith.constant 624 : i32
          %add3A_2282 = vector.broadcast %add3A_2281 : i32 to vector<16xi32>
          %add3A_2283 = arith.addi %mul3A_2280, %add3A_2282 : vector<16xi32>
          %add3A_2284 = vector.broadcast %add3A_2248 : i32 to vector<16xi32>
          %add3A_2285 = arith.addi %add3A_2283, %add3A_2284 : vector<16xi32>
          %gather3A_2286 = arith.constant 0 : i32
          %gather3A_2287 = tpu.memref_slice %arg5[%sub3A_2238, %gather3A_2286] : memref<2x4992xf32, #tpu.memory_space<vmem>> -> memref<1x4992xf32, #tpu.memory_space<vmem>>
          %gather3A_2288 = tpu.memref_squeeze %gather3A_2287 : memref<1x4992xf32, #tpu.memory_space<vmem>> -> memref<4992xf32, #tpu.memory_space<vmem>>
          %gather3A_2289 = tpu.vector_load_idx %gather3A_2288[%add3A_2285] : memref<4992xf32, #tpu.memory_space<vmem>>[vector<16xi32>], vector<16xf32>,
          %convert_element_type3A_2290 = arith.fptosi %gather3A_2289 : vector<16xf32> to vector<16xi32>
          %mul3A_2291 = arith.constant 100352 : i32
          %mul3A_2292 = arith.muli %add3A_2248, %mul3A_2291 : i32
          %add3A_2293 = vector.broadcast %mul3A_2292 : i32 to vector<16xi32>
          %add3A_2294 = arith.addi %convert_element_type3A_2290, %add3A_2293 : vector<16xi32>
          %shift_right_arithmetic3A_2295 = arith.constant 4 : i32
          %shift_right_arithmetic3A_2296 = vector.broadcast %shift_right_arithmetic3A_2295 : i32 to vector<16xi32>
          %shift_right_arithmetic3A_2297 = arith.shrsi %add3A_2294, %shift_right_arithmetic3A_2296 : vector<16xi32>
          %swap3A_2298 = arith.index_cast %sub3A_2238 : i32 to index
          %swap3A_2299 = arith.index_cast %add3A_2248 : i32 to index
          %swap3A_2300 = arith.constant 16 : index
          %swap3A_2301 = tpu.vector_load %arg6[%swap3A_2298, %swap3A_2299, %swap3A_2300] {strides = array<i32>} : memref<2x26x128xi32, #tpu.memory_space<vmem>>, vector<16xi32>,
          tpu.vector_store %arg6[%swap3A_2298, %swap3A_2299, %swap3A_2300], %shift_right_arithmetic3A_2297 {strides = array<i32>} : memref<2x26x128xi32, #tpu.memory_space<vmem>>, vector<16xi32>,
          %and3A_2302 = arith.constant 15 : i32
          %and3A_2303 = vector.broadcast %and3A_2302 : i32 to vector<16xi32>
          %and3A_2304 = arith.andi %add3A_2294, %and3A_2303 : vector<16xi32>
          %swap3A_2305 = arith.index_cast %sub3A_2238 : i32 to index
          %swap3A_2306 = arith.index_cast %add3A_2248 : i32 to index
          %swap3A_2307 = arith.constant 16 : index
          %swap3A_2308 = tpu.vector_load %arg7[%swap3A_2305, %swap3A_2306, %swap3A_2307] {strides = array<i32>} : memref<2x26x128xi32, #tpu.memory_space<vmem>>, vector<16xi32>,
          tpu.vector_store %arg7[%swap3A_2305, %swap3A_2306, %swap3A_2307], %and3A_2304 {strides = array<i32>} : memref<2x26x128xi32, #tpu.memory_space<vmem>>, vector<16xi32>,
          %mul3A_2309 = arith.constant 39 : i32
          %mul3A_2310 = vector.broadcast %mul3A_2309 : i32 to vector<16xi32>
          %mul3A_2311 = arith.muli %iota3A, %mul3A_2310 : vector<16xi32>
          %add3A_2312 = arith.constant 1248 : i32
          %add3A_2313 = vector.broadcast %add3A_2312 : i32 to vector<16xi32>
          %add3A_2314 = arith.addi %mul3A_2311, %add3A_2313 : vector<16xi32>
          %add3A_2315 = vector.broadcast %add3A_2248 : i32 to vector<16xi32>
          %add3A_2316 = arith.addi %add3A_2314, %add3A_2315 : vector<16xi32>
          %gather3A_2317 = arith.constant 0 : i32
          %gather3A_2318 = tpu.memref_slice %arg5[%sub3A_2238, %gather3A_2317] : memref<2x4992xf32, #tpu.memory_space<vmem>> -> memref<1x4992xf32, #tpu.memory_space<vmem>>
          %gather3A_2319 = tpu.memref_squeeze %gather3A_2318 : memref<1x4992xf32, #tpu.memory_space<vmem>> -> memref<4992xf32, #tpu.memory_space<vmem>>
          %gather3A_2320 = tpu.vector_load_idx %gather3A_2319[%add3A_2316] : memref<4992xf32, #tpu.memory_space<vmem>>[vector<16xi32>], vector<16xf32>,
          %convert_element_type3A_2321 = arith.fptosi %gather3A_2320 : vector<16xf32> to vector<16xi32>
          %mul3A_2322 = arith.constant 100352 : i32
          %mul3A_2323 = arith.muli %add3A_2248, %mul3A_2322 : i32
          %add3A_2324 = vector.broadcast %mul3A_2323 : i32 to vector<16xi32>
          %add3A_2325 = arith.addi %convert_element_type3A_2321, %add3A_2324 : vector<16xi32>
          %shift_right_arithmetic3A_2326 = arith.constant 4 : i32
          %shift_right_arithmetic3A_2327 = vector.broadcast %shift_right_arithmetic3A_2326 : i32 to vector<16xi32>
          %shift_right_arithmetic3A_2328 = arith.shrsi %add3A_2325, %shift_right_arithmetic3A_2327 : vector<16xi32>
          %swap3A_2329 = arith.index_cast %sub3A_2238 : i32 to index
          %swap3A_2330 = arith.index_cast %add3A_2248 : i32 to index
          %swap3A_2331 = arith.constant 32 : index
          %swap3A_2332 = tpu.vector_load %arg6[%swap3A_2329, %swap3A_2330, %swap3A_2331] {strides = array<i32>} : memref<2x26x128xi32, #tpu.memory_space<vmem>>, vector<16xi32>,
          tpu.vector_store %arg6[%swap3A_2329, %swap3A_2330, %swap3A_2331], %shift_right_arithmetic3A_2328 {strides = array<i32>} : memref<2x26x128xi32, #tpu.memory_space<vmem>>, vector<16xi32>,
          %and3A_2333 = arith.constant 15 : i32
          %and3A_2334 = vector.broadcast %and3A_2333 : i32 to vector<16xi32>
          %and3A_2335 = arith.andi %add3A_2325, %and3A_2334 : vector<16xi32>
          %swap3A_2336 = arith.index_cast %sub3A_2238 : i32 to index
          %swap3A_2337 = arith.index_cast %add3A_2248 : i32 to index
          %swap3A_2338 = arith.constant 32 : index
          %swap3A_2339 = tpu.vector_load %arg7[%swap3A_2336, %swap3A_2337, %swap3A_2338] {strides = array<i32>} : memref<2x26x128xi32, #tpu.memory_space<vmem>>, vector<16xi32>,
          tpu.vector_store %arg7[%swap3A_2336, %swap3A_2337, %swap3A_2338], %and3A_2335 {strides = array<i32>} : memref<2x26x128xi32, #tpu.memory_space<vmem>>, vector<16xi32>,
          %mul3A_2340 = arith.constant 39 : i32
          %mul3A_2341 = vector.broadcast %mul3A_2340 : i32 to vector<16xi32>
          %mul3A_2342 = arith.muli %iota3A, %mul3A_2341 : vector<16xi32>
          %add3A_2343 = arith.constant 1872 : i32
          %add3A_2344 = vector.broadcast %add3A_2343 : i32 to vector<16xi32>
          %add3A_2345 = arith.addi %mul3A_2342, %add3A_2344 : vector<16xi32>
          %add3A_2346 = vector.broadcast %add3A_2248 : i32 to vector<16xi32>
          %add3A_2347 = arith.addi %add3A_2345, %add3A_2346 : vector<16xi32>
          %gather3A_2348 = arith.constant 0 : i32
          %gather3A_2349 = tpu.memref_slice %arg5[%sub3A_2238, %gather3A_2348] : memref<2x4992xf32, #tpu.memory_space<vmem>> -> memref<1x4992xf32, #tpu.memory_space<vmem>>
          %gather3A_2350 = tpu.memref_squeeze %gather3A_2349 : memref<1x4992xf32, #tpu.memory_space<vmem>> -> memref<4992xf32, #tpu.memory_space<vmem>>
          %gather3A_2351 = tpu.vector_load_idx %gather3A_2350[%add3A_2347] : memref<4992xf32, #tpu.memory_space<vmem>>[vector<16xi32>], vector<16xf32>,
          %convert_element_type3A_2352 = arith.fptosi %gather3A_2351 : vector<16xf32> to vector<16xi32>
          %mul3A_2353 = arith.constant 100352 : i32
          %mul3A_2354 = arith.muli %add3A_2248, %mul3A_2353 : i32
          %add3A_2355 = vector.broadcast %mul3A_2354 : i32 to vector<16xi32>
          %add3A_2356 = arith.addi %convert_element_type3A_2352, %add3A_2355 : vector<16xi32>
          %shift_right_arithmetic3A_2357 = arith.constant 4 : i32
          %shift_right_arithmetic3A_2358 = vector.broadcast %shift_right_arithmetic3A_2357 : i32 to vector<16xi32>
          %shift_right_arithmetic3A_2359 = arith.shrsi %add3A_2356, %shift_right_arithmetic3A_2358 : vector<16xi32>
          %swap3A_2360 = arith.index_cast %sub3A_2238 : i32 to index
          %swap3A_2361 = arith.index_cast %add3A_2248 : i32 to index
          %swap3A_2362 = arith.constant 48 : index
          %swap3A_2363 = tpu.vector_load %arg6[%swap3A_2360, %swap3A_2361, %swap3A_2362] {strides = array<i32>} : memref<2x26x128xi32, #tpu.memory_space<vmem>>, vector<16xi32>,
          tpu.vector_store %arg6[%swap3A_2360, %swap3A_2361, %swap3A_2362], %shift_right_arithmetic3A_2359 {strides = array<i32>} : memref<2x26x128xi32, #tpu.memory_space<vmem>>, vector<16xi32>,
          %and3A_2364 = arith.constant 15 : i32
          %and3A_2365 = vector.broadcast %and3A_2364 : i32 to vector<16xi32>
          %and3A_2366 = arith.andi %add3A_2356, %and3A_2365 : vector<16xi32>
          %swap3A_2367 = arith.index_cast %sub3A_2238 : i32 to index
          %swap3A_2368 = arith.index_cast %add3A_2248 : i32 to index
          %swap3A_2369 = arith.constant 48 : index
          %swap3A_2370 = tpu.vector_load %arg7[%swap3A_2367, %swap3A_2368, %swap3A_2369] {strides = array<i32>} : memref<2x26x128xi32, #tpu.memory_space<vmem>>, vector<16xi32>,
          tpu.vector_store %arg7[%swap3A_2367, %swap3A_2368, %swap3A_2369], %and3A_2366 {strides = array<i32>} : memref<2x26x128xi32, #tpu.memory_space<vmem>>, vector<16xi32>,
          %mul3A_2371 = arith.constant 39 : i32
          %mul3A_2372 = vector.broadcast %mul3A_2371 : i32 to vector<16xi32>
          %mul3A_2373 = arith.muli %iota3A, %mul3A_2372 : vector<16xi32>
          %add3A_2374 = arith.constant 2496 : i32
          %add3A_2375 = vector.broadcast %add3A_2374 : i32 to vector<16xi32>
          %add3A_2376 = arith.addi %mul3A_2373, %add3A_2375 : vector<16xi32>
          %add3A_2377 = vector.broadcast %add3A_2248 : i32 to vector<16xi32>
          %add3A_2378 = arith.addi %add3A_2376, %add3A_2377 : vector<16xi32>
          %gather3A_2379 = arith.constant 0 : i32
          %gather3A_2380 = tpu.memref_slice %arg5[%sub3A_2238, %gather3A_2379] : memref<2x4992xf32, #tpu.memory_space<vmem>> -> memref<1x4992xf32, #tpu.memory_space<vmem>>
          %gather3A_2381 = tpu.memref_squeeze %gather3A_2380 : memref<1x4992xf32, #tpu.memory_space<vmem>> -> memref<4992xf32, #tpu.memory_space<vmem>>
          %gather3A_2382 = tpu.vector_load_idx %gather3A_2381[%add3A_2378] : memref<4992xf32, #tpu.memory_space<vmem>>[vector<16xi32>], vector<16xf32>,
          %convert_element_type3A_2383 = arith.fptosi %gather3A_2382 : vector<16xf32> to vector<16xi32>
          %mul3A_2384 = arith.constant 100352 : i32
          %mul3A_2385 = arith.muli %add3A_2248, %mul3A_2384 : i32
          %add3A_2386 = vector.broadcast %mul3A_2385 : i32 to vector<16xi32>
          %add3A_2387 = arith.addi %convert_element_type3A_2383, %add3A_2386 : vector<16xi32>
          %shift_right_arithmetic3A_2388 = arith.constant 4 : i32
          %shift_right_arithmetic3A_2389 = vector.broadcast %shift_right_arithmetic3A_2388 : i32 to vector<16xi32>
          %shift_right_arithmetic3A_2390 = arith.shrsi %add3A_2387, %shift_right_arithmetic3A_2389 : vector<16xi32>
          %swap3A_2391 = arith.index_cast %sub3A_2238 : i32 to index
          %swap3A_2392 = arith.index_cast %add3A_2248 : i32 to index
          %swap3A_2393 = arith.constant 64 : index
          %swap3A_2394 = tpu.vector_load %arg6[%swap3A_2391, %swap3A_2392, %swap3A_2393] {strides = array<i32>} : memref<2x26x128xi32, #tpu.memory_space<vmem>>, vector<16xi32>,
          tpu.vector_store %arg6[%swap3A_2391, %swap3A_2392, %swap3A_2393], %shift_right_arithmetic3A_2390 {strides = array<i32>} : memref<2x26x128xi32, #tpu.memory_space<vmem>>, vector<16xi32>,
          %and3A_2395 = arith.constant 15 : i32
          %and3A_2396 = vector.broadcast %and3A_2395 : i32 to vector<16xi32>
          %and3A_2397 = arith.andi %add3A_2387, %and3A_2396 : vector<16xi32>
          %swap3A_2398 = arith.index_cast %sub3A_2238 : i32 to index
          %swap3A_2399 = arith.index_cast %add3A_2248 : i32 to index
          %swap3A_2400 = arith.constant 64 : index
          %swap3A_2401 = tpu.vector_load %arg7[%swap3A_2398, %swap3A_2399, %swap3A_2400] {strides = array<i32>} : memref<2x26x128xi32, #tpu.memory_space<vmem>>, vector<16xi32>,
          tpu.vector_store %arg7[%swap3A_2398, %swap3A_2399, %swap3A_2400], %and3A_2397 {strides = array<i32>} : memref<2x26x128xi32, #tpu.memory_space<vmem>>, vector<16xi32>,
          %mul3A_2402 = arith.constant 39 : i32
          %mul3A_2403 = vector.broadcast %mul3A_2402 : i32 to vector<16xi32>
          %mul3A_2404 = arith.muli %iota3A, %mul3A_2403 : vector<16xi32>
          %add3A_2405 = arith.constant 3120 : i32
          %add3A_2406 = vector.broadcast %add3A_2405 : i32 to vector<16xi32>
          %add3A_2407 = arith.addi %mul3A_2404, %add3A_2406 : vector<16xi32>
          %add3A_2408 = vector.broadcast %add3A_2248 : i32 to vector<16xi32>
          %add3A_2409 = arith.addi %add3A_2407, %add3A_2408 : vector<16xi32>
          %gather3A_2410 = arith.constant 0 : i32
          %gather3A_2411 = tpu.memref_slice %arg5[%sub3A_2238, %gather3A_2410] : memref<2x4992xf32, #tpu.memory_space<vmem>> -> memref<1x4992xf32, #tpu.memory_space<vmem>>
          %gather3A_2412 = tpu.memref_squeeze %gather3A_2411 : memref<1x4992xf32, #tpu.memory_space<vmem>> -> memref<4992xf32, #tpu.memory_space<vmem>>
          %gather3A_2413 = tpu.vector_load_idx %gather3A_2412[%add3A_2409] : memref<4992xf32, #tpu.memory_space<vmem>>[vector<16xi32>], vector<16xf32>,
          %convert_element_type3A_2414 = arith.fptosi %gather3A_2413 : vector<16xf32> to vector<16xi32>
          %mul3A_2415 = arith.constant 100352 : i32
          %mul3A_2416 = arith.muli %add3A_2248, %mul3A_2415 : i32
          %add3A_2417 = vector.broadcast %mul3A_2416 : i32 to vector<16xi32>
          %add3A_2418 = arith.addi %convert_element_type3A_2414, %add3A_2417 : vector<16xi32>
          %shift_right_arithmetic3A_2419 = arith.constant 4 : i32
          %shift_right_arithmetic3A_2420 = vector.broadcast %shift_right_arithmetic3A_2419 : i32 to vector<16xi32>
          %shift_right_arithmetic3A_2421 = arith.shrsi %add3A_2418, %shift_right_arithmetic3A_2420 : vector<16xi32>
          %swap3A_2422 = arith.index_cast %sub3A_2238 : i32 to index
          %swap3A_2423 = arith.index_cast %add3A_2248 : i32 to index
          %swap3A_2424 = arith.constant 80 : index
          %swap3A_2425 = tpu.vector_load %arg6[%swap3A_2422, %swap3A_2423, %swap3A_2424] {strides = array<i32>} : memref<2x26x128xi32, #tpu.memory_space<vmem>>, vector<16xi32>,
          tpu.vector_store %arg6[%swap3A_2422, %swap3A_2423, %swap3A_2424], %shift_right_arithmetic3A_2421 {strides = array<i32>} : memref<2x26x128xi32, #tpu.memory_space<vmem>>, vector<16xi32>,
          %and3A_2426 = arith.constant 15 : i32
          %and3A_2427 = vector.broadcast %and3A_2426 : i32 to vector<16xi32>
          %and3A_2428 = arith.andi %add3A_2418, %and3A_2427 : vector<16xi32>
          %swap3A_2429 = arith.index_cast %sub3A_2238 : i32 to index
          %swap3A_2430 = arith.index_cast %add3A_2248 : i32 to index
          %swap3A_2431 = arith.constant 80 : index
          %swap3A_2432 = tpu.vector_load %arg7[%swap3A_2429, %swap3A_2430, %swap3A_2431] {strides = array<i32>} : memref<2x26x128xi32, #tpu.memory_space<vmem>>, vector<16xi32>,
          tpu.vector_store %arg7[%swap3A_2429, %swap3A_2430, %swap3A_2431], %and3A_2428 {strides = array<i32>} : memref<2x26x128xi32, #tpu.memory_space<vmem>>, vector<16xi32>,
          %mul3A_2433 = arith.constant 39 : i32
          %mul3A_2434 = vector.broadcast %mul3A_2433 : i32 to vector<16xi32>
          %mul3A_2435 = arith.muli %iota3A, %mul3A_2434 : vector<16xi32>
          %add3A_2436 = arith.constant 3744 : i32
          %add3A_2437 = vector.broadcast %add3A_2436 : i32 to vector<16xi32>
          %add3A_2438 = arith.addi %mul3A_2435, %add3A_2437 : vector<16xi32>
          %add3A_2439 = vector.broadcast %add3A_2248 : i32 to vector<16xi32>
          %add3A_2440 = arith.addi %add3A_2438, %add3A_2439 : vector<16xi32>
          %gather3A_2441 = arith.constant 0 : i32
          %gather3A_2442 = tpu.memref_slice %arg5[%sub3A_2238, %gather3A_2441] : memref<2x4992xf32, #tpu.memory_space<vmem>> -> memref<1x4992xf32, #tpu.memory_space<vmem>>
          %gather3A_2443 = tpu.memref_squeeze %gather3A_2442 : memref<1x4992xf32, #tpu.memory_space<vmem>> -> memref<4992xf32, #tpu.memory_space<vmem>>
          %gather3A_2444 = tpu.vector_load_idx %gather3A_2443[%add3A_2440] : memref<4992xf32, #tpu.memory_space<vmem>>[vector<16xi32>], vector<16xf32>,
          %convert_element_type3A_2445 = arith.fptosi %gather3A_2444 : vector<16xf32> to vector<16xi32>
          %mul3A_2446 = arith.constant 100352 : i32
          %mul3A_2447 = arith.muli %add3A_2248, %mul3A_2446 : i32
          %add3A_2448 = vector.broadcast %mul3A_2447 : i32 to vector<16xi32>
          %add3A_2449 = arith.addi %convert_element_type3A_2445, %add3A_2448 : vector<16xi32>
          %shift_right_arithmetic3A_2450 = arith.constant 4 : i32
          %shift_right_arithmetic3A_2451 = vector.broadcast %shift_right_arithmetic3A_2450 : i32 to vector<16xi32>
          %shift_right_arithmetic3A_2452 = arith.shrsi %add3A_2449, %shift_right_arithmetic3A_2451 : vector<16xi32>
          %swap3A_2453 = arith.index_cast %sub3A_2238 : i32 to index
          %swap3A_2454 = arith.index_cast %add3A_2248 : i32 to index
          %swap3A_2455 = arith.constant 96 : index
          %swap3A_2456 = tpu.vector_load %arg6[%swap3A_2453, %swap3A_2454, %swap3A_2455] {strides = array<i32>} : memref<2x26x128xi32, #tpu.memory_space<vmem>>, vector<16xi32>,
          tpu.vector_store %arg6[%swap3A_2453, %swap3A_2454, %swap3A_2455], %shift_right_arithmetic3A_2452 {strides = array<i32>} : memref<2x26x128xi32, #tpu.memory_space<vmem>>, vector<16xi32>,
          %and3A_2457 = arith.constant 15 : i32
          %and3A_2458 = vector.broadcast %and3A_2457 : i32 to vector<16xi32>
          %and3A_2459 = arith.andi %add3A_2449, %and3A_2458 : vector<16xi32>
          %swap3A_2460 = arith.index_cast %sub3A_2238 : i32 to index
          %swap3A_2461 = arith.index_cast %add3A_2248 : i32 to index
          %swap3A_2462 = arith.constant 96 : index
          %swap3A_2463 = tpu.vector_load %arg7[%swap3A_2460, %swap3A_2461, %swap3A_2462] {strides = array<i32>} : memref<2x26x128xi32, #tpu.memory_space<vmem>>, vector<16xi32>,
          tpu.vector_store %arg7[%swap3A_2460, %swap3A_2461, %swap3A_2462], %and3A_2459 {strides = array<i32>} : memref<2x26x128xi32, #tpu.memory_space<vmem>>, vector<16xi32>,
          %mul3A_2464 = arith.constant 39 : i32
          %mul3A_2465 = vector.broadcast %mul3A_2464 : i32 to vector<16xi32>
          %mul3A_2466 = arith.muli %iota3A, %mul3A_2465 : vector<16xi32>
          %add3A_2467 = arith.constant 4368 : i32
          %add3A_2468 = vector.broadcast %add3A_2467 : i32 to vector<16xi32>
          %add3A_2469 = arith.addi %mul3A_2466, %add3A_2468 : vector<16xi32>
          %add3A_2470 = vector.broadcast %add3A_2248 : i32 to vector<16xi32>
          %add3A_2471 = arith.addi %add3A_2469, %add3A_2470 : vector<16xi32>
          %gather3A_2472 = arith.constant 0 : i32
          %gather3A_2473 = tpu.memref_slice %arg5[%sub3A_2238, %gather3A_2472] : memref<2x4992xf32, #tpu.memory_space<vmem>> -> memref<1x4992xf32, #tpu.memory_space<vmem>>
          %gather3A_2474 = tpu.memref_squeeze %gather3A_2473 : memref<1x4992xf32, #tpu.memory_space<vmem>> -> memref<4992xf32, #tpu.memory_space<vmem>>
          %gather3A_2475 = tpu.vector_load_idx %gather3A_2474[%add3A_2471] : memref<4992xf32, #tpu.memory_space<vmem>>[vector<16xi32>], vector<16xf32>,
          %convert_element_type3A_2476 = arith.fptosi %gather3A_2475 : vector<16xf32> to vector<16xi32>
          %mul3A_2477 = arith.constant 100352 : i32
          %mul3A_2478 = arith.muli %add3A_2248, %mul3A_2477 : i32
          %add3A_2479 = vector.broadcast %mul3A_2478 : i32 to vector<16xi32>
          %add3A_2480 = arith.addi %convert_element_type3A_2476, %add3A_2479 : vector<16xi32>
          %shift_right_arithmetic3A_2481 = arith.constant 4 : i32
          %shift_right_arithmetic3A_2482 = vector.broadcast %shift_right_arithmetic3A_2481 : i32 to vector<16xi32>
          %shift_right_arithmetic3A_2483 = arith.shrsi %add3A_2480, %shift_right_arithmetic3A_2482 : vector<16xi32>
          %swap3A_2484 = arith.index_cast %sub3A_2238 : i32 to index
          %swap3A_2485 = arith.index_cast %add3A_2248 : i32 to index
          %swap3A_2486 = arith.constant 112 : index
          %swap3A_2487 = tpu.vector_load %arg6[%swap3A_2484, %swap3A_2485, %swap3A_2486] {strides = array<i32>} : memref<2x26x128xi32, #tpu.memory_space<vmem>>, vector<16xi32>,
          tpu.vector_store %arg6[%swap3A_2484, %swap3A_2485, %swap3A_2486], %shift_right_arithmetic3A_2483 {strides = array<i32>} : memref<2x26x128xi32, #tpu.memory_space<vmem>>, vector<16xi32>,
          %and3A_2488 = arith.constant 15 : i32
          %and3A_2489 = vector.broadcast %and3A_2488 : i32 to vector<16xi32>
          %and3A_2490 = arith.andi %add3A_2480, %and3A_2489 : vector<16xi32>
          %swap3A_2491 = arith.index_cast %sub3A_2238 : i32 to index
          %swap3A_2492 = arith.index_cast %add3A_2248 : i32 to index
          %swap3A_2493 = arith.constant 112 : index
          %swap3A_2494 = tpu.vector_load %arg7[%swap3A_2491, %swap3A_2492, %swap3A_2493] {strides = array<i32>} : memref<2x26x128xi32, #tpu.memory_space<vmem>>, vector<16xi32>,
          tpu.vector_store %arg7[%swap3A_2491, %swap3A_2492, %swap3A_2493], %and3A_2490 {strides = array<i32>} : memref<2x26x128xi32, #tpu.memory_space<vmem>>, vector<16xi32>,
        }
        %scan3A_2243 = arith.constant 26 : i32
      } else {
      }
      %dma_wait3A_66 = arith.constant 0 : i32
      %dma_wait3A_67 = arith.constant 0 : i32
      %dma_wait3A_68 = tpu.memref_slice %arg8[%dma_wait3A_66, %dma_wait3A_67] : memref<6656x16xf32, #tpu.memory_space<vmem>> -> memref<3328x16xf32, #tpu.memory_space<vmem>>
      %dma_wait3A_69 = arith.constant 0 : i32
      %dma_wait3A_70 = arith.constant 0 : i32
      %dma_wait3A_71 = tpu.memref_slice %arg3[%dma_wait3A_69, %dma_wait3A_70] : memref<163072x16xf32, #tpu.memory_space<hbm>> -> memref<3328x16xf32, #tpu.memory_space<hbm>>
      %dma_wait3A_72 = arith.constant 0 : i32
      %dma_wait3A_73 = arith.constant 0 : i32
      %dma_wait3A_74 = tpu.memref_slice %arg8[%dma_wait3A_72, %dma_wait3A_73] : memref<6656x16xf32, #tpu.memory_space<vmem>> -> memref<3328x16xf32, #tpu.memory_space<vmem>>
      %dma_wait3A_75 = arith.constant 0 : i32
      %dma_wait3A_76 = arith.constant 0 : i32
      %dma_wait3A_77 = tpu.memref_slice %arg3[%dma_wait3A_75, %dma_wait3A_76] : memref<163072x16xf32, #tpu.memory_space<hbm>> -> memref<3328x16xf32, #tpu.memory_space<hbm>>
      tpu.wait_dma2 semaphore(%arg10 : memref<!tpu.dma_semaphore, #tpu.memory_space<semaphore_mem>>) src(%dma_wait3A_77 : memref<3328x16xf32, #tpu.memory_space<hbm>>) dst(%dma_wait3A_74 : memref<3328x16xf32, #tpu.memory_space<vmem>>)
      %add3A_78 = arith.constant 1 : i32
      %add3A_79 = arith.addi %add3A_60, %add3A_78 : i32
      %lt3A_80 = arith.constant 4 : i32
      %lt3A_81 = arith.cmpi slt, %add3A_79, %lt3A_80 : i32
      %convert_element_type3A_82 = arith.extui %lt3A_81 : i1 to i32
      %cond3A_83 = arith.constant 0 : i32
      %cond3A_84 = arith.cmpi ne, %convert_element_type3A_82, %cond3A_83 : i32
      scf.if %cond3A_84 {
        %sub3A = arith.constant 1 : i32
        %sub3A_2226 = arith.subi %sub3A, %rem3A_61 : i32
        %scan3A_2227 = arith.constant 0 : i32
        %scan3A_2228 = arith.constant 26 : i32
        %scan3A_2229 = arith.addi %scan3A_2227, %scan3A_2228 : i32
        %scan3A_2230 = arith.constant 1 : i32
        scf.for %scan3A_2232 = %scan3A_2227 to %scan3A_2229 step %scan3A_2230  : i32 {
          %mul3A_2233 = arith.constant 1 : i32
          %mul3A_2234 = arith.muli %scan3A_2232, %mul3A_2233 : i32
          %add3A_2235 = arith.constant 0 : i32
          %add3A_2236 = arith.addi %add3A_2235, %mul3A_2234 : i32
          %mul3A_2237 = arith.constant 3328 : i32
          %mul3A_2238 = arith.muli %sub3A_2226, %mul3A_2237 : i32
          %mul3A_2239 = arith.constant 128 : i32
          %mul3A_2240 = arith.muli %add3A_2236, %mul3A_2239 : i32
          %add3A_2241 = arith.addi %mul3A_2238, %mul3A_2240 : i32
          %dma_start3A_2242 = arith.constant 0 : i32
          %dma_start3A_2243 = tpu.memref_slice %arg8[%add3A_2241, %dma_start3A_2242] : memref<6656x16xf32, #tpu.memory_space<vmem>> -> memref<128x16xf32, #tpu.memory_space<vmem>>
          %dma_start3A_2244 = arith.constant 0 : i32
          %dma_start3A_2245 = tpu.memref_slice %arg6[%sub3A_2226, %add3A_2236, %dma_start3A_2244] : memref<2x26x128xi32, #tpu.memory_space<vmem>> -> memref<1x1x128xi32, #tpu.memory_space<vmem>>
          %dma_start3A_2246 = tpu.memref_squeeze %dma_start3A_2245 : memref<1x1x128xi32, #tpu.memory_space<vmem>> -> memref<128xi32, #tpu.memory_space<vmem>>
          %dma_start3A_2247 = arith.constant 0 : i32
          %dma_start3A_2248 = arith.constant 0 : i32
          %dma_start3A_2249 = tpu.memref_slice %arg3[%dma_start3A_2247, %dma_start3A_2248] : memref<163072x16xf32, #tpu.memory_space<hbm>> -> memref<163072x16xf32, #tpu.memory_space<hbm>>
          tpu.enqueue_indirect_dma source(%dma_start3A_2249 : memref<163072x16xf32, #tpu.memory_space<hbm>>) target(%dma_start3A_2243 : memref<128x16xf32, #tpu.memory_space<vmem>>) offsets(%dma_start3A_2246 : memref<128xi32, #tpu.memory_space<vmem>>) semaphore(%arg10 : memref<!tpu.dma_semaphore, #tpu.memory_space<semaphore_mem>>)
        }
        %scan3A_2231 = arith.constant 26 : i32
      } else {
      }
      %mul3A_85 = arith.constant 3328 : i32
      %mul3A_86 = arith.muli %rem3A_61, %mul3A_85 : i32
      %add3A_87 = vector.broadcast %mul3A_86 : i32 to vector<16xi32>
      %add3A_88 = arith.addi %add3A_87, %iota3A : vector<16xi32>
      %add3A_89 = arith.constant 0 : i32
      %add3A_90 = vector.broadcast %add3A_89 : i32 to vector<16xi32>
      %add3A_91 = arith.addi %add3A_88, %add3A_90 : vector<16xi32>
      %get3A = arith.constant 0 : i32
      %get3A_92 = arith.index_cast %rem3A_61 : i32 to index
      %get3A_93 = arith.index_cast %get3A : i32 to index
      %get3A_94 = arith.constant 0 : index
      %get3A_95 = tpu.vector_load %arg7[%get3A_92, %get3A_93, %get3A_94] {strides = array<i32>} : memref<2x26x128xi32, #tpu.memory_space<vmem>>, vector<16xi32>,
      %gather3A = tpu.vector_load_idx %arg8[%add3A_91, %get3A_95] : memref<6656x16xf32, #tpu.memory_space<vmem>>[vector<16xi32>, vector<16xi32>], vector<16xf32>,
      %add3A_96 = arith.constant 128 : i32
      %add3A_97 = vector.broadcast %add3A_96 : i32 to vector<16xi32>
      %add3A_98 = arith.addi %add3A_91, %add3A_97 : vector<16xi32>
      %get3A_99 = arith.constant 1 : i32
      %get3A_100 = arith.index_cast %rem3A_61 : i32 to index
      %get3A_101 = arith.index_cast %get3A_99 : i32 to index
      %get3A_102 = arith.constant 0 : index
      %get3A_103 = tpu.vector_load %arg7[%get3A_100, %get3A_101, %get3A_102] {strides = array<i32>} : memref<2x26x128xi32, #tpu.memory_space<vmem>>, vector<16xi32>,
      %gather3A_104 = tpu.vector_load_idx %arg8[%add3A_98, %get3A_103] : memref<6656x16xf32, #tpu.memory_space<vmem>>[vector<16xi32>, vector<16xi32>], vector<16xf32>,
      %add3A_105 = arith.addf %gather3A, %gather3A_104 : vector<16xf32>
      %add3A_106 = arith.constant 256 : i32
      %add3A_107 = vector.broadcast %add3A_106 : i32 to vector<16xi32>
      %add3A_108 = arith.addi %add3A_91, %add3A_107 : vector<16xi32>
      %get3A_109 = arith.constant 2 : i32
      %get3A_110 = arith.index_cast %rem3A_61 : i32 to index
      %get3A_111 = arith.index_cast %get3A_109 : i32 to index
      %get3A_112 = arith.constant 0 : index
      %get3A_113 = tpu.vector_load %arg7[%get3A_110, %get3A_111, %get3A_112] {strides = array<i32>} : memref<2x26x128xi32, #tpu.memory_space<vmem>>, vector<16xi32>,
      %gather3A_114 = tpu.vector_load_idx %arg8[%add3A_108, %get3A_113] : memref<6656x16xf32, #tpu.memory_space<vmem>>[vector<16xi32>, vector<16xi32>], vector<16xf32>,
      %add3A_115 = arith.addf %add3A_105, %gather3A_114 : vector<16xf32>
      %add3A_116 = arith.constant 384 : i32
      %add3A_117 = vector.broadcast %add3A_116 : i32 to vector<16xi32>
      %add3A_118 = arith.addi %add3A_91, %add3A_117 : vector<16xi32>
      %get3A_119 = arith.constant 3 : i32
      %get3A_120 = arith.index_cast %rem3A_61 : i32 to index
      %get3A_121 = arith.index_cast %get3A_119 : i32 to index
      %get3A_122 = arith.constant 0 : index
      %get3A_123 = tpu.vector_load %arg7[%get3A_120, %get3A_121, %get3A_122] {strides = array<i32>} : memref<2x26x128xi32, #tpu.memory_space<vmem>>, vector<16xi32>,
      %gather3A_124 = tpu.vector_load_idx %arg8[%add3A_118, %get3A_123] : memref<6656x16xf32, #tpu.memory_space<vmem>>[vector<16xi32>, vector<16xi32>], vector<16xf32>,
      %add3A_125 = arith.addf %add3A_115, %gather3A_124 : vector<16xf32>
      %add3A_126 = arith.constant 512 : i32
      %add3A_127 = vector.broadcast %add3A_126 : i32 to vector<16xi32>
      %add3A_128 = arith.addi %add3A_91, %add3A_127 : vector<16xi32>
      %get3A_129 = arith.constant 4 : i32
      %get3A_130 = arith.index_cast %rem3A_61 : i32 to index
      %get3A_131 = arith.index_cast %get3A_129 : i32 to index
      %get3A_132 = arith.constant 0 : index
      %get3A_133 = tpu.vector_load %arg7[%get3A_130, %get3A_131, %get3A_132] {strides = array<i32>} : memref<2x26x128xi32, #tpu.memory_space<vmem>>, vector<16xi32>,
      %gather3A_134 = tpu.vector_load_idx %arg8[%add3A_128, %get3A_133] : memref<6656x16xf32, #tpu.memory_space<vmem>>[vector<16xi32>, vector<16xi32>], vector<16xf32>,
      %add3A_135 = arith.addf %add3A_125, %gather3A_134 : vector<16xf32>
      %add3A_136 = arith.constant 640 : i32
      %add3A_137 = vector.broadcast %add3A_136 : i32 to vector<16xi32>
      %add3A_138 = arith.addi %add3A_91, %add3A_137 : vector<16xi32>
      %get3A_139 = arith.constant 5 : i32
      %get3A_140 = arith.index_cast %rem3A_61 : i32 to index
      %get3A_141 = arith.index_cast %get3A_139 : i32 to index
      %get3A_142 = arith.constant 0 : index
      %get3A_143 = tpu.vector_load %arg7[%get3A_140, %get3A_141, %get3A_142] {strides = array<i32>} : memref<2x26x128xi32, #tpu.memory_space<vmem>>, vector<16xi32>,
      %gather3A_144 = tpu.vector_load_idx %arg8[%add3A_138, %get3A_143] : memref<6656x16xf32, #tpu.memory_space<vmem>>[vector<16xi32>, vector<16xi32>], vector<16xf32>,
      %add3A_145 = arith.addf %add3A_135, %gather3A_144 : vector<16xf32>
      %add3A_146 = arith.constant 768 : i32
      %add3A_147 = vector.broadcast %add3A_146 : i32 to vector<16xi32>
      %add3A_148 = arith.addi %add3A_91, %add3A_147 : vector<16xi32>
      %get3A_149 = arith.constant 6 : i32
      %get3A_150 = arith.index_cast %rem3A_61 : i32 to index
      %get3A_151 = arith.index_cast %get3A_149 : i32 to index
      %get3A_152 = arith.constant 0 : index
      %get3A_153 = tpu.vector_load %arg7[%get3A_150, %get3A_151, %get3A_152] {strides = array<i32>} : memref<2x26x128xi32, #tpu.memory_space<vmem>>, vector<16xi32>,
      %gather3A_154 = tpu.vector_load_idx %arg8[%add3A_148, %get3A_153] : memref<6656x16xf32, #tpu.memory_space<vmem>>[vector<16xi32>, vector<16xi32>], vector<16xf32>,
      %add3A_155 = arith.addf %add3A_145, %gather3A_154 : vector<16xf32>
      %add3A_156 = arith.constant 896 : i32
      %add3A_157 = vector.broadcast %add3A_156 : i32 to vector<16xi32>
      %add3A_158 = arith.addi %add3A_91, %add3A_157 : vector<16xi32>
      %get3A_159 = arith.constant 7 : i32
      %get3A_160 = arith.index_cast %rem3A_61 : i32 to index
      %get3A_161 = arith.index_cast %get3A_159 : i32 to index
      %get3A_162 = arith.constant 0 : index
      %get3A_163 = tpu.vector_load %arg7[%get3A_160, %get3A_161, %get3A_162] {strides = array<i32>} : memref<2x26x128xi32, #tpu.memory_space<vmem>>, vector<16xi32>,
      %gather3A_164 = tpu.vector_load_idx %arg8[%add3A_158, %get3A_163] : memref<6656x16xf32, #tpu.memory_space<vmem>>[vector<16xi32>, vector<16xi32>], vector<16xf32>,
      %add3A_165 = arith.addf %add3A_155, %gather3A_164 : vector<16xf32>
      %add3A_166 = arith.constant 1024 : i32
      %add3A_167 = vector.broadcast %add3A_166 : i32 to vector<16xi32>
      %add3A_168 = arith.addi %add3A_91, %add3A_167 : vector<16xi32>
      %get3A_169 = arith.constant 8 : i32
      %get3A_170 = arith.index_cast %rem3A_61 : i32 to index
      %get3A_171 = arith.index_cast %get3A_169 : i32 to index
      %get3A_172 = arith.constant 0 : index
      %get3A_173 = tpu.vector_load %arg7[%get3A_170, %get3A_171, %get3A_172] {strides = array<i32>} : memref<2x26x128xi32, #tpu.memory_space<vmem>>, vector<16xi32>,
      %gather3A_174 = tpu.vector_load_idx %arg8[%add3A_168, %get3A_173] : memref<6656x16xf32, #tpu.memory_space<vmem>>[vector<16xi32>, vector<16xi32>], vector<16xf32>,
      %add3A_175 = arith.addf %add3A_165, %gather3A_174 : vector<16xf32>
      %add3A_176 = arith.constant 1152 : i32
      %add3A_177 = vector.broadcast %add3A_176 : i32 to vector<16xi32>
      %add3A_178 = arith.addi %add3A_91, %add3A_177 : vector<16xi32>
      %get3A_179 = arith.constant 9 : i32
      %get3A_180 = arith.index_cast %rem3A_61 : i32 to index
      %get3A_181 = arith.index_cast %get3A_179 : i32 to index
      %get3A_182 = arith.constant 0 : index
      %get3A_183 = tpu.vector_load %arg7[%get3A_180, %get3A_181, %get3A_182] {strides = array<i32>} : memref<2x26x128xi32, #tpu.memory_space<vmem>>, vector<16xi32>,
      %gather3A_184 = tpu.vector_load_idx %arg8[%add3A_178, %get3A_183] : memref<6656x16xf32, #tpu.memory_space<vmem>>[vector<16xi32>, vector<16xi32>], vector<16xf32>,
      %add3A_185 = arith.addf %add3A_175, %gather3A_184 : vector<16xf32>
      %add3A_186 = arith.constant 1280 : i32
      %add3A_187 = vector.broadcast %add3A_186 : i32 to vector<16xi32>
      %add3A_188 = arith.addi %add3A_91, %add3A_187 : vector<16xi32>
      %get3A_189 = arith.constant 10 : i32
      %get3A_190 = arith.index_cast %rem3A_61 : i32 to index
      %get3A_191 = arith.index_cast %get3A_189 : i32 to index
      %get3A_192 = arith.constant 0 : index
      %get3A_193 = tpu.vector_load %arg7[%get3A_190, %get3A_191, %get3A_192] {strides = array<i32>} : memref<2x26x128xi32, #tpu.memory_space<vmem>>, vector<16xi32>,
      %gather3A_194 = tpu.vector_load_idx %arg8[%add3A_188, %get3A_193] : memref<6656x16xf32, #tpu.memory_space<vmem>>[vector<16xi32>, vector<16xi32>], vector<16xf32>,
      %add3A_195 = arith.addf %add3A_185, %gather3A_194 : vector<16xf32>
      %add3A_196 = arith.constant 1408 : i32
      %add3A_197 = vector.broadcast %add3A_196 : i32 to vector<16xi32>
      %add3A_198 = arith.addi %add3A_91, %add3A_197 : vector<16xi32>
      %get3A_199 = arith.constant 11 : i32
      %get3A_200 = arith.index_cast %rem3A_61 : i32 to index
      %get3A_201 = arith.index_cast %get3A_199 : i32 to index
      %get3A_202 = arith.constant 0 : index
      %get3A_203 = tpu.vector_load %arg7[%get3A_200, %get3A_201, %get3A_202] {strides = array<i32>} : memref<2x26x128xi32, #tpu.memory_space<vmem>>, vector<16xi32>,
      %gather3A_204 = tpu.vector_load_idx %arg8[%add3A_198, %get3A_203] : memref<6656x16xf32, #tpu.memory_space<vmem>>[vector<16xi32>, vector<16xi32>], vector<16xf32>,
      %add3A_205 = arith.addf %add3A_195, %gather3A_204 : vector<16xf32>
      %add3A_206 = arith.constant 1536 : i32
      %add3A_207 = vector.broadcast %add3A_206 : i32 to vector<16xi32>
      %add3A_208 = arith.addi %add3A_91, %add3A_207 : vector<16xi32>
      %get3A_209 = arith.constant 12 : i32
      %get3A_210 = arith.index_cast %rem3A_61 : i32 to index
      %get3A_211 = arith.index_cast %get3A_209 : i32 to index
      %get3A_212 = arith.constant 0 : index
      %get3A_213 = tpu.vector_load %arg7[%get3A_210, %get3A_211, %get3A_212] {strides = array<i32>} : memref<2x26x128xi32, #tpu.memory_space<vmem>>, vector<16xi32>,
      %gather3A_214 = tpu.vector_load_idx %arg8[%add3A_208, %get3A_213] : memref<6656x16xf32, #tpu.memory_space<vmem>>[vector<16xi32>, vector<16xi32>], vector<16xf32>,
      %add3A_215 = arith.addf %add3A_205, %gather3A_214 : vector<16xf32>
      %add3A_216 = arith.constant 1664 : i32
      %add3A_217 = vector.broadcast %add3A_216 : i32 to vector<16xi32>
      %add3A_218 = arith.addi %add3A_91, %add3A_217 : vector<16xi32>
      %get3A_219 = arith.constant 13 : i32
      %get3A_220 = arith.index_cast %rem3A_61 : i32 to index
      %get3A_221 = arith.index_cast %get3A_219 : i32 to index
      %get3A_222 = arith.constant 0 : index
      %get3A_223 = tpu.vector_load %arg7[%get3A_220, %get3A_221, %get3A_222] {strides = array<i32>} : memref<2x26x128xi32, #tpu.memory_space<vmem>>, vector<16xi32>,
      %gather3A_224 = tpu.vector_load_idx %arg8[%add3A_218, %get3A_223] : memref<6656x16xf32, #tpu.memory_space<vmem>>[vector<16xi32>, vector<16xi32>], vector<16xf32>,
      %add3A_225 = arith.addf %add3A_215, %gather3A_224 : vector<16xf32>
      %add3A_226 = arith.constant 1792 : i32
      %add3A_227 = vector.broadcast %add3A_226 : i32 to vector<16xi32>
      %add3A_228 = arith.addi %add3A_91, %add3A_227 : vector<16xi32>
      %get3A_229 = arith.constant 14 : i32
      %get3A_230 = arith.index_cast %rem3A_61 : i32 to index
      %get3A_231 = arith.index_cast %get3A_229 : i32 to index
      %get3A_232 = arith.constant 0 : index
      %get3A_233 = tpu.vector_load %arg7[%get3A_230, %get3A_231, %get3A_232] {strides = array<i32>} : memref<2x26x128xi32, #tpu.memory_space<vmem>>, vector<16xi32>,
      %gather3A_234 = tpu.vector_load_idx %arg8[%add3A_228, %get3A_233] : memref<6656x16xf32, #tpu.memory_space<vmem>>[vector<16xi32>, vector<16xi32>], vector<16xf32>,
      %add3A_235 = arith.addf %add3A_225, %gather3A_234 : vector<16xf32>
      %add3A_236 = arith.constant 1920 : i32
      %add3A_237 = vector.broadcast %add3A_236 : i32 to vector<16xi32>
      %add3A_238 = arith.addi %add3A_91, %add3A_237 : vector<16xi32>
      %get3A_239 = arith.constant 15 : i32
      %get3A_240 = arith.index_cast %rem3A_61 : i32 to index
      %get3A_241 = arith.index_cast %get3A_239 : i32 to index
      %get3A_242 = arith.constant 0 : index
      %get3A_243 = tpu.vector_load %arg7[%get3A_240, %get3A_241, %get3A_242] {strides = array<i32>} : memref<2x26x128xi32, #tpu.memory_space<vmem>>, vector<16xi32>,
      %gather3A_244 = tpu.vector_load_idx %arg8[%add3A_238, %get3A_243] : memref<6656x16xf32, #tpu.memory_space<vmem>>[vector<16xi32>, vector<16xi32>], vector<16xf32>,
      %add3A_245 = arith.addf %add3A_235, %gather3A_244 : vector<16xf32>
      %add3A_246 = arith.constant 2048 : i32
      %add3A_247 = vector.broadcast %add3A_246 : i32 to vector<16xi32>
      %add3A_248 = arith.addi %add3A_91, %add3A_247 : vector<16xi32>
      %get3A_249 = arith.constant 16 : i32
      %get3A_250 = arith.index_cast %rem3A_61 : i32 to index
      %get3A_251 = arith.index_cast %get3A_249 : i32 to index
      %get3A_252 = arith.constant 0 : index
      %get3A_253 = tpu.vector_load %arg7[%get3A_250, %get3A_251, %get3A_252] {strides = array<i32>} : memref<2x26x128xi32, #tpu.memory_space<vmem>>, vector<16xi32>,
      %gather3A_254 = tpu.vector_load_idx %arg8[%add3A_248, %get3A_253] : memref<6656x16xf32, #tpu.memory_space<vmem>>[vector<16xi32>, vector<16xi32>], vector<16xf32>,
      %add3A_255 = arith.addf %add3A_245, %gather3A_254 : vector<16xf32>
      %add3A_256 = arith.constant 2176 : i32
      %add3A_257 = vector.broadcast %add3A_256 : i32 to vector<16xi32>
      %add3A_258 = arith.addi %add3A_91, %add3A_257 : vector<16xi32>
      %get3A_259 = arith.constant 17 : i32
      %get3A_260 = arith.index_cast %rem3A_61 : i32 to index
      %get3A_261 = arith.index_cast %get3A_259 : i32 to index
      %get3A_262 = arith.constant 0 : index
      %get3A_263 = tpu.vector_load %arg7[%get3A_260, %get3A_261, %get3A_262] {strides = array<i32>} : memref<2x26x128xi32, #tpu.memory_space<vmem>>, vector<16xi32>,
      %gather3A_264 = tpu.vector_load_idx %arg8[%add3A_258, %get3A_263] : memref<6656x16xf32, #tpu.memory_space<vmem>>[vector<16xi32>, vector<16xi32>], vector<16xf32>,
      %add3A_265 = arith.addf %add3A_255, %gather3A_264 : vector<16xf32>
      %add3A_266 = arith.constant 2304 : i32
      %add3A_267 = vector.broadcast %add3A_266 : i32 to vector<16xi32>
      %add3A_268 = arith.addi %add3A_91, %add3A_267 : vector<16xi32>
      %get3A_269 = arith.constant 18 : i32
      %get3A_270 = arith.index_cast %rem3A_61 : i32 to index
      %get3A_271 = arith.index_cast %get3A_269 : i32 to index
      %get3A_272 = arith.constant 0 : index
      %get3A_273 = tpu.vector_load %arg7[%get3A_270, %get3A_271, %get3A_272] {strides = array<i32>} : memref<2x26x128xi32, #tpu.memory_space<vmem>>, vector<16xi32>,
      %gather3A_274 = tpu.vector_load_idx %arg8[%add3A_268, %get3A_273] : memref<6656x16xf32, #tpu.memory_space<vmem>>[vector<16xi32>, vector<16xi32>], vector<16xf32>,
      %add3A_275 = arith.addf %add3A_265, %gather3A_274 : vector<16xf32>
      %add3A_276 = arith.constant 2432 : i32
      %add3A_277 = vector.broadcast %add3A_276 : i32 to vector<16xi32>
      %add3A_278 = arith.addi %add3A_91, %add3A_277 : vector<16xi32>
      %get3A_279 = arith.constant 19 : i32
      %get3A_280 = arith.index_cast %rem3A_61 : i32 to index
      %get3A_281 = arith.index_cast %get3A_279 : i32 to index
      %get3A_282 = arith.constant 0 : index
      %get3A_283 = tpu.vector_load %arg7[%get3A_280, %get3A_281, %get3A_282] {strides = array<i32>} : memref<2x26x128xi32, #tpu.memory_space<vmem>>, vector<16xi32>,
      %gather3A_284 = tpu.vector_load_idx %arg8[%add3A_278, %get3A_283] : memref<6656x16xf32, #tpu.memory_space<vmem>>[vector<16xi32>, vector<16xi32>], vector<16xf32>,
      %add3A_285 = arith.addf %add3A_275, %gather3A_284 : vector<16xf32>
      %add3A_286 = arith.constant 2560 : i32
      %add3A_287 = vector.broadcast %add3A_286 : i32 to vector<16xi32>
      %add3A_288 = arith.addi %add3A_91, %add3A_287 : vector<16xi32>
      %get3A_289 = arith.constant 20 : i32
      %get3A_290 = arith.index_cast %rem3A_61 : i32 to index
      %get3A_291 = arith.index_cast %get3A_289 : i32 to index
      %get3A_292 = arith.constant 0 : index
      %get3A_293 = tpu.vector_load %arg7[%get3A_290, %get3A_291, %get3A_292] {strides = array<i32>} : memref<2x26x128xi32, #tpu.memory_space<vmem>>, vector<16xi32>,
      %gather3A_294 = tpu.vector_load_idx %arg8[%add3A_288, %get3A_293] : memref<6656x16xf32, #tpu.memory_space<vmem>>[vector<16xi32>, vector<16xi32>], vector<16xf32>,
      %add3A_295 = arith.addf %add3A_285, %gather3A_294 : vector<16xf32>
      %add3A_296 = arith.constant 2688 : i32
      %add3A_297 = vector.broadcast %add3A_296 : i32 to vector<16xi32>
      %add3A_298 = arith.addi %add3A_91, %add3A_297 : vector<16xi32>
      %get3A_299 = arith.constant 21 : i32
      %get3A_300 = arith.index_cast %rem3A_61 : i32 to index
      %get3A_301 = arith.index_cast %get3A_299 : i32 to index
      %get3A_302 = arith.constant 0 : index
      %get3A_303 = tpu.vector_load %arg7[%get3A_300, %get3A_301, %get3A_302] {strides = array<i32>} : memref<2x26x128xi32, #tpu.memory_space<vmem>>, vector<16xi32>,
      %gather3A_304 = tpu.vector_load_idx %arg8[%add3A_298, %get3A_303] : memref<6656x16xf32, #tpu.memory_space<vmem>>[vector<16xi32>, vector<16xi32>], vector<16xf32>,
      %add3A_305 = arith.addf %add3A_295, %gather3A_304 : vector<16xf32>
      %add3A_306 = arith.constant 2816 : i32
      %add3A_307 = vector.broadcast %add3A_306 : i32 to vector<16xi32>
      %add3A_308 = arith.addi %add3A_91, %add3A_307 : vector<16xi32>
      %get3A_309 = arith.constant 22 : i32
      %get3A_310 = arith.index_cast %rem3A_61 : i32 to index
      %get3A_311 = arith.index_cast %get3A_309 : i32 to index
      %get3A_312 = arith.constant 0 : index
      %get3A_313 = tpu.vector_load %arg7[%get3A_310, %get3A_311, %get3A_312] {strides = array<i32>} : memref<2x26x128xi32, #tpu.memory_space<vmem>>, vector<16xi32>,
      %gather3A_314 = tpu.vector_load_idx %arg8[%add3A_308, %get3A_313] : memref<6656x16xf32, #tpu.memory_space<vmem>>[vector<16xi32>, vector<16xi32>], vector<16xf32>,
      %add3A_315 = arith.addf %add3A_305, %gather3A_314 : vector<16xf32>
      %add3A_316 = arith.constant 2944 : i32
      %add3A_317 = vector.broadcast %add3A_316 : i32 to vector<16xi32>
      %add3A_318 = arith.addi %add3A_91, %add3A_317 : vector<16xi32>
      %get3A_319 = arith.constant 23 : i32
      %get3A_320 = arith.index_cast %rem3A_61 : i32 to index
      %get3A_321 = arith.index_cast %get3A_319 : i32 to index
      %get3A_322 = arith.constant 0 : index
      %get3A_323 = tpu.vector_load %arg7[%get3A_320, %get3A_321, %get3A_322] {strides = array<i32>} : memref<2x26x128xi32, #tpu.memory_space<vmem>>, vector<16xi32>,
      %gather3A_324 = tpu.vector_load_idx %arg8[%add3A_318, %get3A_323] : memref<6656x16xf32, #tpu.memory_space<vmem>>[vector<16xi32>, vector<16xi32>], vector<16xf32>,
      %add3A_325 = arith.addf %add3A_315, %gather3A_324 : vector<16xf32>
      %add3A_326 = arith.constant 3072 : i32
      %add3A_327 = vector.broadcast %add3A_326 : i32 to vector<16xi32>
      %add3A_328 = arith.addi %add3A_91, %add3A_327 : vector<16xi32>
      %get3A_329 = arith.constant 24 : i32
      %get3A_330 = arith.index_cast %rem3A_61 : i32 to index
      %get3A_331 = arith.index_cast %get3A_329 : i32 to index
      %get3A_332 = arith.constant 0 : index
      %get3A_333 = tpu.vector_load %arg7[%get3A_330, %get3A_331, %get3A_332] {strides = array<i32>} : memref<2x26x128xi32, #tpu.memory_space<vmem>>, vector<16xi32>,
      %gather3A_334 = tpu.vector_load_idx %arg8[%add3A_328, %get3A_333] : memref<6656x16xf32, #tpu.memory_space<vmem>>[vector<16xi32>, vector<16xi32>], vector<16xf32>,
      %add3A_335 = arith.addf %add3A_325, %gather3A_334 : vector<16xf32>
      %add3A_336 = arith.constant 3200 : i32
      %add3A_337 = vector.broadcast %add3A_336 : i32 to vector<16xi32>
      %add3A_338 = arith.addi %add3A_91, %add3A_337 : vector<16xi32>
      %get3A_339 = arith.constant 25 : i32
      %get3A_340 = arith.index_cast %rem3A_61 : i32 to index
      %get3A_341 = arith.index_cast %get3A_339 : i32 to index
      %get3A_342 = arith.constant 0 : index
      %get3A_343 = tpu.vector_load %arg7[%get3A_340, %get3A_341, %get3A_342] {strides = array<i32>} : memref<2x26x128xi32, #tpu.memory_space<vmem>>, vector<16xi32>,
      %gather3A_344 = tpu.vector_load_idx %arg8[%add3A_338, %get3A_343] : memref<6656x16xf32, #tpu.memory_space<vmem>>[vector<16xi32>, vector<16xi32>], vector<16xf32>,
      %add3A_345 = arith.addf %add3A_335, %gather3A_344 : vector<16xf32>
      %swap3A = arith.constant 0 : i32
      %swap3A_346 = arith.index_cast %swap3A : i32 to index
      %swap3A_347 = arith.constant 0 : index
      %swap3A_348 = tpu.vector_load %arg9[%swap3A_346, %swap3A_347] {strides = array<i32>} : memref<1x128xf32, #tpu.memory_space<vmem>>, vector<16xf32>,
      tpu.vector_store %arg9[%swap3A_346, %swap3A_347], %add3A_345 {strides = array<i32>} : memref<1x128xf32, #tpu.memory_space<vmem>>, vector<16xf32>,
      %mul3A_349 = arith.constant 3328 : i32
      %mul3A_350 = arith.muli %rem3A_61, %mul3A_349 : i32
      %add3A_351 = vector.broadcast %mul3A_350 : i32 to vector<16xi32>
      %add3A_352 = arith.addi %add3A_351, %iota3A : vector<16xi32>
      %add3A_353 = arith.constant 16 : i32
      %add3A_354 = vector.broadcast %add3A_353 : i32 to vector<16xi32>
      %add3A_355 = arith.addi %add3A_352, %add3A_354 : vector<16xi32>
      %get3A_356 = arith.constant 0 : i32
      %get3A_357 = arith.index_cast %rem3A_61 : i32 to index
      %get3A_358 = arith.index_cast %get3A_356 : i32 to index
      %get3A_359 = arith.constant 16 : index
      %get3A_360 = tpu.vector_load %arg7[%get3A_357, %get3A_358, %get3A_359] {strides = array<i32>} : memref<2x26x128xi32, #tpu.memory_space<vmem>>, vector<16xi32>,
      %gather3A_361 = tpu.vector_load_idx %arg8[%add3A_355, %get3A_360] : memref<6656x16xf32, #tpu.memory_space<vmem>>[vector<16xi32>, vector<16xi32>], vector<16xf32>,
      %add3A_362 = arith.constant 128 : i32
      %add3A_363 = vector.broadcast %add3A_362 : i32 to vector<16xi32>
      %add3A_364 = arith.addi %add3A_355, %add3A_363 : vector<16xi32>
      %get3A_365 = arith.constant 1 : i32
      %get3A_366 = arith.index_cast %rem3A_61 : i32 to index
      %get3A_367 = arith.index_cast %get3A_365 : i32 to index
      %get3A_368 = arith.constant 16 : index
      %get3A_369 = tpu.vector_load %arg7[%get3A_366, %get3A_367, %get3A_368] {strides = array<i32>} : memref<2x26x128xi32, #tpu.memory_space<vmem>>, vector<16xi32>,
      %gather3A_370 = tpu.vector_load_idx %arg8[%add3A_364, %get3A_369] : memref<6656x16xf32, #tpu.memory_space<vmem>>[vector<16xi32>, vector<16xi32>], vector<16xf32>,
      %add3A_371 = arith.addf %gather3A_361, %gather3A_370 : vector<16xf32>
      %add3A_372 = arith.constant 256 : i32
      %add3A_373 = vector.broadcast %add3A_372 : i32 to vector<16xi32>
      %add3A_374 = arith.addi %add3A_355, %add3A_373 : vector<16xi32>
      %get3A_375 = arith.constant 2 : i32
      %get3A_376 = arith.index_cast %rem3A_61 : i32 to index
      %get3A_377 = arith.index_cast %get3A_375 : i32 to index
      %get3A_378 = arith.constant 16 : index
      %get3A_379 = tpu.vector_load %arg7[%get3A_376, %get3A_377, %get3A_378] {strides = array<i32>} : memref<2x26x128xi32, #tpu.memory_space<vmem>>, vector<16xi32>,
      %gather3A_380 = tpu.vector_load_idx %arg8[%add3A_374, %get3A_379] : memref<6656x16xf32, #tpu.memory_space<vmem>>[vector<16xi32>, vector<16xi32>], vector<16xf32>,
      %add3A_381 = arith.addf %add3A_371, %gather3A_380 : vector<16xf32>
      %add3A_382 = arith.constant 384 : i32
      %add3A_383 = vector.broadcast %add3A_382 : i32 to vector<16xi32>
      %add3A_384 = arith.addi %add3A_355, %add3A_383 : vector<16xi32>
      %get3A_385 = arith.constant 3 : i32
      %get3A_386 = arith.index_cast %rem3A_61 : i32 to index
      %get3A_387 = arith.index_cast %get3A_385 : i32 to index
      %get3A_388 = arith.constant 16 : index
      %get3A_389 = tpu.vector_load %arg7[%get3A_386, %get3A_387, %get3A_388] {strides = array<i32>} : memref<2x26x128xi32, #tpu.memory_space<vmem>>, vector<16xi32>,
      %gather3A_390 = tpu.vector_load_idx %arg8[%add3A_384, %get3A_389] : memref<6656x16xf32, #tpu.memory_space<vmem>>[vector<16xi32>, vector<16xi32>], vector<16xf32>,
      %add3A_391 = arith.addf %add3A_381, %gather3A_390 : vector<16xf32>
      %add3A_392 = arith.constant 512 : i32
      %add3A_393 = vector.broadcast %add3A_392 : i32 to vector<16xi32>
      %add3A_394 = arith.addi %add3A_355, %add3A_393 : vector<16xi32>
      %get3A_395 = arith.constant 4 : i32
      %get3A_396 = arith.index_cast %rem3A_61 : i32 to index
      %get3A_397 = arith.index_cast %get3A_395 : i32 to index
      %get3A_398 = arith.constant 16 : index
      %get3A_399 = tpu.vector_load %arg7[%get3A_396, %get3A_397, %get3A_398] {strides = array<i32>} : memref<2x26x128xi32, #tpu.memory_space<vmem>>, vector<16xi32>,
      %gather3A_400 = tpu.vector_load_idx %arg8[%add3A_394, %get3A_399] : memref<6656x16xf32, #tpu.memory_space<vmem>>[vector<16xi32>, vector<16xi32>], vector<16xf32>,
      %add3A_401 = arith.addf %add3A_391, %gather3A_400 : vector<16xf32>
      %add3A_402 = arith.constant 640 : i32
      %add3A_403 = vector.broadcast %add3A_402 : i32 to vector<16xi32>
      %add3A_404 = arith.addi %add3A_355, %add3A_403 : vector<16xi32>
      %get3A_405 = arith.constant 5 : i32
      %get3A_406 = arith.index_cast %rem3A_61 : i32 to index
      %get3A_407 = arith.index_cast %get3A_405 : i32 to index
      %get3A_408 = arith.constant 16 : index
      %get3A_409 = tpu.vector_load %arg7[%get3A_406, %get3A_407, %get3A_408] {strides = array<i32>} : memref<2x26x128xi32, #tpu.memory_space<vmem>>, vector<16xi32>,
      %gather3A_410 = tpu.vector_load_idx %arg8[%add3A_404, %get3A_409] : memref<6656x16xf32, #tpu.memory_space<vmem>>[vector<16xi32>, vector<16xi32>], vector<16xf32>,
      %add3A_411 = arith.addf %add3A_401, %gather3A_410 : vector<16xf32>
      %add3A_412 = arith.constant 768 : i32
      %add3A_413 = vector.broadcast %add3A_412 : i32 to vector<16xi32>
      %add3A_414 = arith.addi %add3A_355, %add3A_413 : vector<16xi32>
      %get3A_415 = arith.constant 6 : i32
      %get3A_416 = arith.index_cast %rem3A_61 : i32 to index
      %get3A_417 = arith.index_cast %get3A_415 : i32 to index
      %get3A_418 = arith.constant 16 : index
      %get3A_419 = tpu.vector_load %arg7[%get3A_416, %get3A_417, %get3A_418] {strides = array<i32>} : memref<2x26x128xi32, #tpu.memory_space<vmem>>, vector<16xi32>,
      %gather3A_420 = tpu.vector_load_idx %arg8[%add3A_414, %get3A_419] : memref<6656x16xf32, #tpu.memory_space<vmem>>[vector<16xi32>, vector<16xi32>], vector<16xf32>,
      %add3A_421 = arith.addf %add3A_411, %gather3A_420 : vector<16xf32>
      %add3A_422 = arith.constant 896 : i32
      %add3A_423 = vector.broadcast %add3A_422 : i32 to vector<16xi32>
      %add3A_424 = arith.addi %add3A_355, %add3A_423 : vector<16xi32>
      %get3A_425 = arith.constant 7 : i32
      %get3A_426 = arith.index_cast %rem3A_61 : i32 to index
      %get3A_427 = arith.index_cast %get3A_425 : i32 to index
      %get3A_428 = arith.constant 16 : index
      %get3A_429 = tpu.vector_load %arg7[%get3A_426, %get3A_427, %get3A_428] {strides = array<i32>} : memref<2x26x128xi32, #tpu.memory_space<vmem>>, vector<16xi32>,
      %gather3A_430 = tpu.vector_load_idx %arg8[%add3A_424, %get3A_429] : memref<6656x16xf32, #tpu.memory_space<vmem>>[vector<16xi32>, vector<16xi32>], vector<16xf32>,
      %add3A_431 = arith.addf %add3A_421, %gather3A_430 : vector<16xf32>
      %add3A_432 = arith.constant 1024 : i32
      %add3A_433 = vector.broadcast %add3A_432 : i32 to vector<16xi32>
      %add3A_434 = arith.addi %add3A_355, %add3A_433 : vector<16xi32>
      %get3A_435 = arith.constant 8 : i32
      %get3A_436 = arith.index_cast %rem3A_61 : i32 to index
      %get3A_437 = arith.index_cast %get3A_435 : i32 to index
      %get3A_438 = arith.constant 16 : index
      %get3A_439 = tpu.vector_load %arg7[%get3A_436, %get3A_437, %get3A_438] {strides = array<i32>} : memref<2x26x128xi32, #tpu.memory_space<vmem>>, vector<16xi32>,
      %gather3A_440 = tpu.vector_load_idx %arg8[%add3A_434, %get3A_439] : memref<6656x16xf32, #tpu.memory_space<vmem>>[vector<16xi32>, vector<16xi32>], vector<16xf32>,
      %add3A_441 = arith.addf %add3A_431, %gather3A_440 : vector<16xf32>
      %add3A_442 = arith.constant 1152 : i32
      %add3A_443 = vector.broadcast %add3A_442 : i32 to vector<16xi32>
      %add3A_444 = arith.addi %add3A_355, %add3A_443 : vector<16xi32>
      %get3A_445 = arith.constant 9 : i32
      %get3A_446 = arith.index_cast %rem3A_61 : i32 to index
      %get3A_447 = arith.index_cast %get3A_445 : i32 to index
      %get3A_448 = arith.constant 16 : index
      %get3A_449 = tpu.vector_load %arg7[%get3A_446, %get3A_447, %get3A_448] {strides = array<i32>} : memref<2x26x128xi32, #tpu.memory_space<vmem>>, vector<16xi32>,
      %gather3A_450 = tpu.vector_load_idx %arg8[%add3A_444, %get3A_449] : memref<6656x16xf32, #tpu.memory_space<vmem>>[vector<16xi32>, vector<16xi32>], vector<16xf32>,
      %add3A_451 = arith.addf %add3A_441, %gather3A_450 : vector<16xf32>
      %add3A_452 = arith.constant 1280 : i32
      %add3A_453 = vector.broadcast %add3A_452 : i32 to vector<16xi32>
      %add3A_454 = arith.addi %add3A_355, %add3A_453 : vector<16xi32>
      %get3A_455 = arith.constant 10 : i32
      %get3A_456 = arith.index_cast %rem3A_61 : i32 to index
      %get3A_457 = arith.index_cast %get3A_455 : i32 to index
      %get3A_458 = arith.constant 16 : index
      %get3A_459 = tpu.vector_load %arg7[%get3A_456, %get3A_457, %get3A_458] {strides = array<i32>} : memref<2x26x128xi32, #tpu.memory_space<vmem>>, vector<16xi32>,
      %gather3A_460 = tpu.vector_load_idx %arg8[%add3A_454, %get3A_459] : memref<6656x16xf32, #tpu.memory_space<vmem>>[vector<16xi32>, vector<16xi32>], vector<16xf32>,
      %add3A_461 = arith.addf %add3A_451, %gather3A_460 : vector<16xf32>
      %add3A_462 = arith.constant 1408 : i32
      %add3A_463 = vector.broadcast %add3A_462 : i32 to vector<16xi32>
      %add3A_464 = arith.addi %add3A_355, %add3A_463 : vector<16xi32>
      %get3A_465 = arith.constant 11 : i32
      %get3A_466 = arith.index_cast %rem3A_61 : i32 to index
      %get3A_467 = arith.index_cast %get3A_465 : i32 to index
      %get3A_468 = arith.constant 16 : index
      %get3A_469 = tpu.vector_load %arg7[%get3A_466, %get3A_467, %get3A_468] {strides = array<i32>} : memref<2x26x128xi32, #tpu.memory_space<vmem>>, vector<16xi32>,
      %gather3A_470 = tpu.vector_load_idx %arg8[%add3A_464, %get3A_469] : memref<6656x16xf32, #tpu.memory_space<vmem>>[vector<16xi32>, vector<16xi32>], vector<16xf32>,
      %add3A_471 = arith.addf %add3A_461, %gather3A_470 : vector<16xf32>
      %add3A_472 = arith.constant 1536 : i32
      %add3A_473 = vector.broadcast %add3A_472 : i32 to vector<16xi32>
      %add3A_474 = arith.addi %add3A_355, %add3A_473 : vector<16xi32>
      %get3A_475 = arith.constant 12 : i32
      %get3A_476 = arith.index_cast %rem3A_61 : i32 to index
      %get3A_477 = arith.index_cast %get3A_475 : i32 to index
      %get3A_478 = arith.constant 16 : index
      %get3A_479 = tpu.vector_load %arg7[%get3A_476, %get3A_477, %get3A_478] {strides = array<i32>} : memref<2x26x128xi32, #tpu.memory_space<vmem>>, vector<16xi32>,
      %gather3A_480 = tpu.vector_load_idx %arg8[%add3A_474, %get3A_479] : memref<6656x16xf32, #tpu.memory_space<vmem>>[vector<16xi32>, vector<16xi32>], vector<16xf32>,
      %add3A_481 = arith.addf %add3A_471, %gather3A_480 : vector<16xf32>
      %add3A_482 = arith.constant 1664 : i32
      %add3A_483 = vector.broadcast %add3A_482 : i32 to vector<16xi32>
      %add3A_484 = arith.addi %add3A_355, %add3A_483 : vector<16xi32>
      %get3A_485 = arith.constant 13 : i32
      %get3A_486 = arith.index_cast %rem3A_61 : i32 to index
      %get3A_487 = arith.index_cast %get3A_485 : i32 to index
      %get3A_488 = arith.constant 16 : index
      %get3A_489 = tpu.vector_load %arg7[%get3A_486, %get3A_487, %get3A_488] {strides = array<i32>} : memref<2x26x128xi32, #tpu.memory_space<vmem>>, vector<16xi32>,
      %gather3A_490 = tpu.vector_load_idx %arg8[%add3A_484, %get3A_489] : memref<6656x16xf32, #tpu.memory_space<vmem>>[vector<16xi32>, vector<16xi32>], vector<16xf32>,
      %add3A_491 = arith.addf %add3A_481, %gather3A_490 : vector<16xf32>
      %add3A_492 = arith.constant 1792 : i32
      %add3A_493 = vector.broadcast %add3A_492 : i32 to vector<16xi32>
      %add3A_494 = arith.addi %add3A_355, %add3A_493 : vector<16xi32>
      %get3A_495 = arith.constant 14 : i32
      %get3A_496 = arith.index_cast %rem3A_61 : i32 to index
      %get3A_497 = arith.index_cast %get3A_495 : i32 to index
      %get3A_498 = arith.constant 16 : index
      %get3A_499 = tpu.vector_load %arg7[%get3A_496, %get3A_497, %get3A_498] {strides = array<i32>} : memref<2x26x128xi32, #tpu.memory_space<vmem>>, vector<16xi32>,
      %gather3A_500 = tpu.vector_load_idx %arg8[%add3A_494, %get3A_499] : memref<6656x16xf32, #tpu.memory_space<vmem>>[vector<16xi32>, vector<16xi32>], vector<16xf32>,
      %add3A_501 = arith.addf %add3A_491, %gather3A_500 : vector<16xf32>
      %add3A_502 = arith.constant 1920 : i32
      %add3A_503 = vector.broadcast %add3A_502 : i32 to vector<16xi32>
      %add3A_504 = arith.addi %add3A_355, %add3A_503 : vector<16xi32>
      %get3A_505 = arith.constant 15 : i32
      %get3A_506 = arith.index_cast %rem3A_61 : i32 to index
      %get3A_507 = arith.index_cast %get3A_505 : i32 to index
      %get3A_508 = arith.constant 16 : index
      %get3A_509 = tpu.vector_load %arg7[%get3A_506, %get3A_507, %get3A_508] {strides = array<i32>} : memref<2x26x128xi32, #tpu.memory_space<vmem>>, vector<16xi32>,
      %gather3A_510 = tpu.vector_load_idx %arg8[%add3A_504, %get3A_509] : memref<6656x16xf32, #tpu.memory_space<vmem>>[vector<16xi32>, vector<16xi32>], vector<16xf32>,
      %add3A_511 = arith.addf %add3A_501, %gather3A_510 : vector<16xf32>
      %add3A_512 = arith.constant 2048 : i32
      %add3A_513 = vector.broadcast %add3A_512 : i32 to vector<16xi32>
      %add3A_514 = arith.addi %add3A_355, %add3A_513 : vector<16xi32>
      %get3A_515 = arith.constant 16 : i32
      %get3A_516 = arith.index_cast %rem3A_61 : i32 to index
      %get3A_517 = arith.index_cast %get3A_515 : i32 to index
      %get3A_518 = arith.constant 16 : index
      %get3A_519 = tpu.vector_load %arg7[%get3A_516, %get3A_517, %get3A_518] {strides = array<i32>} : memref<2x26x128xi32, #tpu.memory_space<vmem>>, vector<16xi32>,
      %gather3A_520 = tpu.vector_load_idx %arg8[%add3A_514, %get3A_519] : memref<6656x16xf32, #tpu.memory_space<vmem>>[vector<16xi32>, vector<16xi32>], vector<16xf32>,
      %add3A_521 = arith.addf %add3A_511, %gather3A_520 : vector<16xf32>
      %add3A_522 = arith.constant 2176 : i32
      %add3A_523 = vector.broadcast %add3A_522 : i32 to vector<16xi32>
      %add3A_524 = arith.addi %add3A_355, %add3A_523 : vector<16xi32>
      %get3A_525 = arith.constant 17 : i32
      %get3A_526 = arith.index_cast %rem3A_61 : i32 to index
      %get3A_527 = arith.index_cast %get3A_525 : i32 to index
      %get3A_528 = arith.constant 16 : index
      %get3A_529 = tpu.vector_load %arg7[%get3A_526, %get3A_527, %get3A_528] {strides = array<i32>} : memref<2x26x128xi32, #tpu.memory_space<vmem>>, vector<16xi32>,
      %gather3A_530 = tpu.vector_load_idx %arg8[%add3A_524, %get3A_529] : memref<6656x16xf32, #tpu.memory_space<vmem>>[vector<16xi32>, vector<16xi32>], vector<16xf32>,
      %add3A_531 = arith.addf %add3A_521, %gather3A_530 : vector<16xf32>
      %add3A_532 = arith.constant 2304 : i32
      %add3A_533 = vector.broadcast %add3A_532 : i32 to vector<16xi32>
      %add3A_534 = arith.addi %add3A_355, %add3A_533 : vector<16xi32>
      %get3A_535 = arith.constant 18 : i32
      %get3A_536 = arith.index_cast %rem3A_61 : i32 to index
      %get3A_537 = arith.index_cast %get3A_535 : i32 to index
      %get3A_538 = arith.constant 16 : index
      %get3A_539 = tpu.vector_load %arg7[%get3A_536, %get3A_537, %get3A_538] {strides = array<i32>} : memref<2x26x128xi32, #tpu.memory_space<vmem>>, vector<16xi32>,
      %gather3A_540 = tpu.vector_load_idx %arg8[%add3A_534, %get3A_539] : memref<6656x16xf32, #tpu.memory_space<vmem>>[vector<16xi32>, vector<16xi32>], vector<16xf32>,
      %add3A_541 = arith.addf %add3A_531, %gather3A_540 : vector<16xf32>
      %add3A_542 = arith.constant 2432 : i32
      %add3A_543 = vector.broadcast %add3A_542 : i32 to vector<16xi32>
      %add3A_544 = arith.addi %add3A_355, %add3A_543 : vector<16xi32>
      %get3A_545 = arith.constant 19 : i32
      %get3A_546 = arith.index_cast %rem3A_61 : i32 to index
      %get3A_547 = arith.index_cast %get3A_545 : i32 to index
      %get3A_548 = arith.constant 16 : index
      %get3A_549 = tpu.vector_load %arg7[%get3A_546, %get3A_547, %get3A_548] {strides = array<i32>} : memref<2x26x128xi32, #tpu.memory_space<vmem>>, vector<16xi32>,
      %gather3A_550 = tpu.vector_load_idx %arg8[%add3A_544, %get3A_549] : memref<6656x16xf32, #tpu.memory_space<vmem>>[vector<16xi32>, vector<16xi32>], vector<16xf32>,
      %add3A_551 = arith.addf %add3A_541, %gather3A_550 : vector<16xf32>
      %add3A_552 = arith.constant 2560 : i32
      %add3A_553 = vector.broadcast %add3A_552 : i32 to vector<16xi32>
      %add3A_554 = arith.addi %add3A_355, %add3A_553 : vector<16xi32>
      %get3A_555 = arith.constant 20 : i32
      %get3A_556 = arith.index_cast %rem3A_61 : i32 to index
      %get3A_557 = arith.index_cast %get3A_555 : i32 to index
      %get3A_558 = arith.constant 16 : index
      %get3A_559 = tpu.vector_load %arg7[%get3A_556, %get3A_557, %get3A_558] {strides = array<i32>} : memref<2x26x128xi32, #tpu.memory_space<vmem>>, vector<16xi32>,
      %gather3A_560 = tpu.vector_load_idx %arg8[%add3A_554, %get3A_559] : memref<6656x16xf32, #tpu.memory_space<vmem>>[vector<16xi32>, vector<16xi32>], vector<16xf32>,
      %add3A_561 = arith.addf %add3A_551, %gather3A_560 : vector<16xf32>
      %add3A_562 = arith.constant 2688 : i32
      %add3A_563 = vector.broadcast %add3A_562 : i32 to vector<16xi32>
      %add3A_564 = arith.addi %add3A_355, %add3A_563 : vector<16xi32>
      %get3A_565 = arith.constant 21 : i32
      %get3A_566 = arith.index_cast %rem3A_61 : i32 to index
      %get3A_567 = arith.index_cast %get3A_565 : i32 to index
      %get3A_568 = arith.constant 16 : index
      %get3A_569 = tpu.vector_load %arg7[%get3A_566, %get3A_567, %get3A_568] {strides = array<i32>} : memref<2x26x128xi32, #tpu.memory_space<vmem>>, vector<16xi32>,
      %gather3A_570 = tpu.vector_load_idx %arg8[%add3A_564, %get3A_569] : memref<6656x16xf32, #tpu.memory_space<vmem>>[vector<16xi32>, vector<16xi32>], vector<16xf32>,
      %add3A_571 = arith.addf %add3A_561, %gather3A_570 : vector<16xf32>
      %add3A_572 = arith.constant 2816 : i32
      %add3A_573 = vector.broadcast %add3A_572 : i32 to vector<16xi32>
      %add3A_574 = arith.addi %add3A_355, %add3A_573 : vector<16xi32>
      %get3A_575 = arith.constant 22 : i32
      %get3A_576 = arith.index_cast %rem3A_61 : i32 to index
      %get3A_577 = arith.index_cast %get3A_575 : i32 to index
      %get3A_578 = arith.constant 16 : index
      %get3A_579 = tpu.vector_load %arg7[%get3A_576, %get3A_577, %get3A_578] {strides = array<i32>} : memref<2x26x128xi32, #tpu.memory_space<vmem>>, vector<16xi32>,
      %gather3A_580 = tpu.vector_load_idx %arg8[%add3A_574, %get3A_579] : memref<6656x16xf32, #tpu.memory_space<vmem>>[vector<16xi32>, vector<16xi32>], vector<16xf32>,
      %add3A_581 = arith.addf %add3A_571, %gather3A_580 : vector<16xf32>
      %add3A_582 = arith.constant 2944 : i32
      %add3A_583 = vector.broadcast %add3A_582 : i32 to vector<16xi32>
      %add3A_584 = arith.addi %add3A_355, %add3A_583 : vector<16xi32>
      %get3A_585 = arith.constant 23 : i32
      %get3A_586 = arith.index_cast %rem3A_61 : i32 to index
      %get3A_587 = arith.index_cast %get3A_585 : i32 to index
      %get3A_588 = arith.constant 16 : index
      %get3A_589 = tpu.vector_load %arg7[%get3A_586, %get3A_587, %get3A_588] {strides = array<i32>} : memref<2x26x128xi32, #tpu.memory_space<vmem>>, vector<16xi32>,
      %gather3A_590 = tpu.vector_load_idx %arg8[%add3A_584, %get3A_589] : memref<6656x16xf32, #tpu.memory_space<vmem>>[vector<16xi32>, vector<16xi32>], vector<16xf32>,
      %add3A_591 = arith.addf %add3A_581, %gather3A_590 : vector<16xf32>
      %add3A_592 = arith.constant 3072 : i32
      %add3A_593 = vector.broadcast %add3A_592 : i32 to vector<16xi32>
      %add3A_594 = arith.addi %add3A_355, %add3A_593 : vector<16xi32>
      %get3A_595 = arith.constant 24 : i32
      %get3A_596 = arith.index_cast %rem3A_61 : i32 to index
      %get3A_597 = arith.index_cast %get3A_595 : i32 to index
      %get3A_598 = arith.constant 16 : index
      %get3A_599 = tpu.vector_load %arg7[%get3A_596, %get3A_597, %get3A_598] {strides = array<i32>} : memref<2x26x128xi32, #tpu.memory_space<vmem>>, vector<16xi32>,
      %gather3A_600 = tpu.vector_load_idx %arg8[%add3A_594, %get3A_599] : memref<6656x16xf32, #tpu.memory_space<vmem>>[vector<16xi32>, vector<16xi32>], vector<16xf32>,
      %add3A_601 = arith.addf %add3A_591, %gather3A_600 : vector<16xf32>
      %add3A_602 = arith.constant 3200 : i32
      %add3A_603 = vector.broadcast %add3A_602 : i32 to vector<16xi32>
      %add3A_604 = arith.addi %add3A_355, %add3A_603 : vector<16xi32>
      %get3A_605 = arith.constant 25 : i32
      %get3A_606 = arith.index_cast %rem3A_61 : i32 to index
      %get3A_607 = arith.index_cast %get3A_605 : i32 to index
      %get3A_608 = arith.constant 16 : index
      %get3A_609 = tpu.vector_load %arg7[%get3A_606, %get3A_607, %get3A_608] {strides = array<i32>} : memref<2x26x128xi32, #tpu.memory_space<vmem>>, vector<16xi32>,
      %gather3A_610 = tpu.vector_load_idx %arg8[%add3A_604, %get3A_609] : memref<6656x16xf32, #tpu.memory_space<vmem>>[vector<16xi32>, vector<16xi32>], vector<16xf32>,
      %add3A_611 = arith.addf %add3A_601, %gather3A_610 : vector<16xf32>
      %swap3A_612 = arith.constant 0 : i32
      %swap3A_613 = arith.index_cast %swap3A_612 : i32 to index
      %swap3A_614 = arith.constant 16 : index
      %swap3A_615 = tpu.vector_load %arg9[%swap3A_613, %swap3A_614] {strides = array<i32>} : memref<1x128xf32, #tpu.memory_space<vmem>>, vector<16xf32>,
      tpu.vector_store %arg9[%swap3A_613, %swap3A_614], %add3A_611 {strides = array<i32>} : memref<1x128xf32, #tpu.memory_space<vmem>>, vector<16xf32>,
      %mul3A_616 = arith.constant 3328 : i32
      %mul3A_617 = arith.muli %rem3A_61, %mul3A_616 : i32
      %add3A_618 = vector.broadcast %mul3A_617 : i32 to vector<16xi32>
      %add3A_619 = arith.addi %add3A_618, %iota3A : vector<16xi32>
      %add3A_620 = arith.constant 32 : i32
      %add3A_621 = vector.broadcast %add3A_620 : i32 to vector<16xi32>
      %add3A_622 = arith.addi %add3A_619, %add3A_621 : vector<16xi32>
      %get3A_623 = arith.constant 0 : i32
      %get3A_624 = arith.index_cast %rem3A_61 : i32 to index
      %get3A_625 = arith.index_cast %get3A_623 : i32 to index
      %get3A_626 = arith.constant 32 : index
      %get3A_627 = tpu.vector_load %arg7[%get3A_624, %get3A_625, %get3A_626] {strides = array<i32>} : memref<2x26x128xi32, #tpu.memory_space<vmem>>, vector<16xi32>,
      %gather3A_628 = tpu.vector_load_idx %arg8[%add3A_622, %get3A_627] : memref<6656x16xf32, #tpu.memory_space<vmem>>[vector<16xi32>, vector<16xi32>], vector<16xf32>,
      %add3A_629 = arith.constant 128 : i32
      %add3A_630 = vector.broadcast %add3A_629 : i32 to vector<16xi32>
      %add3A_631 = arith.addi %add3A_622, %add3A_630 : vector<16xi32>
      %get3A_632 = arith.constant 1 : i32
      %get3A_633 = arith.index_cast %rem3A_61 : i32 to index
      %get3A_634 = arith.index_cast %get3A_632 : i32 to index
      %get3A_635 = arith.constant 32 : index
      %get3A_636 = tpu.vector_load %arg7[%get3A_633, %get3A_634, %get3A_635] {strides = array<i32>} : memref<2x26x128xi32, #tpu.memory_space<vmem>>, vector<16xi32>,
      %gather3A_637 = tpu.vector_load_idx %arg8[%add3A_631, %get3A_636] : memref<6656x16xf32, #tpu.memory_space<vmem>>[vector<16xi32>, vector<16xi32>], vector<16xf32>,
      %add3A_638 = arith.addf %gather3A_628, %gather3A_637 : vector<16xf32>
      %add3A_639 = arith.constant 256 : i32
      %add3A_640 = vector.broadcast %add3A_639 : i32 to vector<16xi32>
      %add3A_641 = arith.addi %add3A_622, %add3A_640 : vector<16xi32>
      %get3A_642 = arith.constant 2 : i32
      %get3A_643 = arith.index_cast %rem3A_61 : i32 to index
      %get3A_644 = arith.index_cast %get3A_642 : i32 to index
      %get3A_645 = arith.constant 32 : index
      %get3A_646 = tpu.vector_load %arg7[%get3A_643, %get3A_644, %get3A_645] {strides = array<i32>} : memref<2x26x128xi32, #tpu.memory_space<vmem>>, vector<16xi32>,
      %gather3A_647 = tpu.vector_load_idx %arg8[%add3A_641, %get3A_646] : memref<6656x16xf32, #tpu.memory_space<vmem>>[vector<16xi32>, vector<16xi32>], vector<16xf32>,
      %add3A_648 = arith.addf %add3A_638, %gather3A_647 : vector<16xf32>
      %add3A_649 = arith.constant 384 : i32
      %add3A_650 = vector.broadcast %add3A_649 : i32 to vector<16xi32>
      %add3A_651 = arith.addi %add3A_622, %add3A_650 : vector<16xi32>
      %get3A_652 = arith.constant 3 : i32
      %get3A_653 = arith.index_cast %rem3A_61 : i32 to index
      %get3A_654 = arith.index_cast %get3A_652 : i32 to index
      %get3A_655 = arith.constant 32 : index
      %get3A_656 = tpu.vector_load %arg7[%get3A_653, %get3A_654, %get3A_655] {strides = array<i32>} : memref<2x26x128xi32, #tpu.memory_space<vmem>>, vector<16xi32>,
      %gather3A_657 = tpu.vector_load_idx %arg8[%add3A_651, %get3A_656] : memref<6656x16xf32, #tpu.memory_space<vmem>>[vector<16xi32>, vector<16xi32>], vector<16xf32>,
      %add3A_658 = arith.addf %add3A_648, %gather3A_657 : vector<16xf32>
      %add3A_659 = arith.constant 512 : i32
      %add3A_660 = vector.broadcast %add3A_659 : i32 to vector<16xi32>
      %add3A_661 = arith.addi %add3A_622, %add3A_660 : vector<16xi32>
      %get3A_662 = arith.constant 4 : i32
      %get3A_663 = arith.index_cast %rem3A_61 : i32 to index
      %get3A_664 = arith.index_cast %get3A_662 : i32 to index
      %get3A_665 = arith.constant 32 : index
      %get3A_666 = tpu.vector_load %arg7[%get3A_663, %get3A_664, %get3A_665] {strides = array<i32>} : memref<2x26x128xi32, #tpu.memory_space<vmem>>, vector<16xi32>,
      %gather3A_667 = tpu.vector_load_idx %arg8[%add3A_661, %get3A_666] : memref<6656x16xf32, #tpu.memory_space<vmem>>[vector<16xi32>, vector<16xi32>], vector<16xf32>,
      %add3A_668 = arith.addf %add3A_658, %gather3A_667 : vector<16xf32>
      %add3A_669 = arith.constant 640 : i32
      %add3A_670 = vector.broadcast %add3A_669 : i32 to vector<16xi32>
      %add3A_671 = arith.addi %add3A_622, %add3A_670 : vector<16xi32>
      %get3A_672 = arith.constant 5 : i32
      %get3A_673 = arith.index_cast %rem3A_61 : i32 to index
      %get3A_674 = arith.index_cast %get3A_672 : i32 to index
      %get3A_675 = arith.constant 32 : index
      %get3A_676 = tpu.vector_load %arg7[%get3A_673, %get3A_674, %get3A_675] {strides = array<i32>} : memref<2x26x128xi32, #tpu.memory_space<vmem>>, vector<16xi32>,
      %gather3A_677 = tpu.vector_load_idx %arg8[%add3A_671, %get3A_676] : memref<6656x16xf32, #tpu.memory_space<vmem>>[vector<16xi32>, vector<16xi32>], vector<16xf32>,
      %add3A_678 = arith.addf %add3A_668, %gather3A_677 : vector<16xf32>
      %add3A_679 = arith.constant 768 : i32
      %add3A_680 = vector.broadcast %add3A_679 : i32 to vector<16xi32>
      %add3A_681 = arith.addi %add3A_622, %add3A_680 : vector<16xi32>
      %get3A_682 = arith.constant 6 : i32
      %get3A_683 = arith.index_cast %rem3A_61 : i32 to index
      %get3A_684 = arith.index_cast %get3A_682 : i32 to index
      %get3A_685 = arith.constant 32 : index
      %get3A_686 = tpu.vector_load %arg7[%get3A_683, %get3A_684, %get3A_685] {strides = array<i32>} : memref<2x26x128xi32, #tpu.memory_space<vmem>>, vector<16xi32>,
      %gather3A_687 = tpu.vector_load_idx %arg8[%add3A_681, %get3A_686] : memref<6656x16xf32, #tpu.memory_space<vmem>>[vector<16xi32>, vector<16xi32>], vector<16xf32>,
      %add3A_688 = arith.addf %add3A_678, %gather3A_687 : vector<16xf32>
      %add3A_689 = arith.constant 896 : i32
      %add3A_690 = vector.broadcast %add3A_689 : i32 to vector<16xi32>
      %add3A_691 = arith.addi %add3A_622, %add3A_690 : vector<16xi32>
      %get3A_692 = arith.constant 7 : i32
      %get3A_693 = arith.index_cast %rem3A_61 : i32 to index
      %get3A_694 = arith.index_cast %get3A_692 : i32 to index
      %get3A_695 = arith.constant 32 : index
      %get3A_696 = tpu.vector_load %arg7[%get3A_693, %get3A_694, %get3A_695] {strides = array<i32>} : memref<2x26x128xi32, #tpu.memory_space<vmem>>, vector<16xi32>,
      %gather3A_697 = tpu.vector_load_idx %arg8[%add3A_691, %get3A_696] : memref<6656x16xf32, #tpu.memory_space<vmem>>[vector<16xi32>, vector<16xi32>], vector<16xf32>,
      %add3A_698 = arith.addf %add3A_688, %gather3A_697 : vector<16xf32>
      %add3A_699 = arith.constant 1024 : i32
      %add3A_700 = vector.broadcast %add3A_699 : i32 to vector<16xi32>
      %add3A_701 = arith.addi %add3A_622, %add3A_700 : vector<16xi32>
      %get3A_702 = arith.constant 8 : i32
      %get3A_703 = arith.index_cast %rem3A_61 : i32 to index
      %get3A_704 = arith.index_cast %get3A_702 : i32 to index
      %get3A_705 = arith.constant 32 : index
      %get3A_706 = tpu.vector_load %arg7[%get3A_703, %get3A_704, %get3A_705] {strides = array<i32>} : memref<2x26x128xi32, #tpu.memory_space<vmem>>, vector<16xi32>,
      %gather3A_707 = tpu.vector_load_idx %arg8[%add3A_701, %get3A_706] : memref<6656x16xf32, #tpu.memory_space<vmem>>[vector<16xi32>, vector<16xi32>], vector<16xf32>,
      %add3A_708 = arith.addf %add3A_698, %gather3A_707 : vector<16xf32>
      %add3A_709 = arith.constant 1152 : i32
      %add3A_710 = vector.broadcast %add3A_709 : i32 to vector<16xi32>
      %add3A_711 = arith.addi %add3A_622, %add3A_710 : vector<16xi32>
      %get3A_712 = arith.constant 9 : i32
      %get3A_713 = arith.index_cast %rem3A_61 : i32 to index
      %get3A_714 = arith.index_cast %get3A_712 : i32 to index
      %get3A_715 = arith.constant 32 : index
      %get3A_716 = tpu.vector_load %arg7[%get3A_713, %get3A_714, %get3A_715] {strides = array<i32>} : memref<2x26x128xi32, #tpu.memory_space<vmem>>, vector<16xi32>,
      %gather3A_717 = tpu.vector_load_idx %arg8[%add3A_711, %get3A_716] : memref<6656x16xf32, #tpu.memory_space<vmem>>[vector<16xi32>, vector<16xi32>], vector<16xf32>,
      %add3A_718 = arith.addf %add3A_708, %gather3A_717 : vector<16xf32>
      %add3A_719 = arith.constant 1280 : i32
      %add3A_720 = vector.broadcast %add3A_719 : i32 to vector<16xi32>
      %add3A_721 = arith.addi %add3A_622, %add3A_720 : vector<16xi32>
      %get3A_722 = arith.constant 10 : i32
      %get3A_723 = arith.index_cast %rem3A_61 : i32 to index
      %get3A_724 = arith.index_cast %get3A_722 : i32 to index
      %get3A_725 = arith.constant 32 : index
      %get3A_726 = tpu.vector_load %arg7[%get3A_723, %get3A_724, %get3A_725] {strides = array<i32>} : memref<2x26x128xi32, #tpu.memory_space<vmem>>, vector<16xi32>,
      %gather3A_727 = tpu.vector_load_idx %arg8[%add3A_721, %get3A_726] : memref<6656x16xf32, #tpu.memory_space<vmem>>[vector<16xi32>, vector<16xi32>], vector<16xf32>,
      %add3A_728 = arith.addf %add3A_718, %gather3A_727 : vector<16xf32>
      %add3A_729 = arith.constant 1408 : i32
      %add3A_730 = vector.broadcast %add3A_729 : i32 to vector<16xi32>
      %add3A_731 = arith.addi %add3A_622, %add3A_730 : vector<16xi32>
      %get3A_732 = arith.constant 11 : i32
      %get3A_733 = arith.index_cast %rem3A_61 : i32 to index
      %get3A_734 = arith.index_cast %get3A_732 : i32 to index
      %get3A_735 = arith.constant 32 : index
      %get3A_736 = tpu.vector_load %arg7[%get3A_733, %get3A_734, %get3A_735] {strides = array<i32>} : memref<2x26x128xi32, #tpu.memory_space<vmem>>, vector<16xi32>,
      %gather3A_737 = tpu.vector_load_idx %arg8[%add3A_731, %get3A_736] : memref<6656x16xf32, #tpu.memory_space<vmem>>[vector<16xi32>, vector<16xi32>], vector<16xf32>,
      %add3A_738 = arith.addf %add3A_728, %gather3A_737 : vector<16xf32>
      %add3A_739 = arith.constant 1536 : i32
      %add3A_740 = vector.broadcast %add3A_739 : i32 to vector<16xi32>
      %add3A_741 = arith.addi %add3A_622, %add3A_740 : vector<16xi32>
      %get3A_742 = arith.constant 12 : i32
      %get3A_743 = arith.index_cast %rem3A_61 : i32 to index
      %get3A_744 = arith.index_cast %get3A_742 : i32 to index
      %get3A_745 = arith.constant 32 : index
      %get3A_746 = tpu.vector_load %arg7[%get3A_743, %get3A_744, %get3A_745] {strides = array<i32>} : memref<2x26x128xi32, #tpu.memory_space<vmem>>, vector<16xi32>,
      %gather3A_747 = tpu.vector_load_idx %arg8[%add3A_741, %get3A_746] : memref<6656x16xf32, #tpu.memory_space<vmem>>[vector<16xi32>, vector<16xi32>], vector<16xf32>,
      %add3A_748 = arith.addf %add3A_738, %gather3A_747 : vector<16xf32>
      %add3A_749 = arith.constant 1664 : i32
      %add3A_750 = vector.broadcast %add3A_749 : i32 to vector<16xi32>
      %add3A_751 = arith.addi %add3A_622, %add3A_750 : vector<16xi32>
      %get3A_752 = arith.constant 13 : i32
      %get3A_753 = arith.index_cast %rem3A_61 : i32 to index
      %get3A_754 = arith.index_cast %get3A_752 : i32 to index
      %get3A_755 = arith.constant 32 : index
      %get3A_756 = tpu.vector_load %arg7[%get3A_753, %get3A_754, %get3A_755] {strides = array<i32>} : memref<2x26x128xi32, #tpu.memory_space<vmem>>, vector<16xi32>,
      %gather3A_757 = tpu.vector_load_idx %arg8[%add3A_751, %get3A_756] : memref<6656x16xf32, #tpu.memory_space<vmem>>[vector<16xi32>, vector<16xi32>], vector<16xf32>,
      %add3A_758 = arith.addf %add3A_748, %gather3A_757 : vector<16xf32>
      %add3A_759 = arith.constant 1792 : i32
      %add3A_760 = vector.broadcast %add3A_759 : i32 to vector<16xi32>
      %add3A_761 = arith.addi %add3A_622, %add3A_760 : vector<16xi32>
      %get3A_762 = arith.constant 14 : i32
      %get3A_763 = arith.index_cast %rem3A_61 : i32 to index
      %get3A_764 = arith.index_cast %get3A_762 : i32 to index
      %get3A_765 = arith.constant 32 : index
      %get3A_766 = tpu.vector_load %arg7[%get3A_763, %get3A_764, %get3A_765] {strides = array<i32>} : memref<2x26x128xi32, #tpu.memory_space<vmem>>, vector<16xi32>,
      %gather3A_767 = tpu.vector_load_idx %arg8[%add3A_761, %get3A_766] : memref<6656x16xf32, #tpu.memory_space<vmem>>[vector<16xi32>, vector<16xi32>], vector<16xf32>,
      %add3A_768 = arith.addf %add3A_758, %gather3A_767 : vector<16xf32>
      %add3A_769 = arith.constant 1920 : i32
      %add3A_770 = vector.broadcast %add3A_769 : i32 to vector<16xi32>
      %add3A_771 = arith.addi %add3A_622, %add3A_770 : vector<16xi32>
      %get3A_772 = arith.constant 15 : i32
      %get3A_773 = arith.index_cast %rem3A_61 : i32 to index
      %get3A_774 = arith.index_cast %get3A_772 : i32 to index
      %get3A_775 = arith.constant 32 : index
      %get3A_776 = tpu.vector_load %arg7[%get3A_773, %get3A_774, %get3A_775] {strides = array<i32>} : memref<2x26x128xi32, #tpu.memory_space<vmem>>, vector<16xi32>,
      %gather3A_777 = tpu.vector_load_idx %arg8[%add3A_771, %get3A_776] : memref<6656x16xf32, #tpu.memory_space<vmem>>[vector<16xi32>, vector<16xi32>], vector<16xf32>,
      %add3A_778 = arith.addf %add3A_768, %gather3A_777 : vector<16xf32>
      %add3A_779 = arith.constant 2048 : i32
      %add3A_780 = vector.broadcast %add3A_779 : i32 to vector<16xi32>
      %add3A_781 = arith.addi %add3A_622, %add3A_780 : vector<16xi32>
      %get3A_782 = arith.constant 16 : i32
      %get3A_783 = arith.index_cast %rem3A_61 : i32 to index
      %get3A_784 = arith.index_cast %get3A_782 : i32 to index
      %get3A_785 = arith.constant 32 : index
      %get3A_786 = tpu.vector_load %arg7[%get3A_783, %get3A_784, %get3A_785] {strides = array<i32>} : memref<2x26x128xi32, #tpu.memory_space<vmem>>, vector<16xi32>,
      %gather3A_787 = tpu.vector_load_idx %arg8[%add3A_781, %get3A_786] : memref<6656x16xf32, #tpu.memory_space<vmem>>[vector<16xi32>, vector<16xi32>], vector<16xf32>,
      %add3A_788 = arith.addf %add3A_778, %gather3A_787 : vector<16xf32>
      %add3A_789 = arith.constant 2176 : i32
      %add3A_790 = vector.broadcast %add3A_789 : i32 to vector<16xi32>
      %add3A_791 = arith.addi %add3A_622, %add3A_790 : vector<16xi32>
      %get3A_792 = arith.constant 17 : i32
      %get3A_793 = arith.index_cast %rem3A_61 : i32 to index
      %get3A_794 = arith.index_cast %get3A_792 : i32 to index
      %get3A_795 = arith.constant 32 : index
      %get3A_796 = tpu.vector_load %arg7[%get3A_793, %get3A_794, %get3A_795] {strides = array<i32>} : memref<2x26x128xi32, #tpu.memory_space<vmem>>, vector<16xi32>,
      %gather3A_797 = tpu.vector_load_idx %arg8[%add3A_791, %get3A_796] : memref<6656x16xf32, #tpu.memory_space<vmem>>[vector<16xi32>, vector<16xi32>], vector<16xf32>,
      %add3A_798 = arith.addf %add3A_788, %gather3A_797 : vector<16xf32>
      %add3A_799 = arith.constant 2304 : i32
      %add3A_800 = vector.broadcast %add3A_799 : i32 to vector<16xi32>
      %add3A_801 = arith.addi %add3A_622, %add3A_800 : vector<16xi32>
      %get3A_802 = arith.constant 18 : i32
      %get3A_803 = arith.index_cast %rem3A_61 : i32 to index
      %get3A_804 = arith.index_cast %get3A_802 : i32 to index
      %get3A_805 = arith.constant 32 : index
      %get3A_806 = tpu.vector_load %arg7[%get3A_803, %get3A_804, %get3A_805] {strides = array<i32>} : memref<2x26x128xi32, #tpu.memory_space<vmem>>, vector<16xi32>,
      %gather3A_807 = tpu.vector_load_idx %arg8[%add3A_801, %get3A_806] : memref<6656x16xf32, #tpu.memory_space<vmem>>[vector<16xi32>, vector<16xi32>], vector<16xf32>,
      %add3A_808 = arith.addf %add3A_798, %gather3A_807 : vector<16xf32>
      %add3A_809 = arith.constant 2432 : i32
      %add3A_810 = vector.broadcast %add3A_809 : i32 to vector<16xi32>
      %add3A_811 = arith.addi %add3A_622, %add3A_810 : vector<16xi32>
      %get3A_812 = arith.constant 19 : i32
      %get3A_813 = arith.index_cast %rem3A_61 : i32 to index
      %get3A_814 = arith.index_cast %get3A_812 : i32 to index
      %get3A_815 = arith.constant 32 : index
      %get3A_816 = tpu.vector_load %arg7[%get3A_813, %get3A_814, %get3A_815] {strides = array<i32>} : memref<2x26x128xi32, #tpu.memory_space<vmem>>, vector<16xi32>,
      %gather3A_817 = tpu.vector_load_idx %arg8[%add3A_811, %get3A_816] : memref<6656x16xf32, #tpu.memory_space<vmem>>[vector<16xi32>, vector<16xi32>], vector<16xf32>,
      %add3A_818 = arith.addf %add3A_808, %gather3A_817 : vector<16xf32>
      %add3A_819 = arith.constant 2560 : i32
      %add3A_820 = vector.broadcast %add3A_819 : i32 to vector<16xi32>
      %add3A_821 = arith.addi %add3A_622, %add3A_820 : vector<16xi32>
      %get3A_822 = arith.constant 20 : i32
      %get3A_823 = arith.index_cast %rem3A_61 : i32 to index
      %get3A_824 = arith.index_cast %get3A_822 : i32 to index
      %get3A_825 = arith.constant 32 : index
      %get3A_826 = tpu.vector_load %arg7[%get3A_823, %get3A_824, %get3A_825] {strides = array<i32>} : memref<2x26x128xi32, #tpu.memory_space<vmem>>, vector<16xi32>,
      %gather3A_827 = tpu.vector_load_idx %arg8[%add3A_821, %get3A_826] : memref<6656x16xf32, #tpu.memory_space<vmem>>[vector<16xi32>, vector<16xi32>], vector<16xf32>,
      %add3A_828 = arith.addf %add3A_818, %gather3A_827 : vector<16xf32>
      %add3A_829 = arith.constant 2688 : i32
      %add3A_830 = vector.broadcast %add3A_829 : i32 to vector<16xi32>
      %add3A_831 = arith.addi %add3A_622, %add3A_830 : vector<16xi32>
      %get3A_832 = arith.constant 21 : i32
      %get3A_833 = arith.index_cast %rem3A_61 : i32 to index
      %get3A_834 = arith.index_cast %get3A_832 : i32 to index
      %get3A_835 = arith.constant 32 : index
      %get3A_836 = tpu.vector_load %arg7[%get3A_833, %get3A_834, %get3A_835] {strides = array<i32>} : memref<2x26x128xi32, #tpu.memory_space<vmem>>, vector<16xi32>,
      %gather3A_837 = tpu.vector_load_idx %arg8[%add3A_831, %get3A_836] : memref<6656x16xf32, #tpu.memory_space<vmem>>[vector<16xi32>, vector<16xi32>], vector<16xf32>,
      %add3A_838 = arith.addf %add3A_828, %gather3A_837 : vector<16xf32>
      %add3A_839 = arith.constant 2816 : i32
      %add3A_840 = vector.broadcast %add3A_839 : i32 to vector<16xi32>
      %add3A_841 = arith.addi %add3A_622, %add3A_840 : vector<16xi32>
      %get3A_842 = arith.constant 22 : i32
      %get3A_843 = arith.index_cast %rem3A_61 : i32 to index
      %get3A_844 = arith.index_cast %get3A_842 : i32 to index
      %get3A_845 = arith.constant 32 : index
      %get3A_846 = tpu.vector_load %arg7[%get3A_843, %get3A_844, %get3A_845] {strides = array<i32>} : memref<2x26x128xi32, #tpu.memory_space<vmem>>, vector<16xi32>,
      %gather3A_847 = tpu.vector_load_idx %arg8[%add3A_841, %get3A_846] : memref<6656x16xf32, #tpu.memory_space<vmem>>[vector<16xi32>, vector<16xi32>], vector<16xf32>,
      %add3A_848 = arith.addf %add3A_838, %gather3A_847 : vector<16xf32>
      %add3A_849 = arith.constant 2944 : i32
      %add3A_850 = vector.broadcast %add3A_849 : i32 to vector<16xi32>
      %add3A_851 = arith.addi %add3A_622, %add3A_850 : vector<16xi32>
      %get3A_852 = arith.constant 23 : i32
      %get3A_853 = arith.index_cast %rem3A_61 : i32 to index
      %get3A_854 = arith.index_cast %get3A_852 : i32 to index
      %get3A_855 = arith.constant 32 : index
      %get3A_856 = tpu.vector_load %arg7[%get3A_853, %get3A_854, %get3A_855] {strides = array<i32>} : memref<2x26x128xi32, #tpu.memory_space<vmem>>, vector<16xi32>,
      %gather3A_857 = tpu.vector_load_idx %arg8[%add3A_851, %get3A_856] : memref<6656x16xf32, #tpu.memory_space<vmem>>[vector<16xi32>, vector<16xi32>], vector<16xf32>,
      %add3A_858 = arith.addf %add3A_848, %gather3A_857 : vector<16xf32>
      %add3A_859 = arith.constant 3072 : i32
      %add3A_860 = vector.broadcast %add3A_859 : i32 to vector<16xi32>
      %add3A_861 = arith.addi %add3A_622, %add3A_860 : vector<16xi32>
      %get3A_862 = arith.constant 24 : i32
      %get3A_863 = arith.index_cast %rem3A_61 : i32 to index
      %get3A_864 = arith.index_cast %get3A_862 : i32 to index
      %get3A_865 = arith.constant 32 : index
      %get3A_866 = tpu.vector_load %arg7[%get3A_863, %get3A_864, %get3A_865] {strides = array<i32>} : memref<2x26x128xi32, #tpu.memory_space<vmem>>, vector<16xi32>,
      %gather3A_867 = tpu.vector_load_idx %arg8[%add3A_861, %get3A_866] : memref<6656x16xf32, #tpu.memory_space<vmem>>[vector<16xi32>, vector<16xi32>], vector<16xf32>,
      %add3A_868 = arith.addf %add3A_858, %gather3A_867 : vector<16xf32>
      %add3A_869 = arith.constant 3200 : i32
      %add3A_870 = vector.broadcast %add3A_869 : i32 to vector<16xi32>
      %add3A_871 = arith.addi %add3A_622, %add3A_870 : vector<16xi32>
      %get3A_872 = arith.constant 25 : i32
      %get3A_873 = arith.index_cast %rem3A_61 : i32 to index
      %get3A_874 = arith.index_cast %get3A_872 : i32 to index
      %get3A_875 = arith.constant 32 : index
      %get3A_876 = tpu.vector_load %arg7[%get3A_873, %get3A_874, %get3A_875] {strides = array<i32>} : memref<2x26x128xi32, #tpu.memory_space<vmem>>, vector<16xi32>,
      %gather3A_877 = tpu.vector_load_idx %arg8[%add3A_871, %get3A_876] : memref<6656x16xf32, #tpu.memory_space<vmem>>[vector<16xi32>, vector<16xi32>], vector<16xf32>,
      %add3A_878 = arith.addf %add3A_868, %gather3A_877 : vector<16xf32>
      %swap3A_879 = arith.constant 0 : i32
      %swap3A_880 = arith.index_cast %swap3A_879 : i32 to index
      %swap3A_881 = arith.constant 32 : index
      %swap3A_882 = tpu.vector_load %arg9[%swap3A_880, %swap3A_881] {strides = array<i32>} : memref<1x128xf32, #tpu.memory_space<vmem>>, vector<16xf32>,
      tpu.vector_store %arg9[%swap3A_880, %swap3A_881], %add3A_878 {strides = array<i32>} : memref<1x128xf32, #tpu.memory_space<vmem>>, vector<16xf32>,
      %mul3A_883 = arith.constant 3328 : i32
      %mul3A_884 = arith.muli %rem3A_61, %mul3A_883 : i32
      %add3A_885 = vector.broadcast %mul3A_884 : i32 to vector<16xi32>
      %add3A_886 = arith.addi %add3A_885, %iota3A : vector<16xi32>
      %add3A_887 = arith.constant 48 : i32
      %add3A_888 = vector.broadcast %add3A_887 : i32 to vector<16xi32>
      %add3A_889 = arith.addi %add3A_886, %add3A_888 : vector<16xi32>
      %get3A_890 = arith.constant 0 : i32
      %get3A_891 = arith.index_cast %rem3A_61 : i32 to index
      %get3A_892 = arith.index_cast %get3A_890 : i32 to index
      %get3A_893 = arith.constant 48 : index
      %get3A_894 = tpu.vector_load %arg7[%get3A_891, %get3A_892, %get3A_893] {strides = array<i32>} : memref<2x26x128xi32, #tpu.memory_space<vmem>>, vector<16xi32>,
      %gather3A_895 = tpu.vector_load_idx %arg8[%add3A_889, %get3A_894] : memref<6656x16xf32, #tpu.memory_space<vmem>>[vector<16xi32>, vector<16xi32>], vector<16xf32>,
      %add3A_896 = arith.constant 128 : i32
      %add3A_897 = vector.broadcast %add3A_896 : i32 to vector<16xi32>
      %add3A_898 = arith.addi %add3A_889, %add3A_897 : vector<16xi32>
      %get3A_899 = arith.constant 1 : i32
      %get3A_900 = arith.index_cast %rem3A_61 : i32 to index
      %get3A_901 = arith.index_cast %get3A_899 : i32 to index
      %get3A_902 = arith.constant 48 : index
      %get3A_903 = tpu.vector_load %arg7[%get3A_900, %get3A_901, %get3A_902] {strides = array<i32>} : memref<2x26x128xi32, #tpu.memory_space<vmem>>, vector<16xi32>,
      %gather3A_904 = tpu.vector_load_idx %arg8[%add3A_898, %get3A_903] : memref<6656x16xf32, #tpu.memory_space<vmem>>[vector<16xi32>, vector<16xi32>], vector<16xf32>,
      %add3A_905 = arith.addf %gather3A_895, %gather3A_904 : vector<16xf32>
      %add3A_906 = arith.constant 256 : i32
      %add3A_907 = vector.broadcast %add3A_906 : i32 to vector<16xi32>
      %add3A_908 = arith.addi %add3A_889, %add3A_907 : vector<16xi32>
      %get3A_909 = arith.constant 2 : i32
      %get3A_910 = arith.index_cast %rem3A_61 : i32 to index
      %get3A_911 = arith.index_cast %get3A_909 : i32 to index
      %get3A_912 = arith.constant 48 : index
      %get3A_913 = tpu.vector_load %arg7[%get3A_910, %get3A_911, %get3A_912] {strides = array<i32>} : memref<2x26x128xi32, #tpu.memory_space<vmem>>, vector<16xi32>,
      %gather3A_914 = tpu.vector_load_idx %arg8[%add3A_908, %get3A_913] : memref<6656x16xf32, #tpu.memory_space<vmem>>[vector<16xi32>, vector<16xi32>], vector<16xf32>,
      %add3A_915 = arith.addf %add3A_905, %gather3A_914 : vector<16xf32>
      %add3A_916 = arith.constant 384 : i32
      %add3A_917 = vector.broadcast %add3A_916 : i32 to vector<16xi32>
      %add3A_918 = arith.addi %add3A_889, %add3A_917 : vector<16xi32>
      %get3A_919 = arith.constant 3 : i32
      %get3A_920 = arith.index_cast %rem3A_61 : i32 to index
      %get3A_921 = arith.index_cast %get3A_919 : i32 to index
      %get3A_922 = arith.constant 48 : index
      %get3A_923 = tpu.vector_load %arg7[%get3A_920, %get3A_921, %get3A_922] {strides = array<i32>} : memref<2x26x128xi32, #tpu.memory_space<vmem>>, vector<16xi32>,
      %gather3A_924 = tpu.vector_load_idx %arg8[%add3A_918, %get3A_923] : memref<6656x16xf32, #tpu.memory_space<vmem>>[vector<16xi32>, vector<16xi32>], vector<16xf32>,
      %add3A_925 = arith.addf %add3A_915, %gather3A_924 : vector<16xf32>
      %add3A_926 = arith.constant 512 : i32
      %add3A_927 = vector.broadcast %add3A_926 : i32 to vector<16xi32>
      %add3A_928 = arith.addi %add3A_889, %add3A_927 : vector<16xi32>
      %get3A_929 = arith.constant 4 : i32
      %get3A_930 = arith.index_cast %rem3A_61 : i32 to index
      %get3A_931 = arith.index_cast %get3A_929 : i32 to index
      %get3A_932 = arith.constant 48 : index
      %get3A_933 = tpu.vector_load %arg7[%get3A_930, %get3A_931, %get3A_932] {strides = array<i32>} : memref<2x26x128xi32, #tpu.memory_space<vmem>>, vector<16xi32>,
      %gather3A_934 = tpu.vector_load_idx %arg8[%add3A_928, %get3A_933] : memref<6656x16xf32, #tpu.memory_space<vmem>>[vector<16xi32>, vector<16xi32>], vector<16xf32>,
      %add3A_935 = arith.addf %add3A_925, %gather3A_934 : vector<16xf32>
      %add3A_936 = arith.constant 640 : i32
      %add3A_937 = vector.broadcast %add3A_936 : i32 to vector<16xi32>
      %add3A_938 = arith.addi %add3A_889, %add3A_937 : vector<16xi32>
      %get3A_939 = arith.constant 5 : i32
      %get3A_940 = arith.index_cast %rem3A_61 : i32 to index
      %get3A_941 = arith.index_cast %get3A_939 : i32 to index
      %get3A_942 = arith.constant 48 : index
      %get3A_943 = tpu.vector_load %arg7[%get3A_940, %get3A_941, %get3A_942] {strides = array<i32>} : memref<2x26x128xi32, #tpu.memory_space<vmem>>, vector<16xi32>,
      %gather3A_944 = tpu.vector_load_idx %arg8[%add3A_938, %get3A_943] : memref<6656x16xf32, #tpu.memory_space<vmem>>[vector<16xi32>, vector<16xi32>], vector<16xf32>,
      %add3A_945 = arith.addf %add3A_935, %gather3A_944 : vector<16xf32>
      %add3A_946 = arith.constant 768 : i32
      %add3A_947 = vector.broadcast %add3A_946 : i32 to vector<16xi32>
      %add3A_948 = arith.addi %add3A_889, %add3A_947 : vector<16xi32>
      %get3A_949 = arith.constant 6 : i32
      %get3A_950 = arith.index_cast %rem3A_61 : i32 to index
      %get3A_951 = arith.index_cast %get3A_949 : i32 to index
      %get3A_952 = arith.constant 48 : index
      %get3A_953 = tpu.vector_load %arg7[%get3A_950, %get3A_951, %get3A_952] {strides = array<i32>} : memref<2x26x128xi32, #tpu.memory_space<vmem>>, vector<16xi32>,
      %gather3A_954 = tpu.vector_load_idx %arg8[%add3A_948, %get3A_953] : memref<6656x16xf32, #tpu.memory_space<vmem>>[vector<16xi32>, vector<16xi32>], vector<16xf32>,
      %add3A_955 = arith.addf %add3A_945, %gather3A_954 : vector<16xf32>
      %add3A_956 = arith.constant 896 : i32
      %add3A_957 = vector.broadcast %add3A_956 : i32 to vector<16xi32>
      %add3A_958 = arith.addi %add3A_889, %add3A_957 : vector<16xi32>
      %get3A_959 = arith.constant 7 : i32
      %get3A_960 = arith.index_cast %rem3A_61 : i32 to index
      %get3A_961 = arith.index_cast %get3A_959 : i32 to index
      %get3A_962 = arith.constant 48 : index
      %get3A_963 = tpu.vector_load %arg7[%get3A_960, %get3A_961, %get3A_962] {strides = array<i32>} : memref<2x26x128xi32, #tpu.memory_space<vmem>>, vector<16xi32>,
      %gather3A_964 = tpu.vector_load_idx %arg8[%add3A_958, %get3A_963] : memref<6656x16xf32, #tpu.memory_space<vmem>>[vector<16xi32>, vector<16xi32>], vector<16xf32>,
      %add3A_965 = arith.addf %add3A_955, %gather3A_964 : vector<16xf32>
      %add3A_966 = arith.constant 1024 : i32
      %add3A_967 = vector.broadcast %add3A_966 : i32 to vector<16xi32>
      %add3A_968 = arith.addi %add3A_889, %add3A_967 : vector<16xi32>
      %get3A_969 = arith.constant 8 : i32
      %get3A_970 = arith.index_cast %rem3A_61 : i32 to index
      %get3A_971 = arith.index_cast %get3A_969 : i32 to index
      %get3A_972 = arith.constant 48 : index
      %get3A_973 = tpu.vector_load %arg7[%get3A_970, %get3A_971, %get3A_972] {strides = array<i32>} : memref<2x26x128xi32, #tpu.memory_space<vmem>>, vector<16xi32>,
      %gather3A_974 = tpu.vector_load_idx %arg8[%add3A_968, %get3A_973] : memref<6656x16xf32, #tpu.memory_space<vmem>>[vector<16xi32>, vector<16xi32>], vector<16xf32>,
      %add3A_975 = arith.addf %add3A_965, %gather3A_974 : vector<16xf32>
      %add3A_976 = arith.constant 1152 : i32
      %add3A_977 = vector.broadcast %add3A_976 : i32 to vector<16xi32>
      %add3A_978 = arith.addi %add3A_889, %add3A_977 : vector<16xi32>
      %get3A_979 = arith.constant 9 : i32
      %get3A_980 = arith.index_cast %rem3A_61 : i32 to index
      %get3A_981 = arith.index_cast %get3A_979 : i32 to index
      %get3A_982 = arith.constant 48 : index
      %get3A_983 = tpu.vector_load %arg7[%get3A_980, %get3A_981, %get3A_982] {strides = array<i32>} : memref<2x26x128xi32, #tpu.memory_space<vmem>>, vector<16xi32>,
      %gather3A_984 = tpu.vector_load_idx %arg8[%add3A_978, %get3A_983] : memref<6656x16xf32, #tpu.memory_space<vmem>>[vector<16xi32>, vector<16xi32>], vector<16xf32>,
      %add3A_985 = arith.addf %add3A_975, %gather3A_984 : vector<16xf32>
      %add3A_986 = arith.constant 1280 : i32
      %add3A_987 = vector.broadcast %add3A_986 : i32 to vector<16xi32>
      %add3A_988 = arith.addi %add3A_889, %add3A_987 : vector<16xi32>
      %get3A_989 = arith.constant 10 : i32
      %get3A_990 = arith.index_cast %rem3A_61 : i32 to index
      %get3A_991 = arith.index_cast %get3A_989 : i32 to index
      %get3A_992 = arith.constant 48 : index
      %get3A_993 = tpu.vector_load %arg7[%get3A_990, %get3A_991, %get3A_992] {strides = array<i32>} : memref<2x26x128xi32, #tpu.memory_space<vmem>>, vector<16xi32>,
      %gather3A_994 = tpu.vector_load_idx %arg8[%add3A_988, %get3A_993] : memref<6656x16xf32, #tpu.memory_space<vmem>>[vector<16xi32>, vector<16xi32>], vector<16xf32>,
      %add3A_995 = arith.addf %add3A_985, %gather3A_994 : vector<16xf32>
      %add3A_996 = arith.constant 1408 : i32
      %add3A_997 = vector.broadcast %add3A_996 : i32 to vector<16xi32>
      %add3A_998 = arith.addi %add3A_889, %add3A_997 : vector<16xi32>
      %get3A_999 = arith.constant 11 : i32
      %get3A_1000 = arith.index_cast %rem3A_61 : i32 to index
      %get3A_1001 = arith.index_cast %get3A_999 : i32 to index
      %get3A_1002 = arith.constant 48 : index
      %get3A_1003 = tpu.vector_load %arg7[%get3A_1000, %get3A_1001, %get3A_1002] {strides = array<i32>} : memref<2x26x128xi32, #tpu.memory_space<vmem>>, vector<16xi32>,
      %gather3A_1004 = tpu.vector_load_idx %arg8[%add3A_998, %get3A_1003] : memref<6656x16xf32, #tpu.memory_space<vmem>>[vector<16xi32>, vector<16xi32>], vector<16xf32>,
      %add3A_1005 = arith.addf %add3A_995, %gather3A_1004 : vector<16xf32>
      %add3A_1006 = arith.constant 1536 : i32
      %add3A_1007 = vector.broadcast %add3A_1006 : i32 to vector<16xi32>
      %add3A_1008 = arith.addi %add3A_889, %add3A_1007 : vector<16xi32>
      %get3A_1009 = arith.constant 12 : i32
      %get3A_1010 = arith.index_cast %rem3A_61 : i32 to index
      %get3A_1011 = arith.index_cast %get3A_1009 : i32 to index
      %get3A_1012 = arith.constant 48 : index
      %get3A_1013 = tpu.vector_load %arg7[%get3A_1010, %get3A_1011, %get3A_1012] {strides = array<i32>} : memref<2x26x128xi32, #tpu.memory_space<vmem>>, vector<16xi32>,
      %gather3A_1014 = tpu.vector_load_idx %arg8[%add3A_1008, %get3A_1013] : memref<6656x16xf32, #tpu.memory_space<vmem>>[vector<16xi32>, vector<16xi32>], vector<16xf32>,
      %add3A_1015 = arith.addf %add3A_1005, %gather3A_1014 : vector<16xf32>
      %add3A_1016 = arith.constant 1664 : i32
      %add3A_1017 = vector.broadcast %add3A_1016 : i32 to vector<16xi32>
      %add3A_1018 = arith.addi %add3A_889, %add3A_1017 : vector<16xi32>
      %get3A_1019 = arith.constant 13 : i32
      %get3A_1020 = arith.index_cast %rem3A_61 : i32 to index
      %get3A_1021 = arith.index_cast %get3A_1019 : i32 to index
      %get3A_1022 = arith.constant 48 : index
      %get3A_1023 = tpu.vector_load %arg7[%get3A_1020, %get3A_1021, %get3A_1022] {strides = array<i32>} : memref<2x26x128xi32, #tpu.memory_space<vmem>>, vector<16xi32>,
      %gather3A_1024 = tpu.vector_load_idx %arg8[%add3A_1018, %get3A_1023] : memref<6656x16xf32, #tpu.memory_space<vmem>>[vector<16xi32>, vector<16xi32>], vector<16xf32>,
      %add3A_1025 = arith.addf %add3A_1015, %gather3A_1024 : vector<16xf32>
      %add3A_1026 = arith.constant 1792 : i32
      %add3A_1027 = vector.broadcast %add3A_1026 : i32 to vector<16xi32>
      %add3A_1028 = arith.addi %add3A_889, %add3A_1027 : vector<16xi32>
      %get3A_1029 = arith.constant 14 : i32
      %get3A_1030 = arith.index_cast %rem3A_61 : i32 to index
      %get3A_1031 = arith.index_cast %get3A_1029 : i32 to index
      %get3A_1032 = arith.constant 48 : index
      %get3A_1033 = tpu.vector_load %arg7[%get3A_1030, %get3A_1031, %get3A_1032] {strides = array<i32>} : memref<2x26x128xi32, #tpu.memory_space<vmem>>, vector<16xi32>,
      %gather3A_1034 = tpu.vector_load_idx %arg8[%add3A_1028, %get3A_1033] : memref<6656x16xf32, #tpu.memory_space<vmem>>[vector<16xi32>, vector<16xi32>], vector<16xf32>,
      %add3A_1035 = arith.addf %add3A_1025, %gather3A_1034 : vector<16xf32>
      %add3A_1036 = arith.constant 1920 : i32
      %add3A_1037 = vector.broadcast %add3A_1036 : i32 to vector<16xi32>
      %add3A_1038 = arith.addi %add3A_889, %add3A_1037 : vector<16xi32>
      %get3A_1039 = arith.constant 15 : i32
      %get3A_1040 = arith.index_cast %rem3A_61 : i32 to index
      %get3A_1041 = arith.index_cast %get3A_1039 : i32 to index
      %get3A_1042 = arith.constant 48 : index
      %get3A_1043 = tpu.vector_load %arg7[%get3A_1040, %get3A_1041, %get3A_1042] {strides = array<i32>} : memref<2x26x128xi32, #tpu.memory_space<vmem>>, vector<16xi32>,
      %gather3A_1044 = tpu.vector_load_idx %arg8[%add3A_1038, %get3A_1043] : memref<6656x16xf32, #tpu.memory_space<vmem>>[vector<16xi32>, vector<16xi32>], vector<16xf32>,
      %add3A_1045 = arith.addf %add3A_1035, %gather3A_1044 : vector<16xf32>
      %add3A_1046 = arith.constant 2048 : i32
      %add3A_1047 = vector.broadcast %add3A_1046 : i32 to vector<16xi32>
      %add3A_1048 = arith.addi %add3A_889, %add3A_1047 : vector<16xi32>
      %get3A_1049 = arith.constant 16 : i32
      %get3A_1050 = arith.index_cast %rem3A_61 : i32 to index
      %get3A_1051 = arith.index_cast %get3A_1049 : i32 to index
      %get3A_1052 = arith.constant 48 : index
      %get3A_1053 = tpu.vector_load %arg7[%get3A_1050, %get3A_1051, %get3A_1052] {strides = array<i32>} : memref<2x26x128xi32, #tpu.memory_space<vmem>>, vector<16xi32>,
      %gather3A_1054 = tpu.vector_load_idx %arg8[%add3A_1048, %get3A_1053] : memref<6656x16xf32, #tpu.memory_space<vmem>>[vector<16xi32>, vector<16xi32>], vector<16xf32>,
      %add3A_1055 = arith.addf %add3A_1045, %gather3A_1054 : vector<16xf32>
      %add3A_1056 = arith.constant 2176 : i32
      %add3A_1057 = vector.broadcast %add3A_1056 : i32 to vector<16xi32>
      %add3A_1058 = arith.addi %add3A_889, %add3A_1057 : vector<16xi32>
      %get3A_1059 = arith.constant 17 : i32
      %get3A_1060 = arith.index_cast %rem3A_61 : i32 to index
      %get3A_1061 = arith.index_cast %get3A_1059 : i32 to index
      %get3A_1062 = arith.constant 48 : index
      %get3A_1063 = tpu.vector_load %arg7[%get3A_1060, %get3A_1061, %get3A_1062] {strides = array<i32>} : memref<2x26x128xi32, #tpu.memory_space<vmem>>, vector<16xi32>,
      %gather3A_1064 = tpu.vector_load_idx %arg8[%add3A_1058, %get3A_1063] : memref<6656x16xf32, #tpu.memory_space<vmem>>[vector<16xi32>, vector<16xi32>], vector<16xf32>,
      %add3A_1065 = arith.addf %add3A_1055, %gather3A_1064 : vector<16xf32>
      %add3A_1066 = arith.constant 2304 : i32
      %add3A_1067 = vector.broadcast %add3A_1066 : i32 to vector<16xi32>
      %add3A_1068 = arith.addi %add3A_889, %add3A_1067 : vector<16xi32>
      %get3A_1069 = arith.constant 18 : i32
      %get3A_1070 = arith.index_cast %rem3A_61 : i32 to index
      %get3A_1071 = arith.index_cast %get3A_1069 : i32 to index
      %get3A_1072 = arith.constant 48 : index
      %get3A_1073 = tpu.vector_load %arg7[%get3A_1070, %get3A_1071, %get3A_1072] {strides = array<i32>} : memref<2x26x128xi32, #tpu.memory_space<vmem>>, vector<16xi32>,
      %gather3A_1074 = tpu.vector_load_idx %arg8[%add3A_1068, %get3A_1073] : memref<6656x16xf32, #tpu.memory_space<vmem>>[vector<16xi32>, vector<16xi32>], vector<16xf32>,
      %add3A_1075 = arith.addf %add3A_1065, %gather3A_1074 : vector<16xf32>
      %add3A_1076 = arith.constant 2432 : i32
      %add3A_1077 = vector.broadcast %add3A_1076 : i32 to vector<16xi32>
      %add3A_1078 = arith.addi %add3A_889, %add3A_1077 : vector<16xi32>
      %get3A_1079 = arith.constant 19 : i32
      %get3A_1080 = arith.index_cast %rem3A_61 : i32 to index
      %get3A_1081 = arith.index_cast %get3A_1079 : i32 to index
      %get3A_1082 = arith.constant 48 : index
      %get3A_1083 = tpu.vector_load %arg7[%get3A_1080, %get3A_1081, %get3A_1082] {strides = array<i32>} : memref<2x26x128xi32, #tpu.memory_space<vmem>>, vector<16xi32>,
      %gather3A_1084 = tpu.vector_load_idx %arg8[%add3A_1078, %get3A_1083] : memref<6656x16xf32, #tpu.memory_space<vmem>>[vector<16xi32>, vector<16xi32>], vector<16xf32>,
      %add3A_1085 = arith.addf %add3A_1075, %gather3A_1084 : vector<16xf32>
      %add3A_1086 = arith.constant 2560 : i32
      %add3A_1087 = vector.broadcast %add3A_1086 : i32 to vector<16xi32>
      %add3A_1088 = arith.addi %add3A_889, %add3A_1087 : vector<16xi32>
      %get3A_1089 = arith.constant 20 : i32
      %get3A_1090 = arith.index_cast %rem3A_61 : i32 to index
      %get3A_1091 = arith.index_cast %get3A_1089 : i32 to index
      %get3A_1092 = arith.constant 48 : index
      %get3A_1093 = tpu.vector_load %arg7[%get3A_1090, %get3A_1091, %get3A_1092] {strides = array<i32>} : memref<2x26x128xi32, #tpu.memory_space<vmem>>, vector<16xi32>,
      %gather3A_1094 = tpu.vector_load_idx %arg8[%add3A_1088, %get3A_1093] : memref<6656x16xf32, #tpu.memory_space<vmem>>[vector<16xi32>, vector<16xi32>], vector<16xf32>,
      %add3A_1095 = arith.addf %add3A_1085, %gather3A_1094 : vector<16xf32>
      %add3A_1096 = arith.constant 2688 : i32
      %add3A_1097 = vector.broadcast %add3A_1096 : i32 to vector<16xi32>
      %add3A_1098 = arith.addi %add3A_889, %add3A_1097 : vector<16xi32>
      %get3A_1099 = arith.constant 21 : i32
      %get3A_1100 = arith.index_cast %rem3A_61 : i32 to index
      %get3A_1101 = arith.index_cast %get3A_1099 : i32 to index
      %get3A_1102 = arith.constant 48 : index
      %get3A_1103 = tpu.vector_load %arg7[%get3A_1100, %get3A_1101, %get3A_1102] {strides = array<i32>} : memref<2x26x128xi32, #tpu.memory_space<vmem>>, vector<16xi32>,
      %gather3A_1104 = tpu.vector_load_idx %arg8[%add3A_1098, %get3A_1103] : memref<6656x16xf32, #tpu.memory_space<vmem>>[vector<16xi32>, vector<16xi32>], vector<16xf32>,
      %add3A_1105 = arith.addf %add3A_1095, %gather3A_1104 : vector<16xf32>
      %add3A_1106 = arith.constant 2816 : i32
      %add3A_1107 = vector.broadcast %add3A_1106 : i32 to vector<16xi32>
      %add3A_1108 = arith.addi %add3A_889, %add3A_1107 : vector<16xi32>
      %get3A_1109 = arith.constant 22 : i32
      %get3A_1110 = arith.index_cast %rem3A_61 : i32 to index
      %get3A_1111 = arith.index_cast %get3A_1109 : i32 to index
      %get3A_1112 = arith.constant 48 : index
      %get3A_1113 = tpu.vector_load %arg7[%get3A_1110, %get3A_1111, %get3A_1112] {strides = array<i32>} : memref<2x26x128xi32, #tpu.memory_space<vmem>>, vector<16xi32>,
      %gather3A_1114 = tpu.vector_load_idx %arg8[%add3A_1108, %get3A_1113] : memref<6656x16xf32, #tpu.memory_space<vmem>>[vector<16xi32>, vector<16xi32>], vector<16xf32>,
      %add3A_1115 = arith.addf %add3A_1105, %gather3A_1114 : vector<16xf32>
      %add3A_1116 = arith.constant 2944 : i32
      %add3A_1117 = vector.broadcast %add3A_1116 : i32 to vector<16xi32>
      %add3A_1118 = arith.addi %add3A_889, %add3A_1117 : vector<16xi32>
      %get3A_1119 = arith.constant 23 : i32
      %get3A_1120 = arith.index_cast %rem3A_61 : i32 to index
      %get3A_1121 = arith.index_cast %get3A_1119 : i32 to index
      %get3A_1122 = arith.constant 48 : index
      %get3A_1123 = tpu.vector_load %arg7[%get3A_1120, %get3A_1121, %get3A_1122] {strides = array<i32>} : memref<2x26x128xi32, #tpu.memory_space<vmem>>, vector<16xi32>,
      %gather3A_1124 = tpu.vector_load_idx %arg8[%add3A_1118, %get3A_1123] : memref<6656x16xf32, #tpu.memory_space<vmem>>[vector<16xi32>, vector<16xi32>], vector<16xf32>,
      %add3A_1125 = arith.addf %add3A_1115, %gather3A_1124 : vector<16xf32>
      %add3A_1126 = arith.constant 3072 : i32
      %add3A_1127 = vector.broadcast %add3A_1126 : i32 to vector<16xi32>
      %add3A_1128 = arith.addi %add3A_889, %add3A_1127 : vector<16xi32>
      %get3A_1129 = arith.constant 24 : i32
      %get3A_1130 = arith.index_cast %rem3A_61 : i32 to index
      %get3A_1131 = arith.index_cast %get3A_1129 : i32 to index
      %get3A_1132 = arith.constant 48 : index
      %get3A_1133 = tpu.vector_load %arg7[%get3A_1130, %get3A_1131, %get3A_1132] {strides = array<i32>} : memref<2x26x128xi32, #tpu.memory_space<vmem>>, vector<16xi32>,
      %gather3A_1134 = tpu.vector_load_idx %arg8[%add3A_1128, %get3A_1133] : memref<6656x16xf32, #tpu.memory_space<vmem>>[vector<16xi32>, vector<16xi32>], vector<16xf32>,
      %add3A_1135 = arith.addf %add3A_1125, %gather3A_1134 : vector<16xf32>
      %add3A_1136 = arith.constant 3200 : i32
      %add3A_1137 = vector.broadcast %add3A_1136 : i32 to vector<16xi32>
      %add3A_1138 = arith.addi %add3A_889, %add3A_1137 : vector<16xi32>
      %get3A_1139 = arith.constant 25 : i32
      %get3A_1140 = arith.index_cast %rem3A_61 : i32 to index
      %get3A_1141 = arith.index_cast %get3A_1139 : i32 to index
      %get3A_1142 = arith.constant 48 : index
      %get3A_1143 = tpu.vector_load %arg7[%get3A_1140, %get3A_1141, %get3A_1142] {strides = array<i32>} : memref<2x26x128xi32, #tpu.memory_space<vmem>>, vector<16xi32>,
      %gather3A_1144 = tpu.vector_load_idx %arg8[%add3A_1138, %get3A_1143] : memref<6656x16xf32, #tpu.memory_space<vmem>>[vector<16xi32>, vector<16xi32>], vector<16xf32>,
      %add3A_1145 = arith.addf %add3A_1135, %gather3A_1144 : vector<16xf32>
      %swap3A_1146 = arith.constant 0 : i32
      %swap3A_1147 = arith.index_cast %swap3A_1146 : i32 to index
      %swap3A_1148 = arith.constant 48 : index
      %swap3A_1149 = tpu.vector_load %arg9[%swap3A_1147, %swap3A_1148] {strides = array<i32>} : memref<1x128xf32, #tpu.memory_space<vmem>>, vector<16xf32>,
      tpu.vector_store %arg9[%swap3A_1147, %swap3A_1148], %add3A_1145 {strides = array<i32>} : memref<1x128xf32, #tpu.memory_space<vmem>>, vector<16xf32>,
      %mul3A_1150 = arith.constant 3328 : i32
      %mul3A_1151 = arith.muli %rem3A_61, %mul3A_1150 : i32
      %add3A_1152 = vector.broadcast %mul3A_1151 : i32 to vector<16xi32>
      %add3A_1153 = arith.addi %add3A_1152, %iota3A : vector<16xi32>
      %add3A_1154 = arith.constant 64 : i32
      %add3A_1155 = vector.broadcast %add3A_1154 : i32 to vector<16xi32>
      %add3A_1156 = arith.addi %add3A_1153, %add3A_1155 : vector<16xi32>
      %get3A_1157 = arith.constant 0 : i32
      %get3A_1158 = arith.index_cast %rem3A_61 : i32 to index
      %get3A_1159 = arith.index_cast %get3A_1157 : i32 to index
      %get3A_1160 = arith.constant 64 : index
      %get3A_1161 = tpu.vector_load %arg7[%get3A_1158, %get3A_1159, %get3A_1160] {strides = array<i32>} : memref<2x26x128xi32, #tpu.memory_space<vmem>>, vector<16xi32>,
      %gather3A_1162 = tpu.vector_load_idx %arg8[%add3A_1156, %get3A_1161] : memref<6656x16xf32, #tpu.memory_space<vmem>>[vector<16xi32>, vector<16xi32>], vector<16xf32>,
      %add3A_1163 = arith.constant 128 : i32
      %add3A_1164 = vector.broadcast %add3A_1163 : i32 to vector<16xi32>
      %add3A_1165 = arith.addi %add3A_1156, %add3A_1164 : vector<16xi32>
      %get3A_1166 = arith.constant 1 : i32
      %get3A_1167 = arith.index_cast %rem3A_61 : i32 to index
      %get3A_1168 = arith.index_cast %get3A_1166 : i32 to index
      %get3A_1169 = arith.constant 64 : index
      %get3A_1170 = tpu.vector_load %arg7[%get3A_1167, %get3A_1168, %get3A_1169] {strides = array<i32>} : memref<2x26x128xi32, #tpu.memory_space<vmem>>, vector<16xi32>,
      %gather3A_1171 = tpu.vector_load_idx %arg8[%add3A_1165, %get3A_1170] : memref<6656x16xf32, #tpu.memory_space<vmem>>[vector<16xi32>, vector<16xi32>], vector<16xf32>,
      %add3A_1172 = arith.addf %gather3A_1162, %gather3A_1171 : vector<16xf32>
      %add3A_1173 = arith.constant 256 : i32
      %add3A_1174 = vector.broadcast %add3A_1173 : i32 to vector<16xi32>
      %add3A_1175 = arith.addi %add3A_1156, %add3A_1174 : vector<16xi32>
      %get3A_1176 = arith.constant 2 : i32
      %get3A_1177 = arith.index_cast %rem3A_61 : i32 to index
      %get3A_1178 = arith.index_cast %get3A_1176 : i32 to index
      %get3A_1179 = arith.constant 64 : index
      %get3A_1180 = tpu.vector_load %arg7[%get3A_1177, %get3A_1178, %get3A_1179] {strides = array<i32>} : memref<2x26x128xi32, #tpu.memory_space<vmem>>, vector<16xi32>,
      %gather3A_1181 = tpu.vector_load_idx %arg8[%add3A_1175, %get3A_1180] : memref<6656x16xf32, #tpu.memory_space<vmem>>[vector<16xi32>, vector<16xi32>], vector<16xf32>,
      %add3A_1182 = arith.addf %add3A_1172, %gather3A_1181 : vector<16xf32>
      %add3A_1183 = arith.constant 384 : i32
      %add3A_1184 = vector.broadcast %add3A_1183 : i32 to vector<16xi32>
      %add3A_1185 = arith.addi %add3A_1156, %add3A_1184 : vector<16xi32>
      %get3A_1186 = arith.constant 3 : i32
      %get3A_1187 = arith.index_cast %rem3A_61 : i32 to index
      %get3A_1188 = arith.index_cast %get3A_1186 : i32 to index
      %get3A_1189 = arith.constant 64 : index
      %get3A_1190 = tpu.vector_load %arg7[%get3A_1187, %get3A_1188, %get3A_1189] {strides = array<i32>} : memref<2x26x128xi32, #tpu.memory_space<vmem>>, vector<16xi32>,
      %gather3A_1191 = tpu.vector_load_idx %arg8[%add3A_1185, %get3A_1190] : memref<6656x16xf32, #tpu.memory_space<vmem>>[vector<16xi32>, vector<16xi32>], vector<16xf32>,
      %add3A_1192 = arith.addf %add3A_1182, %gather3A_1191 : vector<16xf32>
      %add3A_1193 = arith.constant 512 : i32
      %add3A_1194 = vector.broadcast %add3A_1193 : i32 to vector<16xi32>
      %add3A_1195 = arith.addi %add3A_1156, %add3A_1194 : vector<16xi32>
      %get3A_1196 = arith.constant 4 : i32
      %get3A_1197 = arith.index_cast %rem3A_61 : i32 to index
      %get3A_1198 = arith.index_cast %get3A_1196 : i32 to index
      %get3A_1199 = arith.constant 64 : index
      %get3A_1200 = tpu.vector_load %arg7[%get3A_1197, %get3A_1198, %get3A_1199] {strides = array<i32>} : memref<2x26x128xi32, #tpu.memory_space<vmem>>, vector<16xi32>,
      %gather3A_1201 = tpu.vector_load_idx %arg8[%add3A_1195, %get3A_1200] : memref<6656x16xf32, #tpu.memory_space<vmem>>[vector<16xi32>, vector<16xi32>], vector<16xf32>,
      %add3A_1202 = arith.addf %add3A_1192, %gather3A_1201 : vector<16xf32>
      %add3A_1203 = arith.constant 640 : i32
      %add3A_1204 = vector.broadcast %add3A_1203 : i32 to vector<16xi32>
      %add3A_1205 = arith.addi %add3A_1156, %add3A_1204 : vector<16xi32>
      %get3A_1206 = arith.constant 5 : i32
      %get3A_1207 = arith.index_cast %rem3A_61 : i32 to index
      %get3A_1208 = arith.index_cast %get3A_1206 : i32 to index
      %get3A_1209 = arith.constant 64 : index
      %get3A_1210 = tpu.vector_load %arg7[%get3A_1207, %get3A_1208, %get3A_1209] {strides = array<i32>} : memref<2x26x128xi32, #tpu.memory_space<vmem>>, vector<16xi32>,
      %gather3A_1211 = tpu.vector_load_idx %arg8[%add3A_1205, %get3A_1210] : memref<6656x16xf32, #tpu.memory_space<vmem>>[vector<16xi32>, vector<16xi32>], vector<16xf32>,
      %add3A_1212 = arith.addf %add3A_1202, %gather3A_1211 : vector<16xf32>
      %add3A_1213 = arith.constant 768 : i32
      %add3A_1214 = vector.broadcast %add3A_1213 : i32 to vector<16xi32>
      %add3A_1215 = arith.addi %add3A_1156, %add3A_1214 : vector<16xi32>
      %get3A_1216 = arith.constant 6 : i32
      %get3A_1217 = arith.index_cast %rem3A_61 : i32 to index
      %get3A_1218 = arith.index_cast %get3A_1216 : i32 to index
      %get3A_1219 = arith.constant 64 : index
      %get3A_1220 = tpu.vector_load %arg7[%get3A_1217, %get3A_1218, %get3A_1219] {strides = array<i32>} : memref<2x26x128xi32, #tpu.memory_space<vmem>>, vector<16xi32>,
      %gather3A_1221 = tpu.vector_load_idx %arg8[%add3A_1215, %get3A_1220] : memref<6656x16xf32, #tpu.memory_space<vmem>>[vector<16xi32>, vector<16xi32>], vector<16xf32>,
      %add3A_1222 = arith.addf %add3A_1212, %gather3A_1221 : vector<16xf32>
      %add3A_1223 = arith.constant 896 : i32
      %add3A_1224 = vector.broadcast %add3A_1223 : i32 to vector<16xi32>
      %add3A_1225 = arith.addi %add3A_1156, %add3A_1224 : vector<16xi32>
      %get3A_1226 = arith.constant 7 : i32
      %get3A_1227 = arith.index_cast %rem3A_61 : i32 to index
      %get3A_1228 = arith.index_cast %get3A_1226 : i32 to index
      %get3A_1229 = arith.constant 64 : index
      %get3A_1230 = tpu.vector_load %arg7[%get3A_1227, %get3A_1228, %get3A_1229] {strides = array<i32>} : memref<2x26x128xi32, #tpu.memory_space<vmem>>, vector<16xi32>,
      %gather3A_1231 = tpu.vector_load_idx %arg8[%add3A_1225, %get3A_1230] : memref<6656x16xf32, #tpu.memory_space<vmem>>[vector<16xi32>, vector<16xi32>], vector<16xf32>,
      %add3A_1232 = arith.addf %add3A_1222, %gather3A_1231 : vector<16xf32>
      %add3A_1233 = arith.constant 1024 : i32
      %add3A_1234 = vector.broadcast %add3A_1233 : i32 to vector<16xi32>
      %add3A_1235 = arith.addi %add3A_1156, %add3A_1234 : vector<16xi32>
      %get3A_1236 = arith.constant 8 : i32
      %get3A_1237 = arith.index_cast %rem3A_61 : i32 to index
      %get3A_1238 = arith.index_cast %get3A_1236 : i32 to index
      %get3A_1239 = arith.constant 64 : index
      %get3A_1240 = tpu.vector_load %arg7[%get3A_1237, %get3A_1238, %get3A_1239] {strides = array<i32>} : memref<2x26x128xi32, #tpu.memory_space<vmem>>, vector<16xi32>,
      %gather3A_1241 = tpu.vector_load_idx %arg8[%add3A_1235, %get3A_1240] : memref<6656x16xf32, #tpu.memory_space<vmem>>[vector<16xi32>, vector<16xi32>], vector<16xf32>,
      %add3A_1242 = arith.addf %add3A_1232, %gather3A_1241 : vector<16xf32>
      %add3A_1243 = arith.constant 1152 : i32
      %add3A_1244 = vector.broadcast %add3A_1243 : i32 to vector<16xi32>
      %add3A_1245 = arith.addi %add3A_1156, %add3A_1244 : vector<16xi32>
      %get3A_1246 = arith.constant 9 : i32
      %get3A_1247 = arith.index_cast %rem3A_61 : i32 to index
      %get3A_1248 = arith.index_cast %get3A_1246 : i32 to index
      %get3A_1249 = arith.constant 64 : index
      %get3A_1250 = tpu.vector_load %arg7[%get3A_1247, %get3A_1248, %get3A_1249] {strides = array<i32>} : memref<2x26x128xi32, #tpu.memory_space<vmem>>, vector<16xi32>,
      %gather3A_1251 = tpu.vector_load_idx %arg8[%add3A_1245, %get3A_1250] : memref<6656x16xf32, #tpu.memory_space<vmem>>[vector<16xi32>, vector<16xi32>], vector<16xf32>,
      %add3A_1252 = arith.addf %add3A_1242, %gather3A_1251 : vector<16xf32>
      %add3A_1253 = arith.constant 1280 : i32
      %add3A_1254 = vector.broadcast %add3A_1253 : i32 to vector<16xi32>
      %add3A_1255 = arith.addi %add3A_1156, %add3A_1254 : vector<16xi32>
      %get3A_1256 = arith.constant 10 : i32
      %get3A_1257 = arith.index_cast %rem3A_61 : i32 to index
      %get3A_1258 = arith.index_cast %get3A_1256 : i32 to index
      %get3A_1259 = arith.constant 64 : index
      %get3A_1260 = tpu.vector_load %arg7[%get3A_1257, %get3A_1258, %get3A_1259] {strides = array<i32>} : memref<2x26x128xi32, #tpu.memory_space<vmem>>, vector<16xi32>,
      %gather3A_1261 = tpu.vector_load_idx %arg8[%add3A_1255, %get3A_1260] : memref<6656x16xf32, #tpu.memory_space<vmem>>[vector<16xi32>, vector<16xi32>], vector<16xf32>,
      %add3A_1262 = arith.addf %add3A_1252, %gather3A_1261 : vector<16xf32>
      %add3A_1263 = arith.constant 1408 : i32
      %add3A_1264 = vector.broadcast %add3A_1263 : i32 to vector<16xi32>
      %add3A_1265 = arith.addi %add3A_1156, %add3A_1264 : vector<16xi32>
      %get3A_1266 = arith.constant 11 : i32
      %get3A_1267 = arith.index_cast %rem3A_61 : i32 to index
      %get3A_1268 = arith.index_cast %get3A_1266 : i32 to index
      %get3A_1269 = arith.constant 64 : index
      %get3A_1270 = tpu.vector_load %arg7[%get3A_1267, %get3A_1268, %get3A_1269] {strides = array<i32>} : memref<2x26x128xi32, #tpu.memory_space<vmem>>, vector<16xi32>,
      %gather3A_1271 = tpu.vector_load_idx %arg8[%add3A_1265, %get3A_1270] : memref<6656x16xf32, #tpu.memory_space<vmem>>[vector<16xi32>, vector<16xi32>], vector<16xf32>,
      %add3A_1272 = arith.addf %add3A_1262, %gather3A_1271 : vector<16xf32>
      %add3A_1273 = arith.constant 1536 : i32
      %add3A_1274 = vector.broadcast %add3A_1273 : i32 to vector<16xi32>
      %add3A_1275 = arith.addi %add3A_1156, %add3A_1274 : vector<16xi32>
      %get3A_1276 = arith.constant 12 : i32
      %get3A_1277 = arith.index_cast %rem3A_61 : i32 to index
      %get3A_1278 = arith.index_cast %get3A_1276 : i32 to index
      %get3A_1279 = arith.constant 64 : index
      %get3A_1280 = tpu.vector_load %arg7[%get3A_1277, %get3A_1278, %get3A_1279] {strides = array<i32>} : memref<2x26x128xi32, #tpu.memory_space<vmem>>, vector<16xi32>,
      %gather3A_1281 = tpu.vector_load_idx %arg8[%add3A_1275, %get3A_1280] : memref<6656x16xf32, #tpu.memory_space<vmem>>[vector<16xi32>, vector<16xi32>], vector<16xf32>,
      %add3A_1282 = arith.addf %add3A_1272, %gather3A_1281 : vector<16xf32>
      %add3A_1283 = arith.constant 1664 : i32
      %add3A_1284 = vector.broadcast %add3A_1283 : i32 to vector<16xi32>
      %add3A_1285 = arith.addi %add3A_1156, %add3A_1284 : vector<16xi32>
      %get3A_1286 = arith.constant 13 : i32
      %get3A_1287 = arith.index_cast %rem3A_61 : i32 to index
      %get3A_1288 = arith.index_cast %get3A_1286 : i32 to index
      %get3A_1289 = arith.constant 64 : index
      %get3A_1290 = tpu.vector_load %arg7[%get3A_1287, %get3A_1288, %get3A_1289] {strides = array<i32>} : memref<2x26x128xi32, #tpu.memory_space<vmem>>, vector<16xi32>,
      %gather3A_1291 = tpu.vector_load_idx %arg8[%add3A_1285, %get3A_1290] : memref<6656x16xf32, #tpu.memory_space<vmem>>[vector<16xi32>, vector<16xi32>], vector<16xf32>,
      %add3A_1292 = arith.addf %add3A_1282, %gather3A_1291 : vector<16xf32>
      %add3A_1293 = arith.constant 1792 : i32
      %add3A_1294 = vector.broadcast %add3A_1293 : i32 to vector<16xi32>
      %add3A_1295 = arith.addi %add3A_1156, %add3A_1294 : vector<16xi32>
      %get3A_1296 = arith.constant 14 : i32
      %get3A_1297 = arith.index_cast %rem3A_61 : i32 to index
      %get3A_1298 = arith.index_cast %get3A_1296 : i32 to index
      %get3A_1299 = arith.constant 64 : index
      %get3A_1300 = tpu.vector_load %arg7[%get3A_1297, %get3A_1298, %get3A_1299] {strides = array<i32>} : memref<2x26x128xi32, #tpu.memory_space<vmem>>, vector<16xi32>,
      %gather3A_1301 = tpu.vector_load_idx %arg8[%add3A_1295, %get3A_1300] : memref<6656x16xf32, #tpu.memory_space<vmem>>[vector<16xi32>, vector<16xi32>], vector<16xf32>,
      %add3A_1302 = arith.addf %add3A_1292, %gather3A_1301 : vector<16xf32>
      %add3A_1303 = arith.constant 1920 : i32
      %add3A_1304 = vector.broadcast %add3A_1303 : i32 to vector<16xi32>
      %add3A_1305 = arith.addi %add3A_1156, %add3A_1304 : vector<16xi32>
      %get3A_1306 = arith.constant 15 : i32
      %get3A_1307 = arith.index_cast %rem3A_61 : i32 to index
      %get3A_1308 = arith.index_cast %get3A_1306 : i32 to index
      %get3A_1309 = arith.constant 64 : index
      %get3A_1310 = tpu.vector_load %arg7[%get3A_1307, %get3A_1308, %get3A_1309] {strides = array<i32>} : memref<2x26x128xi32, #tpu.memory_space<vmem>>, vector<16xi32>,
      %gather3A_1311 = tpu.vector_load_idx %arg8[%add3A_1305, %get3A_1310] : memref<6656x16xf32, #tpu.memory_space<vmem>>[vector<16xi32>, vector<16xi32>], vector<16xf32>,
      %add3A_1312 = arith.addf %add3A_1302, %gather3A_1311 : vector<16xf32>
      %add3A_1313 = arith.constant 2048 : i32
      %add3A_1314 = vector.broadcast %add3A_1313 : i32 to vector<16xi32>
      %add3A_1315 = arith.addi %add3A_1156, %add3A_1314 : vector<16xi32>
      %get3A_1316 = arith.constant 16 : i32
      %get3A_1317 = arith.index_cast %rem3A_61 : i32 to index
      %get3A_1318 = arith.index_cast %get3A_1316 : i32 to index
      %get3A_1319 = arith.constant 64 : index
      %get3A_1320 = tpu.vector_load %arg7[%get3A_1317, %get3A_1318, %get3A_1319] {strides = array<i32>} : memref<2x26x128xi32, #tpu.memory_space<vmem>>, vector<16xi32>,
      %gather3A_1321 = tpu.vector_load_idx %arg8[%add3A_1315, %get3A_1320] : memref<6656x16xf32, #tpu.memory_space<vmem>>[vector<16xi32>, vector<16xi32>], vector<16xf32>,
      %add3A_1322 = arith.addf %add3A_1312, %gather3A_1321 : vector<16xf32>
      %add3A_1323 = arith.constant 2176 : i32
      %add3A_1324 = vector.broadcast %add3A_1323 : i32 to vector<16xi32>
      %add3A_1325 = arith.addi %add3A_1156, %add3A_1324 : vector<16xi32>
      %get3A_1326 = arith.constant 17 : i32
      %get3A_1327 = arith.index_cast %rem3A_61 : i32 to index
      %get3A_1328 = arith.index_cast %get3A_1326 : i32 to index
      %get3A_1329 = arith.constant 64 : index
      %get3A_1330 = tpu.vector_load %arg7[%get3A_1327, %get3A_1328, %get3A_1329] {strides = array<i32>} : memref<2x26x128xi32, #tpu.memory_space<vmem>>, vector<16xi32>,
      %gather3A_1331 = tpu.vector_load_idx %arg8[%add3A_1325, %get3A_1330] : memref<6656x16xf32, #tpu.memory_space<vmem>>[vector<16xi32>, vector<16xi32>], vector<16xf32>,
      %add3A_1332 = arith.addf %add3A_1322, %gather3A_1331 : vector<16xf32>
      %add3A_1333 = arith.constant 2304 : i32
      %add3A_1334 = vector.broadcast %add3A_1333 : i32 to vector<16xi32>
      %add3A_1335 = arith.addi %add3A_1156, %add3A_1334 : vector<16xi32>
      %get3A_1336 = arith.constant 18 : i32
      %get3A_1337 = arith.index_cast %rem3A_61 : i32 to index
      %get3A_1338 = arith.index_cast %get3A_1336 : i32 to index
      %get3A_1339 = arith.constant 64 : index
      %get3A_1340 = tpu.vector_load %arg7[%get3A_1337, %get3A_1338, %get3A_1339] {strides = array<i32>} : memref<2x26x128xi32, #tpu.memory_space<vmem>>, vector<16xi32>,
      %gather3A_1341 = tpu.vector_load_idx %arg8[%add3A_1335, %get3A_1340] : memref<6656x16xf32, #tpu.memory_space<vmem>>[vector<16xi32>, vector<16xi32>], vector<16xf32>,
      %add3A_1342 = arith.addf %add3A_1332, %gather3A_1341 : vector<16xf32>
      %add3A_1343 = arith.constant 2432 : i32
      %add3A_1344 = vector.broadcast %add3A_1343 : i32 to vector<16xi32>
      %add3A_1345 = arith.addi %add3A_1156, %add3A_1344 : vector<16xi32>
      %get3A_1346 = arith.constant 19 : i32
      %get3A_1347 = arith.index_cast %rem3A_61 : i32 to index
      %get3A_1348 = arith.index_cast %get3A_1346 : i32 to index
      %get3A_1349 = arith.constant 64 : index
      %get3A_1350 = tpu.vector_load %arg7[%get3A_1347, %get3A_1348, %get3A_1349] {strides = array<i32>} : memref<2x26x128xi32, #tpu.memory_space<vmem>>, vector<16xi32>,
      %gather3A_1351 = tpu.vector_load_idx %arg8[%add3A_1345, %get3A_1350] : memref<6656x16xf32, #tpu.memory_space<vmem>>[vector<16xi32>, vector<16xi32>], vector<16xf32>,
      %add3A_1352 = arith.addf %add3A_1342, %gather3A_1351 : vector<16xf32>
      %add3A_1353 = arith.constant 2560 : i32
      %add3A_1354 = vector.broadcast %add3A_1353 : i32 to vector<16xi32>
      %add3A_1355 = arith.addi %add3A_1156, %add3A_1354 : vector<16xi32>
      %get3A_1356 = arith.constant 20 : i32
      %get3A_1357 = arith.index_cast %rem3A_61 : i32 to index
      %get3A_1358 = arith.index_cast %get3A_1356 : i32 to index
      %get3A_1359 = arith.constant 64 : index
      %get3A_1360 = tpu.vector_load %arg7[%get3A_1357, %get3A_1358, %get3A_1359] {strides = array<i32>} : memref<2x26x128xi32, #tpu.memory_space<vmem>>, vector<16xi32>,
      %gather3A_1361 = tpu.vector_load_idx %arg8[%add3A_1355, %get3A_1360] : memref<6656x16xf32, #tpu.memory_space<vmem>>[vector<16xi32>, vector<16xi32>], vector<16xf32>,
      %add3A_1362 = arith.addf %add3A_1352, %gather3A_1361 : vector<16xf32>
      %add3A_1363 = arith.constant 2688 : i32
      %add3A_1364 = vector.broadcast %add3A_1363 : i32 to vector<16xi32>
      %add3A_1365 = arith.addi %add3A_1156, %add3A_1364 : vector<16xi32>
      %get3A_1366 = arith.constant 21 : i32
      %get3A_1367 = arith.index_cast %rem3A_61 : i32 to index
      %get3A_1368 = arith.index_cast %get3A_1366 : i32 to index
      %get3A_1369 = arith.constant 64 : index
      %get3A_1370 = tpu.vector_load %arg7[%get3A_1367, %get3A_1368, %get3A_1369] {strides = array<i32>} : memref<2x26x128xi32, #tpu.memory_space<vmem>>, vector<16xi32>,
      %gather3A_1371 = tpu.vector_load_idx %arg8[%add3A_1365, %get3A_1370] : memref<6656x16xf32, #tpu.memory_space<vmem>>[vector<16xi32>, vector<16xi32>], vector<16xf32>,
      %add3A_1372 = arith.addf %add3A_1362, %gather3A_1371 : vector<16xf32>
      %add3A_1373 = arith.constant 2816 : i32
      %add3A_1374 = vector.broadcast %add3A_1373 : i32 to vector<16xi32>
      %add3A_1375 = arith.addi %add3A_1156, %add3A_1374 : vector<16xi32>
      %get3A_1376 = arith.constant 22 : i32
      %get3A_1377 = arith.index_cast %rem3A_61 : i32 to index
      %get3A_1378 = arith.index_cast %get3A_1376 : i32 to index
      %get3A_1379 = arith.constant 64 : index
      %get3A_1380 = tpu.vector_load %arg7[%get3A_1377, %get3A_1378, %get3A_1379] {strides = array<i32>} : memref<2x26x128xi32, #tpu.memory_space<vmem>>, vector<16xi32>,
      %gather3A_1381 = tpu.vector_load_idx %arg8[%add3A_1375, %get3A_1380] : memref<6656x16xf32, #tpu.memory_space<vmem>>[vector<16xi32>, vector<16xi32>], vector<16xf32>,
      %add3A_1382 = arith.addf %add3A_1372, %gather3A_1381 : vector<16xf32>
      %add3A_1383 = arith.constant 2944 : i32
      %add3A_1384 = vector.broadcast %add3A_1383 : i32 to vector<16xi32>
      %add3A_1385 = arith.addi %add3A_1156, %add3A_1384 : vector<16xi32>
      %get3A_1386 = arith.constant 23 : i32
      %get3A_1387 = arith.index_cast %rem3A_61 : i32 to index
      %get3A_1388 = arith.index_cast %get3A_1386 : i32 to index
      %get3A_1389 = arith.constant 64 : index
      %get3A_1390 = tpu.vector_load %arg7[%get3A_1387, %get3A_1388, %get3A_1389] {strides = array<i32>} : memref<2x26x128xi32, #tpu.memory_space<vmem>>, vector<16xi32>,
      %gather3A_1391 = tpu.vector_load_idx %arg8[%add3A_1385, %get3A_1390] : memref<6656x16xf32, #tpu.memory_space<vmem>>[vector<16xi32>, vector<16xi32>], vector<16xf32>,
      %add3A_1392 = arith.addf %add3A_1382, %gather3A_1391 : vector<16xf32>
      %add3A_1393 = arith.constant 3072 : i32
      %add3A_1394 = vector.broadcast %add3A_1393 : i32 to vector<16xi32>
      %add3A_1395 = arith.addi %add3A_1156, %add3A_1394 : vector<16xi32>
      %get3A_1396 = arith.constant 24 : i32
      %get3A_1397 = arith.index_cast %rem3A_61 : i32 to index
      %get3A_1398 = arith.index_cast %get3A_1396 : i32 to index
      %get3A_1399 = arith.constant 64 : index
      %get3A_1400 = tpu.vector_load %arg7[%get3A_1397, %get3A_1398, %get3A_1399] {strides = array<i32>} : memref<2x26x128xi32, #tpu.memory_space<vmem>>, vector<16xi32>,
      %gather3A_1401 = tpu.vector_load_idx %arg8[%add3A_1395, %get3A_1400] : memref<6656x16xf32, #tpu.memory_space<vmem>>[vector<16xi32>, vector<16xi32>], vector<16xf32>,
      %add3A_1402 = arith.addf %add3A_1392, %gather3A_1401 : vector<16xf32>
      %add3A_1403 = arith.constant 3200 : i32
      %add3A_1404 = vector.broadcast %add3A_1403 : i32 to vector<16xi32>
      %add3A_1405 = arith.addi %add3A_1156, %add3A_1404 : vector<16xi32>
      %get3A_1406 = arith.constant 25 : i32
      %get3A_1407 = arith.index_cast %rem3A_61 : i32 to index
      %get3A_1408 = arith.index_cast %get3A_1406 : i32 to index
      %get3A_1409 = arith.constant 64 : index
      %get3A_1410 = tpu.vector_load %arg7[%get3A_1407, %get3A_1408, %get3A_1409] {strides = array<i32>} : memref<2x26x128xi32, #tpu.memory_space<vmem>>, vector<16xi32>,
      %gather3A_1411 = tpu.vector_load_idx %arg8[%add3A_1405, %get3A_1410] : memref<6656x16xf32, #tpu.memory_space<vmem>>[vector<16xi32>, vector<16xi32>], vector<16xf32>,
      %add3A_1412 = arith.addf %add3A_1402, %gather3A_1411 : vector<16xf32>
      %swap3A_1413 = arith.constant 0 : i32
      %swap3A_1414 = arith.index_cast %swap3A_1413 : i32 to index
      %swap3A_1415 = arith.constant 64 : index
      %swap3A_1416 = tpu.vector_load %arg9[%swap3A_1414, %swap3A_1415] {strides = array<i32>} : memref<1x128xf32, #tpu.memory_space<vmem>>, vector<16xf32>,
      tpu.vector_store %arg9[%swap3A_1414, %swap3A_1415], %add3A_1412 {strides = array<i32>} : memref<1x128xf32, #tpu.memory_space<vmem>>, vector<16xf32>,
      %mul3A_1417 = arith.constant 3328 : i32
      %mul3A_1418 = arith.muli %rem3A_61, %mul3A_1417 : i32
      %add3A_1419 = vector.broadcast %mul3A_1418 : i32 to vector<16xi32>
      %add3A_1420 = arith.addi %add3A_1419, %iota3A : vector<16xi32>
      %add3A_1421 = arith.constant 80 : i32
      %add3A_1422 = vector.broadcast %add3A_1421 : i32 to vector<16xi32>
      %add3A_1423 = arith.addi %add3A_1420, %add3A_1422 : vector<16xi32>
      %get3A_1424 = arith.constant 0 : i32
      %get3A_1425 = arith.index_cast %rem3A_61 : i32 to index
      %get3A_1426 = arith.index_cast %get3A_1424 : i32 to index
      %get3A_1427 = arith.constant 80 : index
      %get3A_1428 = tpu.vector_load %arg7[%get3A_1425, %get3A_1426, %get3A_1427] {strides = array<i32>} : memref<2x26x128xi32, #tpu.memory_space<vmem>>, vector<16xi32>,
      %gather3A_1429 = tpu.vector_load_idx %arg8[%add3A_1423, %get3A_1428] : memref<6656x16xf32, #tpu.memory_space<vmem>>[vector<16xi32>, vector<16xi32>], vector<16xf32>,
      %add3A_1430 = arith.constant 128 : i32
      %add3A_1431 = vector.broadcast %add3A_1430 : i32 to vector<16xi32>
      %add3A_1432 = arith.addi %add3A_1423, %add3A_1431 : vector<16xi32>
      %get3A_1433 = arith.constant 1 : i32
      %get3A_1434 = arith.index_cast %rem3A_61 : i32 to index
      %get3A_1435 = arith.index_cast %get3A_1433 : i32 to index
      %get3A_1436 = arith.constant 80 : index
      %get3A_1437 = tpu.vector_load %arg7[%get3A_1434, %get3A_1435, %get3A_1436] {strides = array<i32>} : memref<2x26x128xi32, #tpu.memory_space<vmem>>, vector<16xi32>,
      %gather3A_1438 = tpu.vector_load_idx %arg8[%add3A_1432, %get3A_1437] : memref<6656x16xf32, #tpu.memory_space<vmem>>[vector<16xi32>, vector<16xi32>], vector<16xf32>,
      %add3A_1439 = arith.addf %gather3A_1429, %gather3A_1438 : vector<16xf32>
      %add3A_1440 = arith.constant 256 : i32
      %add3A_1441 = vector.broadcast %add3A_1440 : i32 to vector<16xi32>
      %add3A_1442 = arith.addi %add3A_1423, %add3A_1441 : vector<16xi32>
      %get3A_1443 = arith.constant 2 : i32
      %get3A_1444 = arith.index_cast %rem3A_61 : i32 to index
      %get3A_1445 = arith.index_cast %get3A_1443 : i32 to index
      %get3A_1446 = arith.constant 80 : index
      %get3A_1447 = tpu.vector_load %arg7[%get3A_1444, %get3A_1445, %get3A_1446] {strides = array<i32>} : memref<2x26x128xi32, #tpu.memory_space<vmem>>, vector<16xi32>,
      %gather3A_1448 = tpu.vector_load_idx %arg8[%add3A_1442, %get3A_1447] : memref<6656x16xf32, #tpu.memory_space<vmem>>[vector<16xi32>, vector<16xi32>], vector<16xf32>,
      %add3A_1449 = arith.addf %add3A_1439, %gather3A_1448 : vector<16xf32>
      %add3A_1450 = arith.constant 384 : i32
      %add3A_1451 = vector.broadcast %add3A_1450 : i32 to vector<16xi32>
      %add3A_1452 = arith.addi %add3A_1423, %add3A_1451 : vector<16xi32>
      %get3A_1453 = arith.constant 3 : i32
      %get3A_1454 = arith.index_cast %rem3A_61 : i32 to index
      %get3A_1455 = arith.index_cast %get3A_1453 : i32 to index
      %get3A_1456 = arith.constant 80 : index
      %get3A_1457 = tpu.vector_load %arg7[%get3A_1454, %get3A_1455, %get3A_1456] {strides = array<i32>} : memref<2x26x128xi32, #tpu.memory_space<vmem>>, vector<16xi32>,
      %gather3A_1458 = tpu.vector_load_idx %arg8[%add3A_1452, %get3A_1457] : memref<6656x16xf32, #tpu.memory_space<vmem>>[vector<16xi32>, vector<16xi32>], vector<16xf32>,
      %add3A_1459 = arith.addf %add3A_1449, %gather3A_1458 : vector<16xf32>
      %add3A_1460 = arith.constant 512 : i32
      %add3A_1461 = vector.broadcast %add3A_1460 : i32 to vector<16xi32>
      %add3A_1462 = arith.addi %add3A_1423, %add3A_1461 : vector<16xi32>
      %get3A_1463 = arith.constant 4 : i32
      %get3A_1464 = arith.index_cast %rem3A_61 : i32 to index
      %get3A_1465 = arith.index_cast %get3A_1463 : i32 to index
      %get3A_1466 = arith.constant 80 : index
      %get3A_1467 = tpu.vector_load %arg7[%get3A_1464, %get3A_1465, %get3A_1466] {strides = array<i32>} : memref<2x26x128xi32, #tpu.memory_space<vmem>>, vector<16xi32>,
      %gather3A_1468 = tpu.vector_load_idx %arg8[%add3A_1462, %get3A_1467] : memref<6656x16xf32, #tpu.memory_space<vmem>>[vector<16xi32>, vector<16xi32>], vector<16xf32>,
      %add3A_1469 = arith.addf %add3A_1459, %gather3A_1468 : vector<16xf32>
      %add3A_1470 = arith.constant 640 : i32
      %add3A_1471 = vector.broadcast %add3A_1470 : i32 to vector<16xi32>
      %add3A_1472 = arith.addi %add3A_1423, %add3A_1471 : vector<16xi32>
      %get3A_1473 = arith.constant 5 : i32
      %get3A_1474 = arith.index_cast %rem3A_61 : i32 to index
      %get3A_1475 = arith.index_cast %get3A_1473 : i32 to index
      %get3A_1476 = arith.constant 80 : index
      %get3A_1477 = tpu.vector_load %arg7[%get3A_1474, %get3A_1475, %get3A_1476] {strides = array<i32>} : memref<2x26x128xi32, #tpu.memory_space<vmem>>, vector<16xi32>,
      %gather3A_1478 = tpu.vector_load_idx %arg8[%add3A_1472, %get3A_1477] : memref<6656x16xf32, #tpu.memory_space<vmem>>[vector<16xi32>, vector<16xi32>], vector<16xf32>,
      %add3A_1479 = arith.addf %add3A_1469, %gather3A_1478 : vector<16xf32>
      %add3A_1480 = arith.constant 768 : i32
      %add3A_1481 = vector.broadcast %add3A_1480 : i32 to vector<16xi32>
      %add3A_1482 = arith.addi %add3A_1423, %add3A_1481 : vector<16xi32>
      %get3A_1483 = arith.constant 6 : i32
      %get3A_1484 = arith.index_cast %rem3A_61 : i32 to index
      %get3A_1485 = arith.index_cast %get3A_1483 : i32 to index
      %get3A_1486 = arith.constant 80 : index
      %get3A_1487 = tpu.vector_load %arg7[%get3A_1484, %get3A_1485, %get3A_1486] {strides = array<i32>} : memref<2x26x128xi32, #tpu.memory_space<vmem>>, vector<16xi32>,
      %gather3A_1488 = tpu.vector_load_idx %arg8[%add3A_1482, %get3A_1487] : memref<6656x16xf32, #tpu.memory_space<vmem>>[vector<16xi32>, vector<16xi32>], vector<16xf32>,
      %add3A_1489 = arith.addf %add3A_1479, %gather3A_1488 : vector<16xf32>
      %add3A_1490 = arith.constant 896 : i32
      %add3A_1491 = vector.broadcast %add3A_1490 : i32 to vector<16xi32>
      %add3A_1492 = arith.addi %add3A_1423, %add3A_1491 : vector<16xi32>
      %get3A_1493 = arith.constant 7 : i32
      %get3A_1494 = arith.index_cast %rem3A_61 : i32 to index
      %get3A_1495 = arith.index_cast %get3A_1493 : i32 to index
      %get3A_1496 = arith.constant 80 : index
      %get3A_1497 = tpu.vector_load %arg7[%get3A_1494, %get3A_1495, %get3A_1496] {strides = array<i32>} : memref<2x26x128xi32, #tpu.memory_space<vmem>>, vector<16xi32>,
      %gather3A_1498 = tpu.vector_load_idx %arg8[%add3A_1492, %get3A_1497] : memref<6656x16xf32, #tpu.memory_space<vmem>>[vector<16xi32>, vector<16xi32>], vector<16xf32>,
      %add3A_1499 = arith.addf %add3A_1489, %gather3A_1498 : vector<16xf32>
      %add3A_1500 = arith.constant 1024 : i32
      %add3A_1501 = vector.broadcast %add3A_1500 : i32 to vector<16xi32>
      %add3A_1502 = arith.addi %add3A_1423, %add3A_1501 : vector<16xi32>
      %get3A_1503 = arith.constant 8 : i32
      %get3A_1504 = arith.index_cast %rem3A_61 : i32 to index
      %get3A_1505 = arith.index_cast %get3A_1503 : i32 to index
      %get3A_1506 = arith.constant 80 : index
      %get3A_1507 = tpu.vector_load %arg7[%get3A_1504, %get3A_1505, %get3A_1506] {strides = array<i32>} : memref<2x26x128xi32, #tpu.memory_space<vmem>>, vector<16xi32>,
      %gather3A_1508 = tpu.vector_load_idx %arg8[%add3A_1502, %get3A_1507] : memref<6656x16xf32, #tpu.memory_space<vmem>>[vector<16xi32>, vector<16xi32>], vector<16xf32>,
      %add3A_1509 = arith.addf %add3A_1499, %gather3A_1508 : vector<16xf32>
      %add3A_1510 = arith.constant 1152 : i32
      %add3A_1511 = vector.broadcast %add3A_1510 : i32 to vector<16xi32>
      %add3A_1512 = arith.addi %add3A_1423, %add3A_1511 : vector<16xi32>
      %get3A_1513 = arith.constant 9 : i32
      %get3A_1514 = arith.index_cast %rem3A_61 : i32 to index
      %get3A_1515 = arith.index_cast %get3A_1513 : i32 to index
      %get3A_1516 = arith.constant 80 : index
      %get3A_1517 = tpu.vector_load %arg7[%get3A_1514, %get3A_1515, %get3A_1516] {strides = array<i32>} : memref<2x26x128xi32, #tpu.memory_space<vmem>>, vector<16xi32>,
      %gather3A_1518 = tpu.vector_load_idx %arg8[%add3A_1512, %get3A_1517] : memref<6656x16xf32, #tpu.memory_space<vmem>>[vector<16xi32>, vector<16xi32>], vector<16xf32>,
      %add3A_1519 = arith.addf %add3A_1509, %gather3A_1518 : vector<16xf32>
      %add3A_1520 = arith.constant 1280 : i32
      %add3A_1521 = vector.broadcast %add3A_1520 : i32 to vector<16xi32>
      %add3A_1522 = arith.addi %add3A_1423, %add3A_1521 : vector<16xi32>
      %get3A_1523 = arith.constant 10 : i32
      %get3A_1524 = arith.index_cast %rem3A_61 : i32 to index
      %get3A_1525 = arith.index_cast %get3A_1523 : i32 to index
      %get3A_1526 = arith.constant 80 : index
      %get3A_1527 = tpu.vector_load %arg7[%get3A_1524, %get3A_1525, %get3A_1526] {strides = array<i32>} : memref<2x26x128xi32, #tpu.memory_space<vmem>>, vector<16xi32>,
      %gather3A_1528 = tpu.vector_load_idx %arg8[%add3A_1522, %get3A_1527] : memref<6656x16xf32, #tpu.memory_space<vmem>>[vector<16xi32>, vector<16xi32>], vector<16xf32>,
      %add3A_1529 = arith.addf %add3A_1519, %gather3A_1528 : vector<16xf32>
      %add3A_1530 = arith.constant 1408 : i32
      %add3A_1531 = vector.broadcast %add3A_1530 : i32 to vector<16xi32>
      %add3A_1532 = arith.addi %add3A_1423, %add3A_1531 : vector<16xi32>
      %get3A_1533 = arith.constant 11 : i32
      %get3A_1534 = arith.index_cast %rem3A_61 : i32 to index
      %get3A_1535 = arith.index_cast %get3A_1533 : i32 to index
      %get3A_1536 = arith.constant 80 : index
      %get3A_1537 = tpu.vector_load %arg7[%get3A_1534, %get3A_1535, %get3A_1536] {strides = array<i32>} : memref<2x26x128xi32, #tpu.memory_space<vmem>>, vector<16xi32>,
      %gather3A_1538 = tpu.vector_load_idx %arg8[%add3A_1532, %get3A_1537] : memref<6656x16xf32, #tpu.memory_space<vmem>>[vector<16xi32>, vector<16xi32>], vector<16xf32>,
      %add3A_1539 = arith.addf %add3A_1529, %gather3A_1538 : vector<16xf32>
      %add3A_1540 = arith.constant 1536 : i32
      %add3A_1541 = vector.broadcast %add3A_1540 : i32 to vector<16xi32>
      %add3A_1542 = arith.addi %add3A_1423, %add3A_1541 : vector<16xi32>
      %get3A_1543 = arith.constant 12 : i32
      %get3A_1544 = arith.index_cast %rem3A_61 : i32 to index
      %get3A_1545 = arith.index_cast %get3A_1543 : i32 to index
      %get3A_1546 = arith.constant 80 : index
      %get3A_1547 = tpu.vector_load %arg7[%get3A_1544, %get3A_1545, %get3A_1546] {strides = array<i32>} : memref<2x26x128xi32, #tpu.memory_space<vmem>>, vector<16xi32>,
      %gather3A_1548 = tpu.vector_load_idx %arg8[%add3A_1542, %get3A_1547] : memref<6656x16xf32, #tpu.memory_space<vmem>>[vector<16xi32>, vector<16xi32>], vector<16xf32>,
      %add3A_1549 = arith.addf %add3A_1539, %gather3A_1548 : vector<16xf32>
      %add3A_1550 = arith.constant 1664 : i32
      %add3A_1551 = vector.broadcast %add3A_1550 : i32 to vector<16xi32>
      %add3A_1552 = arith.addi %add3A_1423, %add3A_1551 : vector<16xi32>
      %get3A_1553 = arith.constant 13 : i32
      %get3A_1554 = arith.index_cast %rem3A_61 : i32 to index
      %get3A_1555 = arith.index_cast %get3A_1553 : i32 to index
      %get3A_1556 = arith.constant 80 : index
      %get3A_1557 = tpu.vector_load %arg7[%get3A_1554, %get3A_1555, %get3A_1556] {strides = array<i32>} : memref<2x26x128xi32, #tpu.memory_space<vmem>>, vector<16xi32>,
      %gather3A_1558 = tpu.vector_load_idx %arg8[%add3A_1552, %get3A_1557] : memref<6656x16xf32, #tpu.memory_space<vmem>>[vector<16xi32>, vector<16xi32>], vector<16xf32>,
      %add3A_1559 = arith.addf %add3A_1549, %gather3A_1558 : vector<16xf32>
      %add3A_1560 = arith.constant 1792 : i32
      %add3A_1561 = vector.broadcast %add3A_1560 : i32 to vector<16xi32>
      %add3A_1562 = arith.addi %add3A_1423, %add3A_1561 : vector<16xi32>
      %get3A_1563 = arith.constant 14 : i32
      %get3A_1564 = arith.index_cast %rem3A_61 : i32 to index
      %get3A_1565 = arith.index_cast %get3A_1563 : i32 to index
      %get3A_1566 = arith.constant 80 : index
      %get3A_1567 = tpu.vector_load %arg7[%get3A_1564, %get3A_1565, %get3A_1566] {strides = array<i32>} : memref<2x26x128xi32, #tpu.memory_space<vmem>>, vector<16xi32>,
      %gather3A_1568 = tpu.vector_load_idx %arg8[%add3A_1562, %get3A_1567] : memref<6656x16xf32, #tpu.memory_space<vmem>>[vector<16xi32>, vector<16xi32>], vector<16xf32>,
      %add3A_1569 = arith.addf %add3A_1559, %gather3A_1568 : vector<16xf32>
      %add3A_1570 = arith.constant 1920 : i32
      %add3A_1571 = vector.broadcast %add3A_1570 : i32 to vector<16xi32>
      %add3A_1572 = arith.addi %add3A_1423, %add3A_1571 : vector<16xi32>
      %get3A_1573 = arith.constant 15 : i32
      %get3A_1574 = arith.index_cast %rem3A_61 : i32 to index
      %get3A_1575 = arith.index_cast %get3A_1573 : i32 to index
      %get3A_1576 = arith.constant 80 : index
      %get3A_1577 = tpu.vector_load %arg7[%get3A_1574, %get3A_1575, %get3A_1576] {strides = array<i32>} : memref<2x26x128xi32, #tpu.memory_space<vmem>>, vector<16xi32>,
      %gather3A_1578 = tpu.vector_load_idx %arg8[%add3A_1572, %get3A_1577] : memref<6656x16xf32, #tpu.memory_space<vmem>>[vector<16xi32>, vector<16xi32>], vector<16xf32>,
      %add3A_1579 = arith.addf %add3A_1569, %gather3A_1578 : vector<16xf32>
      %add3A_1580 = arith.constant 2048 : i32
      %add3A_1581 = vector.broadcast %add3A_1580 : i32 to vector<16xi32>
      %add3A_1582 = arith.addi %add3A_1423, %add3A_1581 : vector<16xi32>
      %get3A_1583 = arith.constant 16 : i32
      %get3A_1584 = arith.index_cast %rem3A_61 : i32 to index
      %get3A_1585 = arith.index_cast %get3A_1583 : i32 to index
      %get3A_1586 = arith.constant 80 : index
      %get3A_1587 = tpu.vector_load %arg7[%get3A_1584, %get3A_1585, %get3A_1586] {strides = array<i32>} : memref<2x26x128xi32, #tpu.memory_space<vmem>>, vector<16xi32>,
      %gather3A_1588 = tpu.vector_load_idx %arg8[%add3A_1582, %get3A_1587] : memref<6656x16xf32, #tpu.memory_space<vmem>>[vector<16xi32>, vector<16xi32>], vector<16xf32>,
      %add3A_1589 = arith.addf %add3A_1579, %gather3A_1588 : vector<16xf32>
      %add3A_1590 = arith.constant 2176 : i32
      %add3A_1591 = vector.broadcast %add3A_1590 : i32 to vector<16xi32>
      %add3A_1592 = arith.addi %add3A_1423, %add3A_1591 : vector<16xi32>
      %get3A_1593 = arith.constant 17 : i32
      %get3A_1594 = arith.index_cast %rem3A_61 : i32 to index
      %get3A_1595 = arith.index_cast %get3A_1593 : i32 to index
      %get3A_1596 = arith.constant 80 : index
      %get3A_1597 = tpu.vector_load %arg7[%get3A_1594, %get3A_1595, %get3A_1596] {strides = array<i32>} : memref<2x26x128xi32, #tpu.memory_space<vmem>>, vector<16xi32>,
      %gather3A_1598 = tpu.vector_load_idx %arg8[%add3A_1592, %get3A_1597] : memref<6656x16xf32, #tpu.memory_space<vmem>>[vector<16xi32>, vector<16xi32>], vector<16xf32>,
      %add3A_1599 = arith.addf %add3A_1589, %gather3A_1598 : vector<16xf32>
      %add3A_1600 = arith.constant 2304 : i32
      %add3A_1601 = vector.broadcast %add3A_1600 : i32 to vector<16xi32>
      %add3A_1602 = arith.addi %add3A_1423, %add3A_1601 : vector<16xi32>
      %get3A_1603 = arith.constant 18 : i32
      %get3A_1604 = arith.index_cast %rem3A_61 : i32 to index
      %get3A_1605 = arith.index_cast %get3A_1603 : i32 to index
      %get3A_1606 = arith.constant 80 : index
      %get3A_1607 = tpu.vector_load %arg7[%get3A_1604, %get3A_1605, %get3A_1606] {strides = array<i32>} : memref<2x26x128xi32, #tpu.memory_space<vmem>>, vector<16xi32>,
      %gather3A_1608 = tpu.vector_load_idx %arg8[%add3A_1602, %get3A_1607] : memref<6656x16xf32, #tpu.memory_space<vmem>>[vector<16xi32>, vector<16xi32>], vector<16xf32>,
      %add3A_1609 = arith.addf %add3A_1599, %gather3A_1608 : vector<16xf32>
      %add3A_1610 = arith.constant 2432 : i32
      %add3A_1611 = vector.broadcast %add3A_1610 : i32 to vector<16xi32>
      %add3A_1612 = arith.addi %add3A_1423, %add3A_1611 : vector<16xi32>
      %get3A_1613 = arith.constant 19 : i32
      %get3A_1614 = arith.index_cast %rem3A_61 : i32 to index
      %get3A_1615 = arith.index_cast %get3A_1613 : i32 to index
      %get3A_1616 = arith.constant 80 : index
      %get3A_1617 = tpu.vector_load %arg7[%get3A_1614, %get3A_1615, %get3A_1616] {strides = array<i32>} : memref<2x26x128xi32, #tpu.memory_space<vmem>>, vector<16xi32>,
      %gather3A_1618 = tpu.vector_load_idx %arg8[%add3A_1612, %get3A_1617] : memref<6656x16xf32, #tpu.memory_space<vmem>>[vector<16xi32>, vector<16xi32>], vector<16xf32>,
      %add3A_1619 = arith.addf %add3A_1609, %gather3A_1618 : vector<16xf32>
      %add3A_1620 = arith.constant 2560 : i32
      %add3A_1621 = vector.broadcast %add3A_1620 : i32 to vector<16xi32>
      %add3A_1622 = arith.addi %add3A_1423, %add3A_1621 : vector<16xi32>
      %get3A_1623 = arith.constant 20 : i32
      %get3A_1624 = arith.index_cast %rem3A_61 : i32 to index
      %get3A_1625 = arith.index_cast %get3A_1623 : i32 to index
      %get3A_1626 = arith.constant 80 : index
      %get3A_1627 = tpu.vector_load %arg7[%get3A_1624, %get3A_1625, %get3A_1626] {strides = array<i32>} : memref<2x26x128xi32, #tpu.memory_space<vmem>>, vector<16xi32>,
      %gather3A_1628 = tpu.vector_load_idx %arg8[%add3A_1622, %get3A_1627] : memref<6656x16xf32, #tpu.memory_space<vmem>>[vector<16xi32>, vector<16xi32>], vector<16xf32>,
      %add3A_1629 = arith.addf %add3A_1619, %gather3A_1628 : vector<16xf32>
      %add3A_1630 = arith.constant 2688 : i32
      %add3A_1631 = vector.broadcast %add3A_1630 : i32 to vector<16xi32>
      %add3A_1632 = arith.addi %add3A_1423, %add3A_1631 : vector<16xi32>
      %get3A_1633 = arith.constant 21 : i32
      %get3A_1634 = arith.index_cast %rem3A_61 : i32 to index
      %get3A_1635 = arith.index_cast %get3A_1633 : i32 to index
      %get3A_1636 = arith.constant 80 : index
      %get3A_1637 = tpu.vector_load %arg7[%get3A_1634, %get3A_1635, %get3A_1636] {strides = array<i32>} : memref<2x26x128xi32, #tpu.memory_space<vmem>>, vector<16xi32>,
      %gather3A_1638 = tpu.vector_load_idx %arg8[%add3A_1632, %get3A_1637] : memref<6656x16xf32, #tpu.memory_space<vmem>>[vector<16xi32>, vector<16xi32>], vector<16xf32>,
      %add3A_1639 = arith.addf %add3A_1629, %gather3A_1638 : vector<16xf32>
      %add3A_1640 = arith.constant 2816 : i32
      %add3A_1641 = vector.broadcast %add3A_1640 : i32 to vector<16xi32>
      %add3A_1642 = arith.addi %add3A_1423, %add3A_1641 : vector<16xi32>
      %get3A_1643 = arith.constant 22 : i32
      %get3A_1644 = arith.index_cast %rem3A_61 : i32 to index
      %get3A_1645 = arith.index_cast %get3A_1643 : i32 to index
      %get3A_1646 = arith.constant 80 : index
      %get3A_1647 = tpu.vector_load %arg7[%get3A_1644, %get3A_1645, %get3A_1646] {strides = array<i32>} : memref<2x26x128xi32, #tpu.memory_space<vmem>>, vector<16xi32>,
      %gather3A_1648 = tpu.vector_load_idx %arg8[%add3A_1642, %get3A_1647] : memref<6656x16xf32, #tpu.memory_space<vmem>>[vector<16xi32>, vector<16xi32>], vector<16xf32>,
      %add3A_1649 = arith.addf %add3A_1639, %gather3A_1648 : vector<16xf32>
      %add3A_1650 = arith.constant 2944 : i32
      %add3A_1651 = vector.broadcast %add3A_1650 : i32 to vector<16xi32>
      %add3A_1652 = arith.addi %add3A_1423, %add3A_1651 : vector<16xi32>
      %get3A_1653 = arith.constant 23 : i32
      %get3A_1654 = arith.index_cast %rem3A_61 : i32 to index
      %get3A_1655 = arith.index_cast %get3A_1653 : i32 to index
      %get3A_1656 = arith.constant 80 : index
      %get3A_1657 = tpu.vector_load %arg7[%get3A_1654, %get3A_1655, %get3A_1656] {strides = array<i32>} : memref<2x26x128xi32, #tpu.memory_space<vmem>>, vector<16xi32>,
      %gather3A_1658 = tpu.vector_load_idx %arg8[%add3A_1652, %get3A_1657] : memref<6656x16xf32, #tpu.memory_space<vmem>>[vector<16xi32>, vector<16xi32>], vector<16xf32>,
      %add3A_1659 = arith.addf %add3A_1649, %gather3A_1658 : vector<16xf32>
      %add3A_1660 = arith.constant 3072 : i32
      %add3A_1661 = vector.broadcast %add3A_1660 : i32 to vector<16xi32>
      %add3A_1662 = arith.addi %add3A_1423, %add3A_1661 : vector<16xi32>
      %get3A_1663 = arith.constant 24 : i32
      %get3A_1664 = arith.index_cast %rem3A_61 : i32 to index
      %get3A_1665 = arith.index_cast %get3A_1663 : i32 to index
      %get3A_1666 = arith.constant 80 : index
      %get3A_1667 = tpu.vector_load %arg7[%get3A_1664, %get3A_1665, %get3A_1666] {strides = array<i32>} : memref<2x26x128xi32, #tpu.memory_space<vmem>>, vector<16xi32>,
      %gather3A_1668 = tpu.vector_load_idx %arg8[%add3A_1662, %get3A_1667] : memref<6656x16xf32, #tpu.memory_space<vmem>>[vector<16xi32>, vector<16xi32>], vector<16xf32>,
      %add3A_1669 = arith.addf %add3A_1659, %gather3A_1668 : vector<16xf32>
      %add3A_1670 = arith.constant 3200 : i32
      %add3A_1671 = vector.broadcast %add3A_1670 : i32 to vector<16xi32>
      %add3A_1672 = arith.addi %add3A_1423, %add3A_1671 : vector<16xi32>
      %get3A_1673 = arith.constant 25 : i32
      %get3A_1674 = arith.index_cast %rem3A_61 : i32 to index
      %get3A_1675 = arith.index_cast %get3A_1673 : i32 to index
      %get3A_1676 = arith.constant 80 : index
      %get3A_1677 = tpu.vector_load %arg7[%get3A_1674, %get3A_1675, %get3A_1676] {strides = array<i32>} : memref<2x26x128xi32, #tpu.memory_space<vmem>>, vector<16xi32>,
      %gather3A_1678 = tpu.vector_load_idx %arg8[%add3A_1672, %get3A_1677] : memref<6656x16xf32, #tpu.memory_space<vmem>>[vector<16xi32>, vector<16xi32>], vector<16xf32>,
      %add3A_1679 = arith.addf %add3A_1669, %gather3A_1678 : vector<16xf32>
      %swap3A_1680 = arith.constant 0 : i32
      %swap3A_1681 = arith.index_cast %swap3A_1680 : i32 to index
      %swap3A_1682 = arith.constant 80 : index
      %swap3A_1683 = tpu.vector_load %arg9[%swap3A_1681, %swap3A_1682] {strides = array<i32>} : memref<1x128xf32, #tpu.memory_space<vmem>>, vector<16xf32>,
      tpu.vector_store %arg9[%swap3A_1681, %swap3A_1682], %add3A_1679 {strides = array<i32>} : memref<1x128xf32, #tpu.memory_space<vmem>>, vector<16xf32>,
      %mul3A_1684 = arith.constant 3328 : i32
      %mul3A_1685 = arith.muli %rem3A_61, %mul3A_1684 : i32
      %add3A_1686 = vector.broadcast %mul3A_1685 : i32 to vector<16xi32>
      %add3A_1687 = arith.addi %add3A_1686, %iota3A : vector<16xi32>
      %add3A_1688 = arith.constant 96 : i32
      %add3A_1689 = vector.broadcast %add3A_1688 : i32 to vector<16xi32>
      %add3A_1690 = arith.addi %add3A_1687, %add3A_1689 : vector<16xi32>
      %get3A_1691 = arith.constant 0 : i32
      %get3A_1692 = arith.index_cast %rem3A_61 : i32 to index
      %get3A_1693 = arith.index_cast %get3A_1691 : i32 to index
      %get3A_1694 = arith.constant 96 : index
      %get3A_1695 = tpu.vector_load %arg7[%get3A_1692, %get3A_1693, %get3A_1694] {strides = array<i32>} : memref<2x26x128xi32, #tpu.memory_space<vmem>>, vector<16xi32>,
      %gather3A_1696 = tpu.vector_load_idx %arg8[%add3A_1690, %get3A_1695] : memref<6656x16xf32, #tpu.memory_space<vmem>>[vector<16xi32>, vector<16xi32>], vector<16xf32>,
      %add3A_1697 = arith.constant 128 : i32
      %add3A_1698 = vector.broadcast %add3A_1697 : i32 to vector<16xi32>
      %add3A_1699 = arith.addi %add3A_1690, %add3A_1698 : vector<16xi32>
      %get3A_1700 = arith.constant 1 : i32
      %get3A_1701 = arith.index_cast %rem3A_61 : i32 to index
      %get3A_1702 = arith.index_cast %get3A_1700 : i32 to index
      %get3A_1703 = arith.constant 96 : index
      %get3A_1704 = tpu.vector_load %arg7[%get3A_1701, %get3A_1702, %get3A_1703] {strides = array<i32>} : memref<2x26x128xi32, #tpu.memory_space<vmem>>, vector<16xi32>,
      %gather3A_1705 = tpu.vector_load_idx %arg8[%add3A_1699, %get3A_1704] : memref<6656x16xf32, #tpu.memory_space<vmem>>[vector<16xi32>, vector<16xi32>], vector<16xf32>,
      %add3A_1706 = arith.addf %gather3A_1696, %gather3A_1705 : vector<16xf32>
      %add3A_1707 = arith.constant 256 : i32
      %add3A_1708 = vector.broadcast %add3A_1707 : i32 to vector<16xi32>
      %add3A_1709 = arith.addi %add3A_1690, %add3A_1708 : vector<16xi32>
      %get3A_1710 = arith.constant 2 : i32
      %get3A_1711 = arith.index_cast %rem3A_61 : i32 to index
      %get3A_1712 = arith.index_cast %get3A_1710 : i32 to index
      %get3A_1713 = arith.constant 96 : index
      %get3A_1714 = tpu.vector_load %arg7[%get3A_1711, %get3A_1712, %get3A_1713] {strides = array<i32>} : memref<2x26x128xi32, #tpu.memory_space<vmem>>, vector<16xi32>,
      %gather3A_1715 = tpu.vector_load_idx %arg8[%add3A_1709, %get3A_1714] : memref<6656x16xf32, #tpu.memory_space<vmem>>[vector<16xi32>, vector<16xi32>], vector<16xf32>,
      %add3A_1716 = arith.addf %add3A_1706, %gather3A_1715 : vector<16xf32>
      %add3A_1717 = arith.constant 384 : i32
      %add3A_1718 = vector.broadcast %add3A_1717 : i32 to vector<16xi32>
      %add3A_1719 = arith.addi %add3A_1690, %add3A_1718 : vector<16xi32>
      %get3A_1720 = arith.constant 3 : i32
      %get3A_1721 = arith.index_cast %rem3A_61 : i32 to index
      %get3A_1722 = arith.index_cast %get3A_1720 : i32 to index
      %get3A_1723 = arith.constant 96 : index
      %get3A_1724 = tpu.vector_load %arg7[%get3A_1721, %get3A_1722, %get3A_1723] {strides = array<i32>} : memref<2x26x128xi32, #tpu.memory_space<vmem>>, vector<16xi32>,
      %gather3A_1725 = tpu.vector_load_idx %arg8[%add3A_1719, %get3A_1724] : memref<6656x16xf32, #tpu.memory_space<vmem>>[vector<16xi32>, vector<16xi32>], vector<16xf32>,
      %add3A_1726 = arith.addf %add3A_1716, %gather3A_1725 : vector<16xf32>
      %add3A_1727 = arith.constant 512 : i32
      %add3A_1728 = vector.broadcast %add3A_1727 : i32 to vector<16xi32>
      %add3A_1729 = arith.addi %add3A_1690, %add3A_1728 : vector<16xi32>
      %get3A_1730 = arith.constant 4 : i32
      %get3A_1731 = arith.index_cast %rem3A_61 : i32 to index
      %get3A_1732 = arith.index_cast %get3A_1730 : i32 to index
      %get3A_1733 = arith.constant 96 : index
      %get3A_1734 = tpu.vector_load %arg7[%get3A_1731, %get3A_1732, %get3A_1733] {strides = array<i32>} : memref<2x26x128xi32, #tpu.memory_space<vmem>>, vector<16xi32>,
      %gather3A_1735 = tpu.vector_load_idx %arg8[%add3A_1729, %get3A_1734] : memref<6656x16xf32, #tpu.memory_space<vmem>>[vector<16xi32>, vector<16xi32>], vector<16xf32>,
      %add3A_1736 = arith.addf %add3A_1726, %gather3A_1735 : vector<16xf32>
      %add3A_1737 = arith.constant 640 : i32
      %add3A_1738 = vector.broadcast %add3A_1737 : i32 to vector<16xi32>
      %add3A_1739 = arith.addi %add3A_1690, %add3A_1738 : vector<16xi32>
      %get3A_1740 = arith.constant 5 : i32
      %get3A_1741 = arith.index_cast %rem3A_61 : i32 to index
      %get3A_1742 = arith.index_cast %get3A_1740 : i32 to index
      %get3A_1743 = arith.constant 96 : index
      %get3A_1744 = tpu.vector_load %arg7[%get3A_1741, %get3A_1742, %get3A_1743] {strides = array<i32>} : memref<2x26x128xi32, #tpu.memory_space<vmem>>, vector<16xi32>,
      %gather3A_1745 = tpu.vector_load_idx %arg8[%add3A_1739, %get3A_1744] : memref<6656x16xf32, #tpu.memory_space<vmem>>[vector<16xi32>, vector<16xi32>], vector<16xf32>,
      %add3A_1746 = arith.addf %add3A_1736, %gather3A_1745 : vector<16xf32>
      %add3A_1747 = arith.constant 768 : i32
      %add3A_1748 = vector.broadcast %add3A_1747 : i32 to vector<16xi32>
      %add3A_1749 = arith.addi %add3A_1690, %add3A_1748 : vector<16xi32>
      %get3A_1750 = arith.constant 6 : i32
      %get3A_1751 = arith.index_cast %rem3A_61 : i32 to index
      %get3A_1752 = arith.index_cast %get3A_1750 : i32 to index
      %get3A_1753 = arith.constant 96 : index
      %get3A_1754 = tpu.vector_load %arg7[%get3A_1751, %get3A_1752, %get3A_1753] {strides = array<i32>} : memref<2x26x128xi32, #tpu.memory_space<vmem>>, vector<16xi32>,
      %gather3A_1755 = tpu.vector_load_idx %arg8[%add3A_1749, %get3A_1754] : memref<6656x16xf32, #tpu.memory_space<vmem>>[vector<16xi32>, vector<16xi32>], vector<16xf32>,
      %add3A_1756 = arith.addf %add3A_1746, %gather3A_1755 : vector<16xf32>
      %add3A_1757 = arith.constant 896 : i32
      %add3A_1758 = vector.broadcast %add3A_1757 : i32 to vector<16xi32>
      %add3A_1759 = arith.addi %add3A_1690, %add3A_1758 : vector<16xi32>
      %get3A_1760 = arith.constant 7 : i32
      %get3A_1761 = arith.index_cast %rem3A_61 : i32 to index
      %get3A_1762 = arith.index_cast %get3A_1760 : i32 to index
      %get3A_1763 = arith.constant 96 : index
      %get3A_1764 = tpu.vector_load %arg7[%get3A_1761, %get3A_1762, %get3A_1763] {strides = array<i32>} : memref<2x26x128xi32, #tpu.memory_space<vmem>>, vector<16xi32>,
      %gather3A_1765 = tpu.vector_load_idx %arg8[%add3A_1759, %get3A_1764] : memref<6656x16xf32, #tpu.memory_space<vmem>>[vector<16xi32>, vector<16xi32>], vector<16xf32>,
      %add3A_1766 = arith.addf %add3A_1756, %gather3A_1765 : vector<16xf32>
      %add3A_1767 = arith.constant 1024 : i32
      %add3A_1768 = vector.broadcast %add3A_1767 : i32 to vector<16xi32>
      %add3A_1769 = arith.addi %add3A_1690, %add3A_1768 : vector<16xi32>
      %get3A_1770 = arith.constant 8 : i32
      %get3A_1771 = arith.index_cast %rem3A_61 : i32 to index
      %get3A_1772 = arith.index_cast %get3A_1770 : i32 to index
      %get3A_1773 = arith.constant 96 : index
      %get3A_1774 = tpu.vector_load %arg7[%get3A_1771, %get3A_1772, %get3A_1773] {strides = array<i32>} : memref<2x26x128xi32, #tpu.memory_space<vmem>>, vector<16xi32>,
      %gather3A_1775 = tpu.vector_load_idx %arg8[%add3A_1769, %get3A_1774] : memref<6656x16xf32, #tpu.memory_space<vmem>>[vector<16xi32>, vector<16xi32>], vector<16xf32>,
      %add3A_1776 = arith.addf %add3A_1766, %gather3A_1775 : vector<16xf32>
      %add3A_1777 = arith.constant 1152 : i32
      %add3A_1778 = vector.broadcast %add3A_1777 : i32 to vector<16xi32>
      %add3A_1779 = arith.addi %add3A_1690, %add3A_1778 : vector<16xi32>
      %get3A_1780 = arith.constant 9 : i32
      %get3A_1781 = arith.index_cast %rem3A_61 : i32 to index
      %get3A_1782 = arith.index_cast %get3A_1780 : i32 to index
      %get3A_1783 = arith.constant 96 : index
      %get3A_1784 = tpu.vector_load %arg7[%get3A_1781, %get3A_1782, %get3A_1783] {strides = array<i32>} : memref<2x26x128xi32, #tpu.memory_space<vmem>>, vector<16xi32>,
      %gather3A_1785 = tpu.vector_load_idx %arg8[%add3A_1779, %get3A_1784] : memref<6656x16xf32, #tpu.memory_space<vmem>>[vector<16xi32>, vector<16xi32>], vector<16xf32>,
      %add3A_1786 = arith.addf %add3A_1776, %gather3A_1785 : vector<16xf32>
      %add3A_1787 = arith.constant 1280 : i32
      %add3A_1788 = vector.broadcast %add3A_1787 : i32 to vector<16xi32>
      %add3A_1789 = arith.addi %add3A_1690, %add3A_1788 : vector<16xi32>
      %get3A_1790 = arith.constant 10 : i32
      %get3A_1791 = arith.index_cast %rem3A_61 : i32 to index
      %get3A_1792 = arith.index_cast %get3A_1790 : i32 to index
      %get3A_1793 = arith.constant 96 : index
      %get3A_1794 = tpu.vector_load %arg7[%get3A_1791, %get3A_1792, %get3A_1793] {strides = array<i32>} : memref<2x26x128xi32, #tpu.memory_space<vmem>>, vector<16xi32>,
      %gather3A_1795 = tpu.vector_load_idx %arg8[%add3A_1789, %get3A_1794] : memref<6656x16xf32, #tpu.memory_space<vmem>>[vector<16xi32>, vector<16xi32>], vector<16xf32>,
      %add3A_1796 = arith.addf %add3A_1786, %gather3A_1795 : vector<16xf32>
      %add3A_1797 = arith.constant 1408 : i32
      %add3A_1798 = vector.broadcast %add3A_1797 : i32 to vector<16xi32>
      %add3A_1799 = arith.addi %add3A_1690, %add3A_1798 : vector<16xi32>
      %get3A_1800 = arith.constant 11 : i32
      %get3A_1801 = arith.index_cast %rem3A_61 : i32 to index
      %get3A_1802 = arith.index_cast %get3A_1800 : i32 to index
      %get3A_1803 = arith.constant 96 : index
      %get3A_1804 = tpu.vector_load %arg7[%get3A_1801, %get3A_1802, %get3A_1803] {strides = array<i32>} : memref<2x26x128xi32, #tpu.memory_space<vmem>>, vector<16xi32>,
      %gather3A_1805 = tpu.vector_load_idx %arg8[%add3A_1799, %get3A_1804] : memref<6656x16xf32, #tpu.memory_space<vmem>>[vector<16xi32>, vector<16xi32>], vector<16xf32>,
      %add3A_1806 = arith.addf %add3A_1796, %gather3A_1805 : vector<16xf32>
      %add3A_1807 = arith.constant 1536 : i32
      %add3A_1808 = vector.broadcast %add3A_1807 : i32 to vector<16xi32>
      %add3A_1809 = arith.addi %add3A_1690, %add3A_1808 : vector<16xi32>
      %get3A_1810 = arith.constant 12 : i32
      %get3A_1811 = arith.index_cast %rem3A_61 : i32 to index
      %get3A_1812 = arith.index_cast %get3A_1810 : i32 to index
      %get3A_1813 = arith.constant 96 : index
      %get3A_1814 = tpu.vector_load %arg7[%get3A_1811, %get3A_1812, %get3A_1813] {strides = array<i32>} : memref<2x26x128xi32, #tpu.memory_space<vmem>>, vector<16xi32>,
      %gather3A_1815 = tpu.vector_load_idx %arg8[%add3A_1809, %get3A_1814] : memref<6656x16xf32, #tpu.memory_space<vmem>>[vector<16xi32>, vector<16xi32>], vector<16xf32>,
      %add3A_1816 = arith.addf %add3A_1806, %gather3A_1815 : vector<16xf32>
      %add3A_1817 = arith.constant 1664 : i32
      %add3A_1818 = vector.broadcast %add3A_1817 : i32 to vector<16xi32>
      %add3A_1819 = arith.addi %add3A_1690, %add3A_1818 : vector<16xi32>
      %get3A_1820 = arith.constant 13 : i32
      %get3A_1821 = arith.index_cast %rem3A_61 : i32 to index
      %get3A_1822 = arith.index_cast %get3A_1820 : i32 to index
      %get3A_1823 = arith.constant 96 : index
      %get3A_1824 = tpu.vector_load %arg7[%get3A_1821, %get3A_1822, %get3A_1823] {strides = array<i32>} : memref<2x26x128xi32, #tpu.memory_space<vmem>>, vector<16xi32>,
      %gather3A_1825 = tpu.vector_load_idx %arg8[%add3A_1819, %get3A_1824] : memref<6656x16xf32, #tpu.memory_space<vmem>>[vector<16xi32>, vector<16xi32>], vector<16xf32>,
      %add3A_1826 = arith.addf %add3A_1816, %gather3A_1825 : vector<16xf32>
      %add3A_1827 = arith.constant 1792 : i32
      %add3A_1828 = vector.broadcast %add3A_1827 : i32 to vector<16xi32>
      %add3A_1829 = arith.addi %add3A_1690, %add3A_1828 : vector<16xi32>
      %get3A_1830 = arith.constant 14 : i32
      %get3A_1831 = arith.index_cast %rem3A_61 : i32 to index
      %get3A_1832 = arith.index_cast %get3A_1830 : i32 to index
      %get3A_1833 = arith.constant 96 : index
      %get3A_1834 = tpu.vector_load %arg7[%get3A_1831, %get3A_1832, %get3A_1833] {strides = array<i32>} : memref<2x26x128xi32, #tpu.memory_space<vmem>>, vector<16xi32>,
      %gather3A_1835 = tpu.vector_load_idx %arg8[%add3A_1829, %get3A_1834] : memref<6656x16xf32, #tpu.memory_space<vmem>>[vector<16xi32>, vector<16xi32>], vector<16xf32>,
      %add3A_1836 = arith.addf %add3A_1826, %gather3A_1835 : vector<16xf32>
      %add3A_1837 = arith.constant 1920 : i32
      %add3A_1838 = vector.broadcast %add3A_1837 : i32 to vector<16xi32>
      %add3A_1839 = arith.addi %add3A_1690, %add3A_1838 : vector<16xi32>
      %get3A_1840 = arith.constant 15 : i32
      %get3A_1841 = arith.index_cast %rem3A_61 : i32 to index
      %get3A_1842 = arith.index_cast %get3A_1840 : i32 to index
      %get3A_1843 = arith.constant 96 : index
      %get3A_1844 = tpu.vector_load %arg7[%get3A_1841, %get3A_1842, %get3A_1843] {strides = array<i32>} : memref<2x26x128xi32, #tpu.memory_space<vmem>>, vector<16xi32>,
      %gather3A_1845 = tpu.vector_load_idx %arg8[%add3A_1839, %get3A_1844] : memref<6656x16xf32, #tpu.memory_space<vmem>>[vector<16xi32>, vector<16xi32>], vector<16xf32>,
      %add3A_1846 = arith.addf %add3A_1836, %gather3A_1845 : vector<16xf32>
      %add3A_1847 = arith.constant 2048 : i32
      %add3A_1848 = vector.broadcast %add3A_1847 : i32 to vector<16xi32>
      %add3A_1849 = arith.addi %add3A_1690, %add3A_1848 : vector<16xi32>
      %get3A_1850 = arith.constant 16 : i32
      %get3A_1851 = arith.index_cast %rem3A_61 : i32 to index
      %get3A_1852 = arith.index_cast %get3A_1850 : i32 to index
      %get3A_1853 = arith.constant 96 : index
      %get3A_1854 = tpu.vector_load %arg7[%get3A_1851, %get3A_1852, %get3A_1853] {strides = array<i32>} : memref<2x26x128xi32, #tpu.memory_space<vmem>>, vector<16xi32>,
      %gather3A_1855 = tpu.vector_load_idx %arg8[%add3A_1849, %get3A_1854] : memref<6656x16xf32, #tpu.memory_space<vmem>>[vector<16xi32>, vector<16xi32>], vector<16xf32>,
      %add3A_1856 = arith.addf %add3A_1846, %gather3A_1855 : vector<16xf32>
      %add3A_1857 = arith.constant 2176 : i32
      %add3A_1858 = vector.broadcast %add3A_1857 : i32 to vector<16xi32>
      %add3A_1859 = arith.addi %add3A_1690, %add3A_1858 : vector<16xi32>
      %get3A_1860 = arith.constant 17 : i32
      %get3A_1861 = arith.index_cast %rem3A_61 : i32 to index
      %get3A_1862 = arith.index_cast %get3A_1860 : i32 to index
      %get3A_1863 = arith.constant 96 : index
      %get3A_1864 = tpu.vector_load %arg7[%get3A_1861, %get3A_1862, %get3A_1863] {strides = array<i32>} : memref<2x26x128xi32, #tpu.memory_space<vmem>>, vector<16xi32>,
      %gather3A_1865 = tpu.vector_load_idx %arg8[%add3A_1859, %get3A_1864] : memref<6656x16xf32, #tpu.memory_space<vmem>>[vector<16xi32>, vector<16xi32>], vector<16xf32>,
      %add3A_1866 = arith.addf %add3A_1856, %gather3A_1865 : vector<16xf32>
      %add3A_1867 = arith.constant 2304 : i32
      %add3A_1868 = vector.broadcast %add3A_1867 : i32 to vector<16xi32>
      %add3A_1869 = arith.addi %add3A_1690, %add3A_1868 : vector<16xi32>
      %get3A_1870 = arith.constant 18 : i32
      %get3A_1871 = arith.index_cast %rem3A_61 : i32 to index
      %get3A_1872 = arith.index_cast %get3A_1870 : i32 to index
      %get3A_1873 = arith.constant 96 : index
      %get3A_1874 = tpu.vector_load %arg7[%get3A_1871, %get3A_1872, %get3A_1873] {strides = array<i32>} : memref<2x26x128xi32, #tpu.memory_space<vmem>>, vector<16xi32>,
      %gather3A_1875 = tpu.vector_load_idx %arg8[%add3A_1869, %get3A_1874] : memref<6656x16xf32, #tpu.memory_space<vmem>>[vector<16xi32>, vector<16xi32>], vector<16xf32>,
      %add3A_1876 = arith.addf %add3A_1866, %gather3A_1875 : vector<16xf32>
      %add3A_1877 = arith.constant 2432 : i32
      %add3A_1878 = vector.broadcast %add3A_1877 : i32 to vector<16xi32>
      %add3A_1879 = arith.addi %add3A_1690, %add3A_1878 : vector<16xi32>
      %get3A_1880 = arith.constant 19 : i32
      %get3A_1881 = arith.index_cast %rem3A_61 : i32 to index
      %get3A_1882 = arith.index_cast %get3A_1880 : i32 to index
      %get3A_1883 = arith.constant 96 : index
      %get3A_1884 = tpu.vector_load %arg7[%get3A_1881, %get3A_1882, %get3A_1883] {strides = array<i32>} : memref<2x26x128xi32, #tpu.memory_space<vmem>>, vector<16xi32>,
      %gather3A_1885 = tpu.vector_load_idx %arg8[%add3A_1879, %get3A_1884] : memref<6656x16xf32, #tpu.memory_space<vmem>>[vector<16xi32>, vector<16xi32>], vector<16xf32>,
      %add3A_1886 = arith.addf %add3A_1876, %gather3A_1885 : vector<16xf32>
      %add3A_1887 = arith.constant 2560 : i32
      %add3A_1888 = vector.broadcast %add3A_1887 : i32 to vector<16xi32>
      %add3A_1889 = arith.addi %add3A_1690, %add3A_1888 : vector<16xi32>
      %get3A_1890 = arith.constant 20 : i32
      %get3A_1891 = arith.index_cast %rem3A_61 : i32 to index
      %get3A_1892 = arith.index_cast %get3A_1890 : i32 to index
      %get3A_1893 = arith.constant 96 : index
      %get3A_1894 = tpu.vector_load %arg7[%get3A_1891, %get3A_1892, %get3A_1893] {strides = array<i32>} : memref<2x26x128xi32, #tpu.memory_space<vmem>>, vector<16xi32>,
      %gather3A_1895 = tpu.vector_load_idx %arg8[%add3A_1889, %get3A_1894] : memref<6656x16xf32, #tpu.memory_space<vmem>>[vector<16xi32>, vector<16xi32>], vector<16xf32>,
      %add3A_1896 = arith.addf %add3A_1886, %gather3A_1895 : vector<16xf32>
      %add3A_1897 = arith.constant 2688 : i32
      %add3A_1898 = vector.broadcast %add3A_1897 : i32 to vector<16xi32>
      %add3A_1899 = arith.addi %add3A_1690, %add3A_1898 : vector<16xi32>
      %get3A_1900 = arith.constant 21 : i32
      %get3A_1901 = arith.index_cast %rem3A_61 : i32 to index
      %get3A_1902 = arith.index_cast %get3A_1900 : i32 to index
      %get3A_1903 = arith.constant 96 : index
      %get3A_1904 = tpu.vector_load %arg7[%get3A_1901, %get3A_1902, %get3A_1903] {strides = array<i32>} : memref<2x26x128xi32, #tpu.memory_space<vmem>>, vector<16xi32>,
      %gather3A_1905 = tpu.vector_load_idx %arg8[%add3A_1899, %get3A_1904] : memref<6656x16xf32, #tpu.memory_space<vmem>>[vector<16xi32>, vector<16xi32>], vector<16xf32>,
      %add3A_1906 = arith.addf %add3A_1896, %gather3A_1905 : vector<16xf32>
      %add3A_1907 = arith.constant 2816 : i32
      %add3A_1908 = vector.broadcast %add3A_1907 : i32 to vector<16xi32>
      %add3A_1909 = arith.addi %add3A_1690, %add3A_1908 : vector<16xi32>
      %get3A_1910 = arith.constant 22 : i32
      %get3A_1911 = arith.index_cast %rem3A_61 : i32 to index
      %get3A_1912 = arith.index_cast %get3A_1910 : i32 to index
      %get3A_1913 = arith.constant 96 : index
      %get3A_1914 = tpu.vector_load %arg7[%get3A_1911, %get3A_1912, %get3A_1913] {strides = array<i32>} : memref<2x26x128xi32, #tpu.memory_space<vmem>>, vector<16xi32>,
      %gather3A_1915 = tpu.vector_load_idx %arg8[%add3A_1909, %get3A_1914] : memref<6656x16xf32, #tpu.memory_space<vmem>>[vector<16xi32>, vector<16xi32>], vector<16xf32>,
      %add3A_1916 = arith.addf %add3A_1906, %gather3A_1915 : vector<16xf32>
      %add3A_1917 = arith.constant 2944 : i32
      %add3A_1918 = vector.broadcast %add3A_1917 : i32 to vector<16xi32>
      %add3A_1919 = arith.addi %add3A_1690, %add3A_1918 : vector<16xi32>
      %get3A_1920 = arith.constant 23 : i32
      %get3A_1921 = arith.index_cast %rem3A_61 : i32 to index
      %get3A_1922 = arith.index_cast %get3A_1920 : i32 to index
      %get3A_1923 = arith.constant 96 : index
      %get3A_1924 = tpu.vector_load %arg7[%get3A_1921, %get3A_1922, %get3A_1923] {strides = array<i32>} : memref<2x26x128xi32, #tpu.memory_space<vmem>>, vector<16xi32>,
      %gather3A_1925 = tpu.vector_load_idx %arg8[%add3A_1919, %get3A_1924] : memref<6656x16xf32, #tpu.memory_space<vmem>>[vector<16xi32>, vector<16xi32>], vector<16xf32>,
      %add3A_1926 = arith.addf %add3A_1916, %gather3A_1925 : vector<16xf32>
      %add3A_1927 = arith.constant 3072 : i32
      %add3A_1928 = vector.broadcast %add3A_1927 : i32 to vector<16xi32>
      %add3A_1929 = arith.addi %add3A_1690, %add3A_1928 : vector<16xi32>
      %get3A_1930 = arith.constant 24 : i32
      %get3A_1931 = arith.index_cast %rem3A_61 : i32 to index
      %get3A_1932 = arith.index_cast %get3A_1930 : i32 to index
      %get3A_1933 = arith.constant 96 : index
      %get3A_1934 = tpu.vector_load %arg7[%get3A_1931, %get3A_1932, %get3A_1933] {strides = array<i32>} : memref<2x26x128xi32, #tpu.memory_space<vmem>>, vector<16xi32>,
      %gather3A_1935 = tpu.vector_load_idx %arg8[%add3A_1929, %get3A_1934] : memref<6656x16xf32, #tpu.memory_space<vmem>>[vector<16xi32>, vector<16xi32>], vector<16xf32>,
      %add3A_1936 = arith.addf %add3A_1926, %gather3A_1935 : vector<16xf32>
      %add3A_1937 = arith.constant 3200 : i32
      %add3A_1938 = vector.broadcast %add3A_1937 : i32 to vector<16xi32>
      %add3A_1939 = arith.addi %add3A_1690, %add3A_1938 : vector<16xi32>
      %get3A_1940 = arith.constant 25 : i32
      %get3A_1941 = arith.index_cast %rem3A_61 : i32 to index
      %get3A_1942 = arith.index_cast %get3A_1940 : i32 to index
      %get3A_1943 = arith.constant 96 : index
      %get3A_1944 = tpu.vector_load %arg7[%get3A_1941, %get3A_1942, %get3A_1943] {strides = array<i32>} : memref<2x26x128xi32, #tpu.memory_space<vmem>>, vector<16xi32>,
      %gather3A_1945 = tpu.vector_load_idx %arg8[%add3A_1939, %get3A_1944] : memref<6656x16xf32, #tpu.memory_space<vmem>>[vector<16xi32>, vector<16xi32>], vector<16xf32>,
      %add3A_1946 = arith.addf %add3A_1936, %gather3A_1945 : vector<16xf32>
      %swap3A_1947 = arith.constant 0 : i32
      %swap3A_1948 = arith.index_cast %swap3A_1947 : i32 to index
      %swap3A_1949 = arith.constant 96 : index
      %swap3A_1950 = tpu.vector_load %arg9[%swap3A_1948, %swap3A_1949] {strides = array<i32>} : memref<1x128xf32, #tpu.memory_space<vmem>>, vector<16xf32>,
      tpu.vector_store %arg9[%swap3A_1948, %swap3A_1949], %add3A_1946 {strides = array<i32>} : memref<1x128xf32, #tpu.memory_space<vmem>>, vector<16xf32>,
      %mul3A_1951 = arith.constant 3328 : i32
      %mul3A_1952 = arith.muli %rem3A_61, %mul3A_1951 : i32
      %add3A_1953 = vector.broadcast %mul3A_1952 : i32 to vector<16xi32>
      %add3A_1954 = arith.addi %add3A_1953, %iota3A : vector<16xi32>
      %add3A_1955 = arith.constant 112 : i32
      %add3A_1956 = vector.broadcast %add3A_1955 : i32 to vector<16xi32>
      %add3A_1957 = arith.addi %add3A_1954, %add3A_1956 : vector<16xi32>
      %get3A_1958 = arith.constant 0 : i32
      %get3A_1959 = arith.index_cast %rem3A_61 : i32 to index
      %get3A_1960 = arith.index_cast %get3A_1958 : i32 to index
      %get3A_1961 = arith.constant 112 : index
      %get3A_1962 = tpu.vector_load %arg7[%get3A_1959, %get3A_1960, %get3A_1961] {strides = array<i32>} : memref<2x26x128xi32, #tpu.memory_space<vmem>>, vector<16xi32>,
      %gather3A_1963 = tpu.vector_load_idx %arg8[%add3A_1957, %get3A_1962] : memref<6656x16xf32, #tpu.memory_space<vmem>>[vector<16xi32>, vector<16xi32>], vector<16xf32>,
      %add3A_1964 = arith.constant 128 : i32
      %add3A_1965 = vector.broadcast %add3A_1964 : i32 to vector<16xi32>
      %add3A_1966 = arith.addi %add3A_1957, %add3A_1965 : vector<16xi32>
      %get3A_1967 = arith.constant 1 : i32
      %get3A_1968 = arith.index_cast %rem3A_61 : i32 to index
      %get3A_1969 = arith.index_cast %get3A_1967 : i32 to index
      %get3A_1970 = arith.constant 112 : index
      %get3A_1971 = tpu.vector_load %arg7[%get3A_1968, %get3A_1969, %get3A_1970] {strides = array<i32>} : memref<2x26x128xi32, #tpu.memory_space<vmem>>, vector<16xi32>,
      %gather3A_1972 = tpu.vector_load_idx %arg8[%add3A_1966, %get3A_1971] : memref<6656x16xf32, #tpu.memory_space<vmem>>[vector<16xi32>, vector<16xi32>], vector<16xf32>,
      %add3A_1973 = arith.addf %gather3A_1963, %gather3A_1972 : vector<16xf32>
      %add3A_1974 = arith.constant 256 : i32
      %add3A_1975 = vector.broadcast %add3A_1974 : i32 to vector<16xi32>
      %add3A_1976 = arith.addi %add3A_1957, %add3A_1975 : vector<16xi32>
      %get3A_1977 = arith.constant 2 : i32
      %get3A_1978 = arith.index_cast %rem3A_61 : i32 to index
      %get3A_1979 = arith.index_cast %get3A_1977 : i32 to index
      %get3A_1980 = arith.constant 112 : index
      %get3A_1981 = tpu.vector_load %arg7[%get3A_1978, %get3A_1979, %get3A_1980] {strides = array<i32>} : memref<2x26x128xi32, #tpu.memory_space<vmem>>, vector<16xi32>,
      %gather3A_1982 = tpu.vector_load_idx %arg8[%add3A_1976, %get3A_1981] : memref<6656x16xf32, #tpu.memory_space<vmem>>[vector<16xi32>, vector<16xi32>], vector<16xf32>,
      %add3A_1983 = arith.addf %add3A_1973, %gather3A_1982 : vector<16xf32>
      %add3A_1984 = arith.constant 384 : i32
      %add3A_1985 = vector.broadcast %add3A_1984 : i32 to vector<16xi32>
      %add3A_1986 = arith.addi %add3A_1957, %add3A_1985 : vector<16xi32>
      %get3A_1987 = arith.constant 3 : i32
      %get3A_1988 = arith.index_cast %rem3A_61 : i32 to index
      %get3A_1989 = arith.index_cast %get3A_1987 : i32 to index
      %get3A_1990 = arith.constant 112 : index
      %get3A_1991 = tpu.vector_load %arg7[%get3A_1988, %get3A_1989, %get3A_1990] {strides = array<i32>} : memref<2x26x128xi32, #tpu.memory_space<vmem>>, vector<16xi32>,
      %gather3A_1992 = tpu.vector_load_idx %arg8[%add3A_1986, %get3A_1991] : memref<6656x16xf32, #tpu.memory_space<vmem>>[vector<16xi32>, vector<16xi32>], vector<16xf32>,
      %add3A_1993 = arith.addf %add3A_1983, %gather3A_1992 : vector<16xf32>
      %add3A_1994 = arith.constant 512 : i32
      %add3A_1995 = vector.broadcast %add3A_1994 : i32 to vector<16xi32>
      %add3A_1996 = arith.addi %add3A_1957, %add3A_1995 : vector<16xi32>
      %get3A_1997 = arith.constant 4 : i32
      %get3A_1998 = arith.index_cast %rem3A_61 : i32 to index
      %get3A_1999 = arith.index_cast %get3A_1997 : i32 to index
      %get3A_2000 = arith.constant 112 : index
      %get3A_2001 = tpu.vector_load %arg7[%get3A_1998, %get3A_1999, %get3A_2000] {strides = array<i32>} : memref<2x26x128xi32, #tpu.memory_space<vmem>>, vector<16xi32>,
      %gather3A_2002 = tpu.vector_load_idx %arg8[%add3A_1996, %get3A_2001] : memref<6656x16xf32, #tpu.memory_space<vmem>>[vector<16xi32>, vector<16xi32>], vector<16xf32>,
      %add3A_2003 = arith.addf %add3A_1993, %gather3A_2002 : vector<16xf32>
      %add3A_2004 = arith.constant 640 : i32
      %add3A_2005 = vector.broadcast %add3A_2004 : i32 to vector<16xi32>
      %add3A_2006 = arith.addi %add3A_1957, %add3A_2005 : vector<16xi32>
      %get3A_2007 = arith.constant 5 : i32
      %get3A_2008 = arith.index_cast %rem3A_61 : i32 to index
      %get3A_2009 = arith.index_cast %get3A_2007 : i32 to index
      %get3A_2010 = arith.constant 112 : index
      %get3A_2011 = tpu.vector_load %arg7[%get3A_2008, %get3A_2009, %get3A_2010] {strides = array<i32>} : memref<2x26x128xi32, #tpu.memory_space<vmem>>, vector<16xi32>,
      %gather3A_2012 = tpu.vector_load_idx %arg8[%add3A_2006, %get3A_2011] : memref<6656x16xf32, #tpu.memory_space<vmem>>[vector<16xi32>, vector<16xi32>], vector<16xf32>,
      %add3A_2013 = arith.addf %add3A_2003, %gather3A_2012 : vector<16xf32>
      %add3A_2014 = arith.constant 768 : i32
      %add3A_2015 = vector.broadcast %add3A_2014 : i32 to vector<16xi32>
      %add3A_2016 = arith.addi %add3A_1957, %add3A_2015 : vector<16xi32>
      %get3A_2017 = arith.constant 6 : i32
      %get3A_2018 = arith.index_cast %rem3A_61 : i32 to index
      %get3A_2019 = arith.index_cast %get3A_2017 : i32 to index
      %get3A_2020 = arith.constant 112 : index
      %get3A_2021 = tpu.vector_load %arg7[%get3A_2018, %get3A_2019, %get3A_2020] {strides = array<i32>} : memref<2x26x128xi32, #tpu.memory_space<vmem>>, vector<16xi32>,
      %gather3A_2022 = tpu.vector_load_idx %arg8[%add3A_2016, %get3A_2021] : memref<6656x16xf32, #tpu.memory_space<vmem>>[vector<16xi32>, vector<16xi32>], vector<16xf32>,
      %add3A_2023 = arith.addf %add3A_2013, %gather3A_2022 : vector<16xf32>
      %add3A_2024 = arith.constant 896 : i32
      %add3A_2025 = vector.broadcast %add3A_2024 : i32 to vector<16xi32>
      %add3A_2026 = arith.addi %add3A_1957, %add3A_2025 : vector<16xi32>
      %get3A_2027 = arith.constant 7 : i32
      %get3A_2028 = arith.index_cast %rem3A_61 : i32 to index
      %get3A_2029 = arith.index_cast %get3A_2027 : i32 to index
      %get3A_2030 = arith.constant 112 : index
      %get3A_2031 = tpu.vector_load %arg7[%get3A_2028, %get3A_2029, %get3A_2030] {strides = array<i32>} : memref<2x26x128xi32, #tpu.memory_space<vmem>>, vector<16xi32>,
      %gather3A_2032 = tpu.vector_load_idx %arg8[%add3A_2026, %get3A_2031] : memref<6656x16xf32, #tpu.memory_space<vmem>>[vector<16xi32>, vector<16xi32>], vector<16xf32>,
      %add3A_2033 = arith.addf %add3A_2023, %gather3A_2032 : vector<16xf32>
      %add3A_2034 = arith.constant 1024 : i32
      %add3A_2035 = vector.broadcast %add3A_2034 : i32 to vector<16xi32>
      %add3A_2036 = arith.addi %add3A_1957, %add3A_2035 : vector<16xi32>
      %get3A_2037 = arith.constant 8 : i32
      %get3A_2038 = arith.index_cast %rem3A_61 : i32 to index
      %get3A_2039 = arith.index_cast %get3A_2037 : i32 to index
      %get3A_2040 = arith.constant 112 : index
      %get3A_2041 = tpu.vector_load %arg7[%get3A_2038, %get3A_2039, %get3A_2040] {strides = array<i32>} : memref<2x26x128xi32, #tpu.memory_space<vmem>>, vector<16xi32>,
      %gather3A_2042 = tpu.vector_load_idx %arg8[%add3A_2036, %get3A_2041] : memref<6656x16xf32, #tpu.memory_space<vmem>>[vector<16xi32>, vector<16xi32>], vector<16xf32>,
      %add3A_2043 = arith.addf %add3A_2033, %gather3A_2042 : vector<16xf32>
      %add3A_2044 = arith.constant 1152 : i32
      %add3A_2045 = vector.broadcast %add3A_2044 : i32 to vector<16xi32>
      %add3A_2046 = arith.addi %add3A_1957, %add3A_2045 : vector<16xi32>
      %get3A_2047 = arith.constant 9 : i32
      %get3A_2048 = arith.index_cast %rem3A_61 : i32 to index
      %get3A_2049 = arith.index_cast %get3A_2047 : i32 to index
      %get3A_2050 = arith.constant 112 : index
      %get3A_2051 = tpu.vector_load %arg7[%get3A_2048, %get3A_2049, %get3A_2050] {strides = array<i32>} : memref<2x26x128xi32, #tpu.memory_space<vmem>>, vector<16xi32>,
      %gather3A_2052 = tpu.vector_load_idx %arg8[%add3A_2046, %get3A_2051] : memref<6656x16xf32, #tpu.memory_space<vmem>>[vector<16xi32>, vector<16xi32>], vector<16xf32>,
      %add3A_2053 = arith.addf %add3A_2043, %gather3A_2052 : vector<16xf32>
      %add3A_2054 = arith.constant 1280 : i32
      %add3A_2055 = vector.broadcast %add3A_2054 : i32 to vector<16xi32>
      %add3A_2056 = arith.addi %add3A_1957, %add3A_2055 : vector<16xi32>
      %get3A_2057 = arith.constant 10 : i32
      %get3A_2058 = arith.index_cast %rem3A_61 : i32 to index
      %get3A_2059 = arith.index_cast %get3A_2057 : i32 to index
      %get3A_2060 = arith.constant 112 : index
      %get3A_2061 = tpu.vector_load %arg7[%get3A_2058, %get3A_2059, %get3A_2060] {strides = array<i32>} : memref<2x26x128xi32, #tpu.memory_space<vmem>>, vector<16xi32>,
      %gather3A_2062 = tpu.vector_load_idx %arg8[%add3A_2056, %get3A_2061] : memref<6656x16xf32, #tpu.memory_space<vmem>>[vector<16xi32>, vector<16xi32>], vector<16xf32>,
      %add3A_2063 = arith.addf %add3A_2053, %gather3A_2062 : vector<16xf32>
      %add3A_2064 = arith.constant 1408 : i32
      %add3A_2065 = vector.broadcast %add3A_2064 : i32 to vector<16xi32>
      %add3A_2066 = arith.addi %add3A_1957, %add3A_2065 : vector<16xi32>
      %get3A_2067 = arith.constant 11 : i32
      %get3A_2068 = arith.index_cast %rem3A_61 : i32 to index
      %get3A_2069 = arith.index_cast %get3A_2067 : i32 to index
      %get3A_2070 = arith.constant 112 : index
      %get3A_2071 = tpu.vector_load %arg7[%get3A_2068, %get3A_2069, %get3A_2070] {strides = array<i32>} : memref<2x26x128xi32, #tpu.memory_space<vmem>>, vector<16xi32>,
      %gather3A_2072 = tpu.vector_load_idx %arg8[%add3A_2066, %get3A_2071] : memref<6656x16xf32, #tpu.memory_space<vmem>>[vector<16xi32>, vector<16xi32>], vector<16xf32>,
      %add3A_2073 = arith.addf %add3A_2063, %gather3A_2072 : vector<16xf32>
      %add3A_2074 = arith.constant 1536 : i32
      %add3A_2075 = vector.broadcast %add3A_2074 : i32 to vector<16xi32>
      %add3A_2076 = arith.addi %add3A_1957, %add3A_2075 : vector<16xi32>
      %get3A_2077 = arith.constant 12 : i32
      %get3A_2078 = arith.index_cast %rem3A_61 : i32 to index
      %get3A_2079 = arith.index_cast %get3A_2077 : i32 to index
      %get3A_2080 = arith.constant 112 : index
      %get3A_2081 = tpu.vector_load %arg7[%get3A_2078, %get3A_2079, %get3A_2080] {strides = array<i32>} : memref<2x26x128xi32, #tpu.memory_space<vmem>>, vector<16xi32>,
      %gather3A_2082 = tpu.vector_load_idx %arg8[%add3A_2076, %get3A_2081] : memref<6656x16xf32, #tpu.memory_space<vmem>>[vector<16xi32>, vector<16xi32>], vector<16xf32>,
      %add3A_2083 = arith.addf %add3A_2073, %gather3A_2082 : vector<16xf32>
      %add3A_2084 = arith.constant 1664 : i32
      %add3A_2085 = vector.broadcast %add3A_2084 : i32 to vector<16xi32>
      %add3A_2086 = arith.addi %add3A_1957, %add3A_2085 : vector<16xi32>
      %get3A_2087 = arith.constant 13 : i32
      %get3A_2088 = arith.index_cast %rem3A_61 : i32 to index
      %get3A_2089 = arith.index_cast %get3A_2087 : i32 to index
      %get3A_2090 = arith.constant 112 : index
      %get3A_2091 = tpu.vector_load %arg7[%get3A_2088, %get3A_2089, %get3A_2090] {strides = array<i32>} : memref<2x26x128xi32, #tpu.memory_space<vmem>>, vector<16xi32>,
      %gather3A_2092 = tpu.vector_load_idx %arg8[%add3A_2086, %get3A_2091] : memref<6656x16xf32, #tpu.memory_space<vmem>>[vector<16xi32>, vector<16xi32>], vector<16xf32>,
      %add3A_2093 = arith.addf %add3A_2083, %gather3A_2092 : vector<16xf32>
      %add3A_2094 = arith.constant 1792 : i32
      %add3A_2095 = vector.broadcast %add3A_2094 : i32 to vector<16xi32>
      %add3A_2096 = arith.addi %add3A_1957, %add3A_2095 : vector<16xi32>
      %get3A_2097 = arith.constant 14 : i32
      %get3A_2098 = arith.index_cast %rem3A_61 : i32 to index
      %get3A_2099 = arith.index_cast %get3A_2097 : i32 to index
      %get3A_2100 = arith.constant 112 : index
      %get3A_2101 = tpu.vector_load %arg7[%get3A_2098, %get3A_2099, %get3A_2100] {strides = array<i32>} : memref<2x26x128xi32, #tpu.memory_space<vmem>>, vector<16xi32>,
      %gather3A_2102 = tpu.vector_load_idx %arg8[%add3A_2096, %get3A_2101] : memref<6656x16xf32, #tpu.memory_space<vmem>>[vector<16xi32>, vector<16xi32>], vector<16xf32>,
      %add3A_2103 = arith.addf %add3A_2093, %gather3A_2102 : vector<16xf32>
      %add3A_2104 = arith.constant 1920 : i32
      %add3A_2105 = vector.broadcast %add3A_2104 : i32 to vector<16xi32>
      %add3A_2106 = arith.addi %add3A_1957, %add3A_2105 : vector<16xi32>
      %get3A_2107 = arith.constant 15 : i32
      %get3A_2108 = arith.index_cast %rem3A_61 : i32 to index
      %get3A_2109 = arith.index_cast %get3A_2107 : i32 to index
      %get3A_2110 = arith.constant 112 : index
      %get3A_2111 = tpu.vector_load %arg7[%get3A_2108, %get3A_2109, %get3A_2110] {strides = array<i32>} : memref<2x26x128xi32, #tpu.memory_space<vmem>>, vector<16xi32>,
      %gather3A_2112 = tpu.vector_load_idx %arg8[%add3A_2106, %get3A_2111] : memref<6656x16xf32, #tpu.memory_space<vmem>>[vector<16xi32>, vector<16xi32>], vector<16xf32>,
      %add3A_2113 = arith.addf %add3A_2103, %gather3A_2112 : vector<16xf32>
      %add3A_2114 = arith.constant 2048 : i32
      %add3A_2115 = vector.broadcast %add3A_2114 : i32 to vector<16xi32>
      %add3A_2116 = arith.addi %add3A_1957, %add3A_2115 : vector<16xi32>
      %get3A_2117 = arith.constant 16 : i32
      %get3A_2118 = arith.index_cast %rem3A_61 : i32 to index
      %get3A_2119 = arith.index_cast %get3A_2117 : i32 to index
      %get3A_2120 = arith.constant 112 : index
      %get3A_2121 = tpu.vector_load %arg7[%get3A_2118, %get3A_2119, %get3A_2120] {strides = array<i32>} : memref<2x26x128xi32, #tpu.memory_space<vmem>>, vector<16xi32>,
      %gather3A_2122 = tpu.vector_load_idx %arg8[%add3A_2116, %get3A_2121] : memref<6656x16xf32, #tpu.memory_space<vmem>>[vector<16xi32>, vector<16xi32>], vector<16xf32>,
      %add3A_2123 = arith.addf %add3A_2113, %gather3A_2122 : vector<16xf32>
      %add3A_2124 = arith.constant 2176 : i32
      %add3A_2125 = vector.broadcast %add3A_2124 : i32 to vector<16xi32>
      %add3A_2126 = arith.addi %add3A_1957, %add3A_2125 : vector<16xi32>
      %get3A_2127 = arith.constant 17 : i32
      %get3A_2128 = arith.index_cast %rem3A_61 : i32 to index
      %get3A_2129 = arith.index_cast %get3A_2127 : i32 to index
      %get3A_2130 = arith.constant 112 : index
      %get3A_2131 = tpu.vector_load %arg7[%get3A_2128, %get3A_2129, %get3A_2130] {strides = array<i32>} : memref<2x26x128xi32, #tpu.memory_space<vmem>>, vector<16xi32>,
      %gather3A_2132 = tpu.vector_load_idx %arg8[%add3A_2126, %get3A_2131] : memref<6656x16xf32, #tpu.memory_space<vmem>>[vector<16xi32>, vector<16xi32>], vector<16xf32>,
      %add3A_2133 = arith.addf %add3A_2123, %gather3A_2132 : vector<16xf32>
      %add3A_2134 = arith.constant 2304 : i32
      %add3A_2135 = vector.broadcast %add3A_2134 : i32 to vector<16xi32>
      %add3A_2136 = arith.addi %add3A_1957, %add3A_2135 : vector<16xi32>
      %get3A_2137 = arith.constant 18 : i32
      %get3A_2138 = arith.index_cast %rem3A_61 : i32 to index
      %get3A_2139 = arith.index_cast %get3A_2137 : i32 to index
      %get3A_2140 = arith.constant 112 : index
      %get3A_2141 = tpu.vector_load %arg7[%get3A_2138, %get3A_2139, %get3A_2140] {strides = array<i32>} : memref<2x26x128xi32, #tpu.memory_space<vmem>>, vector<16xi32>,
      %gather3A_2142 = tpu.vector_load_idx %arg8[%add3A_2136, %get3A_2141] : memref<6656x16xf32, #tpu.memory_space<vmem>>[vector<16xi32>, vector<16xi32>], vector<16xf32>,
      %add3A_2143 = arith.addf %add3A_2133, %gather3A_2142 : vector<16xf32>
      %add3A_2144 = arith.constant 2432 : i32
      %add3A_2145 = vector.broadcast %add3A_2144 : i32 to vector<16xi32>
      %add3A_2146 = arith.addi %add3A_1957, %add3A_2145 : vector<16xi32>
      %get3A_2147 = arith.constant 19 : i32
      %get3A_2148 = arith.index_cast %rem3A_61 : i32 to index
      %get3A_2149 = arith.index_cast %get3A_2147 : i32 to index
      %get3A_2150 = arith.constant 112 : index
      %get3A_2151 = tpu.vector_load %arg7[%get3A_2148, %get3A_2149, %get3A_2150] {strides = array<i32>} : memref<2x26x128xi32, #tpu.memory_space<vmem>>, vector<16xi32>,
      %gather3A_2152 = tpu.vector_load_idx %arg8[%add3A_2146, %get3A_2151] : memref<6656x16xf32, #tpu.memory_space<vmem>>[vector<16xi32>, vector<16xi32>], vector<16xf32>,
      %add3A_2153 = arith.addf %add3A_2143, %gather3A_2152 : vector<16xf32>
      %add3A_2154 = arith.constant 2560 : i32
      %add3A_2155 = vector.broadcast %add3A_2154 : i32 to vector<16xi32>
      %add3A_2156 = arith.addi %add3A_1957, %add3A_2155 : vector<16xi32>
      %get3A_2157 = arith.constant 20 : i32
      %get3A_2158 = arith.index_cast %rem3A_61 : i32 to index
      %get3A_2159 = arith.index_cast %get3A_2157 : i32 to index
      %get3A_2160 = arith.constant 112 : index
      %get3A_2161 = tpu.vector_load %arg7[%get3A_2158, %get3A_2159, %get3A_2160] {strides = array<i32>} : memref<2x26x128xi32, #tpu.memory_space<vmem>>, vector<16xi32>,
      %gather3A_2162 = tpu.vector_load_idx %arg8[%add3A_2156, %get3A_2161] : memref<6656x16xf32, #tpu.memory_space<vmem>>[vector<16xi32>, vector<16xi32>], vector<16xf32>,
      %add3A_2163 = arith.addf %add3A_2153, %gather3A_2162 : vector<16xf32>
      %add3A_2164 = arith.constant 2688 : i32
      %add3A_2165 = vector.broadcast %add3A_2164 : i32 to vector<16xi32>
      %add3A_2166 = arith.addi %add3A_1957, %add3A_2165 : vector<16xi32>
      %get3A_2167 = arith.constant 21 : i32
      %get3A_2168 = arith.index_cast %rem3A_61 : i32 to index
      %get3A_2169 = arith.index_cast %get3A_2167 : i32 to index
      %get3A_2170 = arith.constant 112 : index
      %get3A_2171 = tpu.vector_load %arg7[%get3A_2168, %get3A_2169, %get3A_2170] {strides = array<i32>} : memref<2x26x128xi32, #tpu.memory_space<vmem>>, vector<16xi32>,
      %gather3A_2172 = tpu.vector_load_idx %arg8[%add3A_2166, %get3A_2171] : memref<6656x16xf32, #tpu.memory_space<vmem>>[vector<16xi32>, vector<16xi32>], vector<16xf32>,
      %add3A_2173 = arith.addf %add3A_2163, %gather3A_2172 : vector<16xf32>
      %add3A_2174 = arith.constant 2816 : i32
      %add3A_2175 = vector.broadcast %add3A_2174 : i32 to vector<16xi32>
      %add3A_2176 = arith.addi %add3A_1957, %add3A_2175 : vector<16xi32>
      %get3A_2177 = arith.constant 22 : i32
      %get3A_2178 = arith.index_cast %rem3A_61 : i32 to index
      %get3A_2179 = arith.index_cast %get3A_2177 : i32 to index
      %get3A_2180 = arith.constant 112 : index
      %get3A_2181 = tpu.vector_load %arg7[%get3A_2178, %get3A_2179, %get3A_2180] {strides = array<i32>} : memref<2x26x128xi32, #tpu.memory_space<vmem>>, vector<16xi32>,
      %gather3A_2182 = tpu.vector_load_idx %arg8[%add3A_2176, %get3A_2181] : memref<6656x16xf32, #tpu.memory_space<vmem>>[vector<16xi32>, vector<16xi32>], vector<16xf32>,
      %add3A_2183 = arith.addf %add3A_2173, %gather3A_2182 : vector<16xf32>
      %add3A_2184 = arith.constant 2944 : i32
      %add3A_2185 = vector.broadcast %add3A_2184 : i32 to vector<16xi32>
      %add3A_2186 = arith.addi %add3A_1957, %add3A_2185 : vector<16xi32>
      %get3A_2187 = arith.constant 23 : i32
      %get3A_2188 = arith.index_cast %rem3A_61 : i32 to index
      %get3A_2189 = arith.index_cast %get3A_2187 : i32 to index
      %get3A_2190 = arith.constant 112 : index
      %get3A_2191 = tpu.vector_load %arg7[%get3A_2188, %get3A_2189, %get3A_2190] {strides = array<i32>} : memref<2x26x128xi32, #tpu.memory_space<vmem>>, vector<16xi32>,
      %gather3A_2192 = tpu.vector_load_idx %arg8[%add3A_2186, %get3A_2191] : memref<6656x16xf32, #tpu.memory_space<vmem>>[vector<16xi32>, vector<16xi32>], vector<16xf32>,
      %add3A_2193 = arith.addf %add3A_2183, %gather3A_2192 : vector<16xf32>
      %add3A_2194 = arith.constant 3072 : i32
      %add3A_2195 = vector.broadcast %add3A_2194 : i32 to vector<16xi32>
      %add3A_2196 = arith.addi %add3A_1957, %add3A_2195 : vector<16xi32>
      %get3A_2197 = arith.constant 24 : i32
      %get3A_2198 = arith.index_cast %rem3A_61 : i32 to index
      %get3A_2199 = arith.index_cast %get3A_2197 : i32 to index
      %get3A_2200 = arith.constant 112 : index
      %get3A_2201 = tpu.vector_load %arg7[%get3A_2198, %get3A_2199, %get3A_2200] {strides = array<i32>} : memref<2x26x128xi32, #tpu.memory_space<vmem>>, vector<16xi32>,
      %gather3A_2202 = tpu.vector_load_idx %arg8[%add3A_2196, %get3A_2201] : memref<6656x16xf32, #tpu.memory_space<vmem>>[vector<16xi32>, vector<16xi32>], vector<16xf32>,
      %add3A_2203 = arith.addf %add3A_2193, %gather3A_2202 : vector<16xf32>
      %add3A_2204 = arith.constant 3200 : i32
      %add3A_2205 = vector.broadcast %add3A_2204 : i32 to vector<16xi32>
      %add3A_2206 = arith.addi %add3A_1957, %add3A_2205 : vector<16xi32>
      %get3A_2207 = arith.constant 25 : i32
      %get3A_2208 = arith.index_cast %rem3A_61 : i32 to index
      %get3A_2209 = arith.index_cast %get3A_2207 : i32 to index
      %get3A_2210 = arith.constant 112 : index
      %get3A_2211 = tpu.vector_load %arg7[%get3A_2208, %get3A_2209, %get3A_2210] {strides = array<i32>} : memref<2x26x128xi32, #tpu.memory_space<vmem>>, vector<16xi32>,
      %gather3A_2212 = tpu.vector_load_idx %arg8[%add3A_2206, %get3A_2211] : memref<6656x16xf32, #tpu.memory_space<vmem>>[vector<16xi32>, vector<16xi32>], vector<16xf32>,
      %add3A_2213 = arith.addf %add3A_2203, %gather3A_2212 : vector<16xf32>
      %swap3A_2214 = arith.constant 0 : i32
      %swap3A_2215 = arith.index_cast %swap3A_2214 : i32 to index
      %swap3A_2216 = arith.constant 112 : index
      %swap3A_2217 = tpu.vector_load %arg9[%swap3A_2215, %swap3A_2216] {strides = array<i32>} : memref<1x128xf32, #tpu.memory_space<vmem>>, vector<16xf32>,
      tpu.vector_store %arg9[%swap3A_2215, %swap3A_2216], %add3A_2213 {strides = array<i32>} : memref<1x128xf32, #tpu.memory_space<vmem>>, vector<16xf32>,
      %add3A_2218 = arith.constant 2 : i32
      %add3A_2219 = arith.addi %add3A_60, %add3A_2218 : i32
      %lt3A_2220 = arith.constant 4 : i32
      %lt3A_2221 = arith.cmpi slt, %add3A_2219, %lt3A_2220 : i32
      %convert_element_type3A_2222 = arith.extui %lt3A_2221 : i1 to i32
      %cond3A_2223 = arith.constant 0 : i32
      %cond3A_2224 = arith.cmpi ne, %convert_element_type3A_2222, %cond3A_2223 : i32
      scf.if %cond3A_2224 {
        %add3A_2226 = arith.constant 2 : i32
        %add3A_2227 = arith.addi %add3A_60, %add3A_2226 : i32
        %add3A_2228 = arith.addi %mul3A_2, %add3A_2227 : i32
        %mul3A_2229 = arith.constant 128 : i32
        %mul3A_2230 = arith.muli %add3A_2228, %mul3A_2229 : i32
        %mul3A_2231 = arith.constant 39 : i32
        %mul3A_2232 = arith.muli %mul3A_2230, %mul3A_2231 : i32
        %dma_start3A_2233 = arith.constant 0 : i32
        %dma_start3A_2234 = tpu.memref_slice %arg5[%rem3A_61, %dma_start3A_2233] : memref<2x4992xf32, #tpu.memory_space<vmem>> -> memref<1x4992xf32, #tpu.memory_space<vmem>>
        %dma_start3A_2235 = tpu.memref_squeeze %dma_start3A_2234 : memref<1x4992xf32, #tpu.memory_space<vmem>> -> memref<4992xf32, #tpu.memory_space<vmem>>
        %dma_start3A_2236 = tpu.memref_slice %arg2[%mul3A_2232] : memref<638976xf32, #tpu.memory_space<hbm>> -> memref<4992xf32, #tpu.memory_space<hbm>>
        %dma_start3A_2237 = arith.constant 0 : i32
        %dma_start3A_2238 = tpu.memref_slice %arg5[%rem3A_61, %dma_start3A_2237] : memref<2x4992xf32, #tpu.memory_space<vmem>> -> memref<1x4992xf32, #tpu.memory_space<vmem>>
        %dma_start3A_2239 = tpu.memref_squeeze %dma_start3A_2238 : memref<1x4992xf32, #tpu.memory_space<vmem>> -> memref<4992xf32, #tpu.memory_space<vmem>>
        %dma_start3A_2240 = tpu.memref_slice %arg2[%mul3A_2232] : memref<638976xf32, #tpu.memory_space<hbm>> -> memref<4992xf32, #tpu.memory_space<hbm>>
        tpu.enqueue_dma source(%dma_start3A_2240 : memref<4992xf32, #tpu.memory_space<hbm>>) target(%dma_start3A_2239 : memref<4992xf32, #tpu.memory_space<vmem>>) target_semaphore(%arg11 : memref<!tpu.dma_semaphore, #tpu.memory_space<semaphore_mem>>)
      } else {
      }
      %add3A_2225 = arith.addi %mul3A_2, %add3A_60 : i32
      "tpu.region"() ({
        %run_scoped3A = tpu.sem_alloc : memref<!tpu.dma_semaphore, #tpu.memory_space<semaphore_mem>>
        %dma_start3A_2226 = arith.constant 0 : i32
        %dma_start3A_2227 = tpu.memref_slice %arg4[%add3A_2225, %dma_start3A_2226] : memref<128x128xf32, #tpu.memory_space<hbm>> -> memref<1x128xf32, #tpu.memory_space<hbm>>
        %dma_start3A_2228 = arith.constant 0 : i32
        %dma_start3A_2229 = tpu.memref_slice %arg4[%add3A_2225, %dma_start3A_2228] : memref<128x128xf32, #tpu.memory_space<hbm>> -> memref<1x128xf32, #tpu.memory_space<hbm>>
        tpu.enqueue_dma source(%arg9 : memref<1x128xf32, #tpu.memory_space<vmem>>) target(%dma_start3A_2229 : memref<1x128xf32, #tpu.memory_space<hbm>>) target_semaphore(%run_scoped3A : memref<!tpu.dma_semaphore, #tpu.memory_space<semaphore_mem>>)
        %dma_wait3A_2230 = arith.constant 0 : i32
        %dma_wait3A_2231 = tpu.memref_slice %arg4[%add3A_2225, %dma_wait3A_2230] : memref<128x128xf32, #tpu.memory_space<hbm>> -> memref<1x128xf32, #tpu.memory_space<hbm>>
        %dma_wait3A_2232 = arith.constant 0 : i32
        %dma_wait3A_2233 = tpu.memref_slice %arg4[%add3A_2225, %dma_wait3A_2232] : memref<128x128xf32, #tpu.memory_space<hbm>> -> memref<1x128xf32, #tpu.memory_space<hbm>>
        tpu.wait_dma2 semaphore(%run_scoped3A : memref<!tpu.dma_semaphore, #tpu.memory_space<semaphore_mem>>) src(%arg9 : memref<1x128xf32, #tpu.memory_space<vmem>>) dst(%dma_wait3A_2233 : memref<1x128xf32, #tpu.memory_space<hbm>>)
        tpu.yield
      }) : () -> ()
    }
    %scan3A_55 = arith.constant 4 : i32
    return
  }
}

module attributes {stable_mosaic.version = 14 : i64} {
  func.func @body(%arg0: i32, %arg1: i32, %arg2: memref<1x16x50176xf32, #tpu.memory_space<vmem>>, %arg3: memref<50176xf32, #tpu.memory_space<vmem>>) attributes {dimension_semantics = [#tpu.dimension_semantics<arbitrary>, #tpu.dimension_semantics<arbitrary>], iteration_bounds = array<i64: 26, 2>, scalar_prefetch = 0 : i64, scratch_operands = 0 : i64, tpu.core_type = #tpu.core_type<tc>, window_params = [{transform_indices = @transform_0, window_bounds = array<i64: 1, 16, 50176>}, {transform_indices = @transform_1, window_bounds = array<i64: 50176>}]} {
    %get3A = arith.constant 0 : index
    %get3A_0 = arith.constant 0 : index
    %get3A_1 = arith.constant 0 : index
    %get3A_2 = vector.load %arg2[%get3A, %get3A_0, %get3A_1] : memref<1x16x50176xf32, #tpu.memory_space<vmem>>, vector<1x16x50176xf32>
    %get3A_3 = vector.shape_cast %get3A_2 : vector<1x16x50176xf32> to vector<16x50176xf32>
    %reduce_sum3A = arith.constant dense<0.000000e+00> : vector<50176xf32>
    %reduce_sum3A_4 = vector.multi_reduction <add>, %get3A_3, %reduce_sum3A [0] : vector<16x50176xf32> to vector<50176xf32>
    %swap3A = arith.constant 0 : index
    %swap3A_5 = vector.load %arg3[%swap3A] : memref<50176xf32, #tpu.memory_space<vmem>>, vector<50176xf32>
    tpu.vector_store %arg3[%swap3A], %reduce_sum3A_4 {strides = array<i32>} : memref<50176xf32, #tpu.memory_space<vmem>>, vector<50176xf32>,
    return
  }
  func.func @transform_0(%arg0: i32, %arg1: i32) -> (i32, i32, i32) {
    %c0_i32 = arith.constant 0 : i32
    %c0_i32_0 = arith.constant 0 : i32
    return %arg0, %c0_i32, %arg1 : i32, i32, i32
  }
  func.func @transform_1(%arg0: i32, %arg1: i32) -> i32 {
    %mul3A = arith.constant 2 : i32
    %mul3A_0 = arith.muli %arg0, %mul3A : i32
    %add3A = arith.addi %mul3A_0, %arg1 : i32
    %c0_i32 = arith.constant 0 : i32
    return %add3A : i32
  }
}

module attributes {stable_mosaic.version = 14 : i64} {
  func.func @body(%arg0: memref<16384x39xf32, #tpu.memory_space<vmem>>, %arg1: memref<16384x1xf32, #tpu.memory_space<vmem>>, %arg2: memref<13xf32, #tpu.memory_space<vmem>>, %arg3: memref<13xf32, #tpu.memory_space<vmem>>, %arg4: memref<1x13xf32, #tpu.memory_space<vmem>>, %arg5: memref<1xf32, #tpu.memory_space<vmem>>, %arg6: memref<16384x1xf32, #tpu.memory_space<vmem>>) attributes {dimension_semantics = [], scalar_prefetch = 0 : i64, scratch_operands = 0 : i64, tpu.core_type = #tpu.core_type<tc>} {
    %get3A = arith.constant 0 : index
    %get3A_0 = arith.constant 26 : index
    %get3A_1 = vector.load %arg0[%get3A, %get3A_0] : memref<16384x39xf32, #tpu.memory_space<vmem>>, vector<16384x13xf32>
    %reduce_sum3A = arith.constant dense<0.000000e+00> : vector<13xf32>
    %reduce_sum3A_2 = vector.multi_reduction <add>, %get3A_1, %reduce_sum3A [0] : vector<16384x13xf32> to vector<13xf32>
    %broadcast_in_dim3A = vector.shape_cast %reduce_sum3A_2 : vector<13xf32> to vector<1x13xf32>
    %div3A = arith.constant 1.638400e+04 : f32
    %div3A_3 = vector.broadcast %div3A : f32 to vector<1x13xf32>
    %div3A_4 = arith.divf %broadcast_in_dim3A, %div3A_3 : vector<1x13xf32>
    %sub3A = vector.broadcast %div3A_4 : vector<1x13xf32> to vector<16384x13xf32>
    %sub3A_5 = arith.subf %get3A_1, %sub3A : vector<16384x13xf32>
    %mul3A = arith.mulf %sub3A_5, %sub3A_5 : vector<16384x13xf32>
    %reduce_sum3A_6 = arith.constant dense<0.000000e+00> : vector<13xf32>
    %reduce_sum3A_7 = vector.multi_reduction <add>, %mul3A, %reduce_sum3A_6 [0] : vector<16384x13xf32> to vector<13xf32>
    %broadcast_in_dim3A_8 = vector.shape_cast %reduce_sum3A_7 : vector<13xf32> to vector<1x13xf32>
    %div3A_9 = arith.constant 1.638400e+04 : f32
    %div3A_10 = vector.broadcast %div3A_9 : f32 to vector<1x13xf32>
    %div3A_11 = arith.divf %broadcast_in_dim3A_8, %div3A_10 : vector<1x13xf32>
    %add3A = arith.constant 9.99999974E-6 : f32
    %add3A_12 = vector.broadcast %add3A : f32 to vector<1x13xf32>
    %add3A_13 = arith.addf %div3A_11, %add3A_12 : vector<1x13xf32>
    %rsqrt3A = math.rsqrt %add3A_13 : vector<1x13xf32>
    %mul3A_14 = vector.broadcast %rsqrt3A : vector<1x13xf32> to vector<16384x13xf32>
    %mul3A_15 = arith.mulf %sub3A_5, %mul3A_14 : vector<16384x13xf32>
    %get3A_16 = arith.constant 0 : index
    %get3A_17 = vector.load %arg2[%get3A_16] : memref<13xf32, #tpu.memory_space<vmem>>, vector<13xf32>
    %broadcast_in_dim3A_18 = vector.shape_cast %get3A_17 : vector<13xf32> to vector<1x13xf32>
    %mul3A_19 = vector.broadcast %broadcast_in_dim3A_18 : vector<1x13xf32> to vector<16384x13xf32>
    %mul3A_20 = arith.mulf %mul3A_15, %mul3A_19 : vector<16384x13xf32>
    %get3A_21 = arith.constant 0 : index
    %get3A_22 = vector.load %arg3[%get3A_21] : memref<13xf32, #tpu.memory_space<vmem>>, vector<13xf32>
    %broadcast_in_dim3A_23 = vector.shape_cast %get3A_22 : vector<13xf32> to vector<1x13xf32>
    %add3A_24 = vector.broadcast %broadcast_in_dim3A_23 : vector<1x13xf32> to vector<16384x13xf32>
    %add3A_25 = arith.addf %mul3A_20, %add3A_24 : vector<16384x13xf32>
    %get3A_26 = arith.constant 0 : index
    %get3A_27 = arith.constant 0 : index
    %get3A_28 = vector.load %arg4[%get3A_26, %get3A_27] : memref<1x13xf32, #tpu.memory_space<vmem>>, vector<1x13xf32>
    %mul3A_29 = vector.broadcast %get3A_28 : vector<1x13xf32> to vector<16384x13xf32>
    %mul3A_30 = arith.mulf %add3A_25, %mul3A_29 : vector<16384x13xf32>
    %reduce_sum3A_31 = arith.constant dense<0.000000e+00> : vector<16384xf32>
    %reduce_sum3A_32 = vector.multi_reduction <add>, %mul3A_30, %reduce_sum3A_31 [1] : vector<16384x13xf32> to vector<16384xf32>
    %broadcast_in_dim3A_33 = vector.shape_cast %reduce_sum3A_32 : vector<16384xf32> to vector<16384x1xf32>
    %get3A_34 = arith.constant 0 : index
    %get3A_35 = arith.constant 0 : index
    %get3A_36 = vector.load %arg1[%get3A_34, %get3A_35] : memref<16384x1xf32, #tpu.memory_space<vmem>>, vector<16384x1xf32>
    %add3A_37 = arith.addf %get3A_36, %broadcast_in_dim3A_33 : vector<16384x1xf32>
    %get3A_38 = arith.constant 0 : index
    %get3A_39 = vector.load %arg5[%get3A_38] : memref<1xf32, #tpu.memory_space<vmem>>, vector<1xf32>
    %broadcast_in_dim3A_40 = vector.shape_cast %get3A_39 : vector<1xf32> to vector<1x1xf32>
    %add3A_41 = vector.broadcast %broadcast_in_dim3A_40 : vector<1x1xf32> to vector<16384x1xf32>
    %add3A_42 = arith.addf %add3A_37, %add3A_41 : vector<16384x1xf32>
    %swap3A = arith.constant 0 : index
    %swap3A_43 = arith.constant 0 : index
    %swap3A_44 = vector.load %arg6[%swap3A, %swap3A_43] : memref<16384x1xf32, #tpu.memory_space<vmem>>, vector<16384x1xf32>
    tpu.vector_store %arg6[%swap3A, %swap3A_43], %add3A_42 {strides = array<i32>} : memref<16384x1xf32, #tpu.memory_space<vmem>>, vector<16384x1xf32>,
    return
  }
}

</mosaic_0001>

<sc_bundles>
// kernel: kernel.5.cloned.1.call-start
scs
__scs_entry_jumppad:
0x0: {  	(pc) =	sbr.rel $0x88, $3  }
0x1: {  	(tag) =	ssettag $0x0;
	lr =	simm.s32 $0x1  }
0x2: {  	[smem:$0x3F9B] =	sst lr;
	_ =	strace $0xD0000000  }
0x3: {  	_ = 	snop  }
0x4: {  	_ = 	snop  }
0x5: {  	_ = 	snop  }
0x6: {  	_ = 	snop  }
0x7: {  	_ = 	snop  }
__scs_overlays_trampoline_lowered:
0x8: {  	[smem:$0x3FAA] =	sst s0  }
0x9: {  	[smem:$0x3FAB] =	sst s1  }
0xa: {  	[smem:$0x3FAC] =	sst s2  }
0xb: {  	[smem:$0x3FAD] =	sst s3  }
0xc: {  	[smem:$0x3FAE] =	sst s4  }
0xd: {  	[smem:$0x3FAF] =	sst s5  }
0xe: {  	[smem:$0x3FB0] =	sst s6  }
0xf: {  	[smem:$0x3FB1] =	sst s7  }
0x10: {  	[smem:$0x3FB2] =	sst s8  }
0x11: {  	[smem:$0x3FB3] =	sst s9;
	s0 =	simm.s32 @!p0 $0x0  }
0x12: {  	s1 =	sld [smem:$0x3F99];
	s0 =	simm.s32 @p0 $0x1  }
0x13: {  	[smem:$0x3FB4] =	sst s0;
	s0 =	simm.s32 @!p1 $0x0  }
0x14: {  	s2 =	sld [smem:$0x3F98];
	s0 =	simm.s32 @p1 $0x1  }
0x15: {  	[smem:$0x3FB5] =	sst s0;
	s0 =	simm.s32 @!p2 $0x0  }
0x16: {  	s3 =	sld [smem:$0x3FDB];
	s0 =	simm.s32 @p2 $0x1  }
0x17: {  	s4 =	simm.s32 $0x1BF5;
	[smem:$0x3FB7] =	sst s0  }
0x18: {  	s0 =	sld [smem:$0x3F9A];
	_ =	swait.ge [sflag:s4], $0x0  }
0x19: {  	s7 =	sld [smem:$0x3F9B]  }
0x1a: {  	s8 =	sadd.s32 $0xFFFFE003, lr  }
0x1b: {  	s9 =	sadd.s32 $0xFFFFFEF7, lr;
	s5 =	simm.s32 $0xFFFFFFFF;
	p2 =	slt.u32 s8, $0xFFFFF086  }
0x1c: {  	p1 =	slt.u32 s9, $0xF7A;
	s5 =	simm.s32 @!p2 $0x0  }
0x1d: {  	s5 =	simm.s32 @p1 $0x1;
	p0 =	seq.s32 s7, s2  }
0x1e: {  	s7 =	smul.u32 @!p0 $0xF7A, s2;
	p2 =	seq.s32 @!p0 s5, $0x0  }
0x1f: {  	s9 =	smul.u32 $0xF7A, s1;
	s8 =	simm.s32 @!p0 $0x1BF5;
	p2 =	por !p2, p0  }
0x20: {  	[sflag:s8] =	ssyncset.s32 @!p0 $0xFFFFF086;
	s6 =	sadd.s32 @!p0 s3, s7;
	s7 =	simm.s32 @!p0 $0x108  }
0x21: {  	s3 =	sadd.s32 s3, s9;
	s6 =	sadd.s32 @!p0 $0x88, s6;
	s7 =	simm.s32 @p2 $0x1082  }
0x22: {  	[simem:s7], [sflag:s8] =	dma.local @!p0 [hbm:s6], $0xF7A  }
0x23: {  	s9 =	sor.u32 $0xD0000000, s2;
	s6 =	simm.s32 $0x108;
	_ =	swait.ge @!p0 [sflag:s8], $0x0  }
0x24: {  	s3 =	sadd.s32 $0x88, s3;
	s6 =	simm.s32 @!p1 $0x1082;
	[sflag:s4] =	ssyncset.s32 $0xFFFFF086  }
0x25: {  	[simem:s6], [sflag:s4] =	dma.local [hbm:s3], $0xF7A  }
0x26: {  	[smem:$0x3F9B] =	sst s1;
	(tag) =	ssettag s2;
	_ =	strace s9  }
0x27: {  	s1 =	sld [smem:$0x3FAB]  }
0x28: {  	s2 =	sld [smem:$0x3FAC]  }
0x29: {  	s4 =	sld [smem:$0x3FAE]  }
0x2a: {  	p0 =	seq.s32 s5, $0x0;
	s5 =	sld [smem:$0x3FAF]  }
0x2b: {  	s6 =	sld [smem:$0x3FB0]  }
0x2c: {  	s7 =	sld [smem:$0x3FB1]  }
0x2d: {  	s3 =	simm.s32 $0x108;
	s8 =	sld [smem:$0x3FB2]  }
0x2e: {  	s3 =	simm.s32 @!p0 $0x1082;
	s9 =	sld [smem:$0x3FB3]  }
0x2f: {  	lr =	sadd.s32 s0, s3;
	s0 =	sld [smem:$0x3FAA]  }
0x30: {  	s3 =	sld [smem:$0x3FAD]  }
0x31: {  	[smem:$0x3FB6] =	sst s10  }
0x32: {  	s10 =	sld [smem:$0x3FB4];
	_ =	sdelay $0x3  }
0x33: {  	p0 =	seq.s32 s10, $0x1;
	s10 =	sld [smem:$0x3FB6];
	_ =	sdelay $0x3  }
0x34: {  	[smem:$0x3FB6] =	sst s10  }
0x35: {  	s10 =	sld [smem:$0x3FB5];
	_ =	sdelay $0x3  }
0x36: {  	p1 =	seq.s32 s10, $0x1;
	s10 =	sld [smem:$0x3FB6];
	_ =	sdelay $0x3  }
0x37: {  	[smem:$0x3FB6] =	sst s10  }
0x38: {  	s10 =	sld [smem:$0x3FB7]  }
0x39: {  	_ = 	snop;
	(pc) =	sbr.ind lr, $3  }
0x3a: {  	_ = 	snop  }
0x3b: {  	_ = 	snop  }
0x3c: {  	p2 =	seq.s32 s10, $0x1;
	s10 =	sld [smem:$0x3FB6]  }
0x3d: {  	_ =	shalt  }
0x3e: {  	_ =	shalt  }
0x3f: {  	_ =	shalt  }
0x40: {  	_ =	shalt  }
0x41: {  	_ =	shalt  }
0x42: {  	_ =	shalt  }
0x43: {  	_ =	shalt  }
0x44: {  	_ =	shalt  }
0x45: {  	_ =	shalt  }
0x46: {  	_ =	shalt  }
0x47: {  	_ =	shalt  }
0x48: {  	_ =	shalt  }
0x49: {  	_ =	shalt  }
0x4a: {  	_ =	shalt  }
0x4b: {  	_ =	shalt  }
0x4c: {  	_ =	shalt  }
0x4d: {  	_ =	shalt  }
0x4e: {  	_ =	shalt  }
0x4f: {  	_ =	shalt  }
0x50: {  	_ =	shalt  }
0x51: {  	_ =	shalt  }
0x52: {  	_ =	shalt  }
0x53: {  	_ =	shalt  }
0x54: {  	_ =	shalt  }
0x55: {  	_ =	shalt  }
0x56: {  	_ =	shalt  }
0x57: {  	_ =	shalt  }
0x58: {  	_ =	shalt  }
0x59: {  	_ =	shalt  }
0x5a: {  	_ =	shalt  }
0x5b: {  	_ =	shalt  }
0x5c: {  	_ =	shalt  }
0x5d: {  	_ =	shalt  }
0x5e: {  	_ =	shalt  }
0x5f: {  	_ =	shalt  }
0x60: {  	_ =	shalt  }
0x61: {  	_ =	shalt  }
0x62: {  	_ =	shalt  }
0x63: {  	_ =	shalt  }
0x64: {  	_ =	shalt  }
0x65: {  	_ =	shalt  }
0x66: {  	_ =	shalt  }
0x67: {  	_ =	shalt  }
0x68: {  	_ =	shalt  }
0x69: {  	_ =	shalt  }
0x6a: {  	_ =	shalt  }
0x6b: {  	_ =	shalt  }
0x6c: {  	_ =	shalt  }
0x6d: {  	_ =	shalt  }
0x6e: {  	_ =	shalt  }
0x6f: {  	_ =	shalt  }
0x70: {  	_ =	shalt  }
0x71: {  	_ =	shalt  }
0x72: {  	_ =	shalt  }
0x73: {  	_ =	shalt  }
0x74: {  	_ =	shalt  }
0x75: {  	_ =	shalt  }
0x76: {  	_ =	shalt  }
0x77: {  	_ =	shalt  }
0x78: {  	_ =	shalt  }
0x79: {  	_ =	shalt  }
0x7a: {  	_ =	shalt  }
0x7b: {  	_ =	shalt  }
0x7c: {  	_ =	shalt  }
0x7d: {  	_ =	shalt  }
0x7e: {  	_ =	shalt  }
0x7f: {  	_ =	shalt  }
0x80: {  	_ =	shalt  }
0x81: {  	_ =	shalt  }
0x82: {  	_ =	shalt  }
0x83: {  	_ =	shalt  }
0x84: {  	_ =	shalt  }
0x85: {  	_ =	shalt  }
0x86: {  	_ =	shalt  }
0x87: {  	_ =	shalt  }
.Lfunc_end0:
.L_simem_size_0:
called_computation_lowered:
.L_overlay_start_0:
0x88: {  	s2 =	sld [smem:$0x3FD9]  }
0x89: {  	s3 =	sld [smem:$0x3FFE];
	_ =	sdelay $0x1  }
0x8a: {  	s1 =	srdreg.scid  }
0x8b: {  	s0 =	sand.u32 $0x1, s1  }
0x8c: {  	s17 =	sshll.u32 s0, $0xA;
	s2 =	sadd.s32 s3, s2  }
0x8d: {  	s2 =	sadd.s32 s2, s17  }
0x8e: {  	[smem:$0x3FC2] =	sst s2  }
0x8f: {  	_ = 	snop  }
0x90: {  	s2 =	sld [smem:$0x3FD0];
	(tm) =	ssettm $0x1  }
0x91: {  	s18 =	sld [smem:$0x3FFB];
	_ =	sdelay $0x3  }
0x92: {  	_ =	strace s18  }
0x93: {  	s3 =	sld [smem:$0x3FFC];
	_ =	sdelay $0x3  }
0x94: {  	_ =	strace s3  }
0x95: {  	s3 =	sld [smem:$0x3FFD];
	_ =	sdelay $0x3  }
0x96: {  	_ =	strace s3  }
0x97: {  	_ =	strace $0x8FFFFFFF  }
0x98: {  	s19 =	sld [smem:$0x3FDB];
	_ =	sdelay $0x1  }
0x99: {  	s4 =	simm.s32 $_scs_section_size  }
0x9a: {  	s5 =	simm.s32 $_size__tile_overlayer_lowered;
	s6 =	simm.s32 $_tile_overlayer_lowered  }
0x9b: {  	s22 =	simm.s32 $0x1BFF;
	s21 =	sshll.u32 s6, $0x1;
	s3 =	sadd.s32 s4, s19  }
0x9c: {  	s7 =	simm.s32 $0x0;
	s20 =	sshll.u32 s5, $0x1;
	s5 =	sadd.s32 s21, s3  }
0x9d: {  	[timem:s7], [sflag:s22] =	dma.local [hbm:s5], s20  }
0x9e: {  	_ =	swait.ge [sflag:s22], s20  }
0x9f: {  	s4 =	ssub.s32 $0x0, s20;
	[sflag:s22] =	ssyncset.done $0x0  }
0xa0: {  	[sflag:s22] =	ssyncadd.s32 s4;
	_ =	sdelay $0x1  }
0xa1: {  	s23 =	simm.s32 $0x1B8B  }
0xa2: {  	_ =	swait.ge [sflag:s23], $0x1  }
0xa3: {  	[sflag:s23] =	ssyncset.done $0x0  }
0xa4: {  	s25 =	simm.s32 $0x1B8E;
	s24 =	sld [smem:$0x3FFE];
	[sflag:s23] =	ssyncadd.s32 $0xFFFFFFFF  }
0xa5: {  	s26 =	simm.s32 $execute0_lowered;
	[smem:$0x3FD2] =	sst s25  }
0xa6: {  	s5 =	sshll.u32 s26, $0x1;
	_ =	strace $0x80000046;
	[dreg:$0x1] =	wrdreg $0xFFFFFFFF  }
0xa7: {  	s28 =	simm.s32 $_size_execute0_lowered;
	s3 =	sadd.s32 s3, s5;
	[dreg:$0x0] =	wrdreg $0x0  }
0xa8: {  	s5 =	sshll.u32 s28, $0x1;
	[dreg:$0x2] =	wrdreg s3  }
0xa9: {  	[dreg:$0x3] =	wrdreg s5  }
0xaa: {  	[dreg:$0x4] =	wrdreg $0xC0  }
0xab: {  	_ =	task [dreg:s7], $0x5FFFF  }
0xac: {  	[dreg:$0x1] =	wrdreg $0xFFFFFFFF  }
0xad: {  	[dreg:$0x0] =	wrdreg $0x60  }
0xae: {  	[dreg:$0x2] =	wrdreg s24  }
0xaf: {  	[dreg:$0x3] =	wrdreg s2  }
0xb0: {  	[dreg:$0x4] =	wrdreg $0x9  }
0xb1: {  	_ =	task.clear_ibuf [dreg:s7], $0x5FFFF;
	_ =	strace $0x90000046  }
0xb2: {  	s29 =	simm.s32 $0x9;
	_ =	strace $0x80000048  }
0xb3: {  	_ =	swait.ge [sflag:s29], $0x1  }
0xb4: {  	[sflag:s29] =	ssyncadd.s32 $0xFFFFFFFF  }
0xb5: {  	_ =	strace $0x90000048  }
0xb6: {  	_ =	sfence  }
0xb7: {  	s30 =	sld [smem:$0x0];
	_ =	sdelay $0x2  }
0xb8: {  	s31 =	sshll.u32 s1, $0xD;
	s1 =	sshrl.u32 s1, $0x2  }
0xb9: {  	s3 =	sand.u32 $0x4000, s31;
	s1 =	sadd.s32 s1, s30  }
0xba: {  	s0 =	sor.u32 s3, s0;
	s1 =	sshll.u32 s1, $0x11  }
0xbb: {  	s0 =	sor.u32 s1, s0  }
0xbc: {  	s0 =	sadd.s32 $0x8F2B, s0  }
0xbd: {  	[sflag:s0] =	ssyncadd.remote.s32 $0x1  }
0xbe: {  	_ =	sfence.sel $0xFFFF  }
0xbf: {  	[dreg:$0x0] =	wrdreg $0xFFFFFFFF;
	(pc) =	sbr.abs _section_cstart, $3  }
0xc0: {  	[dreg:$0x1] =	wrdreg $0xFFFFFFFF  }
0xc1: {  	_ =	task.clear_ibuf [dreg:s7], $0x2FFFF;
	_ =	strace $0x9FFFFFFF  }
0xc2: {  	(tm) =	ssettm $0x7FFFFFFF  }
0xc3: {  	_ =	shalt  }
tec
execute0_lowered:
.L_overlay_start_1:
0x0: {  	(tag) =	ssettag $0x1  }
0x1: {  	v5 =	vlaneseq.u32  }
0x2: {  	v0 =	vmul.u32 $0x27, v5;
	_ =	sdelay $0x1  }
0x3: {  	v5 =	vmul.u32 $0x10, v5;
	v1 =	vadd.s32 $0x270, v0  }
0x4: {  	v2 =	vadd.s32 $0x4E0, v0;
	v3 =	vadd.s32 $0x750, v0;
	v4 =	vadd.s32 $0x9C0, v0  }
0x5: {  	v6 =	vadd.s32 $0xC30, v0;
	v7 =	vadd.s32 $0xEA0, v0;
	v8 =	vadd.s32 $0x1110, v0  }
0x6: {  	v9 =	vor.u32 $0xCF00, v5;
	v20 =	vor.u32 $0x7700, v5;
	v21 =	vor.u32 $0x6F00, v5  }
0x7: {  	v22 =	vor.u32 $0x6700, v5;
	v23 =	vor.u32 $0x5F00, v5;
	v24 =	vor.u32 $0x5700, v5  }
0x8: {  	v25 =	vor.u32 $0x4F00, v5;
	v26 =	vor.u32 $0x4700, v5;
	v27 =	vor.u32 $0x3F00, v5  }
0x9: {  	v28 =	vor.u32 $0x3700, v5;
	v29 =	vor.u32 $0x2F00, v5;
	v30 =	vor.u32 $0x2700, v5  }
0xa: {  	v31 =	vor.u32 $0x1F00, v5;
	v32 =	vor.u32 $0x1700, v5;
	v33 =	vor.u32 $0xF00, v5  }
0xb: {  	s0 =	rddreg [dreg:$0x0];
	s3 =	simm.s32 $0x0;
	v34 =	vor.u32 $0x700, v5;
	v35 =	vor.u32 $0xCE00, v5;
	v36 =	vor.u32 $0xC600, v5  }
0xc: {  	[smem:$0x7FF] =	sst s3;
	v37 =	vor.u32 $0xBE00, v5;
	v38 =	vor.u32 $0xB600, v5;
	v39 =	vor.u32 $0xAE00, v5  }
0xd: {  	s1 =	rddreg [dreg:$0x1];
	s2 =	srdreg.scid;
	_ =	strace $0x80000047;
	v40 =	vor.u32 $0xA600, v5;
	v41 =	vor.u32 $0x9E00, v5;
	[tilespmem:$0x1FF50] =	vst v9;
	v9 =	vor.u32 $0xC700, v5  }
0xe: {  	s5 =	stileid.u32;
	s10 =	simm.s32 $0x2;
	s11 =	simm.s32 $0x80;
	v42 =	vor.u32 $0x9600, v5;
	v43 =	vor.u32 $0x8E00, v5;
	[tilespmem:$0x1FF60] =	vst v9;
	v9 =	vor.u32 $0xBF00, v5  }
0xf: {  	s13 =	simm.s32 $0x5B00;
	s21 =	simm.s32 $0x11B00;
	s2 =	sand.u32 $0x1, s2;
	v44 =	vor.u32 $0x8600, v5;
	v45 =	vor.u32 $0x7E00, v5;
	[tilespmem:$0x1FF70] =	vst v9;
	v9 =	vor.u32 $0xB700, v5  }
0x10: {  	s22 =	simm.s32 $0x3380;
	s23 =	simm.s32 $0x12300;
	s4 =	sshll.u32 s2, $0x4;
	v46 =	vor.u32 $0x7600, v5;
	v47 =	vor.u32 $0x6E00, v5;
	[tilespmem:$0x1FF80] =	vst v9;
	v9 =	vor.u32 $0xAF00, v5  }
0x11: {  	s24 =	simm.s32 $0x1380;
	s25 =	simm.s32 $0x1;
	s5 =	sor.u32 s5, s4;
	v48 =	vor.u32 $0x6600, v5;
	v49 =	vor.u32 $0x5E00, v5;
	[tilespmem:$0x1FF90] =	vst v9;
	v9 =	vor.u32 $0xA700, v5  }
0x12: {  	s26 =	simm.s32 $0x1FB00;
	s28 =	simm.s32 $0x3;
	v50 =	vor.u32 $0x5600, v5;
	v51 =	vor.u32 $0x4E00, v5;
	s6 =	smul.u32 $0x4E00, s5;
	[tilespmem:$0x1FFA0] =	vst v9;
	v9 =	vor.u32 $0x9F00, v5  }
.Ltmp0:
0x13: {  	s29 =	simm.s32 $0x0;
	s2 =	ssub.s32 $0x2, s2;
	v52 =	vor.u32 $0x4600, v5;
	v53 =	vor.u32 $0x3E00, v5;
	[tilespmem:$0x1FFB0] =	vst v9;
	v9 =	vor.u32 $0x9700, v5;
	(pc) =	sbr.rel .LBB2_1-.Ltmp0, $4  }
0x14: {  	s7 =	sadd.s32 $0xC00, s0;
	s4 =	sadd.s32 $0x14400, s0;
	s8 =	sshrl.u32 s2, $0x1;
	v54 =	vor.u32 $0x3600, v5;
	v55 =	vor.u32 $0x2E00, v5;
	[tilespmem:$0x1FFC0] =	vst v9;
	v9 =	vor.u32 $0x8F00, v5  }
0x15: {  	v56 =	vor.u32 $0x2600, v5;
	v57 =	vor.u32 $0x1E00, v5;
	s9 =	smul.u32 $0x9C0, s5;
	s2 =	ssub.s32 s2, s8;
	s6 =	sshrl.u32 s6, $0x3;
	[tilespmem:$0x1FFD0] =	vst v9;
	v9 =	vor.u32 $0x8700, v5  }
0x16: {  	v58 =	vor.u32 $0x1600, v5;
	v59 =	vor.u32 $0xE00, v5;
	s5 =	sshll.u32 s5, $0x2;
	s8 =	smax.u32 s2, $0x1;
	s31 =	sadd.s32 s7, s6;
	[tilespmem:$0x1FFE0] =	vst v9;
	v9 =	vor.u32 $0x7F00, v5  }
0x17: {  	v60 =	vor.u32 $0x600, v5;
	v61 =	vor.u32 $0xCD00, v5;
	v62 =	vor.u32 $0xC500, v5;
	s6 =	sadd.s32 s7, s9;
	s9 =	sadd.s32 $0x10E0, s0;
	s7 =	sadd.s32 $0x270, s31;
	[tilespmem:$0x1FFF0] =	vst v9  }
.LBB2_11:
0x18: {  	s29 =	sadd.s32 $0x1, s29  }
0x19: {  	p0 =	sne.s32 s29, s8  }
.Ltmp1:
0x1a: {  	_ = 	snop;
	(pc) =	sbr.rel @!p0 .LBB2_12-.Ltmp1, $1  }
0x1b: {  	_ =	sdelay $0x3  }
.LBB2_1:
0x1c: {  	v9 =	vadd.s32 s3, v0  }
0x1d: {  	[tilespmem:s3], [sflag:$0x2] =	stream.linear.gather [hbm4b:s6+s3], $0x1380, $0x38;
	[tilespmem:$0x1FB80] =	vst v63  }
0x1e: {  	_ =	swait.ge [sflag:s10], $0x1380  }
0x1f: {  	[sflag:s10] =	ssyncset.done $0x0  }
0x20: {  	[sflag:s10] =	ssyncadd.s32 $0xFFFFEC80  }
0x21: {  	v9 =	vld.idx.msk [tilespmem:v9+s3+$0x0], $0xffff;
	_ =	sdelay $0x4  }
0x22: {  	v9 =	vtrunc.f32 v9  }
0x23: {  	v9 =	vcvt.f32.s32 v9  }
0x24: {  	v63 =	vadd.s32 s3, v1  }
0x25: {  	v10 =	vadd.s32 s3, v9  }
0x26: {  	s2 =	simm.s32 $0x2740;
	v10 =	vshra.s32 v10, $0x4  }
0x27: {  	s0 =	simm.s32 $0x4140;
	v9 =	vand.u32 $0xF, v9;
	[tilespmem:s2+$0xFFFFFFC0] =	vst v10  }
0x28: {  	[tilespmem:s0+$0xFFFFFFC0] =	vst v9  }
0x29: {  	v9 =	vld.idx.msk [tilespmem:v63+s3+$0x0], $0xffff;
	_ =	sdelay $0x4  }
0x2a: {  	v9 =	vtrunc.f32 v9  }
0x2b: {  	v9 =	vcvt.f32.s32 v9  }
0x2c: {  	v10 =	vadd.s32 s3, v2  }
0x2d: {  	v12 =	vadd.s32 s3, v9  }
0x2e: {  	v63 =	vshra.s32 v12, $0x4  }
0x2f: {  	v9 =	vand.u32 $0xF, v9;
	[tilespmem:s2+$0xFFFFFFD0] =	vst v63  }
0x30: {  	[tilespmem:s0+$0xFFFFFFD0] =	vst v9  }
0x31: {  	v9 =	vld.idx.msk [tilespmem:v10+s3+$0x0], $0xffff;
	_ =	sdelay $0x4  }
0x32: {  	v9 =	vtrunc.f32 v9  }
0x33: {  	v9 =	vcvt.f32.s32 v9  }
0x34: {  	v10 =	vadd.s32 s3, v3  }
0x35: {  	v13 =	vadd.s32 s3, v9  }
0x36: {  	v63 =	vshra.s32 v13, $0x4  }
0x37: {  	v9 =	vand.u32 $0xF, v9;
	[tilespmem:s2+$0xFFFFFFE0] =	vst v63  }
0x38: {  	[tilespmem:s0+$0xFFFFFFE0] =	vst v9  }
0x39: {  	v9 =	vld.idx.msk [tilespmem:v10+s3+$0x0], $0xffff;
	_ =	sdelay $0x4  }
0x3a: {  	v9 =	vtrunc.f32 v9  }
0x3b: {  	v9 =	vcvt.f32.s32 v9  }
0x3c: {  	v10 =	vadd.s32 s3, v4  }
0x3d: {  	v14 =	vadd.s32 s3, v9  }
0x3e: {  	v63 =	vshra.s32 v14, $0x4  }
0x3f: {  	v9 =	vand.u32 $0xF, v9;
	[tilespmem:s2+$0xFFFFFFF0] =	vst v63  }
0x40: {  	[tilespmem:s0+$0xFFFFFFF0] =	vst v9  }
0x41: {  	v9 =	vld.idx.msk [tilespmem:v10+s3+$0x0], $0xffff;
	_ =	sdelay $0x4  }
0x42: {  	v9 =	vtrunc.f32 v9  }
0x43: {  	v9 =	vcvt.f32.s32 v9  }
0x44: {  	v10 =	vadd.s32 s3, v6  }
0x45: {  	v15 =	vadd.s32 s3, v9  }
0x46: {  	v63 =	vshra.s32 v15, $0x4  }
0x47: {  	v9 =	vand.u32 $0xF, v9;
	[tilespmem:s2+$0x0] =	vst v63  }
0x48: {  	[tilespmem:s0+$0x0] =	vst v9  }
0x49: {  	v9 =	vld.idx.msk [tilespmem:v10+s3+$0x0], $0xffff;
	_ =	sdelay $0x4  }
0x4a: {  	v9 =	vtrunc.f32 v9  }
0x4b: {  	v9 =	vcvt.f32.s32 v9  }
0x4c: {  	v10 =	vadd.s32 s3, v7  }
0x4d: {  	v16 =	vadd.s32 s3, v9  }
0x4e: {  	v63 =	vshra.s32 v16, $0x4  }
0x4f: {  	v9 =	vand.u32 $0xF, v9;
	[tilespmem:s2+$0x10] =	vst v63  }
0x50: {  	[tilespmem:s0+$0x10] =	vst v9  }
0x51: {  	v9 =	vld.idx.msk [tilespmem:v10+s3+$0x0], $0xffff;
	_ =	sdelay $0x4  }
0x52: {  	v9 =	vtrunc.f32 v9  }
0x53: {  	v9 =	vcvt.f32.s32 v9  }
0x54: {  	v10 =	vadd.s32 s3, v8  }
0x55: {  	v17 =	vadd.s32 s3, v9  }
0x56: {  	v63 =	vshra.s32 v17, $0x4  }
0x57: {  	v9 =	vand.u32 $0xF, v9;
	[tilespmem:s2+$0x20] =	vst v63  }
0x58: {  	[tilespmem:s0+$0x20] =	vst v9  }
0x59: {  	v9 =	vld.idx.msk [tilespmem:v10+s3+$0x0], $0xffff;
	_ =	sdelay $0x4  }
0x5a: {  	v9 =	vtrunc.f32 v9  }
0x5b: {  	v9 =	vcvt.f32.s32 v9  }
0x5c: {  	s12 =	simm.s32 $0x1  }
0x5d: {  	v63 =	vadd.s32 s12, v0;
	v10 =	vadd.s32 s3, v9  }
0x5e: {  	v10 =	vshra.s32 v10, $0x4  }
0x5f: {  	s17 =	simm.s32 $0x2;
	s14 =	simm.s32 $0x0;
	v9 =	vand.u32 $0xF, v9;
	[tilespmem:s2+$0x30] =	vst v10;
	s2 =	simm.s32 $0x27C0  }
.LBB2_2:
0x60: {  	s14 =	sadd.s32 $0x18800, s14  }
0x61: {  	[tilespmem:s0+$0x30] =	vst v9;
	s0 =	sadd.s32 $0x80, s0;
	s16 =	smov.u32 s17;
	s15 =	sadd.s32 $0x1, s17  }
0x62: {  	p0 =	sne.s32 s17, $0x19;
	v9 =	vld.idx.msk [tilespmem:v63+s3+$0x0], $0xffff;
	_ =	sdelay $0x5  }
0x63: {  	v9 =	vtrunc.f32 v9  }
0x64: {  	v9 =	vcvt.f32.s32 v9  }
0x65: {  	v10 =	vadd.s32 s12, v1  }
0x66: {  	v63 =	vadd.s32 s14, v9  }
0x67: {  	v63 =	vshra.s32 v63, $0x4  }
0x68: {  	v9 =	vand.u32 $0xF, v9;
	[tilespmem:s2+$0xFFFFFFC0] =	vst v63  }
0x69: {  	[tilespmem:s0+$0xFFFFFFC0] =	vst v9  }
0x6a: {  	v9 =	vld.idx.msk [tilespmem:v10+s3+$0x0], $0xffff;
	_ =	sdelay $0x5  }
0x6b: {  	v9 =	vtrunc.f32 v9  }
0x6c: {  	v9 =	vcvt.f32.s32 v9  }
0x6d: {  	v10 =	vadd.s32 s12, v2  }
0x6e: {  	v63 =	vadd.s32 s14, v9  }
0x6f: {  	v63 =	vshra.s32 v63, $0x4  }
0x70: {  	v9 =	vand.u32 $0xF, v9;
	[tilespmem:s2+$0xFFFFFFD0] =	vst v63  }
0x71: {  	[tilespmem:s0+$0xFFFFFFD0] =	vst v9  }
0x72: {  	v9 =	vld.idx.msk [tilespmem:v10+s3+$0x0], $0xffff;
	_ =	sdelay $0x5  }
0x73: {  	v9 =	vtrunc.f32 v9  }
0x74: {  	v9 =	vcvt.f32.s32 v9  }
0x75: {  	v10 =	vadd.s32 s12, v3  }
0x76: {  	v63 =	vadd.s32 s14, v9  }
0x77: {  	v63 =	vshra.s32 v63, $0x4  }
0x78: {  	v9 =	vand.u32 $0xF, v9;
	[tilespmem:s2+$0xFFFFFFE0] =	vst v63  }
0x79: {  	[tilespmem:s0+$0xFFFFFFE0] =	vst v9  }
0x7a: {  	v9 =	vld.idx.msk [tilespmem:v10+s3+$0x0], $0xffff;
	_ =	sdelay $0x5  }
0x7b: {  	v9 =	vtrunc.f32 v9  }
0x7c: {  	v9 =	vcvt.f32.s32 v9  }
0x7d: {  	v10 =	vadd.s32 s12, v4  }
0x7e: {  	v63 =	vadd.s32 s14, v9  }
0x7f: {  	v63 =	vshra.s32 v63, $0x4  }
0x80: {  	v9 =	vand.u32 $0xF, v9;
	[tilespmem:s2+$0xFFFFFFF0] =	vst v63  }
0x81: {  	[tilespmem:s0+$0xFFFFFFF0] =	vst v9  }
0x82: {  	v9 =	vld.idx.msk [tilespmem:v10+s3+$0x0], $0xffff;
	_ =	sdelay $0x5  }
0x83: {  	v9 =	vtrunc.f32 v9  }
0x84: {  	v9 =	vcvt.f32.s32 v9  }
0x85: {  	v10 =	vadd.s32 s12, v6  }
0x86: {  	v63 =	vadd.s32 s14, v9  }
0x87: {  	v63 =	vshra.s32 v63, $0x4  }
0x88: {  	v9 =	vand.u32 $0xF, v9;
	[tilespmem:s2+$0x0] =	vst v63  }
0x89: {  	[tilespmem:s0+$0x0] =	vst v9  }
0x8a: {  	v9 =	vld.idx.msk [tilespmem:v10+s3+$0x0], $0xffff;
	_ =	sdelay $0x5  }
0x8b: {  	v9 =	vtrunc.f32 v9  }
0x8c: {  	v9 =	vcvt.f32.s32 v9  }
0x8d: {  	v10 =	vadd.s32 s12, v7  }
0x8e: {  	v63 =	vadd.s32 s14, v9  }
0x8f: {  	v63 =	vshra.s32 v63, $0x4  }
0x90: {  	v9 =	vand.u32 $0xF, v9;
	[tilespmem:s2+$0x10] =	vst v63  }
0x91: {  	[tilespmem:s0+$0x10] =	vst v9  }
0x92: {  	v9 =	vld.idx.msk [tilespmem:v10+s3+$0x0], $0xffff;
	_ =	sdelay $0x5  }
0x93: {  	v9 =	vtrunc.f32 v9  }
0x94: {  	v9 =	vcvt.f32.s32 v9  }
0x95: {  	v10 =	vadd.s32 s12, v8;
	s12 =	smov.u32 s16  }
0x96: {  	v63 =	vadd.s32 s14, v9  }
0x97: {  	v63 =	vshra.s32 v63, $0x4  }
0x98: {  	v9 =	vand.u32 $0xF, v9;
	[tilespmem:s2+$0x20] =	vst v63  }
0x99: {  	[tilespmem:s0+$0x20] =	vst v9  }
0x9a: {  	v9 =	vld.idx.msk [tilespmem:v10+s3+$0x0], $0xffff;
	_ =	sdelay $0x5  }
0x9b: {  	v9 =	vtrunc.f32 v9  }
.Ltmp2:
0x9c: {  	v9 =	vcvt.f32.s32 v9;
	(pc) =	sbr.rel @p0 .LBB2_2-.Ltmp2, $4  }
0x9d: {  	v63 =	vadd.s32 s12, v0  }
0x9e: {  	v10 =	vadd.s32 s14, v9  }
0x9f: {  	v10 =	vshra.s32 v10, $0x4  }
0xa0: {  	s17 =	smov.u32 s15;
	v9 =	vand.u32 $0xF, v9;
	[tilespmem:s2+$0x30] =	vst v10;
	s2 =	sadd.s32 $0x80, s2  }
0xa1: {  	_ =	sdelay $0x2  }
0xa2: {  	[tilespmem:s0+$0x30] =	vst v9  }
0xa3: {  	v9 =	vld.idx.msk [tilespmem:v63+s3+$0x0], $0xffff;
	_ =	sdelay $0x4  }
0xa4: {  	v9 =	vtrunc.f32 v9  }
0xa5: {  	v9 =	vcvt.f32.s32 v9  }
0xa6: {  	s14 =	sadd.s32 $0x18800, s14;
	v10 =	vadd.s32 s12, v1  }
0xa7: {  	v17 =	vadd.s32 s14, v9  }
0xa8: {  	v63 =	vshra.s32 v17, $0x4  }
0xa9: {  	s31 =	sadd.s32 $0x80, s0;
	v9 =	vand.u32 $0xF, v9;
	[tilespmem:s2+$0xFFFFFFC0] =	vst v63  }
0xaa: {  	[tilespmem:s31+$0xFFFFFFC0] =	vst v9  }
0xab: {  	v9 =	vld.idx.msk [tilespmem:v10+s3+$0x0], $0xffff;
	_ =	sdelay $0x4  }
0xac: {  	v9 =	vtrunc.f32 v9  }
0xad: {  	v9 =	vcvt.f32.s32 v9  }
0xae: {  	v10 =	vadd.s32 s12, v2  }
0xaf: {  	v12 =	vadd.s32 s14, v9  }
0xb0: {  	v63 =	vshra.s32 v12, $0x4  }
0xb1: {  	v9 =	vand.u32 $0xF, v9;
	[tilespmem:s2+$0xFFFFFFD0] =	vst v63  }
0xb2: {  	[tilespmem:s31+$0xFFFFFFD0] =	vst v9  }
0xb3: {  	v9 =	vld.idx.msk [tilespmem:v10+s3+$0x0], $0xffff;
	_ =	sdelay $0x4  }
0xb4: {  	v9 =	vtrunc.f32 v9  }
0xb5: {  	v9 =	vcvt.f32.s32 v9  }
0xb6: {  	v10 =	vadd.s32 s12, v3  }
0xb7: {  	v13 =	vadd.s32 s14, v9  }
0xb8: {  	v63 =	vshra.s32 v13, $0x4  }
0xb9: {  	v9 =	vand.u32 $0xF, v9;
	[tilespmem:s2+$0xFFFFFFE0] =	vst v63  }
0xba: {  	[tilespmem:s31+$0xFFFFFFE0] =	vst v9  }
0xbb: {  	v9 =	vld.idx.msk [tilespmem:v10+s3+$0x0], $0xffff;
	_ =	sdelay $0x4  }
0xbc: {  	v9 =	vtrunc.f32 v9  }
0xbd: {  	v9 =	vcvt.f32.s32 v9  }
0xbe: {  	v10 =	vadd.s32 s12, v4  }
0xbf: {  	v14 =	vadd.s32 s14, v9  }
0xc0: {  	v63 =	vshra.s32 v14, $0x4  }
0xc1: {  	v9 =	vand.u32 $0xF, v9;
	[tilespmem:s2+$0xFFFFFFF0] =	vst v63  }
0xc2: {  	[tilespmem:s31+$0xFFFFFFF0] =	vst v9  }
0xc3: {  	v9 =	vld.idx.msk [tilespmem:v10+s3+$0x0], $0xffff;
	_ =	sdelay $0x4  }
0xc4: {  	v9 =	vtrunc.f32 v9  }
0xc5: {  	v9 =	vcvt.f32.s32 v9  }
0xc6: {  	v10 =	vadd.s32 s12, v6  }
0xc7: {  	v15 =	vadd.s32 s14, v9  }
0xc8: {  	v63 =	vshra.s32 v15, $0x4  }
0xc9: {  	v9 =	vand.u32 $0xF, v9;
	[tilespmem:s2+$0x0] =	vst v63  }
0xca: {  	[tilespmem:s31+$0x0] =	vst v9  }
0xcb: {  	v9 =	vld.idx.msk [tilespmem:v10+s3+$0x0], $0xffff;
	_ =	sdelay $0x4  }
0xcc: {  	v9 =	vtrunc.f32 v9  }
0xcd: {  	v9 =	vcvt.f32.s32 v9  }
0xce: {  	v10 =	vadd.s32 s12, v7  }
0xcf: {  	v16 =	vadd.s32 s14, v9  }
0xd0: {  	v63 =	vshra.s32 v16, $0x4  }
0xd1: {  	v9 =	vand.u32 $0xF, v9;
	[tilespmem:s2+$0x10] =	vst v63  }
0xd2: {  	[tilespmem:s31+$0x10] =	vst v9  }
0xd3: {  	v9 =	vld.idx.msk [tilespmem:v10+s3+$0x0], $0xffff;
	_ =	sdelay $0x4  }
0xd4: {  	v9 =	vtrunc.f32 v9  }
0xd5: {  	v9 =	vcvt.f32.s32 v9  }
0xd6: {  	v10 =	vadd.s32 s12, v8  }
0xd7: {  	v17 =	vadd.s32 s14, v9  }
0xd8: {  	v63 =	vshra.s32 v17, $0x4  }
0xd9: {  	v9 =	vand.u32 $0xF, v9;
	[tilespmem:s2+$0x20] =	vst v63  }
0xda: {  	[tilespmem:s31+$0x20] =	vst v9  }
0xdb: {  	v9 =	vld.idx.msk [tilespmem:v10+s3+$0x0], $0xffff;
	_ =	sdelay $0x4  }
0xdc: {  	v9 =	vtrunc.f32 v9  }
0xdd: {  	v9 =	vcvt.f32.s32 v9;
	_ =	sdelay $0x1  }
0xde: {  	v10 =	vadd.s32 s14, v9  }
0xdf: {  	v10 =	vshra.s32 v10, $0x4  }
0xe0: {  	v9 =	vand.u32 $0xF, v9;
	[tilespmem:s2+$0x30] =	vst v10  }
0xe1: {  	s12 =	simm.s32 $0x2700;
	[tilespmem:s31+$0x30] =	vst v9  }
0xe2: {  	[tilespmem:s13], [sflag:$0x1] =	stream.indirect.gather [hbm4b:s4+s11], $0x10, s12, s11, $0xb8;
	[tilespmem:$0x1FB80] =	vst v63  }
0xe3: {  	s15 =	simm.s32 $0x6300;
	s14 =	simm.s32 $0x2780  }
0xe4: {  	[tilespmem:s15], [sflag:$0x1] =	stream.indirect.gather [hbm4b:s4+s11], $0x10, s14, s11, $0xb8;
	[tilespmem:$0x1FB80] =	vst v63  }
0xe5: {  	s16 =	simm.s32 $0x2800;
	s17 =	simm.s32 $0x6B00  }
0xe6: {  	[tilespmem:s17], [sflag:$0x1] =	stream.indirect.gather [hbm4b:s4+s11], $0x10, s16, s11, $0xb8;
	[tilespmem:$0x1FB80] =	vst v63  }
0xe7: {  	s18 =	simm.s32 $0x2880;
	s19 =	simm.s32 $0x7300  }
0xe8: {  	[tilespmem:s19], [sflag:$0x1] =	stream.indirect.gather [hbm4b:s4+s11], $0x10, s18, s11, $0xb8;
	[tilespmem:$0x1FB80] =	vst v63  }
0xe9: {  	s20 =	simm.s32 $0x2900;
	s31 =	simm.s32 $0x7B00  }
0xea: {  	[tilespmem:s31], [sflag:$0x1] =	stream.indirect.gather [hbm4b:s4+s11], $0x10, s20, s11, $0xb8;
	[tilespmem:$0x1FB80] =	vst v63  }
0xeb: {  	s2 =	simm.s32 $0x2980;
	s12 =	simm.s32 $0x8300  }
0xec: {  	[tilespmem:s12], [sflag:$0x1] =	stream.indirect.gather [hbm4b:s4+s11], $0x10, s2, s11, $0xb8;
	[tilespmem:$0x1FB80] =	vst v63  }
0xed: {  	s14 =	simm.s32 $0x2A00;
	s15 =	simm.s32 $0x8B00  }
0xee: {  	[tilespmem:s15], [sflag:$0x1] =	stream.indirect.gather [hbm4b:s4+s11], $0x10, s14, s11, $0xb8;
	[tilespmem:$0x1FB80] =	vst v63  }
0xef: {  	s16 =	simm.s32 $0x2A80;
	s17 =	simm.s32 $0x9300  }
0xf0: {  	[tilespmem:s17], [sflag:$0x1] =	stream.indirect.gather [hbm4b:s4+s11], $0x10, s16, s11, $0xb8;
	[tilespmem:$0x1FB80] =	vst v63  }
0xf1: {  	s18 =	simm.s32 $0x2B00;
	s19 =	simm.s32 $0x9B00  }
0xf2: {  	[tilespmem:s19], [sflag:$0x1] =	stream.indirect.gather [hbm4b:s4+s11], $0x10, s18, s11, $0xb8;
	[tilespmem:$0x1FB80] =	vst v63  }
0xf3: {  	s20 =	simm.s32 $0x2B80;
	s31 =	simm.s32 $0xA300  }
0xf4: {  	[tilespmem:s31], [sflag:$0x1] =	stream.indirect.gather [hbm4b:s4+s11], $0x10, s20, s11, $0xb8;
	[tilespmem:$0x1FB80] =	vst v63  }
0xf5: {  	s2 =	simm.s32 $0x2C00;
	s12 =	simm.s32 $0xAB00  }
0xf6: {  	[tilespmem:s12], [sflag:$0x1] =	stream.indirect.gather [hbm4b:s4+s11], $0x10, s2, s11, $0xb8;
	[tilespmem:$0x1FB80] =	vst v63  }
0xf7: {  	s14 =	simm.s32 $0x2C80;
	s15 =	simm.s32 $0xB300  }
0xf8: {  	[tilespmem:s15], [sflag:$0x1] =	stream.indirect.gather [hbm4b:s4+s11], $0x10, s14, s11, $0xb8;
	[tilespmem:$0x1FB80] =	vst v63  }
0xf9: {  	s16 =	simm.s32 $0x2D00;
	s17 =	simm.s32 $0xBB00  }
0xfa: {  	[tilespmem:s17], [sflag:$0x1] =	stream.indirect.gather [hbm4b:s4+s11], $0x10, s16, s11, $0xb8;
	[tilespmem:$0x1FB80] =	vst v63  }
0xfb: {  	s18 =	simm.s32 $0x2D80;
	s19 =	simm.s32 $0xC300  }
0xfc: {  	[tilespmem:s19], [sflag:$0x1] =	stream.indirect.gather [hbm4b:s4+s11], $0x10, s18, s11, $0xb8;
	[tilespmem:$0x1FB80] =	vst v63  }
0xfd: {  	s20 =	simm.s32 $0x2E00;
	s31 =	simm.s32 $0xCB00  }
0xfe: {  	[tilespmem:s31], [sflag:$0x1] =	stream.indirect.gather [hbm4b:s4+s11], $0x10, s20, s11, $0xb8;
	[tilespmem:$0x1FB80] =	vst v63  }
0xff: {  	s2 =	simm.s32 $0x2E80;
	s12 =	simm.s32 $0xD300  }
0x100: {  	[tilespmem:s12], [sflag:$0x1] =	stream.indirect.gather [hbm4b:s4+s11], $0x10, s2, s11, $0xb8;
	[tilespmem:$0x1FB80] =	vst v63  }
0x101: {  	s14 =	simm.s32 $0x2F00;
	s15 =	simm.s32 $0xDB00  }
0x102: {  	[tilespmem:s15], [sflag:$0x1] =	stream.indirect.gather [hbm4b:s4+s11], $0x10, s14, s11, $0xb8;
	[tilespmem:$0x1FB80] =	vst v63  }
0x103: {  	s16 =	simm.s32 $0x2F80;
	s17 =	simm.s32 $0xE300  }
0x104: {  	[tilespmem:s17], [sflag:$0x1] =	stream.indirect.gather [hbm4b:s4+s11], $0x10, s16, s11, $0xb8;
	[tilespmem:$0x1FB80] =	vst v63  }
0x105: {  	s18 =	simm.s32 $0x3000;
	s19 =	simm.s32 $0xEB00  }
0x106: {  	[tilespmem:s19], [sflag:$0x1] =	stream.indirect.gather [hbm4b:s4+s11], $0x10, s18, s11, $0xb8;
	[tilespmem:$0x1FB80] =	vst v63  }
0x107: {  	s20 =	simm.s32 $0x3080;
	s31 =	simm.s32 $0xF300  }
0x108: {  	[tilespmem:s31], [sflag:$0x1] =	stream.indirect.gather [hbm4b:s4+s11], $0x10, s20, s11, $0xb8;
	[tilespmem:$0x1FB80] =	vst v63  }
0x109: {  	s12 =	simm.s32 $0x3100;
	s14 =	simm.s32 $0xFB00  }
0x10a: {  	[tilespmem:s14], [sflag:$0x1] =	stream.indirect.gather [hbm4b:s4+s11], $0x10, s12, s11, $0xb8;
	[tilespmem:$0x1FB80] =	vst v63  }
0x10b: {  	s15 =	simm.s32 $0x3180;
	s16 =	simm.s32 $0x10300  }
0x10c: {  	[tilespmem:s16], [sflag:$0x1] =	stream.indirect.gather [hbm4b:s4+s11], $0x10, s15, s11, $0xb8;
	[tilespmem:$0x1FB80] =	vst v63  }
0x10d: {  	s17 =	simm.s32 $0x3200;
	s18 =	simm.s32 $0x10B00  }
0x10e: {  	[tilespmem:s18], [sflag:$0x1] =	stream.indirect.gather [hbm4b:s4+s11], $0x10, s17, s11, $0xb8;
	[tilespmem:$0x1FB80] =	vst v63  }
0x10f: {  	s19 =	simm.s32 $0x3280;
	s20 =	simm.s32 $0x11300  }
0x110: {  	[tilespmem:s20], [sflag:$0x1] =	stream.indirect.gather [hbm4b:s4+s11], $0x10, s19, s11, $0xb8;
	[tilespmem:$0x1FB80] =	vst v63  }
0x111: {  	s31 =	simm.s32 $0x3300  }
0x112: {  	[tilespmem:s21], [sflag:$0x1] =	stream.indirect.gather [hbm4b:s4+s11], $0x10, s31, s11, $0xb8;
	[tilespmem:$0x1FB80] =	vst v63  }
.Ltmp3:
0x113: {  	_ = 	snop;
	(pc) =	sbr.rel .LBB2_4-.Ltmp3, $4  }
0x114: {  	_ = 	snop  }
0x115: {  	[tilespmem:s23], [sflag:$0x1] =	stream.indirect.gather [hbm4b:s4+s11], $0x10, s22, s11, $0xb8;
	[tilespmem:$0x1FB80] =	vst v63  }
0x116: {  	s30 =	simm.s32 $0x0;
	p0 =	por $0x1, $0x1  }
0x117: {  	[tilespmem:s24], [sflag:$0x2] =	stream.linear.gather [hbm4b:s7+s30], $0x1380, $0x38;
	[tilespmem:$0x1FB80] =	vst v63  }
.LBB2_9:
0x118: {  	_ =	swait.ge [sflag:s25], $0xD000  }
0x119: {  	[sflag:s25] =	ssyncset.done $0x0  }
0x11a: {  	[sflag:s25] =	ssyncadd.s32 $0xFFFF3000  }
.LBB2_10:
0x11b: {  	s0 =	smul.u32 $0xD00, s31;
	_ =	sdelay $0x1  }
0x11c: {  	v9 =	vld [tilespmem:s0+$0x4100]  }
0x11d: {  	v10 =	vld [tilespmem:s0+$0x4180];
	_ =	sdelay $0x1  }
0x11e: {  	v63 =	vmov s0;
	v12 =	vld [tilespmem:s0+$0x4200]  }
0x11f: {  	v14 =	vor.u32 $0x800, v5;
	v17 =	vor.u32 $0x1000, v5;
	v63 =	vshll.u32 v63, $0x4  }
0x120: {  	v13 =	vor.u32 v5, v63;
	v14 =	vor.u32 v14, v63;
	v11 =	vand.u32 $0xFFFFFFF8, v9  }
0x121: {  	v9 =	vand.u32 $0x7, v9;
	v16 =	vand.u32 $0xFFFFFFF8, v10;
	v11 =	vadd.s32 v13, v11  }
0x122: {  	v10 =	vand.u32 $0x7, v10;
	v9 =	vor.u32 v9, v11;
	v11 =	vadd.s32 v14, v16  }
0x123: {  	v13 =	vadd.s32 v17, v63;
	v10 =	vor.u32 v10, v11;
	v11 =	vand.u32 $0xFFFFFFF8, v12  }
0x124: {  	v12 =	vand.u32 $0x7, v12;
	v11 =	vadd.s32 v13, v11;
	v13 =	vld [tilespmem:s0+$0x4280]  }
0x125: {  	v11 =	vor.u32 v12, v11  }
0x126: {  	v14 =	vld [tilespmem:s0+$0x4300]  }
0x127: {  	v9 =	vld.idx.msk [tilespmem:v9+s13+$0x0], $0xffff  }
0x128: {  	v12 =	vor.u32 $0x1800, v5;
	v10 =	vld.idx.msk [tilespmem:v10+s13+$0x0], $0xffff  }
0x129: {  	v12 =	vadd.s32 v12, v63;
	v15 =	vand.u32 $0xFFFFFFF8, v13  }
0x12a: {  	v13 =	vand.u32 $0x7, v13;
	v11 =	vld.idx.msk [tilespmem:v11+s13+$0x0], $0xffff;
	v12 =	vadd.s32 v12, v15  }
0x12b: {  	v12 =	vor.u32 v13, v12;
	v13 =	vld [tilespmem:s0+$0x4380]  }
0x12c: {  	v18 =	vor.u32 $0x3000, v5;
	v17 =	vld [tilespmem:s0+$0x4400];
	v16 =	vor.u32 $0x2000, v5  }
0x12d: {  	v16 =	vadd.s32 v16, v63;
	v9 =	vadd.f32 v10, v9;
	v10 =	vand.u32 $0xFFFFFFF8, v14  }
0x12e: {  	v19 =	vor.u32 $0x2800, v5;
	v14 =	vand.u32 $0x7, v14;
	v10 =	vadd.s32 v16, v10;
	v16 =	vld [tilespmem:s0+$0x4480]  }
0x12f: {  	v18 =	vadd.s32 v18, v63;
	v15 =	vor.u32 $0x3800, v5;
	v10 =	vor.u32 v14, v10  }
0x130: {  	v9 =	vadd.f32 v11, v9;
	v14 =	vadd.s32 v19, v63;
	v11 =	vld.idx.msk [tilespmem:v12+s13+$0x0], $0xffff;
	v12 =	vand.u32 $0xFFFFFFF8, v13  }
0x131: {  	v19 =	vld [tilespmem:s0+$0x4500];
	v13 =	vand.u32 $0x7, v13;
	v12 =	vadd.s32 v14, v12;
	v14 =	vand.u32 $0xFFFFFFF8, v17  }
0x132: {  	v12 =	vor.u32 v13, v12;
	v13 =	vand.u32 $0x7, v17;
	v14 =	vadd.s32 v18, v14;
	v17 =	vld [tilespmem:s0+$0x4580]  }
0x133: {  	v15 =	vadd.s32 v15, v63;
	v13 =	vor.u32 v13, v14;
	v14 =	vand.u32 $0xFFFFFFF8, v16  }
0x134: {  	v18 =	vor.u32 $0x4800, v5;
	v16 =	vand.u32 $0x7, v16;
	v10 =	vld.idx.msk [tilespmem:v10+s13+$0x0], $0xffff;
	v14 =	vadd.s32 v15, v14  }
0x135: {  	v15 =	vor.u32 $0x4000, v5;
	v9 =	vadd.f32 v11, v9;
	v11 =	vor.u32 v16, v14;
	v14 =	vld [tilespmem:s0+$0x4600]  }
0x136: {  	v18 =	vadd.s32 v18, v63;
	v16 =	vand.u32 $0xFFFFFFF8, v19;
	v15 =	vadd.s32 v15, v63  }
0x137: {  	v19 =	vand.u32 $0x7, v19;
	v15 =	vadd.s32 v15, v16;
	v12 =	vld.idx.msk [tilespmem:v12+s13+$0x0], $0xffff;
	v16 =	vand.u32 $0xFFFFFFF8, v17  }
0x138: {  	v15 =	vor.u32 v19, v15;
	v17 =	vand.u32 $0x7, v17;
	v16 =	vadd.s32 v18, v16  }
0x139: {  	v18 =	vor.u32 $0x5000, v5;
	v13 =	vld.idx.msk [tilespmem:v13+s13+$0x0], $0xffff;
	v16 =	vor.u32 v17, v16  }
0x13a: {  	v9 =	vadd.f32 v10, v9;
	v17 =	vadd.s32 v18, v63;
	v10 =	vld.idx.msk [tilespmem:v11+s13+$0x0], $0xffff;
	v11 =	vand.u32 $0xFFFFFFF8, v14  }
0x13b: {  	v14 =	vand.u32 $0x7, v14;
	v11 =	vadd.s32 v17, v11;
	v17 =	vld [tilespmem:s0+$0x4680]  }
0x13c: {  	v9 =	vadd.f32 v12, v9;
	v11 =	vor.u32 v14, v11  }
0x13d: {  	v12 =	vld.idx.msk [tilespmem:v15+s13+$0x0], $0xffff  }
0x13e: {  	v15 =	vld [tilespmem:s0+$0x4700];
	v9 =	vadd.f32 v13, v9  }
0x13f: {  	v14 =	vor.u32 $0x5800, v5;
	v13 =	vld.idx.msk [tilespmem:v16+s13+$0x0], $0xffff  }
0x140: {  	v14 =	vadd.s32 v14, v63;
	v9 =	vadd.f32 v10, v9;
	v10 =	vand.u32 $0xFFFFFFF8, v17  }
0x141: {  	v16 =	vand.u32 $0x7, v17;
	v11 =	vld.idx.msk [tilespmem:v11+s13+$0x0], $0xffff;
	v10 =	vadd.s32 v14, v10  }
0x142: {  	v9 =	vadd.f32 v12, v9;
	v10 =	vor.u32 v16, v10;
	v12 =	vld [tilespmem:s0+$0x4780]  }
0x143: {  	v18 =	vor.u32 $0x7000, v5;
	v17 =	vld [tilespmem:s0+$0x4800];
	v16 =	vor.u32 $0x6000, v5  }
0x144: {  	v16 =	vadd.s32 v16, v63;
	v9 =	vadd.f32 v13, v9;
	v13 =	vand.u32 $0xFFFFFFF8, v15  }
0x145: {  	v19 =	vor.u32 $0x6800, v5;
	v18 =	vadd.s32 v18, v63;
	v13 =	vadd.s32 v16, v13;
	v16 =	vld [tilespmem:s0+$0x4880]  }
0x146: {  	v14 =	vor.u32 $0x7800, v5;
	v15 =	vand.u32 $0x7, v15;
	v9 =	vadd.f32 v11, v9  }
0x147: {  	v11 =	vor.u32 v15, v13;
	v15 =	vadd.s32 v19, v63;
	v10 =	vld.idx.msk [tilespmem:v10+s13+$0x0], $0xffff;
	v13 =	vand.u32 $0xFFFFFFF8, v12  }
0x148: {  	v19 =	vld [tilespmem:s0+$0x4900];
	v12 =	vand.u32 $0x7, v12;
	v13 =	vadd.s32 v15, v13;
	v15 =	vand.u32 $0xFFFFFFF8, v17  }
0x149: {  	v12 =	vor.u32 v12, v13;
	v13 =	vand.u32 $0x7, v17;
	v15 =	vadd.s32 v18, v15;
	v17 =	vld [tilespmem:s0+$0x4980]  }
0x14a: {  	v14 =	vadd.s32 v14, v63;
	v13 =	vor.u32 v13, v15;
	v15 =	vand.u32 $0xFFFFFFF8, v16  }
0x14b: {  	v18 =	vor.u32 $0x8800, v5;
	v16 =	vand.u32 $0x7, v16;
	v14 =	vadd.s32 v14, v15  }
0x14c: {  	v15 =	vor.u32 $0x8000, v5;
	v9 =	vadd.f32 v10, v9;
	v10 =	vld.idx.msk [tilespmem:v11+s13+$0x0], $0xffff;
	v11 =	vor.u32 v16, v14  }
0x14d: {  	v14 =	vand.u32 $0xFFFFFFF8, v19;
	v16 =	vand.u32 $0x7, v19;
	v15 =	vadd.s32 v15, v63;
	v19 =	vld [tilespmem:s0+$0x4A00]  }
0x14e: {  	v18 =	vadd.s32 v18, v63;
	v14 =	vadd.s32 v15, v14;
	v12 =	vld.idx.msk [tilespmem:v12+s13+$0x0], $0xffff;
	v15 =	vand.u32 $0xFFFFFFF8, v17  }
0x14f: {  	v14 =	vor.u32 v16, v14;
	v16 =	vand.u32 $0x7, v17;
	v15 =	vadd.s32 v18, v15  }
0x150: {  	v13 =	vld.idx.msk [tilespmem:v13+s13+$0x0], $0xffff;
	v15 =	vor.u32 v16, v15  }
0x151: {  	v16 =	vor.u32 $0x9000, v5;
	v9 =	vadd.f32 v10, v9  }
0x152: {  	v10 =	vld.idx.msk [tilespmem:v11+s13+$0x0], $0xffff;
	v11 =	vand.u32 $0xFFFFFFF8, v19;
	v16 =	vadd.s32 v16, v63  }
0x153: {  	v11 =	vadd.s32 v16, v11;
	v16 =	vld [tilespmem:s0+$0x4A80];
	v9 =	vadd.f32 v12, v9;
	v12 =	vand.u32 $0x7, v19  }
0x154: {  	v14 =	vld.idx.msk [tilespmem:v14+s13+$0x0], $0xffff;
	v11 =	vor.u32 v12, v11  }
0x155: {  	v9 =	vadd.f32 v13, v9;
	v12 =	vld.idx.msk [tilespmem:v15+s13+$0x0], $0xffff  }
0x156: {  	v13 =	vld [tilespmem:s0+$0x4B00]  }
0x157: {  	v15 =	vor.u32 $0x9800, v5;
	v9 =	vadd.f32 v10, v9  }
0x158: {  	v18 =	vld [tilespmem:s0+$0x4B80];
	v19 =	vor.u32 $0xA800, v5;
	v15 =	vadd.s32 v15, v63;
	v17 =	vand.u32 $0xFFFFFFF8, v16  }
0x159: {  	v15 =	vadd.s32 v15, v17;
	v9 =	vadd.f32 v14, v9;
	v11 =	vld.idx.msk [tilespmem:v11+s13+$0x0], $0xffff;
	v14 =	vand.u32 $0x7, v16  }
0x15a: {  	v19 =	vadd.s32 v19, v63;
	v17 =	vor.u32 $0xA000, v5;
	v14 =	vor.u32 v14, v15;
	v15 =	vld [tilespmem:s0+$0x4C00]  }
0x15b: {  	v17 =	vadd.s32 v17, v63;
	v9 =	vadd.f32 v12, v9;
	v12 =	vand.u32 $0xFFFFFFF8, v13  }
0x15c: {  	v10 =	vor.u32 $0xC800, v5;
	v13 =	vand.u32 $0x7, v13;
	v12 =	vadd.s32 v17, v12;
	v17 =	vld [tilespmem:s0+$0x4C80]  }
0x15d: {  	v16 =	vor.u32 $0xB000, v5;
	v12 =	vor.u32 v13, v12;
	v13 =	vand.u32 $0xFFFFFFF8, v18  }
0x15e: {  	v9 =	vadd.f32 v11, v9;
	v11 =	vand.u32 $0x7, v18;
	v13 =	vadd.s32 v19, v13;
	v18 =	vld [tilespmem:s0+$0x4D00]  }
0x15f: {  	v16 =	vadd.s32 v16, v63;
	v14 =	vld.idx.msk [tilespmem:v14+s13+$0x0], $0xffff;
	v11 =	vor.u32 v11, v13;
	v13 =	vand.u32 $0xFFFFFFF8, v15  }
0x160: {  	v19 =	vor.u32 $0xB800, v5;
	v15 =	vand.u32 $0x7, v15;
	v13 =	vadd.s32 v16, v13;
	v16 =	vld [tilespmem:s0+$0x4D80]  }
0x161: {  	v19 =	vadd.s32 v19, v63;
	v13 =	vor.u32 v15, v13;
	v15 =	vand.u32 $0xFFFFFFF8, v17  }
0x162: {  	v17 =	vand.u32 $0x7, v17;
	v15 =	vadd.s32 v19, v15;
	v19 =	vor.u32 $0xC000, v5;
	v12 =	vld.idx.msk [tilespmem:v12+s13+$0x0], $0xffff  }
0x163: {  	v15 =	vor.u32 v17, v15;
	v17 =	vand.u32 $0xFFFFFFF8, v18;
	v19 =	vadd.s32 v19, v63  }
0x164: {  	v9 =	vadd.f32 v14, v9;
	v11 =	vld.idx.msk [tilespmem:v11+s13+$0x0], $0xffff;
	v14 =	vand.u32 $0x7, v18;
	v17 =	vadd.s32 v19, v17  }
0x165: {  	v10 =	vadd.s32 v10, v63;
	v14 =	vor.u32 v14, v17;
	v17 =	vand.u32 $0xFFFFFFF8, v16  }
0x166: {  	v16 =	vand.u32 $0x7, v16;
	v13 =	vld.idx.msk [tilespmem:v13+s13+$0x0], $0xffff;
	v10 =	vadd.s32 v10, v17  }
0x167: {  	v9 =	vadd.f32 v12, v9;
	v10 =	vor.u32 v16, v10  }
0x168: {  	v16 =	vld.idx.msk [tilespmem:v15+s13+$0x0], $0xffff  }
0x169: {  	v9 =	vadd.f32 v11, v9  }
0x16a: {  	v11 =	vld.idx.msk [tilespmem:v14+s13+$0x0], $0xffff  }
0x16b: {  	v9 =	vadd.f32 v13, v9  }
0x16c: {  	v10 =	vld.idx.msk [tilespmem:v10+s13+$0x0], $0xffff  }
0x16d: {  	v9 =	vadd.f32 v16, v9;
	_ =	sdelay $0x1  }
0x16e: {  	v9 =	vadd.f32 v11, v9;
	_ =	sdelay $0x1  }
0x16f: {  	v9 =	vadd.f32 v10, v9;
	_ =	sdelay $0x1  }
0x170: {  	[tilespmem:$0x1FB00] =	vst v9  }
0x171: {  	v9 =	vld [tilespmem:s0+$0x4110]  }
0x172: {  	v10 =	vld [tilespmem:s0+$0x4190];
	_ =	sdelay $0x1  }
0x173: {  	v17 =	vor.u32 $0x100, v5;
	v13 =	vld [tilespmem:s0+$0x4210]  }
0x174: {  	v12 =	vor.u32 v17, v63;
	v11 =	vor.u32 $0x900, v5  }
0x175: {  	v11 =	vor.u32 v11, v63;
	v16 =	vand.u32 $0xFFFFFFF8, v9;
	v9 =	vand.u32 $0x7, v9  }
0x176: {  	v17 =	vand.u32 $0xFFFFFFF8, v10;
	v10 =	vand.u32 $0x7, v10;
	v12 =	vadd.s32 v12, v16  }
0x177: {  	v11 =	vadd.s32 v11, v17;
	v16 =	vor.u32 $0x1100, v5;
	v9 =	vor.u32 v9, v12  }
0x178: {  	v10 =	vor.u32 v10, v11;
	v11 =	vand.u32 $0xFFFFFFF8, v13;
	v12 =	vadd.s32 v16, v63  }
0x179: {  	v13 =	vand.u32 $0x7, v13;
	v11 =	vadd.s32 v12, v11;
	v12 =	vld [tilespmem:s0+$0x4290]  }
0x17a: {  	v11 =	vor.u32 v13, v11  }
0x17b: {  	v14 =	vld [tilespmem:s0+$0x4310]  }
0x17c: {  	v9 =	vld.idx.msk [tilespmem:v9+s13+$0x0], $0xffff  }
0x17d: {  	v13 =	vor.u32 $0x1900, v5;
	v10 =	vld.idx.msk [tilespmem:v10+s13+$0x0], $0xffff  }
0x17e: {  	v13 =	vadd.s32 v13, v63;
	v15 =	vand.u32 $0xFFFFFFF8, v12  }
0x17f: {  	v12 =	vand.u32 $0x7, v12;
	v11 =	vld.idx.msk [tilespmem:v11+s13+$0x0], $0xffff;
	v13 =	vadd.s32 v13, v15  }
0x180: {  	v12 =	vor.u32 v12, v13;
	v13 =	vld [tilespmem:s0+$0x4390]  }
0x181: {  	v18 =	vor.u32 $0x3100, v5;
	v17 =	vld [tilespmem:s0+$0x4410];
	v16 =	vor.u32 $0x2100, v5  }
0x182: {  	v16 =	vadd.s32 v16, v63;
	v9 =	vadd.f32 v10, v9;
	v10 =	vand.u32 $0xFFFFFFF8, v14  }
0x183: {  	v19 =	vor.u32 $0x2900, v5;
	v14 =	vand.u32 $0x7, v14;
	v10 =	vadd.s32 v16, v10;
	v16 =	vld [tilespmem:s0+$0x4490]  }
0x184: {  	v18 =	vadd.s32 v18, v63;
	v15 =	vor.u32 $0x3900, v5;
	v10 =	vor.u32 v14, v10  }
0x185: {  	v9 =	vadd.f32 v11, v9;
	v14 =	vadd.s32 v19, v63;
	v11 =	vld.idx.msk [tilespmem:v12+s13+$0x0], $0xffff;
	v12 =	vand.u32 $0xFFFFFFF8, v13  }
0x186: {  	v19 =	vld [tilespmem:s0+$0x4510];
	v13 =	vand.u32 $0x7, v13;
	v12 =	vadd.s32 v14, v12;
	v14 =	vand.u32 $0xFFFFFFF8, v17  }
0x187: {  	v12 =	vor.u32 v13, v12;
	v13 =	vand.u32 $0x7, v17;
	v14 =	vadd.s32 v18, v14;
	v17 =	vld [tilespmem:s0+$0x4590]  }
0x188: {  	v15 =	vadd.s32 v15, v63;
	v13 =	vor.u32 v13, v14;
	v14 =	vand.u32 $0xFFFFFFF8, v16  }
0x189: {  	v18 =	vor.u32 $0x4900, v5;
	v16 =	vand.u32 $0x7, v16;
	v10 =	vld.idx.msk [tilespmem:v10+s13+$0x0], $0xffff;
	v14 =	vadd.s32 v15, v14  }
0x18a: {  	v15 =	vor.u32 $0x4100, v5;
	v9 =	vadd.f32 v11, v9;
	v11 =	vor.u32 v16, v14;
	v14 =	vld [tilespmem:s0+$0x4610]  }
0x18b: {  	v18 =	vadd.s32 v18, v63;
	v16 =	vand.u32 $0xFFFFFFF8, v19;
	v15 =	vadd.s32 v15, v63  }
0x18c: {  	v19 =	vand.u32 $0x7, v19;
	v15 =	vadd.s32 v15, v16;
	v12 =	vld.idx.msk [tilespmem:v12+s13+$0x0], $0xffff;
	v16 =	vand.u32 $0xFFFFFFF8, v17  }
0x18d: {  	v15 =	vor.u32 v19, v15;
	v17 =	vand.u32 $0x7, v17;
	v16 =	vadd.s32 v18, v16  }
0x18e: {  	v18 =	vor.u32 $0x5100, v5;
	v13 =	vld.idx.msk [tilespmem:v13+s13+$0x0], $0xffff;
	v16 =	vor.u32 v17, v16  }
0x18f: {  	v9 =	vadd.f32 v10, v9;
	v17 =	vadd.s32 v18, v63;
	v10 =	vld.idx.msk [tilespmem:v11+s13+$0x0], $0xffff;
	v11 =	vand.u32 $0xFFFFFFF8, v14  }
0x190: {  	v14 =	vand.u32 $0x7, v14;
	v11 =	vadd.s32 v17, v11;
	v17 =	vld [tilespmem:s0+$0x4690]  }
0x191: {  	v9 =	vadd.f32 v12, v9;
	v11 =	vor.u32 v14, v11  }
0x192: {  	v12 =	vld.idx.msk [tilespmem:v15+s13+$0x0], $0xffff  }
0x193: {  	v15 =	vld [tilespmem:s0+$0x4710];
	v9 =	vadd.f32 v13, v9  }
0x194: {  	v14 =	vor.u32 $0x5900, v5;
	v13 =	vld.idx.msk [tilespmem:v16+s13+$0x0], $0xffff  }
0x195: {  	v14 =	vadd.s32 v14, v63;
	v9 =	vadd.f32 v10, v9;
	v10 =	vand.u32 $0xFFFFFFF8, v17  }
0x196: {  	v16 =	vand.u32 $0x7, v17;
	v11 =	vld.idx.msk [tilespmem:v11+s13+$0x0], $0xffff;
	v10 =	vadd.s32 v14, v10  }
0x197: {  	v9 =	vadd.f32 v12, v9;
	v10 =	vor.u32 v16, v10;
	v12 =	vld [tilespmem:s0+$0x4790]  }
0x198: {  	v18 =	vor.u32 $0x7100, v5;
	v17 =	vld [tilespmem:s0+$0x4810];
	v16 =	vor.u32 $0x6100, v5  }
0x199: {  	v16 =	vadd.s32 v16, v63;
	v9 =	vadd.f32 v13, v9;
	v13 =	vand.u32 $0xFFFFFFF8, v15  }
0x19a: {  	v19 =	vor.u32 $0x6900, v5;
	v18 =	vadd.s32 v18, v63;
	v13 =	vadd.s32 v16, v13;
	v16 =	vld [tilespmem:s0+$0x4890]  }
0x19b: {  	v14 =	vor.u32 $0x7900, v5;
	v15 =	vand.u32 $0x7, v15;
	v9 =	vadd.f32 v11, v9  }
0x19c: {  	v11 =	vor.u32 v15, v13;
	v15 =	vadd.s32 v19, v63;
	v10 =	vld.idx.msk [tilespmem:v10+s13+$0x0], $0xffff;
	v13 =	vand.u32 $0xFFFFFFF8, v12  }
0x19d: {  	v19 =	vld [tilespmem:s0+$0x4910];
	v12 =	vand.u32 $0x7, v12;
	v13 =	vadd.s32 v15, v13;
	v15 =	vand.u32 $0xFFFFFFF8, v17  }
0x19e: {  	v12 =	vor.u32 v12, v13;
	v13 =	vand.u32 $0x7, v17;
	v15 =	vadd.s32 v18, v15;
	v17 =	vld [tilespmem:s0+$0x4990]  }
0x19f: {  	v14 =	vadd.s32 v14, v63;
	v13 =	vor.u32 v13, v15;
	v15 =	vand.u32 $0xFFFFFFF8, v16  }
0x1a0: {  	v18 =	vor.u32 $0x8900, v5;
	v16 =	vand.u32 $0x7, v16;
	v14 =	vadd.s32 v14, v15  }
0x1a1: {  	v15 =	vor.u32 $0x8100, v5;
	v9 =	vadd.f32 v10, v9;
	v10 =	vld.idx.msk [tilespmem:v11+s13+$0x0], $0xffff;
	v11 =	vor.u32 v16, v14  }
0x1a2: {  	v14 =	vand.u32 $0xFFFFFFF8, v19;
	v16 =	vand.u32 $0x7, v19;
	v15 =	vadd.s32 v15, v63;
	v19 =	vld [tilespmem:s0+$0x4A10]  }
0x1a3: {  	v18 =	vadd.s32 v18, v63;
	v14 =	vadd.s32 v15, v14;
	v12 =	vld.idx.msk [tilespmem:v12+s13+$0x0], $0xffff;
	v15 =	vand.u32 $0xFFFFFFF8, v17  }
0x1a4: {  	v14 =	vor.u32 v16, v14;
	v16 =	vand.u32 $0x7, v17;
	v15 =	vadd.s32 v18, v15  }
0x1a5: {  	v13 =	vld.idx.msk [tilespmem:v13+s13+$0x0], $0xffff;
	v15 =	vor.u32 v16, v15  }
0x1a6: {  	v16 =	vor.u32 $0x9100, v5;
	v9 =	vadd.f32 v10, v9  }
0x1a7: {  	v10 =	vld.idx.msk [tilespmem:v11+s13+$0x0], $0xffff;
	v11 =	vand.u32 $0xFFFFFFF8, v19;
	v16 =	vadd.s32 v16, v63  }
0x1a8: {  	v11 =	vadd.s32 v16, v11;
	v16 =	vld [tilespmem:s0+$0x4A90];
	v9 =	vadd.f32 v12, v9;
	v12 =	vand.u32 $0x7, v19  }
0x1a9: {  	v14 =	vld.idx.msk [tilespmem:v14+s13+$0x0], $0xffff;
	v11 =	vor.u32 v12, v11  }
0x1aa: {  	v9 =	vadd.f32 v13, v9;
	v12 =	vld.idx.msk [tilespmem:v15+s13+$0x0], $0xffff  }
0x1ab: {  	v13 =	vld [tilespmem:s0+$0x4B10]  }
0x1ac: {  	v15 =	vor.u32 $0x9900, v5;
	v9 =	vadd.f32 v10, v9  }
0x1ad: {  	v18 =	vld [tilespmem:s0+$0x4B90];
	v19 =	vor.u32 $0xA900, v5;
	v15 =	vadd.s32 v15, v63;
	v17 =	vand.u32 $0xFFFFFFF8, v16  }
0x1ae: {  	v15 =	vadd.s32 v15, v17;
	v9 =	vadd.f32 v14, v9;
	v11 =	vld.idx.msk [tilespmem:v11+s13+$0x0], $0xffff;
	v14 =	vand.u32 $0x7, v16  }
0x1af: {  	v19 =	vadd.s32 v19, v63;
	v17 =	vor.u32 $0xA100, v5;
	v14 =	vor.u32 v14, v15;
	v15 =	vld [tilespmem:s0+$0x4C10]  }
0x1b0: {  	v17 =	vadd.s32 v17, v63;
	v9 =	vadd.f32 v12, v9;
	v12 =	vand.u32 $0xFFFFFFF8, v13  }
0x1b1: {  	v10 =	vor.u32 $0xC900, v5;
	v13 =	vand.u32 $0x7, v13;
	v12 =	vadd.s32 v17, v12;
	v17 =	vld [tilespmem:s0+$0x4C90]  }
0x1b2: {  	v16 =	vor.u32 $0xB100, v5;
	v12 =	vor.u32 v13, v12;
	v13 =	vand.u32 $0xFFFFFFF8, v18  }
0x1b3: {  	v9 =	vadd.f32 v11, v9;
	v11 =	vand.u32 $0x7, v18;
	v13 =	vadd.s32 v19, v13;
	v18 =	vld [tilespmem:s0+$0x4D10]  }
0x1b4: {  	v16 =	vadd.s32 v16, v63;
	v14 =	vld.idx.msk [tilespmem:v14+s13+$0x0], $0xffff;
	v11 =	vor.u32 v11, v13;
	v13 =	vand.u32 $0xFFFFFFF8, v15  }
0x1b5: {  	v19 =	vor.u32 $0xB900, v5;
	v15 =	vand.u32 $0x7, v15;
	v13 =	vadd.s32 v16, v13;
	v16 =	vld [tilespmem:s0+$0x4D90]  }
0x1b6: {  	v19 =	vadd.s32 v19, v63;
	v13 =	vor.u32 v15, v13;
	v15 =	vand.u32 $0xFFFFFFF8, v17  }
0x1b7: {  	v17 =	vand.u32 $0x7, v17;
	v15 =	vadd.s32 v19, v15;
	v19 =	vor.u32 $0xC100, v5;
	v12 =	vld.idx.msk [tilespmem:v12+s13+$0x0], $0xffff  }
0x1b8: {  	v15 =	vor.u32 v17, v15;
	v17 =	vand.u32 $0xFFFFFFF8, v18;
	v19 =	vadd.s32 v19, v63  }
0x1b9: {  	v9 =	vadd.f32 v14, v9;
	v11 =	vld.idx.msk [tilespmem:v11+s13+$0x0], $0xffff;
	v14 =	vand.u32 $0x7, v18;
	v17 =	vadd.s32 v19, v17  }
0x1ba: {  	v10 =	vadd.s32 v10, v63;
	v14 =	vor.u32 v14, v17;
	v17 =	vand.u32 $0xFFFFFFF8, v16  }
0x1bb: {  	v16 =	vand.u32 $0x7, v16;
	v13 =	vld.idx.msk [tilespmem:v13+s13+$0x0], $0xffff;
	v10 =	vadd.s32 v10, v17  }
0x1bc: {  	v9 =	vadd.f32 v12, v9;
	v10 =	vor.u32 v16, v10  }
0x1bd: {  	v17 =	vld.idx.msk [tilespmem:v15+s13+$0x0], $0xffff  }
0x1be: {  	v9 =	vadd.f32 v11, v9  }
0x1bf: {  	v11 =	vld.idx.msk [tilespmem:v14+s13+$0x0], $0xffff  }
0x1c0: {  	v9 =	vadd.f32 v13, v9  }
0x1c1: {  	v10 =	vld.idx.msk [tilespmem:v10+s13+$0x0], $0xffff  }
0x1c2: {  	v9 =	vadd.f32 v17, v9;
	_ =	sdelay $0x1  }
0x1c3: {  	v9 =	vadd.f32 v11, v9;
	_ =	sdelay $0x1  }
0x1c4: {  	v9 =	vadd.f32 v10, v9;
	_ =	sdelay $0x1  }
0x1c5: {  	[tilespmem:$0x1FB10] =	vst v9  }
0x1c6: {  	v9 =	vld [tilespmem:s0+$0x4120]  }
0x1c7: {  	v10 =	vld [tilespmem:s0+$0x41A0];
	_ =	sdelay $0x1  }
0x1c8: {  	v16 =	vor.u32 $0x200, v5;
	v13 =	vld [tilespmem:s0+$0x4220]  }
0x1c9: {  	v12 =	vor.u32 v16, v63;
	v11 =	vor.u32 $0xA00, v5  }
0x1ca: {  	v11 =	vor.u32 v11, v63;
	v17 =	vand.u32 $0xFFFFFFF8, v9;
	v9 =	vand.u32 $0x7, v9  }
0x1cb: {  	v16 =	vand.u32 $0xFFFFFFF8, v10;
	v10 =	vand.u32 $0x7, v10;
	v12 =	vadd.s32 v12, v17  }
0x1cc: {  	v11 =	vadd.s32 v11, v16;
	v17 =	vor.u32 $0x1200, v5;
	v9 =	vor.u32 v9, v12  }
0x1cd: {  	v10 =	vor.u32 v10, v11;
	v11 =	vand.u32 $0xFFFFFFF8, v13;
	v12 =	vadd.s32 v17, v63  }
0x1ce: {  	v13 =	vand.u32 $0x7, v13;
	v11 =	vadd.s32 v12, v11;
	v12 =	vld [tilespmem:s0+$0x42A0]  }
0x1cf: {  	v11 =	vor.u32 v13, v11  }
0x1d0: {  	v14 =	vld [tilespmem:s0+$0x4320]  }
0x1d1: {  	v9 =	vld.idx.msk [tilespmem:v9+s13+$0x0], $0xffff  }
0x1d2: {  	v13 =	vor.u32 $0x1A00, v5;
	v10 =	vld.idx.msk [tilespmem:v10+s13+$0x0], $0xffff  }
0x1d3: {  	v13 =	vadd.s32 v13, v63;
	v15 =	vand.u32 $0xFFFFFFF8, v12  }
0x1d4: {  	v12 =	vand.u32 $0x7, v12;
	v11 =	vld.idx.msk [tilespmem:v11+s13+$0x0], $0xffff;
	v13 =	vadd.s32 v13, v15  }
0x1d5: {  	v12 =	vor.u32 v12, v13;
	v13 =	vld [tilespmem:s0+$0x43A0]  }
0x1d6: {  	v18 =	vor.u32 $0x3200, v5;
	v16 =	vor.u32 $0x2200, v5;
	v17 =	vld [tilespmem:s0+$0x4420]  }
0x1d7: {  	v16 =	vadd.s32 v16, v63;
	v9 =	vadd.f32 v10, v9;
	v10 =	vand.u32 $0xFFFFFFF8, v14  }
0x1d8: {  	v19 =	vor.u32 $0x2A00, v5;
	v14 =	vand.u32 $0x7, v14;
	v10 =	vadd.s32 v16, v10;
	v16 =	vld [tilespmem:s0+$0x44A0]  }
0x1d9: {  	v18 =	vadd.s32 v18, v63;
	v15 =	vor.u32 $0x3A00, v5;
	v10 =	vor.u32 v14, v10  }
0x1da: {  	v9 =	vadd.f32 v11, v9;
	v14 =	vadd.s32 v19, v63;
	v11 =	vld.idx.msk [tilespmem:v12+s13+$0x0], $0xffff;
	v12 =	vand.u32 $0xFFFFFFF8, v13  }
0x1db: {  	v19 =	vld [tilespmem:s0+$0x4520];
	v13 =	vand.u32 $0x7, v13;
	v12 =	vadd.s32 v14, v12;
	v14 =	vand.u32 $0xFFFFFFF8, v17  }
0x1dc: {  	v12 =	vor.u32 v13, v12;
	v13 =	vand.u32 $0x7, v17;
	v14 =	vadd.s32 v18, v14;
	v17 =	vld [tilespmem:s0+$0x45A0]  }
0x1dd: {  	v15 =	vadd.s32 v15, v63;
	v13 =	vor.u32 v13, v14;
	v14 =	vand.u32 $0xFFFFFFF8, v16  }
0x1de: {  	v18 =	vor.u32 $0x4A00, v5;
	v16 =	vand.u32 $0x7, v16;
	v10 =	vld.idx.msk [tilespmem:v10+s13+$0x0], $0xffff;
	v14 =	vadd.s32 v15, v14  }
0x1df: {  	v15 =	vor.u32 $0x4200, v5;
	v9 =	vadd.f32 v11, v9;
	v11 =	vor.u32 v16, v14;
	v14 =	vld [tilespmem:s0+$0x4620]  }
0x1e0: {  	v18 =	vadd.s32 v18, v63;
	v16 =	vand.u32 $0xFFFFFFF8, v19;
	v15 =	vadd.s32 v15, v63  }
0x1e1: {  	v19 =	vand.u32 $0x7, v19;
	v15 =	vadd.s32 v15, v16;
	v12 =	vld.idx.msk [tilespmem:v12+s13+$0x0], $0xffff;
	v16 =	vand.u32 $0xFFFFFFF8, v17  }
0x1e2: {  	v15 =	vor.u32 v19, v15;
	v17 =	vand.u32 $0x7, v17;
	v16 =	vadd.s32 v18, v16  }
0x1e3: {  	v18 =	vor.u32 $0x5200, v5;
	v13 =	vld.idx.msk [tilespmem:v13+s13+$0x0], $0xffff;
	v16 =	vor.u32 v17, v16  }
0x1e4: {  	v9 =	vadd.f32 v10, v9;
	v17 =	vadd.s32 v18, v63;
	v10 =	vld.idx.msk [tilespmem:v11+s13+$0x0], $0xffff;
	v11 =	vand.u32 $0xFFFFFFF8, v14  }
0x1e5: {  	v14 =	vand.u32 $0x7, v14;
	v11 =	vadd.s32 v17, v11;
	v17 =	vld [tilespmem:s0+$0x46A0]  }
0x1e6: {  	v9 =	vadd.f32 v12, v9;
	v11 =	vor.u32 v14, v11  }
0x1e7: {  	v12 =	vld.idx.msk [tilespmem:v15+s13+$0x0], $0xffff  }
0x1e8: {  	v15 =	vld [tilespmem:s0+$0x4720];
	v9 =	vadd.f32 v13, v9  }
0x1e9: {  	v14 =	vor.u32 $0x5A00, v5;
	v13 =	vld.idx.msk [tilespmem:v16+s13+$0x0], $0xffff  }
0x1ea: {  	v14 =	vadd.s32 v14, v63;
	v9 =	vadd.f32 v10, v9;
	v10 =	vand.u32 $0xFFFFFFF8, v17  }
0x1eb: {  	v16 =	vand.u32 $0x7, v17;
	v11 =	vld.idx.msk [tilespmem:v11+s13+$0x0], $0xffff;
	v10 =	vadd.s32 v14, v10  }
0x1ec: {  	v9 =	vadd.f32 v12, v9;
	v10 =	vor.u32 v16, v10;
	v12 =	vld [tilespmem:s0+$0x47A0]  }
0x1ed: {  	v18 =	vor.u32 $0x7200, v5;
	v17 =	vld [tilespmem:s0+$0x4820];
	v16 =	vor.u32 $0x6200, v5  }
0x1ee: {  	v16 =	vadd.s32 v16, v63;
	v9 =	vadd.f32 v13, v9;
	v13 =	vand.u32 $0xFFFFFFF8, v15  }
0x1ef: {  	v19 =	vor.u32 $0x6A00, v5;
	v18 =	vadd.s32 v18, v63;
	v13 =	vadd.s32 v16, v13;
	v16 =	vld [tilespmem:s0+$0x48A0]  }
0x1f0: {  	v14 =	vor.u32 $0x7A00, v5;
	v15 =	vand.u32 $0x7, v15;
	v9 =	vadd.f32 v11, v9  }
0x1f1: {  	v11 =	vor.u32 v15, v13;
	v15 =	vadd.s32 v19, v63;
	v10 =	vld.idx.msk [tilespmem:v10+s13+$0x0], $0xffff;
	v13 =	vand.u32 $0xFFFFFFF8, v12  }
0x1f2: {  	v19 =	vld [tilespmem:s0+$0x4920];
	v12 =	vand.u32 $0x7, v12;
	v13 =	vadd.s32 v15, v13;
	v15 =	vand.u32 $0xFFFFFFF8, v17  }
0x1f3: {  	v12 =	vor.u32 v12, v13;
	v13 =	vand.u32 $0x7, v17;
	v15 =	vadd.s32 v18, v15;
	v17 =	vld [tilespmem:s0+$0x49A0]  }
0x1f4: {  	v14 =	vadd.s32 v14, v63;
	v13 =	vor.u32 v13, v15;
	v15 =	vand.u32 $0xFFFFFFF8, v16  }
0x1f5: {  	v18 =	vor.u32 $0x8A00, v5;
	v16 =	vand.u32 $0x7, v16;
	v14 =	vadd.s32 v14, v15  }
0x1f6: {  	v15 =	vor.u32 $0x8200, v5;
	v9 =	vadd.f32 v10, v9;
	v10 =	vld.idx.msk [tilespmem:v11+s13+$0x0], $0xffff;
	v11 =	vor.u32 v16, v14  }
0x1f7: {  	v14 =	vand.u32 $0xFFFFFFF8, v19;
	v16 =	vand.u32 $0x7, v19;
	v15 =	vadd.s32 v15, v63;
	v19 =	vld [tilespmem:s0+$0x4A20]  }
0x1f8: {  	v18 =	vadd.s32 v18, v63;
	v14 =	vadd.s32 v15, v14;
	v12 =	vld.idx.msk [tilespmem:v12+s13+$0x0], $0xffff;
	v15 =	vand.u32 $0xFFFFFFF8, v17  }
0x1f9: {  	v14 =	vor.u32 v16, v14;
	v16 =	vand.u32 $0x7, v17;
	v15 =	vadd.s32 v18, v15  }
0x1fa: {  	v13 =	vld.idx.msk [tilespmem:v13+s13+$0x0], $0xffff;
	v15 =	vor.u32 v16, v15  }
0x1fb: {  	v16 =	vor.u32 $0x9200, v5;
	v9 =	vadd.f32 v10, v9  }
0x1fc: {  	v10 =	vld.idx.msk [tilespmem:v11+s13+$0x0], $0xffff;
	v11 =	vand.u32 $0xFFFFFFF8, v19;
	v16 =	vadd.s32 v16, v63  }
0x1fd: {  	v11 =	vadd.s32 v16, v11;
	v16 =	vld [tilespmem:s0+$0x4AA0];
	v9 =	vadd.f32 v12, v9;
	v12 =	vand.u32 $0x7, v19  }
0x1fe: {  	v14 =	vld.idx.msk [tilespmem:v14+s13+$0x0], $0xffff;
	v11 =	vor.u32 v12, v11  }
0x1ff: {  	v9 =	vadd.f32 v13, v9;
	v12 =	vld.idx.msk [tilespmem:v15+s13+$0x0], $0xffff  }
0x200: {  	v13 =	vld [tilespmem:s0+$0x4B20]  }
0x201: {  	v15 =	vor.u32 $0x9A00, v5;
	v9 =	vadd.f32 v10, v9  }
0x202: {  	v18 =	vld [tilespmem:s0+$0x4BA0];
	v19 =	vor.u32 $0xAA00, v5;
	v15 =	vadd.s32 v15, v63;
	v17 =	vand.u32 $0xFFFFFFF8, v16  }
0x203: {  	v15 =	vadd.s32 v15, v17;
	v9 =	vadd.f32 v14, v9;
	v11 =	vld.idx.msk [tilespmem:v11+s13+$0x0], $0xffff;
	v14 =	vand.u32 $0x7, v16  }
0x204: {  	v19 =	vadd.s32 v19, v63;
	v17 =	vor.u32 $0xA200, v5;
	v14 =	vor.u32 v14, v15;
	v15 =	vld [tilespmem:s0+$0x4C20]  }
0x205: {  	v17 =	vadd.s32 v17, v63;
	v9 =	vadd.f32 v12, v9;
	v12 =	vand.u32 $0xFFFFFFF8, v13  }
0x206: {  	v10 =	vor.u32 $0xCA00, v5;
	v13 =	vand.u32 $0x7, v13;
	v12 =	vadd.s32 v17, v12;
	v17 =	vld [tilespmem:s0+$0x4CA0]  }
0x207: {  	v16 =	vor.u32 $0xB200, v5;
	v12 =	vor.u32 v13, v12;
	v13 =	vand.u32 $0xFFFFFFF8, v18  }
0x208: {  	v9 =	vadd.f32 v11, v9;
	v11 =	vand.u32 $0x7, v18;
	v13 =	vadd.s32 v19, v13;
	v18 =	vld [tilespmem:s0+$0x4D20]  }
0x209: {  	v16 =	vadd.s32 v16, v63;
	v14 =	vld.idx.msk [tilespmem:v14+s13+$0x0], $0xffff;
	v11 =	vor.u32 v11, v13;
	v13 =	vand.u32 $0xFFFFFFF8, v15  }
0x20a: {  	v19 =	vor.u32 $0xBA00, v5;
	v15 =	vand.u32 $0x7, v15;
	v13 =	vadd.s32 v16, v13;
	v16 =	vld [tilespmem:s0+$0x4DA0]  }
0x20b: {  	v19 =	vadd.s32 v19, v63;
	v13 =	vor.u32 v15, v13;
	v15 =	vand.u32 $0xFFFFFFF8, v17  }
0x20c: {  	v17 =	vand.u32 $0x7, v17;
	v15 =	vadd.s32 v19, v15;
	v19 =	vor.u32 $0xC200, v5;
	v12 =	vld.idx.msk [tilespmem:v12+s13+$0x0], $0xffff  }
0x20d: {  	v15 =	vor.u32 v17, v15;
	v17 =	vand.u32 $0xFFFFFFF8, v18;
	v19 =	vadd.s32 v19, v63  }
0x20e: {  	v9 =	vadd.f32 v14, v9;
	v11 =	vld.idx.msk [tilespmem:v11+s13+$0x0], $0xffff;
	v14 =	vand.u32 $0x7, v18;
	v17 =	vadd.s32 v19, v17  }
0x20f: {  	v10 =	vadd.s32 v10, v63;
	v14 =	vor.u32 v14, v17;
	v17 =	vand.u32 $0xFFFFFFF8, v16  }
0x210: {  	v16 =	vand.u32 $0x7, v16;
	v13 =	vld.idx.msk [tilespmem:v13+s13+$0x0], $0xffff;
	v10 =	vadd.s32 v10, v17  }
0x211: {  	v9 =	vadd.f32 v12, v9;
	v10 =	vor.u32 v16, v10  }
0x212: {  	v16 =	vld.idx.msk [tilespmem:v15+s13+$0x0], $0xffff  }
0x213: {  	v9 =	vadd.f32 v11, v9  }
0x214: {  	v11 =	vld.idx.msk [tilespmem:v14+s13+$0x0], $0xffff  }
0x215: {  	v9 =	vadd.f32 v13, v9  }
0x216: {  	v10 =	vld.idx.msk [tilespmem:v10+s13+$0x0], $0xffff  }
0x217: {  	v9 =	vadd.f32 v16, v9;
	_ =	sdelay $0x1  }
0x218: {  	v9 =	vadd.f32 v11, v9;
	_ =	sdelay $0x1  }
0x219: {  	v9 =	vadd.f32 v10, v9;
	_ =	sdelay $0x1  }
0x21a: {  	[tilespmem:$0x1FB20] =	vst v9  }
0x21b: {  	v9 =	vld [tilespmem:s0+$0x4130]  }
0x21c: {  	v10 =	vld [tilespmem:s0+$0x41B0];
	_ =	sdelay $0x1  }
0x21d: {  	v17 =	vor.u32 $0x300, v5;
	v13 =	vld [tilespmem:s0+$0x4230]  }
0x21e: {  	v12 =	vor.u32 v17, v63;
	v11 =	vor.u32 $0xB00, v5  }
0x21f: {  	v11 =	vor.u32 v11, v63;
	v16 =	vand.u32 $0xFFFFFFF8, v9;
	v9 =	vand.u32 $0x7, v9  }
0x220: {  	v17 =	vand.u32 $0xFFFFFFF8, v10;
	v10 =	vand.u32 $0x7, v10;
	v12 =	vadd.s32 v12, v16  }
0x221: {  	v11 =	vadd.s32 v11, v17;
	v16 =	vor.u32 $0x1300, v5;
	v9 =	vor.u32 v9, v12  }
0x222: {  	v10 =	vor.u32 v10, v11;
	v11 =	vand.u32 $0xFFFFFFF8, v13;
	v12 =	vadd.s32 v16, v63  }
0x223: {  	v13 =	vand.u32 $0x7, v13;
	v11 =	vadd.s32 v12, v11;
	v12 =	vld [tilespmem:s0+$0x42B0]  }
0x224: {  	v11 =	vor.u32 v13, v11  }
0x225: {  	v14 =	vld [tilespmem:s0+$0x4330]  }
0x226: {  	v9 =	vld.idx.msk [tilespmem:v9+s13+$0x0], $0xffff  }
0x227: {  	v13 =	vor.u32 $0x1B00, v5;
	v10 =	vld.idx.msk [tilespmem:v10+s13+$0x0], $0xffff  }
0x228: {  	v13 =	vadd.s32 v13, v63;
	v15 =	vand.u32 $0xFFFFFFF8, v12  }
0x229: {  	v12 =	vand.u32 $0x7, v12;
	v11 =	vld.idx.msk [tilespmem:v11+s13+$0x0], $0xffff;
	v13 =	vadd.s32 v13, v15  }
0x22a: {  	v12 =	vor.u32 v12, v13;
	v13 =	vld [tilespmem:s0+$0x43B0]  }
0x22b: {  	v18 =	vor.u32 $0x3300, v5;
	v17 =	vld [tilespmem:s0+$0x4430];
	v16 =	vor.u32 $0x2300, v5  }
0x22c: {  	v16 =	vadd.s32 v16, v63;
	v9 =	vadd.f32 v10, v9;
	v10 =	vand.u32 $0xFFFFFFF8, v14  }
0x22d: {  	v19 =	vor.u32 $0x2B00, v5;
	v14 =	vand.u32 $0x7, v14;
	v10 =	vadd.s32 v16, v10;
	v16 =	vld [tilespmem:s0+$0x44B0]  }
0x22e: {  	v18 =	vadd.s32 v18, v63;
	v15 =	vor.u32 $0x3B00, v5;
	v10 =	vor.u32 v14, v10  }
0x22f: {  	v9 =	vadd.f32 v11, v9;
	v14 =	vadd.s32 v19, v63;
	v11 =	vld.idx.msk [tilespmem:v12+s13+$0x0], $0xffff;
	v12 =	vand.u32 $0xFFFFFFF8, v13  }
0x230: {  	v19 =	vld [tilespmem:s0+$0x4530];
	v13 =	vand.u32 $0x7, v13;
	v12 =	vadd.s32 v14, v12;
	v14 =	vand.u32 $0xFFFFFFF8, v17  }
0x231: {  	v12 =	vor.u32 v13, v12;
	v13 =	vand.u32 $0x7, v17;
	v14 =	vadd.s32 v18, v14;
	v17 =	vld [tilespmem:s0+$0x45B0]  }
0x232: {  	v15 =	vadd.s32 v15, v63;
	v13 =	vor.u32 v13, v14;
	v14 =	vand.u32 $0xFFFFFFF8, v16  }
0x233: {  	v18 =	vor.u32 $0x4B00, v5;
	v16 =	vand.u32 $0x7, v16;
	v10 =	vld.idx.msk [tilespmem:v10+s13+$0x0], $0xffff;
	v14 =	vadd.s32 v15, v14  }
0x234: {  	v15 =	vor.u32 $0x4300, v5;
	v9 =	vadd.f32 v11, v9;
	v11 =	vor.u32 v16, v14;
	v14 =	vld [tilespmem:s0+$0x4630]  }
0x235: {  	v18 =	vadd.s32 v18, v63;
	v16 =	vand.u32 $0xFFFFFFF8, v19;
	v15 =	vadd.s32 v15, v63  }
0x236: {  	v19 =	vand.u32 $0x7, v19;
	v15 =	vadd.s32 v15, v16;
	v12 =	vld.idx.msk [tilespmem:v12+s13+$0x0], $0xffff;
	v16 =	vand.u32 $0xFFFFFFF8, v17  }
0x237: {  	v15 =	vor.u32 v19, v15;
	v17 =	vand.u32 $0x7, v17;
	v16 =	vadd.s32 v18, v16  }
0x238: {  	v18 =	vor.u32 $0x5300, v5;
	v13 =	vld.idx.msk [tilespmem:v13+s13+$0x0], $0xffff;
	v16 =	vor.u32 v17, v16  }
0x239: {  	v9 =	vadd.f32 v10, v9;
	v17 =	vadd.s32 v18, v63;
	v10 =	vld.idx.msk [tilespmem:v11+s13+$0x0], $0xffff;
	v11 =	vand.u32 $0xFFFFFFF8, v14  }
0x23a: {  	v14 =	vand.u32 $0x7, v14;
	v11 =	vadd.s32 v17, v11;
	v17 =	vld [tilespmem:s0+$0x46B0]  }
0x23b: {  	v9 =	vadd.f32 v12, v9;
	v11 =	vor.u32 v14, v11  }
0x23c: {  	v12 =	vld.idx.msk [tilespmem:v15+s13+$0x0], $0xffff  }
0x23d: {  	v15 =	vld [tilespmem:s0+$0x4730];
	v9 =	vadd.f32 v13, v9  }
0x23e: {  	v14 =	vor.u32 $0x5B00, v5;
	v13 =	vld.idx.msk [tilespmem:v16+s13+$0x0], $0xffff  }
0x23f: {  	v14 =	vadd.s32 v14, v63;
	v9 =	vadd.f32 v10, v9;
	v10 =	vand.u32 $0xFFFFFFF8, v17  }
0x240: {  	v16 =	vand.u32 $0x7, v17;
	v11 =	vld.idx.msk [tilespmem:v11+s13+$0x0], $0xffff;
	v10 =	vadd.s32 v14, v10  }
0x241: {  	v9 =	vadd.f32 v12, v9;
	v10 =	vor.u32 v16, v10;
	v12 =	vld [tilespmem:s0+$0x47B0]  }
0x242: {  	v18 =	vor.u32 $0x7300, v5;
	v17 =	vld [tilespmem:s0+$0x4830];
	v16 =	vor.u32 $0x6300, v5  }
0x243: {  	v16 =	vadd.s32 v16, v63;
	v9 =	vadd.f32 v13, v9;
	v13 =	vand.u32 $0xFFFFFFF8, v15  }
0x244: {  	v19 =	vor.u32 $0x6B00, v5;
	v18 =	vadd.s32 v18, v63;
	v13 =	vadd.s32 v16, v13;
	v16 =	vld [tilespmem:s0+$0x48B0]  }
0x245: {  	v14 =	vor.u32 $0x7B00, v5;
	v15 =	vand.u32 $0x7, v15;
	v9 =	vadd.f32 v11, v9  }
0x246: {  	v11 =	vor.u32 v15, v13;
	v15 =	vadd.s32 v19, v63;
	v10 =	vld.idx.msk [tilespmem:v10+s13+$0x0], $0xffff;
	v13 =	vand.u32 $0xFFFFFFF8, v12  }
0x247: {  	v19 =	vld [tilespmem:s0+$0x4930];
	v12 =	vand.u32 $0x7, v12;
	v13 =	vadd.s32 v15, v13;
	v15 =	vand.u32 $0xFFFFFFF8, v17  }
0x248: {  	v12 =	vor.u32 v12, v13;
	v13 =	vand.u32 $0x7, v17;
	v15 =	vadd.s32 v18, v15;
	v17 =	vld [tilespmem:s0+$0x49B0]  }
0x249: {  	v14 =	vadd.s32 v14, v63;
	v13 =	vor.u32 v13, v15;
	v15 =	vand.u32 $0xFFFFFFF8, v16  }
0x24a: {  	v18 =	vor.u32 $0x8B00, v5;
	v16 =	vand.u32 $0x7, v16;
	v14 =	vadd.s32 v14, v15  }
0x24b: {  	v15 =	vor.u32 $0x8300, v5;
	v9 =	vadd.f32 v10, v9;
	v10 =	vld.idx.msk [tilespmem:v11+s13+$0x0], $0xffff;
	v11 =	vor.u32 v16, v14  }
0x24c: {  	v14 =	vand.u32 $0xFFFFFFF8, v19;
	v16 =	vand.u32 $0x7, v19;
	v15 =	vadd.s32 v15, v63;
	v19 =	vld [tilespmem:s0+$0x4A30]  }
0x24d: {  	v18 =	vadd.s32 v18, v63;
	v14 =	vadd.s32 v15, v14;
	v12 =	vld.idx.msk [tilespmem:v12+s13+$0x0], $0xffff;
	v15 =	vand.u32 $0xFFFFFFF8, v17  }
0x24e: {  	v14 =	vor.u32 v16, v14;
	v16 =	vand.u32 $0x7, v17;
	v15 =	vadd.s32 v18, v15  }
0x24f: {  	v13 =	vld.idx.msk [tilespmem:v13+s13+$0x0], $0xffff;
	v15 =	vor.u32 v16, v15  }
0x250: {  	v16 =	vor.u32 $0x9300, v5;
	v9 =	vadd.f32 v10, v9  }
0x251: {  	v10 =	vld.idx.msk [tilespmem:v11+s13+$0x0], $0xffff;
	v11 =	vand.u32 $0xFFFFFFF8, v19;
	v16 =	vadd.s32 v16, v63  }
0x252: {  	v11 =	vadd.s32 v16, v11;
	v16 =	vld [tilespmem:s0+$0x4AB0];
	v9 =	vadd.f32 v12, v9;
	v12 =	vand.u32 $0x7, v19  }
0x253: {  	v14 =	vld.idx.msk [tilespmem:v14+s13+$0x0], $0xffff;
	v11 =	vor.u32 v12, v11  }
0x254: {  	v9 =	vadd.f32 v13, v9;
	v12 =	vld.idx.msk [tilespmem:v15+s13+$0x0], $0xffff  }
0x255: {  	v13 =	vld [tilespmem:s0+$0x4B30]  }
0x256: {  	v15 =	vor.u32 $0x9B00, v5;
	v9 =	vadd.f32 v10, v9  }
0x257: {  	v18 =	vld [tilespmem:s0+$0x4BB0];
	v19 =	vor.u32 $0xAB00, v5;
	v15 =	vadd.s32 v15, v63;
	v17 =	vand.u32 $0xFFFFFFF8, v16  }
0x258: {  	v15 =	vadd.s32 v15, v17;
	v9 =	vadd.f32 v14, v9;
	v11 =	vld.idx.msk [tilespmem:v11+s13+$0x0], $0xffff;
	v14 =	vand.u32 $0x7, v16  }
0x259: {  	v19 =	vadd.s32 v19, v63;
	v17 =	vor.u32 $0xA300, v5;
	v14 =	vor.u32 v14, v15;
	v15 =	vld [tilespmem:s0+$0x4C30]  }
0x25a: {  	v17 =	vadd.s32 v17, v63;
	v9 =	vadd.f32 v12, v9;
	v12 =	vand.u32 $0xFFFFFFF8, v13  }
0x25b: {  	v10 =	vor.u32 $0xCB00, v5;
	v13 =	vand.u32 $0x7, v13;
	v12 =	vadd.s32 v17, v12;
	v17 =	vld [tilespmem:s0+$0x4CB0]  }
0x25c: {  	v16 =	vor.u32 $0xB300, v5;
	v12 =	vor.u32 v13, v12;
	v13 =	vand.u32 $0xFFFFFFF8, v18  }
0x25d: {  	v9 =	vadd.f32 v11, v9;
	v11 =	vand.u32 $0x7, v18;
	v13 =	vadd.s32 v19, v13;
	v18 =	vld [tilespmem:s0+$0x4D30]  }
0x25e: {  	v16 =	vadd.s32 v16, v63;
	v14 =	vld.idx.msk [tilespmem:v14+s13+$0x0], $0xffff;
	v11 =	vor.u32 v11, v13;
	v13 =	vand.u32 $0xFFFFFFF8, v15  }
0x25f: {  	v19 =	vor.u32 $0xBB00, v5;
	v15 =	vand.u32 $0x7, v15;
	v13 =	vadd.s32 v16, v13;
	v16 =	vld [tilespmem:s0+$0x4DB0]  }
0x260: {  	v19 =	vadd.s32 v19, v63;
	v13 =	vor.u32 v15, v13;
	v15 =	vand.u32 $0xFFFFFFF8, v17  }
0x261: {  	v17 =	vand.u32 $0x7, v17;
	v15 =	vadd.s32 v19, v15;
	v19 =	vor.u32 $0xC300, v5;
	v12 =	vld.idx.msk [tilespmem:v12+s13+$0x0], $0xffff  }
0x262: {  	v15 =	vor.u32 v17, v15;
	v17 =	vand.u32 $0xFFFFFFF8, v18;
	v19 =	vadd.s32 v19, v63  }
0x263: {  	v9 =	vadd.f32 v14, v9;
	v11 =	vld.idx.msk [tilespmem:v11+s13+$0x0], $0xffff;
	v14 =	vand.u32 $0x7, v18;
	v17 =	vadd.s32 v19, v17  }
0x264: {  	v10 =	vadd.s32 v10, v63;
	v14 =	vor.u32 v14, v17;
	v17 =	vand.u32 $0xFFFFFFF8, v16  }
0x265: {  	v16 =	vand.u32 $0x7, v16;
	v13 =	vld.idx.msk [tilespmem:v13+s13+$0x0], $0xffff;
	v10 =	vadd.s32 v10, v17  }
0x266: {  	v9 =	vadd.f32 v12, v9;
	v10 =	vor.u32 v16, v10  }
0x267: {  	v17 =	vld.idx.msk [tilespmem:v15+s13+$0x0], $0xffff  }
0x268: {  	v9 =	vadd.f32 v11, v9  }
0x269: {  	v11 =	vld.idx.msk [tilespmem:v14+s13+$0x0], $0xffff  }
0x26a: {  	v9 =	vadd.f32 v13, v9  }
0x26b: {  	v10 =	vld.idx.msk [tilespmem:v10+s13+$0x0], $0xffff  }
0x26c: {  	v9 =	vadd.f32 v17, v9;
	_ =	sdelay $0x1  }
0x26d: {  	v9 =	vadd.f32 v11, v9;
	_ =	sdelay $0x1  }
0x26e: {  	v9 =	vadd.f32 v10, v9;
	_ =	sdelay $0x1  }
0x26f: {  	[tilespmem:$0x1FB30] =	vst v9  }
0x270: {  	v9 =	vld [tilespmem:s0+$0x4140]  }
0x271: {  	v10 =	vld [tilespmem:s0+$0x41C0];
	_ =	sdelay $0x1  }
0x272: {  	v16 =	vor.u32 $0x400, v5;
	v13 =	vld [tilespmem:s0+$0x4240]  }
0x273: {  	v12 =	vor.u32 v16, v63;
	v11 =	vor.u32 $0xC00, v5  }
0x274: {  	v11 =	vor.u32 v11, v63;
	v17 =	vand.u32 $0xFFFFFFF8, v9;
	v9 =	vand.u32 $0x7, v9  }
0x275: {  	v16 =	vand.u32 $0xFFFFFFF8, v10;
	v10 =	vand.u32 $0x7, v10;
	v12 =	vadd.s32 v12, v17  }
0x276: {  	v11 =	vadd.s32 v11, v16;
	v17 =	vor.u32 $0x1400, v5;
	v9 =	vor.u32 v9, v12  }
0x277: {  	v10 =	vor.u32 v10, v11;
	v11 =	vand.u32 $0xFFFFFFF8, v13;
	v12 =	vadd.s32 v17, v63  }
0x278: {  	v13 =	vand.u32 $0x7, v13;
	v11 =	vadd.s32 v12, v11;
	v12 =	vld [tilespmem:s0+$0x42C0]  }
0x279: {  	v11 =	vor.u32 v13, v11  }
0x27a: {  	v14 =	vld [tilespmem:s0+$0x4340]  }
0x27b: {  	v9 =	vld.idx.msk [tilespmem:v9+s13+$0x0], $0xffff  }
0x27c: {  	v13 =	vor.u32 $0x1C00, v5;
	v10 =	vld.idx.msk [tilespmem:v10+s13+$0x0], $0xffff  }
0x27d: {  	v13 =	vadd.s32 v13, v63;
	v15 =	vand.u32 $0xFFFFFFF8, v12  }
0x27e: {  	v12 =	vand.u32 $0x7, v12;
	v11 =	vld.idx.msk [tilespmem:v11+s13+$0x0], $0xffff;
	v13 =	vadd.s32 v13, v15  }
0x27f: {  	v12 =	vor.u32 v12, v13;
	v13 =	vld [tilespmem:s0+$0x43C0]  }
0x280: {  	v18 =	vor.u32 $0x3400, v5;
	v16 =	vor.u32 $0x2400, v5;
	v17 =	vld [tilespmem:s0+$0x4440]  }
0x281: {  	v16 =	vadd.s32 v16, v63;
	v9 =	vadd.f32 v10, v9;
	v10 =	vand.u32 $0xFFFFFFF8, v14  }
0x282: {  	v19 =	vor.u32 $0x2C00, v5;
	v14 =	vand.u32 $0x7, v14;
	v10 =	vadd.s32 v16, v10;
	v16 =	vld [tilespmem:s0+$0x44C0]  }
0x283: {  	v18 =	vadd.s32 v18, v63;
	v15 =	vor.u32 $0x3C00, v5;
	v10 =	vor.u32 v14, v10  }
0x284: {  	v9 =	vadd.f32 v11, v9;
	v14 =	vadd.s32 v19, v63;
	v11 =	vld.idx.msk [tilespmem:v12+s13+$0x0], $0xffff;
	v12 =	vand.u32 $0xFFFFFFF8, v13  }
0x285: {  	v19 =	vld [tilespmem:s0+$0x4540];
	v13 =	vand.u32 $0x7, v13;
	v12 =	vadd.s32 v14, v12;
	v14 =	vand.u32 $0xFFFFFFF8, v17  }
0x286: {  	v12 =	vor.u32 v13, v12;
	v13 =	vand.u32 $0x7, v17;
	v14 =	vadd.s32 v18, v14;
	v17 =	vld [tilespmem:s0+$0x45C0]  }
0x287: {  	v15 =	vadd.s32 v15, v63;
	v13 =	vor.u32 v13, v14;
	v14 =	vand.u32 $0xFFFFFFF8, v16  }
0x288: {  	v18 =	vor.u32 $0x4C00, v5;
	v16 =	vand.u32 $0x7, v16;
	v10 =	vld.idx.msk [tilespmem:v10+s13+$0x0], $0xffff;
	v14 =	vadd.s32 v15, v14  }
0x289: {  	v15 =	vor.u32 $0x4400, v5;
	v9 =	vadd.f32 v11, v9;
	v11 =	vor.u32 v16, v14;
	v14 =	vld [tilespmem:s0+$0x4640]  }
0x28a: {  	v18 =	vadd.s32 v18, v63;
	v16 =	vand.u32 $0xFFFFFFF8, v19;
	v15 =	vadd.s32 v15, v63  }
0x28b: {  	v19 =	vand.u32 $0x7, v19;
	v15 =	vadd.s32 v15, v16;
	v12 =	vld.idx.msk [tilespmem:v12+s13+$0x0], $0xffff;
	v16 =	vand.u32 $0xFFFFFFF8, v17  }
0x28c: {  	v15 =	vor.u32 v19, v15;
	v17 =	vand.u32 $0x7, v17;
	v16 =	vadd.s32 v18, v16  }
0x28d: {  	v18 =	vor.u32 $0x5400, v5;
	v13 =	vld.idx.msk [tilespmem:v13+s13+$0x0], $0xffff;
	v16 =	vor.u32 v17, v16  }
0x28e: {  	v9 =	vadd.f32 v10, v9;
	v17 =	vadd.s32 v18, v63;
	v10 =	vld.idx.msk [tilespmem:v11+s13+$0x0], $0xffff;
	v11 =	vand.u32 $0xFFFFFFF8, v14  }
0x28f: {  	v14 =	vand.u32 $0x7, v14;
	v11 =	vadd.s32 v17, v11;
	v17 =	vld [tilespmem:s0+$0x46C0]  }
0x290: {  	v9 =	vadd.f32 v12, v9;
	v11 =	vor.u32 v14, v11  }
0x291: {  	v12 =	vld.idx.msk [tilespmem:v15+s13+$0x0], $0xffff  }
0x292: {  	v15 =	vld [tilespmem:s0+$0x4740];
	v9 =	vadd.f32 v13, v9  }
0x293: {  	v14 =	vor.u32 $0x5C00, v5;
	v13 =	vld.idx.msk [tilespmem:v16+s13+$0x0], $0xffff  }
0x294: {  	v14 =	vadd.s32 v14, v63;
	v9 =	vadd.f32 v10, v9;
	v10 =	vand.u32 $0xFFFFFFF8, v17  }
0x295: {  	v16 =	vand.u32 $0x7, v17;
	v11 =	vld.idx.msk [tilespmem:v11+s13+$0x0], $0xffff;
	v10 =	vadd.s32 v14, v10  }
0x296: {  	v9 =	vadd.f32 v12, v9;
	v10 =	vor.u32 v16, v10;
	v12 =	vld [tilespmem:s0+$0x47C0]  }
0x297: {  	v18 =	vor.u32 $0x7400, v5;
	v17 =	vld [tilespmem:s0+$0x4840];
	v16 =	vor.u32 $0x6400, v5  }
0x298: {  	v16 =	vadd.s32 v16, v63;
	v9 =	vadd.f32 v13, v9;
	v13 =	vand.u32 $0xFFFFFFF8, v15  }
0x299: {  	v19 =	vor.u32 $0x6C00, v5;
	v18 =	vadd.s32 v18, v63;
	v13 =	vadd.s32 v16, v13;
	v16 =	vld [tilespmem:s0+$0x48C0]  }
0x29a: {  	v14 =	vor.u32 $0x7C00, v5;
	v15 =	vand.u32 $0x7, v15;
	v9 =	vadd.f32 v11, v9  }
0x29b: {  	v11 =	vor.u32 v15, v13;
	v15 =	vadd.s32 v19, v63;
	v10 =	vld.idx.msk [tilespmem:v10+s13+$0x0], $0xffff;
	v13 =	vand.u32 $0xFFFFFFF8, v12  }
0x29c: {  	v19 =	vld [tilespmem:s0+$0x4940];
	v12 =	vand.u32 $0x7, v12;
	v13 =	vadd.s32 v15, v13;
	v15 =	vand.u32 $0xFFFFFFF8, v17  }
0x29d: {  	v12 =	vor.u32 v12, v13;
	v13 =	vand.u32 $0x7, v17;
	v15 =	vadd.s32 v18, v15;
	v17 =	vld [tilespmem:s0+$0x49C0]  }
0x29e: {  	v14 =	vadd.s32 v14, v63;
	v13 =	vor.u32 v13, v15;
	v15 =	vand.u32 $0xFFFFFFF8, v16  }
0x29f: {  	v18 =	vor.u32 $0x8C00, v5;
	v16 =	vand.u32 $0x7, v16;
	v14 =	vadd.s32 v14, v15  }
0x2a0: {  	v15 =	vor.u32 $0x8400, v5;
	v9 =	vadd.f32 v10, v9;
	v10 =	vld.idx.msk [tilespmem:v11+s13+$0x0], $0xffff;
	v11 =	vor.u32 v16, v14  }
0x2a1: {  	v14 =	vand.u32 $0xFFFFFFF8, v19;
	v16 =	vand.u32 $0x7, v19;
	v15 =	vadd.s32 v15, v63;
	v19 =	vld [tilespmem:s0+$0x4A40]  }
0x2a2: {  	v18 =	vadd.s32 v18, v63;
	v14 =	vadd.s32 v15, v14;
	v12 =	vld.idx.msk [tilespmem:v12+s13+$0x0], $0xffff;
	v15 =	vand.u32 $0xFFFFFFF8, v17  }
0x2a3: {  	v14 =	vor.u32 v16, v14;
	v16 =	vand.u32 $0x7, v17;
	v15 =	vadd.s32 v18, v15  }
0x2a4: {  	v13 =	vld.idx.msk [tilespmem:v13+s13+$0x0], $0xffff;
	v15 =	vor.u32 v16, v15  }
0x2a5: {  	v16 =	vor.u32 $0x9400, v5;
	v9 =	vadd.f32 v10, v9  }
0x2a6: {  	v10 =	vld.idx.msk [tilespmem:v11+s13+$0x0], $0xffff;
	v11 =	vand.u32 $0xFFFFFFF8, v19;
	v16 =	vadd.s32 v16, v63  }
0x2a7: {  	v11 =	vadd.s32 v16, v11;
	v16 =	vld [tilespmem:s0+$0x4AC0];
	v9 =	vadd.f32 v12, v9;
	v12 =	vand.u32 $0x7, v19  }
0x2a8: {  	v14 =	vld.idx.msk [tilespmem:v14+s13+$0x0], $0xffff;
	v11 =	vor.u32 v12, v11  }
0x2a9: {  	v9 =	vadd.f32 v13, v9;
	v12 =	vld.idx.msk [tilespmem:v15+s13+$0x0], $0xffff  }
0x2aa: {  	v13 =	vld [tilespmem:s0+$0x4B40]  }
0x2ab: {  	v15 =	vor.u32 $0x9C00, v5;
	v9 =	vadd.f32 v10, v9  }
0x2ac: {  	v18 =	vld [tilespmem:s0+$0x4BC0];
	v19 =	vor.u32 $0xAC00, v5;
	v15 =	vadd.s32 v15, v63;
	v17 =	vand.u32 $0xFFFFFFF8, v16  }
0x2ad: {  	v15 =	vadd.s32 v15, v17;
	v9 =	vadd.f32 v14, v9;
	v11 =	vld.idx.msk [tilespmem:v11+s13+$0x0], $0xffff;
	v14 =	vand.u32 $0x7, v16  }
0x2ae: {  	v19 =	vadd.s32 v19, v63;
	v17 =	vor.u32 $0xA400, v5;
	v14 =	vor.u32 v14, v15;
	v15 =	vld [tilespmem:s0+$0x4C40]  }
0x2af: {  	v17 =	vadd.s32 v17, v63;
	v9 =	vadd.f32 v12, v9;
	v12 =	vand.u32 $0xFFFFFFF8, v13  }
0x2b0: {  	v10 =	vor.u32 $0xCC00, v5;
	v13 =	vand.u32 $0x7, v13;
	v12 =	vadd.s32 v17, v12;
	v17 =	vld [tilespmem:s0+$0x4CC0]  }
0x2b1: {  	v16 =	vor.u32 $0xB400, v5;
	v12 =	vor.u32 v13, v12;
	v13 =	vand.u32 $0xFFFFFFF8, v18  }
0x2b2: {  	v9 =	vadd.f32 v11, v9;
	v11 =	vand.u32 $0x7, v18;
	v13 =	vadd.s32 v19, v13;
	v18 =	vld [tilespmem:s0+$0x4D40]  }
0x2b3: {  	v16 =	vadd.s32 v16, v63;
	v14 =	vld.idx.msk [tilespmem:v14+s13+$0x0], $0xffff;
	v11 =	vor.u32 v11, v13;
	v13 =	vand.u32 $0xFFFFFFF8, v15  }
0x2b4: {  	v19 =	vor.u32 $0xBC00, v5;
	v15 =	vand.u32 $0x7, v15;
	v13 =	vadd.s32 v16, v13;
	v16 =	vld [tilespmem:s0+$0x4DC0]  }
0x2b5: {  	v19 =	vadd.s32 v19, v63;
	v13 =	vor.u32 v15, v13;
	v15 =	vand.u32 $0xFFFFFFF8, v17  }
0x2b6: {  	v17 =	vand.u32 $0x7, v17;
	v15 =	vadd.s32 v19, v15;
	v19 =	vor.u32 $0xC400, v5;
	v12 =	vld.idx.msk [tilespmem:v12+s13+$0x0], $0xffff  }
0x2b7: {  	v15 =	vor.u32 v17, v15;
	v17 =	vand.u32 $0xFFFFFFF8, v18;
	v19 =	vadd.s32 v19, v63  }
0x2b8: {  	v9 =	vadd.f32 v14, v9;
	v11 =	vld.idx.msk [tilespmem:v11+s13+$0x0], $0xffff;
	v14 =	vand.u32 $0x7, v18;
	v17 =	vadd.s32 v19, v17  }
0x2b9: {  	v10 =	vadd.s32 v10, v63;
	v14 =	vor.u32 v14, v17;
	v17 =	vand.u32 $0xFFFFFFF8, v16  }
0x2ba: {  	v16 =	vand.u32 $0x7, v16;
	v13 =	vld.idx.msk [tilespmem:v13+s13+$0x0], $0xffff;
	v10 =	vadd.s32 v10, v17  }
0x2bb: {  	v9 =	vadd.f32 v12, v9;
	v10 =	vor.u32 v16, v10  }
0x2bc: {  	v16 =	vld.idx.msk [tilespmem:v15+s13+$0x0], $0xffff  }
0x2bd: {  	v9 =	vadd.f32 v11, v9  }
0x2be: {  	v11 =	vld.idx.msk [tilespmem:v14+s13+$0x0], $0xffff  }
0x2bf: {  	v9 =	vadd.f32 v13, v9  }
0x2c0: {  	v10 =	vld.idx.msk [tilespmem:v10+s13+$0x0], $0xffff  }
0x2c1: {  	v9 =	vadd.f32 v16, v9;
	_ =	sdelay $0x1  }
0x2c2: {  	v9 =	vadd.f32 v11, v9;
	_ =	sdelay $0x1  }
0x2c3: {  	v9 =	vadd.f32 v10, v9;
	_ =	sdelay $0x1  }
0x2c4: {  	[tilespmem:$0x1FB40] =	vst v9  }
0x2c5: {  	v9 =	vld [tilespmem:s0+$0x4150]  }
0x2c6: {  	v10 =	vld [tilespmem:s0+$0x41D0];
	_ =	sdelay $0x2  }
0x2c7: {  	v17 =	vor.u32 $0x500, v5;
	v11 =	vor.u32 $0xD00, v5  }
0x2c8: {  	v12 =	vor.u32 v17, v63;
	v11 =	vor.u32 v11, v63;
	v16 =	vand.u32 $0xFFFFFFF8, v9  }
0x2c9: {  	v9 =	vand.u32 $0x7, v9;
	v17 =	vand.u32 $0xFFFFFFF8, v10;
	v12 =	vadd.s32 v12, v16  }
0x2ca: {  	v10 =	vand.u32 $0x7, v10;
	v11 =	vadd.s32 v11, v17;
	v16 =	vld [tilespmem:s0+$0x4250];
	v9 =	vor.u32 v9, v12  }
0x2cb: {  	v10 =	vor.u32 v10, v11;
	_ =	sdelay $0x2  }
0x2cc: {  	v13 =	vld [tilespmem:s0+$0x42D0];
	v11 =	vor.u32 $0x1500, v5  }
0x2cd: {  	v11 =	vadd.s32 v11, v63;
	v17 =	vand.u32 $0xFFFFFFF8, v16;
	v9 =	vld.idx.msk [tilespmem:v9+s13+$0x0], $0xffff  }
0x2ce: {  	v12 =	vand.u32 $0x7, v16;
	v10 =	vld.idx.msk [tilespmem:v10+s13+$0x0], $0xffff;
	v11 =	vadd.s32 v11, v17  }
0x2cf: {  	v11 =	vor.u32 v12, v11;
	v12 =	vld [tilespmem:s0+$0x4350]  }
0x2d0: {  	v14 =	vor.u32 $0x1D00, v5;
	v15 =	vld [tilespmem:s0+$0x43D0]  }
0x2d1: {  	v18 =	vor.u32 $0x2D00, v5;
	v14 =	vadd.s32 v14, v63;
	v17 =	vand.u32 $0xFFFFFFF8, v13  }
0x2d2: {  	v19 =	vor.u32 $0x2500, v5;
	v13 =	vand.u32 $0x7, v13;
	v14 =	vadd.s32 v14, v17;
	v17 =	vld [tilespmem:s0+$0x4450]  }
0x2d3: {  	v18 =	vadd.s32 v18, v63;
	v9 =	vadd.f32 v10, v9;
	v10 =	vor.u32 v13, v14  }
0x2d4: {  	v16 =	vor.u32 $0x3500, v5;
	v14 =	vadd.s32 v19, v63;
	v11 =	vld.idx.msk [tilespmem:v11+s13+$0x0], $0xffff;
	v13 =	vand.u32 $0xFFFFFFF8, v12  }
0x2d5: {  	v19 =	vld [tilespmem:s0+$0x44D0];
	v12 =	vand.u32 $0x7, v12;
	v13 =	vadd.s32 v14, v13;
	v14 =	vand.u32 $0xFFFFFFF8, v15  }
0x2d6: {  	v12 =	vor.u32 v12, v13;
	v13 =	vand.u32 $0x7, v15;
	v14 =	vadd.s32 v18, v14;
	v15 =	vld [tilespmem:s0+$0x4550]  }
0x2d7: {  	v16 =	vadd.s32 v16, v63;
	v13 =	vor.u32 v13, v14;
	v14 =	vand.u32 $0xFFFFFFF8, v17  }
0x2d8: {  	v18 =	vor.u32 $0x4500, v5;
	v17 =	vand.u32 $0x7, v17;
	v10 =	vld.idx.msk [tilespmem:v10+s13+$0x0], $0xffff;
	v14 =	vadd.s32 v16, v14  }
0x2d9: {  	v16 =	vor.u32 $0x3D00, v5;
	v9 =	vadd.f32 v11, v9;
	v11 =	vor.u32 v17, v14;
	v14 =	vld [tilespmem:s0+$0x45D0]  }
0x2da: {  	v18 =	vadd.s32 v18, v63;
	v17 =	vand.u32 $0xFFFFFFF8, v19;
	v16 =	vadd.s32 v16, v63  }
0x2db: {  	v19 =	vand.u32 $0x7, v19;
	v16 =	vadd.s32 v16, v17;
	v12 =	vld.idx.msk [tilespmem:v12+s13+$0x0], $0xffff;
	v17 =	vand.u32 $0xFFFFFFF8, v15  }
0x2dc: {  	v16 =	vor.u32 v19, v16;
	v15 =	vand.u32 $0x7, v15;
	v17 =	vadd.s32 v18, v17  }
0x2dd: {  	v18 =	vor.u32 $0x4D00, v5;
	v13 =	vld.idx.msk [tilespmem:v13+s13+$0x0], $0xffff;
	v15 =	vor.u32 v15, v17  }
0x2de: {  	v9 =	vadd.f32 v10, v9;
	v17 =	vadd.s32 v18, v63;
	v10 =	vld.idx.msk [tilespmem:v11+s13+$0x0], $0xffff;
	v11 =	vand.u32 $0xFFFFFFF8, v14  }
0x2df: {  	v14 =	vand.u32 $0x7, v14;
	v11 =	vadd.s32 v17, v11;
	v17 =	vld [tilespmem:s0+$0x4650]  }
0x2e0: {  	v9 =	vadd.f32 v12, v9;
	v11 =	vor.u32 v14, v11  }
0x2e1: {  	v12 =	vld.idx.msk [tilespmem:v16+s13+$0x0], $0xffff  }
0x2e2: {  	v9 =	vadd.f32 v13, v9;
	v13 =	vld.idx.msk [tilespmem:v15+s13+$0x0], $0xffff  }
0x2e3: {  	v14 =	vor.u32 $0x5500, v5;
	v15 =	vld [tilespmem:s0+$0x46D0]  }
0x2e4: {  	v14 =	vadd.s32 v14, v63;
	v9 =	vadd.f32 v10, v9;
	v10 =	vand.u32 $0xFFFFFFF8, v17  }
0x2e5: {  	v16 =	vand.u32 $0x7, v17;
	v11 =	vld.idx.msk [tilespmem:v11+s13+$0x0], $0xffff;
	v10 =	vadd.s32 v14, v10  }
0x2e6: {  	v9 =	vadd.f32 v12, v9;
	v10 =	vor.u32 v16, v10;
	v12 =	vld [tilespmem:s0+$0x4750]  }
0x2e7: {  	v18 =	vor.u32 $0x6D00, v5;
	v17 =	vld [tilespmem:s0+$0x47D0];
	v16 =	vor.u32 $0x5D00, v5  }
0x2e8: {  	v16 =	vadd.s32 v16, v63;
	v9 =	vadd.f32 v13, v9;
	v13 =	vand.u32 $0xFFFFFFF8, v15  }
0x2e9: {  	v19 =	vor.u32 $0x6500, v5;
	v18 =	vadd.s32 v18, v63;
	v13 =	vadd.s32 v16, v13;
	v16 =	vld [tilespmem:s0+$0x4850]  }
0x2ea: {  	v14 =	vor.u32 $0x7500, v5;
	v15 =	vand.u32 $0x7, v15;
	v9 =	vadd.f32 v11, v9  }
0x2eb: {  	v11 =	vor.u32 v15, v13;
	v15 =	vadd.s32 v19, v63;
	v10 =	vld.idx.msk [tilespmem:v10+s13+$0x0], $0xffff;
	v13 =	vand.u32 $0xFFFFFFF8, v12  }
0x2ec: {  	v19 =	vld [tilespmem:s0+$0x48D0];
	v12 =	vand.u32 $0x7, v12;
	v13 =	vadd.s32 v15, v13;
	v15 =	vand.u32 $0xFFFFFFF8, v17  }
0x2ed: {  	v12 =	vor.u32 v12, v13;
	v13 =	vand.u32 $0x7, v17;
	v15 =	vadd.s32 v18, v15  }
0x2ee: {  	v14 =	vadd.s32 v14, v63;
	v17 =	vld [tilespmem:s0+$0x4950];
	v13 =	vor.u32 v13, v15;
	v15 =	vand.u32 $0xFFFFFFF8, v16  }
0x2ef: {  	v16 =	vand.u32 $0x7, v16;
	v14 =	vadd.s32 v14, v15  }
0x2f0: {  	v15 =	vor.u32 $0x7D00, v5;
	v9 =	vadd.f32 v10, v9;
	v10 =	vld.idx.msk [tilespmem:v11+s13+$0x0], $0xffff;
	v11 =	vor.u32 v16, v14  }
0x2f1: {  	v14 =	vand.u32 $0xFFFFFFF8, v19;
	v16 =	vand.u32 $0x7, v19;
	v15 =	vadd.s32 v15, v63;
	v19 =	vld [tilespmem:s0+$0x49D0]  }
0x2f2: {  	v18 =	vor.u32 $0x8500, v5;
	v14 =	vadd.s32 v15, v14;
	v12 =	vld.idx.msk [tilespmem:v12+s13+$0x0], $0xffff  }
0x2f3: {  	v18 =	vadd.s32 v18, v63;
	v15 =	vand.u32 $0xFFFFFFF8, v17;
	v14 =	vor.u32 v16, v14  }
0x2f4: {  	v16 =	vand.u32 $0x7, v17;
	v15 =	vadd.s32 v18, v15;
	v13 =	vld.idx.msk [tilespmem:v13+s13+$0x0], $0xffff  }
0x2f5: {  	v15 =	vor.u32 v16, v15;
	v16 =	vor.u32 $0x8D00, v5;
	v9 =	vadd.f32 v10, v9;
	v10 =	vld [tilespmem:s0+$0x4A50]  }
0x2f6: {  	v11 =	vld.idx.msk [tilespmem:v11+s13+$0x0], $0xffff;
	v17 =	vand.u32 $0xFFFFFFF8, v19;
	v16 =	vadd.s32 v16, v63  }
0x2f7: {  	v16 =	vadd.s32 v16, v17;
	v17 =	vld [tilespmem:s0+$0x4AD0];
	v9 =	vadd.f32 v12, v9;
	v12 =	vand.u32 $0x7, v19  }
0x2f8: {  	v14 =	vld.idx.msk [tilespmem:v14+s13+$0x0], $0xffff;
	v12 =	vor.u32 v12, v16  }
0x2f9: {  	v19 =	vld [tilespmem:s0+$0x4B50];
	v16 =	vor.u32 $0x9500, v5;
	v9 =	vadd.f32 v13, v9  }
0x2fa: {  	v13 =	vld.idx.msk [tilespmem:v15+s13+$0x0], $0xffff;
	v15 =	vor.u32 $0x9D00, v5;
	v16 =	vadd.s32 v16, v63;
	v18 =	vand.u32 $0xFFFFFFF8, v10  }
0x2fb: {  	v10 =	vand.u32 $0x7, v10;
	v9 =	vadd.f32 v11, v9;
	v11 =	vadd.s32 v16, v18  }
0x2fc: {  	v15 =	vadd.s32 v15, v63;
	v16 =	vld [tilespmem:s0+$0x4BD0];
	v10 =	vor.u32 v10, v11;
	v11 =	vand.u32 $0xFFFFFFF8, v17  }
0x2fd: {  	v9 =	vadd.f32 v14, v9;
	v12 =	vld.idx.msk [tilespmem:v12+s13+$0x0], $0xffff;
	v14 =	vand.u32 $0x7, v17;
	v11 =	vadd.s32 v15, v11  }
0x2fe: {  	v18 =	vor.u32 $0xAD00, v5;
	v17 =	vor.u32 $0xA500, v5;
	v11 =	vor.u32 v14, v11;
	v14 =	vld [tilespmem:s0+$0x4C50]  }
0x2ff: {  	v17 =	vadd.s32 v17, v63;
	v9 =	vadd.f32 v13, v9;
	v13 =	vand.u32 $0xFFFFFFF8, v19  }
0x300: {  	v18 =	vadd.s32 v18, v63;
	v19 =	vand.u32 $0x7, v19;
	v13 =	vadd.s32 v17, v13;
	v17 =	vld [tilespmem:s0+$0x4CD0]  }
0x301: {  	v15 =	vor.u32 $0xB500, v5;
	v10 =	vld.idx.msk [tilespmem:v10+s13+$0x0], $0xffff;
	v13 =	vor.u32 v19, v13;
	v19 =	vand.u32 $0xFFFFFFF8, v16  }
0x302: {  	v9 =	vadd.f32 v12, v9;
	v12 =	vand.u32 $0x7, v16;
	v16 =	vadd.s32 v18, v19;
	v18 =	vld [tilespmem:s0+$0x4D50]  }
0x303: {  	v15 =	vadd.s32 v15, v63;
	v11 =	vld.idx.msk [tilespmem:v11+s13+$0x0], $0xffff;
	v12 =	vor.u32 v12, v16;
	v16 =	vand.u32 $0xFFFFFFF8, v14  }
0x304: {  	v19 =	vor.u32 $0xBD00, v5;
	v14 =	vand.u32 $0x7, v14;
	v15 =	vadd.s32 v15, v16;
	v16 =	vld [tilespmem:s0+$0x4DD0]  }
0x305: {  	v19 =	vadd.s32 v19, v63;
	v14 =	vor.u32 v14, v15;
	v15 =	vand.u32 $0xFFFFFFF8, v17  }
0x306: {  	v9 =	vadd.f32 v10, v9;
	v10 =	vld.idx.msk [tilespmem:v13+s13+$0x0], $0xffff;
	v13 =	vand.u32 $0x7, v17;
	v15 =	vadd.s32 v19, v15  }
0x307: {  	v17 =	vadd.s32 v62, v63;
	v13 =	vor.u32 v13, v15;
	v15 =	vand.u32 $0xFFFFFFF8, v18  }
0x308: {  	v9 =	vadd.f32 v11, v9;
	v11 =	vld.idx.msk [tilespmem:v12+s13+$0x0], $0xffff;
	v12 =	vand.u32 $0x7, v18;
	v15 =	vadd.s32 v17, v15  }
0x309: {  	v17 =	vadd.s32 v61, v63;
	v12 =	vor.u32 v12, v15;
	v15 =	vand.u32 $0xFFFFFFF8, v16  }
0x30a: {  	v16 =	vand.u32 $0x7, v16;
	v14 =	vld.idx.msk [tilespmem:v14+s13+$0x0], $0xffff;
	v15 =	vadd.s32 v17, v15  }
0x30b: {  	v9 =	vadd.f32 v10, v9;
	v10 =	vor.u32 v16, v15  }
0x30c: {  	v13 =	vld.idx.msk [tilespmem:v13+s13+$0x0], $0xffff  }
0x30d: {  	v9 =	vadd.f32 v11, v9  }
0x30e: {  	v11 =	vld.idx.msk [tilespmem:v12+s13+$0x0], $0xffff  }
0x30f: {  	v9 =	vadd.f32 v14, v9  }
0x310: {  	v10 =	vld.idx.msk [tilespmem:v10+s13+$0x0], $0xffff  }
0x311: {  	v9 =	vadd.f32 v13, v9;
	_ =	sdelay $0x1  }
0x312: {  	v9 =	vadd.f32 v11, v9;
	_ =	sdelay $0x1  }
0x313: {  	v9 =	vadd.f32 v10, v9;
	_ =	sdelay $0x1  }
0x314: {  	[tilespmem:$0x1FB50] =	vst v9  }
0x315: {  	v9 =	vld [tilespmem:s0+$0x4160];
	_ =	sdelay $0x1  }
0x316: {  	v10 =	vld [tilespmem:s0+$0x41E0];
	_ =	sdelay $0x1  }
0x317: {  	v13 =	vld [tilespmem:s0+$0x4260]  }
0x318: {  	v16 =	vor.u32 v60, v63;
	v11 =	vand.u32 $0xFFFFFFF8, v9  }
0x319: {  	v14 =	vld [tilespmem:s0+$0x42E0];
	v9 =	vand.u32 $0x7, v9;
	v11 =	vadd.s32 v16, v11  }
0x31a: {  	v17 =	vor.u32 v59, v63;
	v9 =	vor.u32 v9, v11;
	v11 =	vand.u32 $0xFFFFFFF8, v10  }
0x31b: {  	v10 =	vand.u32 $0x7, v10;
	v11 =	vadd.s32 v17, v11  }
0x31c: {  	v15 =	vadd.s32 v58, v63;
	v12 =	vand.u32 $0xFFFFFFF8, v13;
	v10 =	vor.u32 v10, v11;
	v11 =	vld [tilespmem:s0+$0x4360]  }
0x31d: {  	v13 =	vand.u32 $0x7, v13;
	v12 =	vadd.s32 v15, v12  }
0x31e: {  	v15 =	vld [tilespmem:s0+$0x43E0];
	v16 =	vadd.s32 v57, v63;
	v12 =	vor.u32 v13, v12;
	v13 =	vand.u32 $0xFFFFFFF8, v14  }
0x31f: {  	v13 =	vadd.s32 v16, v13;
	v16 =	vld [tilespmem:s0+$0x4460]  }
0x320: {  	v14 =	vand.u32 $0x7, v14;
	v9 =	vld.idx.msk [tilespmem:v9+s13+$0x0], $0xffff  }
0x321: {  	v17 =	vadd.s32 v56, v63;
	v13 =	vor.u32 v14, v13;
	v10 =	vld.idx.msk [tilespmem:v10+s13+$0x0], $0xffff;
	v14 =	vand.u32 $0xFFFFFFF8, v11  }
0x322: {  	v11 =	vand.u32 $0x7, v11;
	v14 =	vadd.s32 v17, v14;
	v17 =	vld [tilespmem:s0+$0x44E0]  }
0x323: {  	v18 =	vadd.s32 v55, v63;
	v11 =	vor.u32 v11, v14;
	v14 =	vand.u32 $0xFFFFFFF8, v15  }
0x324: {  	v12 =	vld.idx.msk [tilespmem:v12+s13+$0x0], $0xffff;
	v15 =	vand.u32 $0x7, v15;
	v14 =	vadd.s32 v18, v14  }
0x325: {  	v19 =	vld [tilespmem:s0+$0x4560];
	v18 =	vadd.s32 v54, v63;
	v14 =	vor.u32 v15, v14;
	v15 =	vand.u32 $0xFFFFFFF8, v16  }
0x326: {  	v9 =	vadd.f32 v10, v9;
	v10 =	vld.idx.msk [tilespmem:v13+s13+$0x0], $0xffff;
	v13 =	vand.u32 $0x7, v16;
	v15 =	vadd.s32 v18, v15  }
0x327: {  	v16 =	vadd.s32 v53, v63;
	v18 =	vld [tilespmem:s0+$0x45E0];
	v13 =	vor.u32 v13, v15;
	v15 =	vand.u32 $0xFFFFFFF8, v17  }
0x328: {  	v17 =	vand.u32 $0x7, v17;
	v11 =	vld.idx.msk [tilespmem:v11+s13+$0x0], $0xffff;
	v15 =	vadd.s32 v16, v15  }
0x329: {  	v9 =	vadd.f32 v12, v9;
	v12 =	vor.u32 v17, v15;
	v15 =	vld [tilespmem:s0+$0x4660]  }
0x32a: {  	v16 =	vand.u32 $0xFFFFFFF8, v19;
	v17 =	vadd.s32 v52, v63;
	v14 =	vld.idx.msk [tilespmem:v14+s13+$0x0], $0xffff  }
0x32b: {  	v16 =	vadd.s32 v17, v16;
	v17 =	vld [tilespmem:s0+$0x46E0];
	v9 =	vadd.f32 v10, v9;
	v10 =	vand.u32 $0x7, v19  }
0x32c: {  	v19 =	vadd.s32 v51, v63;
	v13 =	vld.idx.msk [tilespmem:v13+s13+$0x0], $0xffff;
	v10 =	vor.u32 v10, v16;
	v16 =	vand.u32 $0xFFFFFFF8, v18  }
0x32d: {  	v9 =	vadd.f32 v11, v9;
	v11 =	vand.u32 $0x7, v18;
	v16 =	vadd.s32 v19, v16;
	v18 =	vld [tilespmem:s0+$0x4760]  }
0x32e: {  	v19 =	vadd.s32 v50, v63;
	v12 =	vld.idx.msk [tilespmem:v12+s13+$0x0], $0xffff;
	v11 =	vor.u32 v11, v16;
	v16 =	vand.u32 $0xFFFFFFF8, v15  }
0x32f: {  	v9 =	vadd.f32 v14, v9;
	v14 =	vand.u32 $0x7, v15;
	v15 =	vadd.s32 v19, v16;
	v16 =	vld [tilespmem:s0+$0x47E0]  }
0x330: {  	v19 =	vadd.s32 v49, v63;
	v14 =	vor.u32 v14, v15;
	v15 =	vand.u32 $0xFFFFFFF8, v17  }
0x331: {  	v9 =	vadd.f32 v13, v9;
	v10 =	vld.idx.msk [tilespmem:v10+s13+$0x0], $0xffff;
	v13 =	vand.u32 $0x7, v17;
	v15 =	vadd.s32 v19, v15  }
0x332: {  	v17 =	vadd.s32 v48, v63;
	v19 =	vld [tilespmem:s0+$0x4860];
	v13 =	vor.u32 v13, v15;
	v15 =	vand.u32 $0xFFFFFFF8, v18  }
0x333: {  	v9 =	vadd.f32 v12, v9;
	v11 =	vld.idx.msk [tilespmem:v11+s13+$0x0], $0xffff;
	v12 =	vand.u32 $0x7, v18;
	v15 =	vadd.s32 v17, v15  }
0x334: {  	v17 =	vadd.s32 v47, v63;
	v18 =	vld [tilespmem:s0+$0x48E0];
	v12 =	vor.u32 v12, v15;
	v15 =	vand.u32 $0xFFFFFFF8, v16  }
0x335: {  	v16 =	vand.u32 $0x7, v16;
	v14 =	vld.idx.msk [tilespmem:v14+s13+$0x0], $0xffff;
	v15 =	vadd.s32 v17, v15  }
0x336: {  	v9 =	vadd.f32 v10, v9;
	v10 =	vor.u32 v16, v15;
	v15 =	vld [tilespmem:s0+$0x4960]  }
0x337: {  	v17 =	vadd.s32 v46, v63;
	v16 =	vand.u32 $0xFFFFFFF8, v19;
	v13 =	vld.idx.msk [tilespmem:v13+s13+$0x0], $0xffff  }
0x338: {  	v16 =	vadd.s32 v17, v16;
	v17 =	vld [tilespmem:s0+$0x49E0];
	v9 =	vadd.f32 v11, v9;
	v11 =	vand.u32 $0x7, v19  }
0x339: {  	v19 =	vadd.s32 v45, v63;
	v12 =	vld.idx.msk [tilespmem:v12+s13+$0x0], $0xffff;
	v11 =	vor.u32 v11, v16;
	v16 =	vand.u32 $0xFFFFFFF8, v18  }
0x33a: {  	v9 =	vadd.f32 v14, v9;
	v14 =	vand.u32 $0x7, v18;
	v16 =	vadd.s32 v19, v16;
	v18 =	vld [tilespmem:s0+$0x4A60]  }
0x33b: {  	v19 =	vadd.s32 v44, v63;
	v10 =	vld.idx.msk [tilespmem:v10+s13+$0x0], $0xffff;
	v14 =	vor.u32 v14, v16;
	v16 =	vand.u32 $0xFFFFFFF8, v15  }
0x33c: {  	v9 =	vadd.f32 v13, v9;
	v13 =	vand.u32 $0x7, v15;
	v15 =	vadd.s32 v19, v16;
	v16 =	vld [tilespmem:s0+$0x4AE0]  }
0x33d: {  	v19 =	vadd.s32 v43, v63;
	v13 =	vor.u32 v13, v15;
	v15 =	vand.u32 $0xFFFFFFF8, v17  }
0x33e: {  	v9 =	vadd.f32 v12, v9;
	v11 =	vld.idx.msk [tilespmem:v11+s13+$0x0], $0xffff;
	v12 =	vand.u32 $0x7, v17;
	v15 =	vadd.s32 v19, v15  }
0x33f: {  	v17 =	vadd.s32 v42, v63;
	v19 =	vld [tilespmem:s0+$0x4B60];
	v12 =	vor.u32 v12, v15;
	v15 =	vand.u32 $0xFFFFFFF8, v18  }
0x340: {  	v9 =	vadd.f32 v10, v9;
	v10 =	vld.idx.msk [tilespmem:v14+s13+$0x0], $0xffff;
	v14 =	vand.u32 $0x7, v18;
	v15 =	vadd.s32 v17, v15  }
0x341: {  	v17 =	vadd.s32 v41, v63;
	v18 =	vld [tilespmem:s0+$0x4BE0];
	v14 =	vor.u32 v14, v15;
	v15 =	vand.u32 $0xFFFFFFF8, v16  }
0x342: {  	v16 =	vand.u32 $0x7, v16;
	v13 =	vld.idx.msk [tilespmem:v13+s13+$0x0], $0xffff;
	v15 =	vadd.s32 v17, v15  }
0x343: {  	v9 =	vadd.f32 v11, v9;
	v11 =	vor.u32 v16, v15;
	v15 =	vld [tilespmem:s0+$0x4C60]  }
0x344: {  	v17 =	vadd.s32 v40, v63;
	v16 =	vand.u32 $0xFFFFFFF8, v19;
	v12 =	vld.idx.msk [tilespmem:v12+s13+$0x0], $0xffff  }
0x345: {  	v16 =	vadd.s32 v17, v16;
	v17 =	vld [tilespmem:s0+$0x4CE0];
	v9 =	vadd.f32 v10, v9;
	v10 =	vand.u32 $0x7, v19  }
0x346: {  	v19 =	vadd.s32 v39, v63;
	v14 =	vld.idx.msk [tilespmem:v14+s13+$0x0], $0xffff;
	v10 =	vor.u32 v10, v16;
	v16 =	vand.u32 $0xFFFFFFF8, v18  }
0x347: {  	v9 =	vadd.f32 v13, v9;
	v13 =	vand.u32 $0x7, v18;
	v16 =	vadd.s32 v19, v16;
	v18 =	vld [tilespmem:s0+$0x4D60]  }
0x348: {  	v19 =	vadd.s32 v38, v63;
	v11 =	vld.idx.msk [tilespmem:v11+s13+$0x0], $0xffff;
	v13 =	vor.u32 v13, v16;
	v16 =	vand.u32 $0xFFFFFFF8, v15  }
0x349: {  	v9 =	vadd.f32 v12, v9;
	v12 =	vand.u32 $0x7, v15;
	v15 =	vadd.s32 v19, v16;
	v16 =	vld [tilespmem:s0+$0x4DE0]  }
0x34a: {  	v19 =	vadd.s32 v37, v63;
	v12 =	vor.u32 v12, v15;
	v15 =	vand.u32 $0xFFFFFFF8, v17  }
0x34b: {  	v9 =	vadd.f32 v14, v9;
	v10 =	vld.idx.msk [tilespmem:v10+s13+$0x0], $0xffff;
	v14 =	vand.u32 $0x7, v17;
	v15 =	vadd.s32 v19, v15  }
0x34c: {  	v17 =	vadd.s32 v36, v63;
	v14 =	vor.u32 v14, v15;
	v15 =	vand.u32 $0xFFFFFFF8, v18  }
0x34d: {  	v9 =	vadd.f32 v11, v9;
	v11 =	vld.idx.msk [tilespmem:v13+s13+$0x0], $0xffff;
	v13 =	vand.u32 $0x7, v18;
	v15 =	vadd.s32 v17, v15  }
0x34e: {  	v17 =	vadd.s32 v35, v63;
	v13 =	vor.u32 v13, v15;
	v15 =	vand.u32 $0xFFFFFFF8, v16  }
0x34f: {  	v16 =	vand.u32 $0x7, v16;
	v12 =	vld.idx.msk [tilespmem:v12+s13+$0x0], $0xffff;
	v15 =	vadd.s32 v17, v15  }
0x350: {  	v9 =	vadd.f32 v10, v9;
	v10 =	vor.u32 v16, v15  }
0x351: {  	v14 =	vld.idx.msk [tilespmem:v14+s13+$0x0], $0xffff  }
0x352: {  	v9 =	vadd.f32 v11, v9  }
0x353: {  	v11 =	vld.idx.msk [tilespmem:v13+s13+$0x0], $0xffff  }
0x354: {  	v9 =	vadd.f32 v12, v9  }
0x355: {  	v10 =	vld.idx.msk [tilespmem:v10+s13+$0x0], $0xffff  }
0x356: {  	v9 =	vadd.f32 v14, v9;
	_ =	sdelay $0x1  }
0x357: {  	v9 =	vadd.f32 v11, v9;
	_ =	sdelay $0x1  }
0x358: {  	v9 =	vadd.f32 v10, v9;
	_ =	sdelay $0x1  }
0x359: {  	[tilespmem:$0x1FB60] =	vst v9  }
0x35a: {  	v9 =	vld [tilespmem:s0+$0x4170];
	_ =	sdelay $0x1  }
0x35b: {  	v10 =	vld [tilespmem:s0+$0x41F0];
	_ =	sdelay $0x1  }
0x35c: {  	v13 =	vld [tilespmem:s0+$0x4270]  }
0x35d: {  	v16 =	vor.u32 v34, v63;
	v11 =	vand.u32 $0xFFFFFFF8, v9  }
0x35e: {  	v14 =	vld [tilespmem:s0+$0x42F0];
	v9 =	vand.u32 $0x7, v9;
	v11 =	vadd.s32 v16, v11  }
0x35f: {  	v17 =	vor.u32 v33, v63;
	v9 =	vor.u32 v9, v11;
	v11 =	vand.u32 $0xFFFFFFF8, v10  }
0x360: {  	v10 =	vand.u32 $0x7, v10;
	v11 =	vadd.s32 v17, v11  }
0x361: {  	v15 =	vadd.s32 v32, v63;
	v12 =	vand.u32 $0xFFFFFFF8, v13;
	v10 =	vor.u32 v10, v11;
	v11 =	vld [tilespmem:s0+$0x4370]  }
0x362: {  	v13 =	vand.u32 $0x7, v13;
	v12 =	vadd.s32 v15, v12  }
0x363: {  	v15 =	vld [tilespmem:s0+$0x43F0];
	v16 =	vadd.s32 v31, v63;
	v12 =	vor.u32 v13, v12;
	v13 =	vand.u32 $0xFFFFFFF8, v14  }
0x364: {  	v13 =	vadd.s32 v16, v13;
	v16 =	vld [tilespmem:s0+$0x4470]  }
0x365: {  	v14 =	vand.u32 $0x7, v14;
	v9 =	vld.idx.msk [tilespmem:v9+s13+$0x0], $0xffff  }
0x366: {  	v17 =	vadd.s32 v30, v63;
	v13 =	vor.u32 v14, v13;
	v10 =	vld.idx.msk [tilespmem:v10+s13+$0x0], $0xffff;
	v14 =	vand.u32 $0xFFFFFFF8, v11  }
0x367: {  	v11 =	vand.u32 $0x7, v11;
	v14 =	vadd.s32 v17, v14  }
0x368: {  	v17 =	vld [tilespmem:s0+$0x44F0];
	v11 =	vor.u32 v11, v14  }
0x369: {  	v18 =	vadd.s32 v29, v63;
	v12 =	vld.idx.msk [tilespmem:v12+s13+$0x0], $0xffff;
	v14 =	vand.u32 $0xFFFFFFF8, v15  }
0x36a: {  	v19 =	vld [tilespmem:s0+$0x4570];
	v15 =	vand.u32 $0x7, v15;
	v14 =	vadd.s32 v18, v14;
	v18 =	vadd.s32 v28, v63  }
0x36b: {  	v14 =	vor.u32 v15, v14;
	v15 =	vand.u32 $0xFFFFFFF8, v16;
	v9 =	vadd.f32 v10, v9;
	v10 =	vld.idx.msk [tilespmem:v13+s13+$0x0], $0xffff  }
0x36c: {  	v13 =	vand.u32 $0x7, v16;
	v15 =	vadd.s32 v18, v15;
	v18 =	vld [tilespmem:s0+$0x45F0]  }
0x36d: {  	v16 =	vadd.s32 v27, v63;
	v13 =	vor.u32 v13, v15;
	v15 =	vand.u32 $0xFFFFFFF8, v17;
	v11 =	vld.idx.msk [tilespmem:v11+s13+$0x0], $0xffff  }
0x36e: {  	v17 =	vand.u32 $0x7, v17;
	v15 =	vadd.s32 v16, v15;
	v9 =	vadd.f32 v12, v9  }
0x36f: {  	v16 =	vand.u32 $0xFFFFFFF8, v19;
	v12 =	vor.u32 v17, v15;
	v15 =	vld [tilespmem:s0+$0x4670];
	v17 =	vadd.s32 v26, v63  }
0x370: {  	v14 =	vld.idx.msk [tilespmem:v14+s13+$0x0], $0xffff;
	v16 =	vadd.s32 v17, v16;
	v9 =	vadd.f32 v10, v9;
	v10 =	vand.u32 $0x7, v19  }
0x371: {  	v17 =	vld [tilespmem:s0+$0x46F0];
	v19 =	vadd.s32 v25, v63;
	v10 =	vor.u32 v10, v16;
	v16 =	vand.u32 $0xFFFFFFF8, v18  }
0x372: {  	v13 =	vld.idx.msk [tilespmem:v13+s13+$0x0], $0xffff;
	v9 =	vadd.f32 v11, v9;
	v11 =	vand.u32 $0x7, v18;
	v16 =	vadd.s32 v19, v16  }
0x373: {  	v18 =	vld [tilespmem:s0+$0x4770];
	v11 =	vor.u32 v11, v16  }
0x374: {  	v19 =	vadd.s32 v24, v63;
	v12 =	vld.idx.msk [tilespmem:v12+s13+$0x0], $0xffff;
	v16 =	vand.u32 $0xFFFFFFF8, v15  }
0x375: {  	v9 =	vadd.f32 v14, v9;
	v14 =	vand.u32 $0x7, v15;
	v15 =	vadd.s32 v19, v16;
	v16 =	vld [tilespmem:s0+$0x47F0]  }
0x376: {  	v19 =	vadd.s32 v23, v63;
	v14 =	vor.u32 v14, v15;
	v15 =	vand.u32 $0xFFFFFFF8, v17;
	v10 =	vld.idx.msk [tilespmem:v10+s13+$0x0], $0xffff  }
0x377: {  	v9 =	vadd.f32 v13, v9;
	v13 =	vand.u32 $0x7, v17;
	v15 =	vadd.s32 v19, v15;
	v19 =	vld [tilespmem:s0+$0x4870]  }
0x378: {  	v17 =	vadd.s32 v22, v63;
	v13 =	vor.u32 v13, v15;
	v15 =	vand.u32 $0xFFFFFFF8, v18;
	v11 =	vld.idx.msk [tilespmem:v11+s13+$0x0], $0xffff  }
0x379: {  	v9 =	vadd.f32 v12, v9;
	v12 =	vand.u32 $0x7, v18;
	v15 =	vadd.s32 v17, v15  }
0x37a: {  	v17 =	vadd.s32 v21, v63;
	v12 =	vor.u32 v12, v15;
	v15 =	vand.u32 $0xFFFFFFF8, v16  }
0x37b: {  	v16 =	vand.u32 $0x7, v16;
	v15 =	vadd.s32 v17, v15;
	v9 =	vadd.f32 v10, v9  }
0x37c: {  	v18 =	vld [tilespmem:s0+$0x48F0];
	v10 =	vor.u32 v16, v15  }
0x37d: {  	v16 =	vand.u32 $0xFFFFFFF8, v19;
	v9 =	vadd.f32 v11, v9;
	v11 =	vand.u32 $0x7, v19;
	v19 =	vld [tilespmem:$0x1FFF0];
	_ =	sdelay $0x2  }
0x37e: {  	v14 =	vld.idx.msk [tilespmem:v14+s13+$0x0], $0xffff;
	v17 =	vadd.s32 v20, v63  }
0x37f: {  	v15 =	vld [tilespmem:s0+$0x4970];
	v16 =	vadd.s32 v17, v16  }
0x380: {  	v13 =	vld.idx.msk [tilespmem:v13+s13+$0x0], $0xffff;
	v11 =	vor.u32 v11, v16;
	v16 =	vand.u32 $0xFFFFFFF8, v18;
	v19 =	vadd.s32 v19, v63  }
0x381: {  	v16 =	vadd.s32 v19, v16;
	v19 =	vld [tilespmem:$0x1FFE0];
	_ =	sdelay $0x1  }
0x382: {  	v12 =	vld.idx.msk [tilespmem:v12+s13+$0x0], $0xffff;
	v9 =	vadd.f32 v14, v9  }
0x383: {  	v17 =	vld [tilespmem:s0+$0x49F0]  }
0x384: {  	v14 =	vand.u32 $0x7, v18;
	v9 =	vadd.f32 v13, v9  }
0x385: {  	v14 =	vor.u32 v14, v16;
	v16 =	vand.u32 $0xFFFFFFF8, v15;
	v19 =	vadd.s32 v19, v63  }
0x386: {  	v13 =	vand.u32 $0x7, v15;
	v15 =	vadd.s32 v19, v16;
	v19 =	vld [tilespmem:$0x1FFD0]  }
0x387: {  	v18 =	vld [tilespmem:s0+$0x4A70];
	v9 =	vadd.f32 v12, v9  }
0x388: {  	v12 =	vand.u32 $0x7, v17;
	v13 =	vor.u32 v13, v15;
	v15 =	vand.u32 $0xFFFFFFF8, v17;
	v17 =	vld [tilespmem:$0x1FFC0];
	_ =	sdelay $0x2  }
0x389: {  	v10 =	vld.idx.msk [tilespmem:v10+s13+$0x0], $0xffff;
	v19 =	vadd.s32 v19, v63  }
0x38a: {  	v11 =	vld.idx.msk [tilespmem:v11+s13+$0x0], $0xffff;
	v15 =	vadd.s32 v19, v15  }
0x38b: {  	v16 =	vld [tilespmem:s0+$0x4AF0];
	v17 =	vadd.s32 v17, v63;
	v12 =	vor.u32 v12, v15;
	v15 =	vand.u32 $0xFFFFFFF8, v18  }
0x38c: {  	v15 =	vadd.s32 v17, v15;
	v17 =	vld [tilespmem:$0x1FFB0];
	_ =	sdelay $0x1  }
0x38d: {  	v9 =	vadd.f32 v10, v9;
	v10 =	vld.idx.msk [tilespmem:v14+s13+$0x0], $0xffff  }
0x38e: {  	v19 =	vld [tilespmem:s0+$0x4B70]  }
0x38f: {  	v9 =	vadd.f32 v11, v9;
	v14 =	vand.u32 $0x7, v18  }
0x390: {  	v14 =	vor.u32 v14, v15;
	v15 =	vand.u32 $0xFFFFFFF8, v16;
	v17 =	vadd.s32 v17, v63  }
0x391: {  	v15 =	vadd.s32 v17, v15;
	v17 =	vld [tilespmem:$0x1FFA0]  }
0x392: {  	v9 =	vadd.f32 v10, v9;
	v18 =	vld [tilespmem:s0+$0x4BF0];
	v16 =	vand.u32 $0x7, v16  }
0x393: {  	v10 =	vand.u32 $0x7, v19;
	v11 =	vor.u32 v16, v15;
	v16 =	vand.u32 $0xFFFFFFF8, v19;
	v19 =	vld [tilespmem:$0x1FF90];
	_ =	sdelay $0x2  }
0x394: {  	v13 =	vld.idx.msk [tilespmem:v13+s13+$0x0], $0xffff;
	v17 =	vadd.s32 v17, v63  }
0x395: {  	v12 =	vld.idx.msk [tilespmem:v12+s13+$0x0], $0xffff;
	v16 =	vadd.s32 v17, v16  }
0x396: {  	v15 =	vld [tilespmem:s0+$0x4C70];
	v19 =	vadd.s32 v19, v63;
	v10 =	vor.u32 v10, v16;
	v16 =	vand.u32 $0xFFFFFFF8, v18  }
0x397: {  	v16 =	vadd.s32 v19, v16;
	v19 =	vld [tilespmem:$0x1FF80];
	_ =	sdelay $0x1  }
0x398: {  	v9 =	vadd.f32 v13, v9;
	v14 =	vld.idx.msk [tilespmem:v14+s13+$0x0], $0xffff  }
0x399: {  	v17 =	vld [tilespmem:s0+$0x4CF0]  }
0x39a: {  	v13 =	vand.u32 $0x7, v18;
	v9 =	vadd.f32 v12, v9  }
0x39b: {  	v13 =	vor.u32 v13, v16;
	v16 =	vand.u32 $0xFFFFFFF8, v15;
	v19 =	vadd.s32 v19, v63  }
0x39c: {  	v12 =	vand.u32 $0x7, v15;
	v15 =	vadd.s32 v19, v16;
	v19 =	vld [tilespmem:$0x1FF70]  }
0x39d: {  	v9 =	vadd.f32 v14, v9;
	v18 =	vld [tilespmem:s0+$0x4D70]  }
0x39e: {  	v14 =	vand.u32 $0x7, v17;
	v12 =	vor.u32 v12, v15;
	v15 =	vand.u32 $0xFFFFFFF8, v17;
	v17 =	vld [tilespmem:$0x1FF60]  }
0x39f: {  	v11 =	vld.idx.msk [tilespmem:v11+s13+$0x0], $0xffff;
	_ =	sdelay $0x1  }
0x3a0: {  	v19 =	vadd.s32 v19, v63  }
0x3a1: {  	v15 =	vadd.s32 v19, v15  }
0x3a2: {  	v16 =	vld [tilespmem:s0+$0x4DF0];
	v17 =	vadd.s32 v17, v63;
	v14 =	vor.u32 v14, v15;
	v15 =	vand.u32 $0xFFFFFFF8, v18  }
0x3a3: {  	v9 =	vadd.f32 v11, v9;
	v11 =	vadd.s32 v17, v15;
	v17 =	vld [tilespmem:$0x1FF50];
	_ =	sdelay $0x1  }
0x3a4: {  	v10 =	vld.idx.msk [tilespmem:v10+s13+$0x0], $0xffff;
	_ =	sdelay $0x1  }
0x3a5: {  	v13 =	vld.idx.msk [tilespmem:v13+s13+$0x0], $0xffff;
	v15 =	vand.u32 $0x7, v18  }
0x3a6: {  	v11 =	vor.u32 v15, v11;
	v15 =	vand.u32 $0xFFFFFFF8, v16;
	v17 =	vadd.s32 v17, v63  }
0x3a7: {  	v12 =	vld.idx.msk [tilespmem:v12+s13+$0x0], $0xffff;
	v16 =	vand.u32 $0x7, v16;
	v15 =	vadd.s32 v17, v15  }
0x3a8: {  	v9 =	vadd.f32 v10, v9;
	v10 =	vor.u32 v16, v15  }
0x3a9: {  	v14 =	vld.idx.msk [tilespmem:v14+s13+$0x0], $0xffff  }
0x3aa: {  	v9 =	vadd.f32 v13, v9  }
0x3ab: {  	v11 =	vld.idx.msk [tilespmem:v11+s13+$0x0], $0xffff  }
0x3ac: {  	v9 =	vadd.f32 v12, v9  }
0x3ad: {  	v10 =	vld.idx.msk [tilespmem:v10+s13+$0x0], $0xffff  }
0x3ae: {  	v9 =	vadd.f32 v14, v9  }
0x3af: {  	p1 =	sgt.u32 s30, $0x1  }
0x3b0: {  	s2 =	sor.u32 @!p1 s5, s30;
	v9 =	vadd.f32 v11, v9  }
0x3b1: {  	s2 =	smul.u32 @!p1 $0x270, s2  }
0x3b2: {  	s0 =	smul.u32 @!p1 $0x4E00, s31;
	v9 =	vadd.f32 v10, v9  }
0x3b3: {  	s12 =	simm.s32 @!p1 $0x0;
	s2 =	sadd.s32 @!p1 s9, s2  }
0x3b4: {  	s31 =	sadd.s32 s5, s30;
	s30 =	sadd.s32 $0x1, s30;
	s0 =	sshrl.u32 @!p1 s0, $0x2;
	[tilespmem:$0x1FB70] =	vst v9  }
0x3b5: {  	[tilespmem:s0], [sflag:$0x2] =	stream.linear.gather @!p1 [hbm4b:s2+s12], $0x1380, $0x38;
	[tilespmem:$0x1FB80] =	vst v63  }
0x3b6: {  	s0 =	sshll.u32 s31, $0x4;
	p1 =	sne.s32 s30, $0x4  }
.Ltmp4:
0x3b7: {  	s0 =	sadd.s32 s1, s0;
	(pc) =	sbr.rel @!p1 .LBB2_11-.Ltmp4, $4  }
0x3b8: {  	[hbm4b:s0+s3] =	stream.linear.scatter [tilespmem:s26], [sflag:$0x3], $0x80, $0x38;
	[tilespmem:$0x1FB80] =	vst v63  }
0x3b9: {  	_ =	swait.ge [sflag:s28], $0x80  }
0x3ba: {  	[sflag:s28] =	ssyncset.done $0x0  }
0x3bb: {  	p0 =	por !p0, !p0;
	[sflag:s28] =	ssyncadd.s32 $0xFFFFFF80  }
.LBB2_4:
0x3bc: {  	p1 =	seq.s32 s30, $0x3  }
.Ltmp5:
0x3bd: {  	_ = 	snop;
	(pc) =	sbr.rel @p1 .LBB2_9-.Ltmp5, $2  }
0x3be: {  	_ =	sdelay $0x2  }
0x3bf: {  	s31 =	sand.u32 $0x1, s30  }
0x3c0: {  	s14 =	simm.s32 $0x0  }
0x3c1: {  	v9 =	vadd.s32 s14, v0  }
0x3c2: {  	s0 =	sxor.u32 $0x1, s31  }
0x3c3: {  	_ =	swait.ge [sflag:s10], $0x1380;
	s0 =	smul.u32 $0x4E00, s0  }
0x3c4: {  	[sflag:s10] =	ssyncset.done $0x0  }
0x3c5: {  	[sflag:s10] =	ssyncadd.s32 $0xFFFFEC80;
	s0 =	sshrl.u32 s0, $0x2  }
0x3c6: {  	v9 =	vld.idx.msk [tilespmem:v9+s0+$0x0], $0xffff;
	_ =	sdelay $0x3  }
0x3c7: {  	s2 =	simm.s32 $0x1  }
0x3c8: {  	s2 =	simm.s32 @!p0 $0x0;
	v9 =	vtrunc.f32 v9  }
0x3c9: {  	s12 =	smul.u32 $0x3400, s2;
	v9 =	vcvt.f32.s32 v9  }
0x3ca: {  	v10 =	vadd.s32 s14, v1  }
0x3cb: {  	s12 =	sshrl.u32 s12, $0x2;
	v63 =	vadd.s32 s14, v9  }
0x3cc: {  	s16 =	sadd.s32 $0x2740, s12;
	v63 =	vshra.s32 v63, $0x4  }
0x3cd: {  	s15 =	sadd.s32 $0x4140, s12;
	v9 =	vand.u32 $0xF, v9;
	[tilespmem:s16+$0xFFFFFFC0] =	vst v63  }
0x3ce: {  	[tilespmem:s15+$0xFFFFFFC0] =	vst v9  }
0x3cf: {  	v9 =	vld.idx.msk [tilespmem:v10+s0+$0x0], $0xffff;
	_ =	sdelay $0x4  }
0x3d0: {  	v9 =	vtrunc.f32 v9  }
0x3d1: {  	v9 =	vcvt.f32.s32 v9  }
0x3d2: {  	v10 =	vadd.s32 s14, v2  }
0x3d3: {  	v12 =	vadd.s32 s14, v9  }
0x3d4: {  	v63 =	vshra.s32 v12, $0x4  }
0x3d5: {  	v9 =	vand.u32 $0xF, v9;
	[tilespmem:s16+$0xFFFFFFD0] =	vst v63  }
0x3d6: {  	[tilespmem:s15+$0xFFFFFFD0] =	vst v9  }
0x3d7: {  	v9 =	vld.idx.msk [tilespmem:v10+s0+$0x0], $0xffff;
	_ =	sdelay $0x4  }
0x3d8: {  	v9 =	vtrunc.f32 v9  }
0x3d9: {  	v9 =	vcvt.f32.s32 v9  }
0x3da: {  	v10 =	vadd.s32 s14, v3  }
0x3db: {  	v13 =	vadd.s32 s14, v9  }
0x3dc: {  	v63 =	vshra.s32 v13, $0x4  }
0x3dd: {  	v9 =	vand.u32 $0xF, v9;
	[tilespmem:s16+$0xFFFFFFE0] =	vst v63  }
0x3de: {  	[tilespmem:s15+$0xFFFFFFE0] =	vst v9  }
0x3df: {  	v9 =	vld.idx.msk [tilespmem:v10+s0+$0x0], $0xffff;
	_ =	sdelay $0x4  }
0x3e0: {  	v9 =	vtrunc.f32 v9  }
0x3e1: {  	v9 =	vcvt.f32.s32 v9  }
0x3e2: {  	v10 =	vadd.s32 s14, v4  }
0x3e3: {  	v14 =	vadd.s32 s14, v9  }
0x3e4: {  	v63 =	vshra.s32 v14, $0x4  }
0x3e5: {  	v9 =	vand.u32 $0xF, v9;
	[tilespmem:s16+$0xFFFFFFF0] =	vst v63  }
0x3e6: {  	[tilespmem:s15+$0xFFFFFFF0] =	vst v9  }
0x3e7: {  	v9 =	vld.idx.msk [tilespmem:v10+s0+$0x0], $0xffff;
	_ =	sdelay $0x4  }
0x3e8: {  	v9 =	vtrunc.f32 v9  }
0x3e9: {  	v9 =	vcvt.f32.s32 v9  }
0x3ea: {  	v10 =	vadd.s32 s14, v6  }
0x3eb: {  	v15 =	vadd.s32 s14, v9  }
0x3ec: {  	v63 =	vshra.s32 v15, $0x4  }
0x3ed: {  	v9 =	vand.u32 $0xF, v9;
	[tilespmem:s16+$0x0] =	vst v63  }
0x3ee: {  	[tilespmem:s15+$0x0] =	vst v9  }
0x3ef: {  	v9 =	vld.idx.msk [tilespmem:v10+s0+$0x0], $0xffff;
	_ =	sdelay $0x4  }
0x3f0: {  	v9 =	vtrunc.f32 v9  }
0x3f1: {  	v9 =	vcvt.f32.s32 v9  }
0x3f2: {  	v10 =	vadd.s32 s14, v7  }
0x3f3: {  	v16 =	vadd.s32 s14, v9  }
0x3f4: {  	v63 =	vshra.s32 v16, $0x4  }
0x3f5: {  	v9 =	vand.u32 $0xF, v9;
	[tilespmem:s16+$0x10] =	vst v63  }
0x3f6: {  	[tilespmem:s15+$0x10] =	vst v9  }
0x3f7: {  	v9 =	vld.idx.msk [tilespmem:v10+s0+$0x0], $0xffff;
	_ =	sdelay $0x4  }
0x3f8: {  	v9 =	vtrunc.f32 v9  }
0x3f9: {  	v9 =	vcvt.f32.s32 v9  }
0x3fa: {  	v10 =	vadd.s32 s14, v8  }
0x3fb: {  	v17 =	vadd.s32 s14, v9  }
0x3fc: {  	v63 =	vshra.s32 v17, $0x4  }
0x3fd: {  	v9 =	vand.u32 $0xF, v9;
	[tilespmem:s16+$0x20] =	vst v63  }
0x3fe: {  	[tilespmem:s15+$0x20] =	vst v9  }
0x3ff: {  	v9 =	vld.idx.msk [tilespmem:v10+s0+$0x0], $0xffff;
	_ =	sdelay $0x4  }
0x400: {  	v9 =	vtrunc.f32 v9  }
0x401: {  	v9 =	vcvt.f32.s32 v9  }
0x402: {  	s17 =	simm.s32 $0x1;
	s2 =	smul.u32 $0x34000, s2  }
0x403: {  	v63 =	vadd.s32 s17, v0;
	v10 =	vadd.s32 s14, v9  }
0x404: {  	s18 =	simm.s32 $0x2;
	s2 =	sshrl.u32 s2, $0x2;
	v10 =	vshra.s32 v10, $0x4  }
0x405: {  	s2 =	sadd.s32 $0x5B00, s2;
	s12 =	sadd.s32 $0x2700, s12;
	v9 =	vand.u32 $0xF, v9;
	[tilespmem:s16+$0x30] =	vst v10;
	s16 =	sadd.s32 $0x80, s16  }
.LBB2_6:
0x406: {  	s14 =	sadd.s32 $0x18800, s14  }
0x407: {  	[tilespmem:s15+$0x30] =	vst v9;
	s15 =	sadd.s32 $0x80, s15;
	s19 =	smov.u32 s18;
	s20 =	sadd.s32 $0x1, s18  }
0x408: {  	p1 =	sne.s32 s18, $0x19;
	v9 =	vld.idx.msk [tilespmem:v63+s0+$0x0], $0xffff;
	_ =	sdelay $0x5  }
0x409: {  	v9 =	vtrunc.f32 v9  }
0x40a: {  	v9 =	vcvt.f32.s32 v9  }
0x40b: {  	v10 =	vadd.s32 s17, v1  }
0x40c: {  	v63 =	vadd.s32 s14, v9  }
0x40d: {  	v63 =	vshra.s32 v63, $0x4  }
0x40e: {  	v9 =	vand.u32 $0xF, v9;
	[tilespmem:s16+$0xFFFFFFC0] =	vst v63  }
0x40f: {  	[tilespmem:s15+$0xFFFFFFC0] =	vst v9  }
0x410: {  	v9 =	vld.idx.msk [tilespmem:v10+s0+$0x0], $0xffff;
	_ =	sdelay $0x5  }
0x411: {  	v9 =	vtrunc.f32 v9  }
0x412: {  	v9 =	vcvt.f32.s32 v9  }
0x413: {  	v10 =	vadd.s32 s17, v2  }
0x414: {  	v63 =	vadd.s32 s14, v9  }
0x415: {  	v63 =	vshra.s32 v63, $0x4  }
0x416: {  	v9 =	vand.u32 $0xF, v9;
	[tilespmem:s16+$0xFFFFFFD0] =	vst v63  }
0x417: {  	[tilespmem:s15+$0xFFFFFFD0] =	vst v9  }
0x418: {  	v9 =	vld.idx.msk [tilespmem:v10+s0+$0x0], $0xffff;
	_ =	sdelay $0x5  }
0x419: {  	v9 =	vtrunc.f32 v9  }
0x41a: {  	v9 =	vcvt.f32.s32 v9  }
0x41b: {  	v10 =	vadd.s32 s17, v3  }
0x41c: {  	v63 =	vadd.s32 s14, v9  }
0x41d: {  	v63 =	vshra.s32 v63, $0x4  }
0x41e: {  	v9 =	vand.u32 $0xF, v9;
	[tilespmem:s16+$0xFFFFFFE0] =	vst v63  }
0x41f: {  	[tilespmem:s15+$0xFFFFFFE0] =	vst v9  }
0x420: {  	v9 =	vld.idx.msk [tilespmem:v10+s0+$0x0], $0xffff;
	_ =	sdelay $0x5  }
0x421: {  	v9 =	vtrunc.f32 v9  }
0x422: {  	v9 =	vcvt.f32.s32 v9  }
0x423: {  	v10 =	vadd.s32 s17, v4  }
0x424: {  	v63 =	vadd.s32 s14, v9  }
0x425: {  	v63 =	vshra.s32 v63, $0x4  }
0x426: {  	v9 =	vand.u32 $0xF, v9;
	[tilespmem:s16+$0xFFFFFFF0] =	vst v63  }
0x427: {  	[tilespmem:s15+$0xFFFFFFF0] =	vst v9  }
0x428: {  	v9 =	vld.idx.msk [tilespmem:v10+s0+$0x0], $0xffff;
	_ =	sdelay $0x5  }
0x429: {  	v9 =	vtrunc.f32 v9  }
0x42a: {  	v9 =	vcvt.f32.s32 v9  }
0x42b: {  	v10 =	vadd.s32 s17, v6  }
0x42c: {  	v63 =	vadd.s32 s14, v9  }
0x42d: {  	v63 =	vshra.s32 v63, $0x4  }
0x42e: {  	v9 =	vand.u32 $0xF, v9;
	[tilespmem:s16+$0x0] =	vst v63  }
0x42f: {  	[tilespmem:s15+$0x0] =	vst v9  }
0x430: {  	v9 =	vld.idx.msk [tilespmem:v10+s0+$0x0], $0xffff;
	_ =	sdelay $0x5  }
0x431: {  	v9 =	vtrunc.f32 v9  }
0x432: {  	v9 =	vcvt.f32.s32 v9  }
0x433: {  	v10 =	vadd.s32 s17, v7  }
0x434: {  	v63 =	vadd.s32 s14, v9  }
0x435: {  	v63 =	vshra.s32 v63, $0x4  }
0x436: {  	v9 =	vand.u32 $0xF, v9;
	[tilespmem:s16+$0x10] =	vst v63  }
0x437: {  	[tilespmem:s15+$0x10] =	vst v9  }
0x438: {  	v9 =	vld.idx.msk [tilespmem:v10+s0+$0x0], $0xffff;
	_ =	sdelay $0x5  }
0x439: {  	v9 =	vtrunc.f32 v9  }
0x43a: {  	v9 =	vcvt.f32.s32 v9  }
0x43b: {  	v10 =	vadd.s32 s17, v8;
	s17 =	smov.u32 s19  }
0x43c: {  	v63 =	vadd.s32 s14, v9  }
0x43d: {  	v63 =	vshra.s32 v63, $0x4  }
0x43e: {  	v9 =	vand.u32 $0xF, v9;
	[tilespmem:s16+$0x20] =	vst v63  }
0x43f: {  	[tilespmem:s15+$0x20] =	vst v9  }
0x440: {  	v9 =	vld.idx.msk [tilespmem:v10+s0+$0x0], $0xffff;
	_ =	sdelay $0x5  }
0x441: {  	v9 =	vtrunc.f32 v9  }
.Ltmp6:
0x442: {  	v9 =	vcvt.f32.s32 v9;
	(pc) =	sbr.rel @p1 .LBB2_6-.Ltmp6, $4  }
0x443: {  	v63 =	vadd.s32 s17, v0  }
0x444: {  	v10 =	vadd.s32 s14, v9  }
0x445: {  	v10 =	vshra.s32 v10, $0x4  }
0x446: {  	s18 =	smov.u32 s20;
	v9 =	vand.u32 $0xF, v9;
	[tilespmem:s16+$0x30] =	vst v10;
	s16 =	sadd.s32 $0x80, s16  }
0x447: {  	_ =	sdelay $0x2  }
0x448: {  	[tilespmem:s15+$0x30] =	vst v9  }
0x449: {  	v9 =	vld.idx.msk [tilespmem:v63+s0+$0x0], $0xffff;
	_ =	sdelay $0x4  }
0x44a: {  	v9 =	vtrunc.f32 v9  }
0x44b: {  	v9 =	vcvt.f32.s32 v9  }
0x44c: {  	s14 =	sadd.s32 $0x18800, s14;
	v10 =	vadd.s32 s17, v1  }
0x44d: {  	v17 =	vadd.s32 s14, v9  }
0x44e: {  	v63 =	vshra.s32 v17, $0x4  }
0x44f: {  	s19 =	sadd.s32 $0x80, s15;
	v9 =	vand.u32 $0xF, v9;
	[tilespmem:s16+$0xFFFFFFC0] =	vst v63  }
0x450: {  	[tilespmem:s19+$0xFFFFFFC0] =	vst v9  }
0x451: {  	v9 =	vld.idx.msk [tilespmem:v10+s0+$0x0], $0xffff;
	_ =	sdelay $0x4  }
0x452: {  	v9 =	vtrunc.f32 v9  }
0x453: {  	v9 =	vcvt.f32.s32 v9  }
0x454: {  	v10 =	vadd.s32 s17, v2  }
0x455: {  	v12 =	vadd.s32 s14, v9  }
0x456: {  	v63 =	vshra.s32 v12, $0x4  }
0x457: {  	v9 =	vand.u32 $0xF, v9;
	[tilespmem:s16+$0xFFFFFFD0] =	vst v63  }
0x458: {  	[tilespmem:s19+$0xFFFFFFD0] =	vst v9  }
0x459: {  	v9 =	vld.idx.msk [tilespmem:v10+s0+$0x0], $0xffff;
	_ =	sdelay $0x4  }
0x45a: {  	v9 =	vtrunc.f32 v9  }
0x45b: {  	v9 =	vcvt.f32.s32 v9  }
0x45c: {  	v10 =	vadd.s32 s17, v3  }
0x45d: {  	v13 =	vadd.s32 s14, v9  }
0x45e: {  	v63 =	vshra.s32 v13, $0x4  }
0x45f: {  	v9 =	vand.u32 $0xF, v9;
	[tilespmem:s16+$0xFFFFFFE0] =	vst v63  }
0x460: {  	[tilespmem:s19+$0xFFFFFFE0] =	vst v9  }
0x461: {  	v9 =	vld.idx.msk [tilespmem:v10+s0+$0x0], $0xffff;
	_ =	sdelay $0x4  }
0x462: {  	v9 =	vtrunc.f32 v9  }
0x463: {  	v9 =	vcvt.f32.s32 v9  }
0x464: {  	v10 =	vadd.s32 s17, v4  }
0x465: {  	v14 =	vadd.s32 s14, v9  }
0x466: {  	v63 =	vshra.s32 v14, $0x4  }
0x467: {  	v9 =	vand.u32 $0xF, v9;
	[tilespmem:s16+$0xFFFFFFF0] =	vst v63  }
0x468: {  	[tilespmem:s19+$0xFFFFFFF0] =	vst v9  }
0x469: {  	v9 =	vld.idx.msk [tilespmem:v10+s0+$0x0], $0xffff;
	_ =	sdelay $0x4  }
0x46a: {  	v9 =	vtrunc.f32 v9  }
0x46b: {  	v9 =	vcvt.f32.s32 v9  }
0x46c: {  	v10 =	vadd.s32 s17, v6  }
0x46d: {  	v15 =	vadd.s32 s14, v9  }
0x46e: {  	v63 =	vshra.s32 v15, $0x4  }
0x46f: {  	v9 =	vand.u32 $0xF, v9;
	[tilespmem:s16+$0x0] =	vst v63  }
0x470: {  	[tilespmem:s19+$0x0] =	vst v9  }
0x471: {  	v9 =	vld.idx.msk [tilespmem:v10+s0+$0x0], $0xffff;
	_ =	sdelay $0x4  }
0x472: {  	v9 =	vtrunc.f32 v9  }
0x473: {  	v9 =	vcvt.f32.s32 v9  }
0x474: {  	v10 =	vadd.s32 s17, v7  }
0x475: {  	v16 =	vadd.s32 s14, v9  }
0x476: {  	v63 =	vshra.s32 v16, $0x4  }
0x477: {  	v9 =	vand.u32 $0xF, v9;
	[tilespmem:s16+$0x10] =	vst v63  }
0x478: {  	[tilespmem:s19+$0x10] =	vst v9  }
0x479: {  	v9 =	vld.idx.msk [tilespmem:v10+s0+$0x0], $0xffff;
	_ =	sdelay $0x4  }
0x47a: {  	v9 =	vtrunc.f32 v9  }
0x47b: {  	v9 =	vcvt.f32.s32 v9  }
0x47c: {  	v10 =	vadd.s32 s17, v8  }
0x47d: {  	v17 =	vadd.s32 s14, v9  }
0x47e: {  	v63 =	vshra.s32 v17, $0x4  }
0x47f: {  	v9 =	vand.u32 $0xF, v9;
	[tilespmem:s16+$0x20] =	vst v63  }
0x480: {  	[tilespmem:s19+$0x20] =	vst v9  }
0x481: {  	v9 =	vld.idx.msk [tilespmem:v10+s0+$0x0], $0xffff;
	_ =	sdelay $0x4  }
0x482: {  	v9 =	vtrunc.f32 v9  }
0x483: {  	v9 =	vcvt.f32.s32 v9;
	_ =	sdelay $0x1  }
0x484: {  	v10 =	vadd.s32 s14, v9  }
0x485: {  	v10 =	vshra.s32 v10, $0x4  }
0x486: {  	v9 =	vand.u32 $0xF, v9;
	[tilespmem:s16+$0x30] =	vst v10  }
0x487: {  	[tilespmem:s19+$0x30] =	vst v9  }
0x488: {  	_ =	swait.ge [sflag:s25], $0xD000  }
0x489: {  	[sflag:s25] =	ssyncset.done $0x0  }
0x48a: {  	s20 =	sadd.s32 $0x0, s12;
	s0 =	simm.s32 $0x200;
	[sflag:s25] =	ssyncadd.s32 $0xFFFF3000  }
0x48b: {  	[tilespmem:s2], [sflag:$0x1] =	stream.indirect.gather [hbm4b:s4+s11], $0x10, s20, s11, $0xb8;
	[tilespmem:$0x1FB80] =	vst v63  }
.LBB2_8:
0x48c: {  	p1 =	seq.s32 s0, $0x3200  }
.Ltmp7:
0x48d: {  	_ = 	snop;
	(pc) =	sbr.rel @!p1 .LBB2_8-.Ltmp7, $4  }
0x48e: {  	_ = 	snop  }
0x48f: {  	s14 =	sshra.s32 s0, $0x2;
	s0 =	sadd.s32 $0x200, s0  }
0x490: {  	s2 =	sadd.s32 $0x800, s2;
	s14 =	sadd.s32 s14, s12  }
0x491: {  	[tilespmem:s2], [sflag:$0x1] =	stream.indirect.gather [hbm4b:s4+s11], $0x10, s14, s11, $0xb8;
	[tilespmem:$0x1FB80] =	vst v63  }
.Ltmp8:
0x492: {  	_ = 	snop;
	(pc) =	sbr.rel .LBB2_10-.Ltmp8, $1  }
0x493: {  	_ =	sdelay $0x3  }
.LBB2_12:
0x494: {  	_ =	sfence.sel $0x180000  }
0x495: {  	[bflag:$0x0] =	sbarrier.arrive $0xFFFF  }
0x496: {  	_ =	strace $0x90000047  }
0x497: {  	s0 =	stileid.u32;
	[bflag:$0x2] =	sbarrier.arrive $0xFFFF  }
0x498: {  	p0 =	sne.s32 s0, $0x0;
	s0 =	rddreg [dreg:$0x2]  }
0x499: {  	s0 =	sadd.s32 @!p0 $0x100000, s0  }
0x49a: {  	[sflag:s0] =	ssyncadd.tile.s32 @!p0 $0x1;
	_ =	shalt  }
.Lfunc_end2:
_tile_overlayer_lowered:
.L_overlay_start_2:
0x49b: {  	(tag) =	ssettag $0x2  }
0x49c: {  	s0 =	rddreg [dreg:$0x0];
	s2 =	stileid.u32  }
0x49d: {  	s1 =	rddreg [dreg:$0x1];
	p0 =	sne.s32 s2, $0x0  }
0x49e: {  	s3 =	rddreg [dreg:$0x2];
	[bflag:$0x3] =	sbarrier.arrive $0xFFFF;
	s2 =	simm.s32 @!p0 $0x1C03  }
0x49f: {  	[timem:s3], [sflag:s2] =	dma.local @!p0 [hbm:s0], s1  }
0x4a0: {  	s0 =	simm.s32 @!p0 $0x3  }
0x4a1: {  	_ =	swait.ge @!p0 [sflag:s0], s1  }
0x4a2: {  	s1 =	ssub.s32 @!p0 $0x0, s1;
	[sflag:s0] =	ssyncset.done @!p0 $0x0  }
0x4a3: {  	[sflag:s0] =	ssyncadd.s32 @!p0 s1  }
0x4a4: {  	[bflag:$0x3] =	sbarrier.arrive $0xFFFF  }
0x4a5: {  	_ =	shalt  }

</sc_bundles>
